<compile_context>
chip_gen: v7x
topology: tpu7x:2x2x1
jax: 0.10.2.dev20260603
libtpu: 0.0.44.dev20260713+nightly
codegen_flags: <defaults>
</compile_context>

<pallas_src>
import dataclasses
import functools

import jax
import jax.numpy as jnp
from jax import lax
from jax.experimental import pallas as pl
from jax.experimental.pallas import tpu as pltpu
from jax.experimental.pallas import tpu_sc as plsc

N_NODES = 10000
N_EDGES = 320000
D_IN = 128
D_H = 128
D_OUT = 64

N_PAD = 10240
NUM_WORKERS = 32
CHUNK = 128
CHUNKS_W = 80
E_PAD = NUM_WORKERS * CHUNKS_W * CHUNK
STRIPE = N_PAD // 16

CH_W = 80
PASS_N = 16
CORE1_BASE = 16 * CH_W

def _sc_params():
    cp = pltpu.CompilerParams()
    if "needs_layout_passes" in pltpu.CompilerParams.__dataclass_fields__:
        cp = dataclasses.replace(cp, needs_layout_passes=False)
    return cp


@functools.cache
def _sc_mesh():
    return plsc.VectorSubcoreMesh(
        core_axis_name="c", subcore_axis_name="s", num_cores=2, num_subcores=16
    )


def _sc_degrees(srcb, dstb):

    @functools.partial(
        pl.kernel,
        out_type=jax.ShapeDtypeStruct((NUM_WORKERS, 2, N_PAD), jnp.float32),
        mesh=_sc_mesh(),
        compiler_params=_sc_params(),
        scratch_types=[
            pltpu.VMEM((CHUNKS_W, CHUNK), jnp.int32),
            pltpu.VMEM((CHUNKS_W, CHUNK), jnp.int32),
            pltpu.VMEM((N_PAD,), jnp.float32),
            pltpu.VMEM((N_PAD,), jnp.float32),
        ],
    )
    def deg_kernel(srcb_hbm, dstb_hbm, out_hbm, src_v, dst_v, degs_v, degd_v):
        cid = lax.axis_index("c")
        sid = lax.axis_index("s")
        wid = sid * 2 + cid
        zeros16 = jnp.zeros((16,), jnp.float32)
        ones16 = jnp.ones((16,), jnp.float32)

        @pl.loop(0, N_PAD // 16)
        def _(i):
            degs_v[pl.ds(i * 16, 16)] = zeros16
            degd_v[pl.ds(i * 16, 16)] = zeros16

        pltpu.sync_copy(srcb_hbm.at[wid], src_v)
        pltpu.sync_copy(dstb_hbm.at[wid], dst_v)

        @pl.loop(0, CHUNKS_W)
        def _(j):
            for s2 in range(CHUNK // 16):
                s16 = src_v[j, pl.ds(s2 * 16, 16)]
                plsc.addupdate_scatter(degs_v, [s16], ones16)
                d16 = dst_v[j, pl.ds(s2 * 16, 16)]
                plsc.addupdate_scatter(degd_v, [d16], ones16)

        pltpu.sync_copy(degs_v, out_hbm.at[wid, 0])
        pltpu.sync_copy(degd_v, out_hbm.at[wid, 1])

    return deg_kernel(srcb, dstb)


def _sc_edge_agg(h, srcb, dstb, d):

    @functools.partial(
        pl.kernel,
        out_type=jax.ShapeDtypeStruct((2, N_PAD, d), jnp.float32),
        mesh=_sc_mesh(),
        scratch_types=[
            pltpu.VMEM((PASS_N, CHUNK), jnp.int32),
            pltpu.VMEM((PASS_N, CHUNK), jnp.int32),
            pltpu.VMEM((CHUNK, d), jnp.float32),
            pltpu.VMEM((CHUNK, d), jnp.float32),
            pltpu.VMEM_SHARED((N_PAD, d), jnp.float32),
            pltpu.SemaphoreType.DMA,
            pltpu.SemaphoreType.DMA,
        ],
    )
    def agg_kernel(h_hbm, srcb_hbm, dstb_hbm, out_hbm, src_v, dst_v, msgs_v,
                   msgs_w, agg_sh, sem_a, sem_b):
        cid = lax.axis_index("c")
        sid = lax.axis_index("s")
        zeros16 = jnp.zeros((16,), jnp.float32)
        base = sid * STRIPE

        @pl.loop(0, CHUNK)
        def _(r):
            for s2 in range(d // 16):
                msgs_v[r, pl.ds(s2 * 16, 16)] = zeros16

        for z in range(STRIPE // CHUNK):
            pltpu.sync_copy(msgs_v, agg_sh.at[pl.ds(base + z * CHUNK, CHUNK)])
        plsc.subcore_barrier()

        chunk0 = cid * CORE1_BASE + sid * CH_W
        for p in range(CH_W // PASS_N):
            pltpu.sync_copy(srcb_hbm.at[pl.ds(chunk0 + p * PASS_N, PASS_N)], src_v)
            pltpu.sync_copy(dstb_hbm.at[pl.ds(chunk0 + p * PASS_N, PASS_N)], dst_v)

            pltpu.async_copy(h_hbm.at[src_v.at[0]], msgs_v, sem_a)

            @pl.loop(0, PASS_N // 2)
            def _(k):
                j = 2 * k
                pltpu.make_async_copy(h_hbm.at[src_v.at[j]], msgs_v, sem_a).wait()
                pltpu.async_copy(h_hbm.at[src_v.at[j + 1]], msgs_w, sem_b)
                pltpu.sync_copy(msgs_v, agg_sh.at[dst_v.at[j]], add=True)
                pltpu.make_async_copy(
                    h_hbm.at[src_v.at[j + 1]], msgs_w, sem_b).wait()

                @pl.when(k < PASS_N // 2 - 1)
                def _():
                    pltpu.async_copy(h_hbm.at[src_v.at[j + 2]], msgs_v, sem_a)

                pltpu.sync_copy(msgs_w, agg_sh.at[dst_v.at[j + 1]], add=True)

        plsc.subcore_barrier()
        pltpu.sync_copy(
            agg_sh.at[pl.ds(base, STRIPE)], out_hbm.at[cid, pl.ds(base, STRIPE)]
        )

    return agg_kernel(h, srcb, dstb)


def _norm_from_deg(deg):
    return jnp.where(deg > 0, lax.rsqrt(jnp.maximum(deg, 1e-12)), 0.0)


_DOT = functools.partial(
    lax.dot_general,
    dimension_numbers=(((1,), (0,)), ((), ())),
    precision=lax.Precision.HIGHEST,
    preferred_element_type=jnp.float32,
)

_BLK = 1280


def _tc_prep(xp, degp, W1):
    def body(x_ref, degp_ref, w_ref, out_ref):
        deg = jnp.sum(degp_ref[...], axis=0)
        norm_out = _norm_from_deg(deg[0])
        xs = x_ref[...] * norm_out[:, None]
        out_ref[...] = _DOT(xs, w_ref[...])

    return pl.pallas_call(
        body,
        grid=(N_PAD // _BLK,),
        in_specs=[
            pl.BlockSpec((_BLK, D_IN), lambda i: (i, 0)),
            pl.BlockSpec((NUM_WORKERS, 2, _BLK), lambda i: (0, 0, i)),
            pl.BlockSpec((D_IN, D_H), lambda i: (0, 0)),
        ],
        out_specs=pl.BlockSpec((_BLK, D_H), lambda i: (i, 0)),
        out_shape=jax.ShapeDtypeStruct((N_PAD, D_H), jnp.float32),
    )(xp, degp, W1)


def _tc_mid(aggp, degp, b1, W2):
    def body(aggp_ref, degp_ref, b1_ref, w_ref, out_ref):
        agg = aggp_ref[0] + aggp_ref[1]
        deg = jnp.sum(degp_ref[...], axis=0)
        norm_out = _norm_from_deg(deg[0])
        norm_in = _norm_from_deg(deg[1])
        h = jnp.maximum(agg * norm_in[:, None] + b1_ref[...], 0.0)
        h = h * norm_out[:, None]
        out_ref[...] = _DOT(h, w_ref[...])

    return pl.pallas_call(
        body,
        grid=(N_PAD // _BLK,),
        in_specs=[
            pl.BlockSpec((2, _BLK, D_H), lambda i: (0, i, 0)),
            pl.BlockSpec((NUM_WORKERS, 2, _BLK), lambda i: (0, 0, i)),
            pl.BlockSpec((1, D_H), lambda i: (0, 0)),
            pl.BlockSpec((D_H, D_H), lambda i: (0, 0)),
        ],
        out_specs=pl.BlockSpec((_BLK, D_H), lambda i: (i, 0)),
        out_shape=jax.ShapeDtypeStruct((N_PAD, D_H), jnp.float32),
    )(aggp, degp, b1, W2)


def _tc_final(aggp, degp, b2):
    def body(aggp_ref, degp_ref, b2_ref, out_ref):
        agg = aggp_ref[0, :, :D_OUT] + aggp_ref[1, :, :D_OUT]
        deg = jnp.sum(degp_ref[...], axis=0)
        norm_in = _norm_from_deg(deg[1])
        out_ref[...] = agg * norm_in[:, None] + b2_ref[...]

    return pl.pallas_call(
        body,
        grid=(N_PAD // _BLK,),
        in_specs=[
            pl.BlockSpec((2, _BLK, D_H), lambda i: (0, i, 0)),
            pl.BlockSpec((NUM_WORKERS, 2, _BLK), lambda i: (0, 0, i)),
            pl.BlockSpec((1, D_OUT), lambda i: (0, 0)),
        ],
        out_specs=pl.BlockSpec((_BLK, D_OUT), lambda i: (i, 0)),
        out_shape=jax.ShapeDtypeStruct((N_PAD, D_OUT), jnp.float32),
    )(aggp, degp, b2)


def kernel(features, edge_index, W1, b1, W2, b2):
    xp = jnp.zeros((N_PAD, D_IN), jnp.float32).at[:N_NODES].set(features)
    pad_ids = N_NODES + jnp.arange(E_PAD - N_EDGES, dtype=jnp.int32) % (
        N_PAD - N_NODES)
    ei = jnp.concatenate([edge_index, jnp.stack([pad_ids, pad_ids])], axis=1)
    srcb, dstb = ei[0].reshape(NUM_WORKERS, CHUNKS_W, CHUNK), ei[1].reshape(
        NUM_WORKERS, CHUNKS_W, CHUNK)
    srcf, dstf = ei[0].reshape(-1, CHUNK), ei[1].reshape(-1, CHUNK)

    W2p = jnp.concatenate([W2, jnp.zeros((D_H, D_H - D_OUT), jnp.float32)], axis=1)

    degp = _sc_degrees(srcb, dstb)
    h1p = _tc_prep(xp, degp, W1)
    agg1 = _sc_edge_agg(h1p, srcf, dstf, D_H)
    h2p = _tc_mid(agg1, degp, b1.reshape(1, D_H), W2p)
    agg2 = _sc_edge_agg(h2p, srcf, dstf, D_H)
    outp = _tc_final(agg2, degp, b2.reshape(1, D_OUT))
    return outp[:N_NODES]

# --- scband reference (transcript-rebuilt; emitter-appended) ---
"""Pipeline reference for scband-gcn-delta-64338610094324 (READ-ONLY COPY).

The authoritative reference and input builder live on the scoring server;
editing this copy changes nothing except your own understanding.
"""

import jax, jax.numpy as jnp
import numpy as np

N = 10000
E = 320000
D_IN = 128
D_H = 128
D_OUT = 64


def setup_inputs(seed: int = 0) -> dict:
    key = jax.random.key(seed)
    k1, k2, k3, k4 = jax.random.split(key, 4)
    features = jax.random.normal(k1, (N, D_IN), dtype=jnp.float32)
    edge_index = jax.random.randint(k2, (2, E), 0, N, dtype=jnp.int32)
    # GraphConv_delta layer parameters (glorot-ish init), sized per init_kwargs
    W1 = jax.random.normal(k3, (D_IN, D_H), dtype=jnp.float32) * (1.0 / np.sqrt(D_IN))
    b1 = jnp.zeros((D_H,), dtype=jnp.float32)
    W2 = jax.random.normal(k4, (D_H, D_OUT), dtype=jnp.float32) * (1.0 / np.sqrt(D_H))
    b2 = jnp.zeros((D_OUT,), dtype=jnp.float32)
    return {"features": features, "edge_index": edge_index, "W1": W1, "b1": b1, "W2": W2, "b2": b2}


def _gcn_conv(x, W, b, src, dst, n_nodes):
    # DGL GraphConv with norm='both', allow_zero_in_degree=True:
    #   h = D_in^{-1/2} * A * D_out^{-1/2} * x * W + b
    e = src.shape[0]
    ones = jnp.ones((e,), dtype=x.dtype)
    deg_out = jax.ops.segment_sum(ones, src, num_segments=n_nodes)
    deg_in = jax.ops.segment_sum(ones, dst, num_segments=n_nodes)
    norm_out = jnp.where(deg_out > 0, jax.lax.rsqrt(jnp.maximum(deg_out, 1e-12)), 0.0)
    norm_in = jnp.where(deg_in > 0, jax.lax.rsqrt(jnp.maximum(deg_in, 1e-12)), 0.0)
    h = x * norm_out[:, None]
    h = h @ W
    msgs = jnp.take(h, src, axis=0)  # gather along edges
    agg = jax.ops.segment_sum(msgs, dst, num_segments=n_nodes)  # scatter-add
    out = agg * norm_in[:, None] + b
    return out


def reference(features, edge_index, W1, b1, W2, b2):
    # ngh_high_deg / ngh_low_deg are None -> combine_embedding path skipped.
    # Dropout is identity in eval mode.
    src = edge_index[0]
    dst = edge_index[1]
    h = _gcn_conv(features, W1, b1, src, dst, N)
    h = jax.nn.relu(h)  # layer-0 activation
    h = _gcn_conv(h, W2, b2, src, dst, N)  # final layer, no activation
    return h

if __name__ == "__main__":
    import jax
    _d = setup_inputs()
    print(jax.jit(kernel)(*tuple(_d.values())))

</pallas_src>

<mosaic_0001>
#map = affine_map<(d0, d1) -> (0, 0, 0)>
module attributes {stable_mosaic.version = 14 : i64} {
  func.func @deg_kernel(%arg0: i32, %arg1: i32, %arg2: memref<32x80x128xi32, #tpu.memory_space<hbm>>, %arg3: memref<32x80x128xi32, #tpu.memory_space<hbm>>, %arg4: memref<32x2x10240xf32, #tpu.memory_space<hbm>>, %arg5: memref<80x128xi32, #tpu.memory_space<vmem>>, %arg6: memref<80x128xi32, #tpu.memory_space<vmem>>, %arg7: memref<10240xf32, #tpu.memory_space<vmem>>, %arg8: memref<10240xf32, #tpu.memory_space<vmem>>) attributes {dimension_semantics = [#tpu.dimension_semantics<core_parallel>, #tpu.dimension_semantics<subcore_parallel>], iteration_bounds = array<i64: 2, 16>, scalar_prefetch = 0 : i64, scratch_operands = 4 : i64, tpu.core_type = #tpu.core_type<sc_vector_subcore>, window_params = [{transform_indices = #map}, {transform_indices = #map}, {transform_indices = #map}]} {
    %mul3A = arith.constant 2 : i32
    %mul3A_0 = arith.muli %arg1, %mul3A : i32
    %add3A = arith.addi %mul3A_0, %arg0 : i32
    %broadcast_in_dim3A = arith.constant 0.000000e+00 : f32
    %broadcast_in_dim3A_1 = vector.broadcast %broadcast_in_dim3A : f32 to vector<16xf32>
    %broadcast_in_dim3A_2 = arith.constant 1.000000e+00 : f32
    %broadcast_in_dim3A_3 = vector.broadcast %broadcast_in_dim3A_2 : f32 to vector<16xf32>
    %scan3A = arith.constant 0 : i32
    %scan3A_4 = arith.constant 640 : i32
    %scan3A_5 = arith.addi %scan3A, %scan3A_4 : i32
    %scan3A_6 = arith.constant 1 : i32
    scf.for %scan3A_14 = %scan3A to %scan3A_5 step %scan3A_6  : i32 {
      %mul3A_15 = arith.constant 1 : i32
      %mul3A_16 = arith.muli %scan3A_14, %mul3A_15 : i32
      %add3A_17 = arith.constant 0 : i32
      %add3A_18 = arith.addi %add3A_17, %mul3A_16 : i32
      %mul3A_19 = arith.constant 16 : i32
      %mul3A_20 = arith.muli %add3A_18, %mul3A_19 : i32
      %swap3A = arith.index_cast %mul3A_20 : i32 to index
      %swap3A_21 = tpu.vector_load %arg7[%swap3A] {strides = array<i32>} : memref<10240xf32, #tpu.memory_space<vmem>>, vector<16xf32>,
      tpu.vector_store %arg7[%swap3A], %broadcast_in_dim3A_1 {strides = array<i32>} : memref<10240xf32, #tpu.memory_space<vmem>>, vector<16xf32>,
      %mul3A_22 = arith.constant 16 : i32
      %mul3A_23 = arith.muli %add3A_18, %mul3A_22 : i32
      %swap3A_24 = arith.index_cast %mul3A_23 : i32 to index
      %swap3A_25 = tpu.vector_load %arg8[%swap3A_24] {strides = array<i32>} : memref<10240xf32, #tpu.memory_space<vmem>>, vector<16xf32>,
      tpu.vector_store %arg8[%swap3A_24], %broadcast_in_dim3A_1 {strides = array<i32>} : memref<10240xf32, #tpu.memory_space<vmem>>, vector<16xf32>,
    }
    %scan3A_7 = arith.constant 640 : i32
    "tpu.region"() ({
      %run_scoped3A_14 = tpu.sem_alloc : memref<!tpu.dma_semaphore, #tpu.memory_space<semaphore_mem>>
      %dma_start3A = arith.constant 0 : i32
      %dma_start3A_15 = arith.constant 0 : i32
      %dma_start3A_16 = tpu.memref_slice %arg2[%add3A, %dma_start3A, %dma_start3A_15] : memref<32x80x128xi32, #tpu.memory_space<hbm>> -> memref<1x80x128xi32, #tpu.memory_space<hbm>>
      %dma_start3A_17 = tpu.memref_squeeze %dma_start3A_16 : memref<1x80x128xi32, #tpu.memory_space<hbm>> -> memref<80x128xi32, #tpu.memory_space<hbm>>
      %dma_start3A_18 = arith.constant 0 : i32
      %dma_start3A_19 = arith.constant 0 : i32
      %dma_start3A_20 = tpu.memref_slice %arg2[%add3A, %dma_start3A_18, %dma_start3A_19] : memref<32x80x128xi32, #tpu.memory_space<hbm>> -> memref<1x80x128xi32, #tpu.memory_space<hbm>>
      %dma_start3A_21 = tpu.memref_squeeze %dma_start3A_20 : memref<1x80x128xi32, #tpu.memory_space<hbm>> -> memref<80x128xi32, #tpu.memory_space<hbm>>
      tpu.enqueue_dma source(%dma_start3A_21 : memref<80x128xi32, #tpu.memory_space<hbm>>) target(%arg5 : memref<80x128xi32, #tpu.memory_space<vmem>>) target_semaphore(%run_scoped3A_14 : memref<!tpu.dma_semaphore, #tpu.memory_space<semaphore_mem>>)
      %dma_wait3A = arith.constant 0 : i32
      %dma_wait3A_22 = arith.constant 0 : i32
      %dma_wait3A_23 = tpu.memref_slice %arg2[%add3A, %dma_wait3A, %dma_wait3A_22] : memref<32x80x128xi32, #tpu.memory_space<hbm>> -> memref<1x80x128xi32, #tpu.memory_space<hbm>>
      %dma_wait3A_24 = tpu.memref_squeeze %dma_wait3A_23 : memref<1x80x128xi32, #tpu.memory_space<hbm>> -> memref<80x128xi32, #tpu.memory_space<hbm>>
      %dma_wait3A_25 = arith.constant 0 : i32
      %dma_wait3A_26 = arith.constant 0 : i32
      %dma_wait3A_27 = tpu.memref_slice %arg2[%add3A, %dma_wait3A_25, %dma_wait3A_26] : memref<32x80x128xi32, #tpu.memory_space<hbm>> -> memref<1x80x128xi32, #tpu.memory_space<hbm>>
      %dma_wait3A_28 = tpu.memref_squeeze %dma_wait3A_27 : memref<1x80x128xi32, #tpu.memory_space<hbm>> -> memref<80x128xi32, #tpu.memory_space<hbm>>
      tpu.wait_dma2 semaphore(%run_scoped3A_14 : memref<!tpu.dma_semaphore, #tpu.memory_space<semaphore_mem>>) src(%dma_wait3A_28 : memref<80x128xi32, #tpu.memory_space<hbm>>) dst(%arg5 : memref<80x128xi32, #tpu.memory_space<vmem>>)
      tpu.yield
    }) : () -> ()
    "tpu.region"() ({
      %run_scoped3A_14 = tpu.sem_alloc : memref<!tpu.dma_semaphore, #tpu.memory_space<semaphore_mem>>
      %dma_start3A = arith.constant 0 : i32
      %dma_start3A_15 = arith.constant 0 : i32
      %dma_start3A_16 = tpu.memref_slice %arg3[%add3A, %dma_start3A, %dma_start3A_15] : memref<32x80x128xi32, #tpu.memory_space<hbm>> -> memref<1x80x128xi32, #tpu.memory_space<hbm>>
      %dma_start3A_17 = tpu.memref_squeeze %dma_start3A_16 : memref<1x80x128xi32, #tpu.memory_space<hbm>> -> memref<80x128xi32, #tpu.memory_space<hbm>>
      %dma_start3A_18 = arith.constant 0 : i32
      %dma_start3A_19 = arith.constant 0 : i32
      %dma_start3A_20 = tpu.memref_slice %arg3[%add3A, %dma_start3A_18, %dma_start3A_19] : memref<32x80x128xi32, #tpu.memory_space<hbm>> -> memref<1x80x128xi32, #tpu.memory_space<hbm>>
      %dma_start3A_21 = tpu.memref_squeeze %dma_start3A_20 : memref<1x80x128xi32, #tpu.memory_space<hbm>> -> memref<80x128xi32, #tpu.memory_space<hbm>>
      tpu.enqueue_dma source(%dma_start3A_21 : memref<80x128xi32, #tpu.memory_space<hbm>>) target(%arg6 : memref<80x128xi32, #tpu.memory_space<vmem>>) target_semaphore(%run_scoped3A_14 : memref<!tpu.dma_semaphore, #tpu.memory_space<semaphore_mem>>)
      %dma_wait3A = arith.constant 0 : i32
      %dma_wait3A_22 = arith.constant 0 : i32
      %dma_wait3A_23 = tpu.memref_slice %arg3[%add3A, %dma_wait3A, %dma_wait3A_22] : memref<32x80x128xi32, #tpu.memory_space<hbm>> -> memref<1x80x128xi32, #tpu.memory_space<hbm>>
      %dma_wait3A_24 = tpu.memref_squeeze %dma_wait3A_23 : memref<1x80x128xi32, #tpu.memory_space<hbm>> -> memref<80x128xi32, #tpu.memory_space<hbm>>
      %dma_wait3A_25 = arith.constant 0 : i32
      %dma_wait3A_26 = arith.constant 0 : i32
      %dma_wait3A_27 = tpu.memref_slice %arg3[%add3A, %dma_wait3A_25, %dma_wait3A_26] : memref<32x80x128xi32, #tpu.memory_space<hbm>> -> memref<1x80x128xi32, #tpu.memory_space<hbm>>
      %dma_wait3A_28 = tpu.memref_squeeze %dma_wait3A_27 : memref<1x80x128xi32, #tpu.memory_space<hbm>> -> memref<80x128xi32, #tpu.memory_space<hbm>>
      tpu.wait_dma2 semaphore(%run_scoped3A_14 : memref<!tpu.dma_semaphore, #tpu.memory_space<semaphore_mem>>) src(%dma_wait3A_28 : memref<80x128xi32, #tpu.memory_space<hbm>>) dst(%arg6 : memref<80x128xi32, #tpu.memory_space<vmem>>)
      tpu.yield
    }) : () -> ()
    %scan3A_8 = arith.constant 0 : i32
    %scan3A_9 = arith.constant 80 : i32
    %scan3A_10 = arith.addi %scan3A_8, %scan3A_9 : i32
    %scan3A_11 = arith.constant 1 : i32
    scf.for %scan3A_14 = %scan3A_8 to %scan3A_10 step %scan3A_11  : i32 {
      %mul3A_15 = arith.constant 1 : i32
      %mul3A_16 = arith.muli %scan3A_14, %mul3A_15 : i32
      %add3A_17 = arith.constant 0 : i32
      %add3A_18 = arith.addi %add3A_17, %mul3A_16 : i32
      %get3A = arith.index_cast %add3A_18 : i32 to index
      %get3A_19 = arith.constant 0 : index
      %get3A_20 = tpu.vector_load %arg5[%get3A, %get3A_19] {strides = array<i32>} : memref<80x128xi32, #tpu.memory_space<vmem>>, vector<16xi32>,
      tpu.vector_store_idx %arg7[%get3A_20], %broadcast_in_dim3A_3 {add = true} : memref<10240xf32, #tpu.memory_space<vmem>>[vector<16xi32>], vector<16xf32>,
      %get3A_21 = arith.index_cast %add3A_18 : i32 to index
      %get3A_22 = arith.constant 0 : index
      %get3A_23 = tpu.vector_load %arg6[%get3A_21, %get3A_22] {strides = array<i32>} : memref<80x128xi32, #tpu.memory_space<vmem>>, vector<16xi32>,
      tpu.vector_store_idx %arg8[%get3A_23], %broadcast_in_dim3A_3 {add = true} : memref<10240xf32, #tpu.memory_space<vmem>>[vector<16xi32>], vector<16xf32>,
      %get3A_24 = arith.index_cast %add3A_18 : i32 to index
      %get3A_25 = arith.constant 16 : index
      %get3A_26 = tpu.vector_load %arg5[%get3A_24, %get3A_25] {strides = array<i32>} : memref<80x128xi32, #tpu.memory_space<vmem>>, vector<16xi32>,
      tpu.vector_store_idx %arg7[%get3A_26], %broadcast_in_dim3A_3 {add = true} : memref<10240xf32, #tpu.memory_space<vmem>>[vector<16xi32>], vector<16xf32>,
      %get3A_27 = arith.index_cast %add3A_18 : i32 to index
      %get3A_28 = arith.constant 16 : index
      %get3A_29 = tpu.vector_load %arg6[%get3A_27, %get3A_28] {strides = array<i32>} : memref<80x128xi32, #tpu.memory_space<vmem>>, vector<16xi32>,
      tpu.vector_store_idx %arg8[%get3A_29], %broadcast_in_dim3A_3 {add = true} : memref<10240xf32, #tpu.memory_space<vmem>>[vector<16xi32>], vector<16xf32>,
      %get3A_30 = arith.index_cast %add3A_18 : i32 to index
      %get3A_31 = arith.constant 32 : index
      %get3A_32 = tpu.vector_load %arg5[%get3A_30, %get3A_31] {strides = array<i32>} : memref<80x128xi32, #tpu.memory_space<vmem>>, vector<16xi32>,
      tpu.vector_store_idx %arg7[%get3A_32], %broadcast_in_dim3A_3 {add = true} : memref<10240xf32, #tpu.memory_space<vmem>>[vector<16xi32>], vector<16xf32>,
      %get3A_33 = arith.index_cast %add3A_18 : i32 to index
      %get3A_34 = arith.constant 32 : index
      %get3A_35 = tpu.vector_load %arg6[%get3A_33, %get3A_34] {strides = array<i32>} : memref<80x128xi32, #tpu.memory_space<vmem>>, vector<16xi32>,
      tpu.vector_store_idx %arg8[%get3A_35], %broadcast_in_dim3A_3 {add = true} : memref<10240xf32, #tpu.memory_space<vmem>>[vector<16xi32>], vector<16xf32>,
      %get3A_36 = arith.index_cast %add3A_18 : i32 to index
      %get3A_37 = arith.constant 48 : index
      %get3A_38 = tpu.vector_load %arg5[%get3A_36, %get3A_37] {strides = array<i32>} : memref<80x128xi32, #tpu.memory_space<vmem>>, vector<16xi32>,
      tpu.vector_store_idx %arg7[%get3A_38], %broadcast_in_dim3A_3 {add = true} : memref<10240xf32, #tpu.memory_space<vmem>>[vector<16xi32>], vector<16xf32>,
      %get3A_39 = arith.index_cast %add3A_18 : i32 to index
      %get3A_40 = arith.constant 48 : index
      %get3A_41 = tpu.vector_load %arg6[%get3A_39, %get3A_40] {strides = array<i32>} : memref<80x128xi32, #tpu.memory_space<vmem>>, vector<16xi32>,
      tpu.vector_store_idx %arg8[%get3A_41], %broadcast_in_dim3A_3 {add = true} : memref<10240xf32, #tpu.memory_space<vmem>>[vector<16xi32>], vector<16xf32>,
      %get3A_42 = arith.index_cast %add3A_18 : i32 to index
      %get3A_43 = arith.constant 64 : index
      %get3A_44 = tpu.vector_load %arg5[%get3A_42, %get3A_43] {strides = array<i32>} : memref<80x128xi32, #tpu.memory_space<vmem>>, vector<16xi32>,
      tpu.vector_store_idx %arg7[%get3A_44], %broadcast_in_dim3A_3 {add = true} : memref<10240xf32, #tpu.memory_space<vmem>>[vector<16xi32>], vector<16xf32>,
      %get3A_45 = arith.index_cast %add3A_18 : i32 to index
      %get3A_46 = arith.constant 64 : index
      %get3A_47 = tpu.vector_load %arg6[%get3A_45, %get3A_46] {strides = array<i32>} : memref<80x128xi32, #tpu.memory_space<vmem>>, vector<16xi32>,
      tpu.vector_store_idx %arg8[%get3A_47], %broadcast_in_dim3A_3 {add = true} : memref<10240xf32, #tpu.memory_space<vmem>>[vector<16xi32>], vector<16xf32>,
      %get3A_48 = arith.index_cast %add3A_18 : i32 to index
      %get3A_49 = arith.constant 80 : index
      %get3A_50 = tpu.vector_load %arg5[%get3A_48, %get3A_49] {strides = array<i32>} : memref<80x128xi32, #tpu.memory_space<vmem>>, vector<16xi32>,
      tpu.vector_store_idx %arg7[%get3A_50], %broadcast_in_dim3A_3 {add = true} : memref<10240xf32, #tpu.memory_space<vmem>>[vector<16xi32>], vector<16xf32>,
      %get3A_51 = arith.index_cast %add3A_18 : i32 to index
      %get3A_52 = arith.constant 80 : index
      %get3A_53 = tpu.vector_load %arg6[%get3A_51, %get3A_52] {strides = array<i32>} : memref<80x128xi32, #tpu.memory_space<vmem>>, vector<16xi32>,
      tpu.vector_store_idx %arg8[%get3A_53], %broadcast_in_dim3A_3 {add = true} : memref<10240xf32, #tpu.memory_space<vmem>>[vector<16xi32>], vector<16xf32>,
      %get3A_54 = arith.index_cast %add3A_18 : i32 to index
      %get3A_55 = arith.constant 96 : index
      %get3A_56 = tpu.vector_load %arg5[%get3A_54, %get3A_55] {strides = array<i32>} : memref<80x128xi32, #tpu.memory_space<vmem>>, vector<16xi32>,
      tpu.vector_store_idx %arg7[%get3A_56], %broadcast_in_dim3A_3 {add = true} : memref<10240xf32, #tpu.memory_space<vmem>>[vector<16xi32>], vector<16xf32>,
      %get3A_57 = arith.index_cast %add3A_18 : i32 to index
      %get3A_58 = arith.constant 96 : index
      %get3A_59 = tpu.vector_load %arg6[%get3A_57, %get3A_58] {strides = array<i32>} : memref<80x128xi32, #tpu.memory_space<vmem>>, vector<16xi32>,
      tpu.vector_store_idx %arg8[%get3A_59], %broadcast_in_dim3A_3 {add = true} : memref<10240xf32, #tpu.memory_space<vmem>>[vector<16xi32>], vector<16xf32>,
      %get3A_60 = arith.index_cast %add3A_18 : i32 to index
      %get3A_61 = arith.constant 112 : index
      %get3A_62 = tpu.vector_load %arg5[%get3A_60, %get3A_61] {strides = array<i32>} : memref<80x128xi32, #tpu.memory_space<vmem>>, vector<16xi32>,
      tpu.vector_store_idx %arg7[%get3A_62], %broadcast_in_dim3A_3 {add = true} : memref<10240xf32, #tpu.memory_space<vmem>>[vector<16xi32>], vector<16xf32>,
      %get3A_63 = arith.index_cast %add3A_18 : i32 to index
      %get3A_64 = arith.constant 112 : index
      %get3A_65 = tpu.vector_load %arg6[%get3A_63, %get3A_64] {strides = array<i32>} : memref<80x128xi32, #tpu.memory_space<vmem>>, vector<16xi32>,
      tpu.vector_store_idx %arg8[%get3A_65], %broadcast_in_dim3A_3 {add = true} : memref<10240xf32, #tpu.memory_space<vmem>>[vector<16xi32>], vector<16xf32>,
    }
    %scan3A_12 = arith.constant 80 : i32
    %run_scoped3A = arith.constant 0 : i32
    "tpu.region"() ({
      %run_scoped3A_14 = tpu.sem_alloc : memref<!tpu.dma_semaphore, #tpu.memory_space<semaphore_mem>>
      %dma_start3A = arith.constant 0 : i32
      %dma_start3A_15 = tpu.memref_slice %arg4[%add3A, %run_scoped3A, %dma_start3A] : memref<32x2x10240xf32, #tpu.memory_space<hbm>> -> memref<1x1x10240xf32, #tpu.memory_space<hbm>>
      %dma_start3A_16 = tpu.memref_squeeze %dma_start3A_15 : memref<1x1x10240xf32, #tpu.memory_space<hbm>> -> memref<10240xf32, #tpu.memory_space<hbm>>
      %dma_start3A_17 = arith.constant 0 : i32
      %dma_start3A_18 = tpu.memref_slice %arg4[%add3A, %run_scoped3A, %dma_start3A_17] : memref<32x2x10240xf32, #tpu.memory_space<hbm>> -> memref<1x1x10240xf32, #tpu.memory_space<hbm>>
      %dma_start3A_19 = tpu.memref_squeeze %dma_start3A_18 : memref<1x1x10240xf32, #tpu.memory_space<hbm>> -> memref<10240xf32, #tpu.memory_space<hbm>>
      tpu.enqueue_dma source(%arg7 : memref<10240xf32, #tpu.memory_space<vmem>>) target(%dma_start3A_19 : memref<10240xf32, #tpu.memory_space<hbm>>) target_semaphore(%run_scoped3A_14 : memref<!tpu.dma_semaphore, #tpu.memory_space<semaphore_mem>>)
      %dma_wait3A = arith.constant 0 : i32
      %dma_wait3A_20 = tpu.memref_slice %arg4[%add3A, %run_scoped3A, %dma_wait3A] : memref<32x2x10240xf32, #tpu.memory_space<hbm>> -> memref<1x1x10240xf32, #tpu.memory_space<hbm>>
      %dma_wait3A_21 = tpu.memref_squeeze %dma_wait3A_20 : memref<1x1x10240xf32, #tpu.memory_space<hbm>> -> memref<10240xf32, #tpu.memory_space<hbm>>
      %dma_wait3A_22 = arith.constant 0 : i32
      %dma_wait3A_23 = tpu.memref_slice %arg4[%add3A, %run_scoped3A, %dma_wait3A_22] : memref<32x2x10240xf32, #tpu.memory_space<hbm>> -> memref<1x1x10240xf32, #tpu.memory_space<hbm>>
      %dma_wait3A_24 = tpu.memref_squeeze %dma_wait3A_23 : memref<1x1x10240xf32, #tpu.memory_space<hbm>> -> memref<10240xf32, #tpu.memory_space<hbm>>
      tpu.wait_dma2 semaphore(%run_scoped3A_14 : memref<!tpu.dma_semaphore, #tpu.memory_space<semaphore_mem>>) src(%arg7 : memref<10240xf32, #tpu.memory_space<vmem>>) dst(%dma_wait3A_24 : memref<10240xf32, #tpu.memory_space<hbm>>)
      tpu.yield
    }) : () -> ()
    %run_scoped3A_13 = arith.constant 1 : i32
    "tpu.region"() ({
      %run_scoped3A_14 = tpu.sem_alloc : memref<!tpu.dma_semaphore, #tpu.memory_space<semaphore_mem>>
      %dma_start3A = arith.constant 0 : i32
      %dma_start3A_15 = tpu.memref_slice %arg4[%add3A, %run_scoped3A_13, %dma_start3A] : memref<32x2x10240xf32, #tpu.memory_space<hbm>> -> memref<1x1x10240xf32, #tpu.memory_space<hbm>>
      %dma_start3A_16 = tpu.memref_squeeze %dma_start3A_15 : memref<1x1x10240xf32, #tpu.memory_space<hbm>> -> memref<10240xf32, #tpu.memory_space<hbm>>
      %dma_start3A_17 = arith.constant 0 : i32
      %dma_start3A_18 = tpu.memref_slice %arg4[%add3A, %run_scoped3A_13, %dma_start3A_17] : memref<32x2x10240xf32, #tpu.memory_space<hbm>> -> memref<1x1x10240xf32, #tpu.memory_space<hbm>>
      %dma_start3A_19 = tpu.memref_squeeze %dma_start3A_18 : memref<1x1x10240xf32, #tpu.memory_space<hbm>> -> memref<10240xf32, #tpu.memory_space<hbm>>
      tpu.enqueue_dma source(%arg8 : memref<10240xf32, #tpu.memory_space<vmem>>) target(%dma_start3A_19 : memref<10240xf32, #tpu.memory_space<hbm>>) target_semaphore(%run_scoped3A_14 : memref<!tpu.dma_semaphore, #tpu.memory_space<semaphore_mem>>)
      %dma_wait3A = arith.constant 0 : i32
      %dma_wait3A_20 = tpu.memref_slice %arg4[%add3A, %run_scoped3A_13, %dma_wait3A] : memref<32x2x10240xf32, #tpu.memory_space<hbm>> -> memref<1x1x10240xf32, #tpu.memory_space<hbm>>
      %dma_wait3A_21 = tpu.memref_squeeze %dma_wait3A_20 : memref<1x1x10240xf32, #tpu.memory_space<hbm>> -> memref<10240xf32, #tpu.memory_space<hbm>>
      %dma_wait3A_22 = arith.constant 0 : i32
      %dma_wait3A_23 = tpu.memref_slice %arg4[%add3A, %run_scoped3A_13, %dma_wait3A_22] : memref<32x2x10240xf32, #tpu.memory_space<hbm>> -> memref<1x1x10240xf32, #tpu.memory_space<hbm>>
      %dma_wait3A_24 = tpu.memref_squeeze %dma_wait3A_23 : memref<1x1x10240xf32, #tpu.memory_space<hbm>> -> memref<10240xf32, #tpu.memory_space<hbm>>
      tpu.wait_dma2 semaphore(%run_scoped3A_14 : memref<!tpu.dma_semaphore, #tpu.memory_space<semaphore_mem>>) src(%arg8 : memref<10240xf32, #tpu.memory_space<vmem>>) dst(%dma_wait3A_24 : memref<10240xf32, #tpu.memory_space<hbm>>)
      tpu.yield
    }) : () -> ()
    return
  }
}

#map = affine_map<(d0, d1) -> (0, 0)>
#map1 = affine_map<(d0, d1) -> (0, 0, 0)>
module attributes {stable_mosaic.version = 14 : i64} {
  func.func @agg_kernel(%arg0: i32, %arg1: i32, %arg2: memref<10240x128xf32, #tpu.memory_space<hbm>>, %arg3: memref<2560x128xi32, #tpu.memory_space<hbm>>, %arg4: memref<2560x128xi32, #tpu.memory_space<hbm>>, %arg5: memref<2x10240x128xf32, #tpu.memory_space<hbm>>, %arg6: memref<16x128xi32, #tpu.memory_space<vmem>>, %arg7: memref<16x128xi32, #tpu.memory_space<vmem>>, %arg8: memref<128x128xf32, #tpu.memory_space<vmem>>, %arg9: memref<128x128xf32, #tpu.memory_space<vmem>>, %arg10: memref<10240x128xf32, #tpu.memory_space<vmem_shared>>, %arg11: memref<!tpu.dma_semaphore, #tpu.memory_space<semaphore_mem>>, %arg12: memref<!tpu.dma_semaphore, #tpu.memory_space<semaphore_mem>>) attributes {dimension_semantics = [#tpu.dimension_semantics<core_parallel>, #tpu.dimension_semantics<subcore_parallel>], iteration_bounds = array<i64: 2, 16>, scalar_prefetch = 0 : i64, scratch_operands = 7 : i64, tpu.core_type = #tpu.core_type<sc_vector_subcore>, window_params = [{transform_indices = #map}, {transform_indices = #map}, {transform_indices = #map}, {transform_indices = #map1}]} {
    %broadcast_in_dim3A = arith.constant 0.000000e+00 : f32
    %broadcast_in_dim3A_0 = vector.broadcast %broadcast_in_dim3A : f32 to vector<16xf32>
    %mul3A = arith.constant 640 : i32
    %mul3A_1 = arith.muli %arg1, %mul3A : i32
    %scan3A = arith.constant 0 : i32
    %scan3A_2 = arith.constant 128 : i32
    %scan3A_3 = arith.addi %scan3A, %scan3A_2 : i32
    %scan3A_4 = arith.constant 1 : i32
    scf.for %scan3A_100 = %scan3A to %scan3A_3 step %scan3A_4  : i32 {
      %mul3A_101 = arith.constant 1 : i32
      %mul3A_102 = arith.muli %scan3A_100, %mul3A_101 : i32
      %add3A_103 = arith.constant 0 : i32
      %add3A_104 = arith.addi %add3A_103, %mul3A_102 : i32
      %swap3A = arith.index_cast %add3A_104 : i32 to index
      %swap3A_105 = arith.constant 0 : index
      %swap3A_106 = tpu.vector_load %arg8[%swap3A, %swap3A_105] {strides = array<i32>} : memref<128x128xf32, #tpu.memory_space<vmem>>, vector<1x16xf32>,
      %swap3A_107 = vector.shape_cast %swap3A_106 : vector<1x16xf32> to vector<16xf32>
      %swap3A_108 = vector.shape_cast %broadcast_in_dim3A_0 : vector<16xf32> to vector<1x16xf32>
      tpu.vector_store %arg8[%swap3A, %swap3A_105], %swap3A_108 {strides = array<i32>} : memref<128x128xf32, #tpu.memory_space<vmem>>, vector<1x16xf32>,
      %swap3A_109 = arith.index_cast %add3A_104 : i32 to index
      %swap3A_110 = arith.constant 16 : index
      %swap3A_111 = tpu.vector_load %arg8[%swap3A_109, %swap3A_110] {strides = array<i32>} : memref<128x128xf32, #tpu.memory_space<vmem>>, vector<1x16xf32>,
      %swap3A_112 = vector.shape_cast %swap3A_111 : vector<1x16xf32> to vector<16xf32>
      %swap3A_113 = vector.shape_cast %broadcast_in_dim3A_0 : vector<16xf32> to vector<1x16xf32>
      tpu.vector_store %arg8[%swap3A_109, %swap3A_110], %swap3A_113 {strides = array<i32>} : memref<128x128xf32, #tpu.memory_space<vmem>>, vector<1x16xf32>,
      %swap3A_114 = arith.index_cast %add3A_104 : i32 to index
      %swap3A_115 = arith.constant 32 : index
      %swap3A_116 = tpu.vector_load %arg8[%swap3A_114, %swap3A_115] {strides = array<i32>} : memref<128x128xf32, #tpu.memory_space<vmem>>, vector<1x16xf32>,
      %swap3A_117 = vector.shape_cast %swap3A_116 : vector<1x16xf32> to vector<16xf32>
      %swap3A_118 = vector.shape_cast %broadcast_in_dim3A_0 : vector<16xf32> to vector<1x16xf32>
      tpu.vector_store %arg8[%swap3A_114, %swap3A_115], %swap3A_118 {strides = array<i32>} : memref<128x128xf32, #tpu.memory_space<vmem>>, vector<1x16xf32>,
      %swap3A_119 = arith.index_cast %add3A_104 : i32 to index
      %swap3A_120 = arith.constant 48 : index
      %swap3A_121 = tpu.vector_load %arg8[%swap3A_119, %swap3A_120] {strides = array<i32>} : memref<128x128xf32, #tpu.memory_space<vmem>>, vector<1x16xf32>,
      %swap3A_122 = vector.shape_cast %swap3A_121 : vector<1x16xf32> to vector<16xf32>
      %swap3A_123 = vector.shape_cast %broadcast_in_dim3A_0 : vector<16xf32> to vector<1x16xf32>
      tpu.vector_store %arg8[%swap3A_119, %swap3A_120], %swap3A_123 {strides = array<i32>} : memref<128x128xf32, #tpu.memory_space<vmem>>, vector<1x16xf32>,
      %swap3A_124 = arith.index_cast %add3A_104 : i32 to index
      %swap3A_125 = arith.constant 64 : index
      %swap3A_126 = tpu.vector_load %arg8[%swap3A_124, %swap3A_125] {strides = array<i32>} : memref<128x128xf32, #tpu.memory_space<vmem>>, vector<1x16xf32>,
      %swap3A_127 = vector.shape_cast %swap3A_126 : vector<1x16xf32> to vector<16xf32>
      %swap3A_128 = vector.shape_cast %broadcast_in_dim3A_0 : vector<16xf32> to vector<1x16xf32>
      tpu.vector_store %arg8[%swap3A_124, %swap3A_125], %swap3A_128 {strides = array<i32>} : memref<128x128xf32, #tpu.memory_space<vmem>>, vector<1x16xf32>,
      %swap3A_129 = arith.index_cast %add3A_104 : i32 to index
      %swap3A_130 = arith.constant 80 : index
      %swap3A_131 = tpu.vector_load %arg8[%swap3A_129, %swap3A_130] {strides = array<i32>} : memref<128x128xf32, #tpu.memory_space<vmem>>, vector<1x16xf32>,
      %swap3A_132 = vector.shape_cast %swap3A_131 : vector<1x16xf32> to vector<16xf32>
      %swap3A_133 = vector.shape_cast %broadcast_in_dim3A_0 : vector<16xf32> to vector<1x16xf32>
      tpu.vector_store %arg8[%swap3A_129, %swap3A_130], %swap3A_133 {strides = array<i32>} : memref<128x128xf32, #tpu.memory_space<vmem>>, vector<1x16xf32>,
      %swap3A_134 = arith.index_cast %add3A_104 : i32 to index
      %swap3A_135 = arith.constant 96 : index
      %swap3A_136 = tpu.vector_load %arg8[%swap3A_134, %swap3A_135] {strides = array<i32>} : memref<128x128xf32, #tpu.memory_space<vmem>>, vector<1x16xf32>,
      %swap3A_137 = vector.shape_cast %swap3A_136 : vector<1x16xf32> to vector<16xf32>
      %swap3A_138 = vector.shape_cast %broadcast_in_dim3A_0 : vector<16xf32> to vector<1x16xf32>
      tpu.vector_store %arg8[%swap3A_134, %swap3A_135], %swap3A_138 {strides = array<i32>} : memref<128x128xf32, #tpu.memory_space<vmem>>, vector<1x16xf32>,
      %swap3A_139 = arith.index_cast %add3A_104 : i32 to index
      %swap3A_140 = arith.constant 112 : index
      %swap3A_141 = tpu.vector_load %arg8[%swap3A_139, %swap3A_140] {strides = array<i32>} : memref<128x128xf32, #tpu.memory_space<vmem>>, vector<1x16xf32>,
      %swap3A_142 = vector.shape_cast %swap3A_141 : vector<1x16xf32> to vector<16xf32>
      %swap3A_143 = vector.shape_cast %broadcast_in_dim3A_0 : vector<16xf32> to vector<1x16xf32>
      tpu.vector_store %arg8[%swap3A_139, %swap3A_140], %swap3A_143 {strides = array<i32>} : memref<128x128xf32, #tpu.memory_space<vmem>>, vector<1x16xf32>,
    }
    %scan3A_5 = arith.constant 128 : i32
    %add3A = arith.constant 0 : i32
    %add3A_6 = arith.addi %mul3A_1, %add3A : i32
    "tpu.region"() ({
      %run_scoped3A = tpu.sem_alloc : memref<!tpu.dma_semaphore, #tpu.memory_space<semaphore_mem>>
      %dma_start3A_100 = arith.constant 0 : i32
      %dma_start3A_101 = tpu.memref_slice %arg10[%add3A_6, %dma_start3A_100] : memref<10240x128xf32, #tpu.memory_space<vmem_shared>> -> memref<128x128xf32, #tpu.memory_space<vmem_shared>>
      %dma_start3A_102 = arith.constant 0 : i32
      %dma_start3A_103 = tpu.memref_slice %arg10[%add3A_6, %dma_start3A_102] : memref<10240x128xf32, #tpu.memory_space<vmem_shared>> -> memref<128x128xf32, #tpu.memory_space<vmem_shared>>
      tpu.enqueue_dma source(%arg8 : memref<128x128xf32, #tpu.memory_space<vmem>>) target(%dma_start3A_103 : memref<128x128xf32, #tpu.memory_space<vmem_shared>>) target_semaphore(%run_scoped3A : memref<!tpu.dma_semaphore, #tpu.memory_space<semaphore_mem>>)
      %dma_wait3A = arith.constant 0 : i32
      %dma_wait3A_104 = tpu.memref_slice %arg10[%add3A_6, %dma_wait3A] : memref<10240x128xf32, #tpu.memory_space<vmem_shared>> -> memref<128x128xf32, #tpu.memory_space<vmem_shared>>
      %dma_wait3A_105 = arith.constant 0 : i32
      %dma_wait3A_106 = tpu.memref_slice %arg10[%add3A_6, %dma_wait3A_105] : memref<10240x128xf32, #tpu.memory_space<vmem_shared>> -> memref<128x128xf32, #tpu.memory_space<vmem_shared>>
      tpu.wait_dma2 semaphore(%run_scoped3A : memref<!tpu.dma_semaphore, #tpu.memory_space<semaphore_mem>>) src(%arg8 : memref<128x128xf32, #tpu.memory_space<vmem>>) dst(%dma_wait3A_106 : memref<128x128xf32, #tpu.memory_space<vmem_shared>>)
      tpu.yield
    }) : () -> ()
    %add3A_7 = arith.constant 128 : i32
    %add3A_8 = arith.addi %mul3A_1, %add3A_7 : i32
    "tpu.region"() ({
      %run_scoped3A = tpu.sem_alloc : memref<!tpu.dma_semaphore, #tpu.memory_space<semaphore_mem>>
      %dma_start3A_100 = arith.constant 0 : i32
      %dma_start3A_101 = tpu.memref_slice %arg10[%add3A_8, %dma_start3A_100] : memref<10240x128xf32, #tpu.memory_space<vmem_shared>> -> memref<128x128xf32, #tpu.memory_space<vmem_shared>>
      %dma_start3A_102 = arith.constant 0 : i32
      %dma_start3A_103 = tpu.memref_slice %arg10[%add3A_8, %dma_start3A_102] : memref<10240x128xf32, #tpu.memory_space<vmem_shared>> -> memref<128x128xf32, #tpu.memory_space<vmem_shared>>
      tpu.enqueue_dma source(%arg8 : memref<128x128xf32, #tpu.memory_space<vmem>>) target(%dma_start3A_103 : memref<128x128xf32, #tpu.memory_space<vmem_shared>>) target_semaphore(%run_scoped3A : memref<!tpu.dma_semaphore, #tpu.memory_space<semaphore_mem>>)
      %dma_wait3A = arith.constant 0 : i32
      %dma_wait3A_104 = tpu.memref_slice %arg10[%add3A_8, %dma_wait3A] : memref<10240x128xf32, #tpu.memory_space<vmem_shared>> -> memref<128x128xf32, #tpu.memory_space<vmem_shared>>
      %dma_wait3A_105 = arith.constant 0 : i32
      %dma_wait3A_106 = tpu.memref_slice %arg10[%add3A_8, %dma_wait3A_105] : memref<10240x128xf32, #tpu.memory_space<vmem_shared>> -> memref<128x128xf32, #tpu.memory_space<vmem_shared>>
      tpu.wait_dma2 semaphore(%run_scoped3A : memref<!tpu.dma_semaphore, #tpu.memory_space<semaphore_mem>>) src(%arg8 : memref<128x128xf32, #tpu.memory_space<vmem>>) dst(%dma_wait3A_106 : memref<128x128xf32, #tpu.memory_space<vmem_shared>>)
      tpu.yield
    }) : () -> ()
    %add3A_9 = arith.constant 256 : i32
    %add3A_10 = arith.addi %mul3A_1, %add3A_9 : i32
    "tpu.region"() ({
      %run_scoped3A = tpu.sem_alloc : memref<!tpu.dma_semaphore, #tpu.memory_space<semaphore_mem>>
      %dma_start3A_100 = arith.constant 0 : i32
      %dma_start3A_101 = tpu.memref_slice %arg10[%add3A_10, %dma_start3A_100] : memref<10240x128xf32, #tpu.memory_space<vmem_shared>> -> memref<128x128xf32, #tpu.memory_space<vmem_shared>>
      %dma_start3A_102 = arith.constant 0 : i32
      %dma_start3A_103 = tpu.memref_slice %arg10[%add3A_10, %dma_start3A_102] : memref<10240x128xf32, #tpu.memory_space<vmem_shared>> -> memref<128x128xf32, #tpu.memory_space<vmem_shared>>
      tpu.enqueue_dma source(%arg8 : memref<128x128xf32, #tpu.memory_space<vmem>>) target(%dma_start3A_103 : memref<128x128xf32, #tpu.memory_space<vmem_shared>>) target_semaphore(%run_scoped3A : memref<!tpu.dma_semaphore, #tpu.memory_space<semaphore_mem>>)
      %dma_wait3A = arith.constant 0 : i32
      %dma_wait3A_104 = tpu.memref_slice %arg10[%add3A_10, %dma_wait3A] : memref<10240x128xf32, #tpu.memory_space<vmem_shared>> -> memref<128x128xf32, #tpu.memory_space<vmem_shared>>
      %dma_wait3A_105 = arith.constant 0 : i32
      %dma_wait3A_106 = tpu.memref_slice %arg10[%add3A_10, %dma_wait3A_105] : memref<10240x128xf32, #tpu.memory_space<vmem_shared>> -> memref<128x128xf32, #tpu.memory_space<vmem_shared>>
      tpu.wait_dma2 semaphore(%run_scoped3A : memref<!tpu.dma_semaphore, #tpu.memory_space<semaphore_mem>>) src(%arg8 : memref<128x128xf32, #tpu.memory_space<vmem>>) dst(%dma_wait3A_106 : memref<128x128xf32, #tpu.memory_space<vmem_shared>>)
      tpu.yield
    }) : () -> ()
    %add3A_11 = arith.constant 384 : i32
    %add3A_12 = arith.addi %mul3A_1, %add3A_11 : i32
    "tpu.region"() ({
      %run_scoped3A = tpu.sem_alloc : memref<!tpu.dma_semaphore, #tpu.memory_space<semaphore_mem>>
      %dma_start3A_100 = arith.constant 0 : i32
      %dma_start3A_101 = tpu.memref_slice %arg10[%add3A_12, %dma_start3A_100] : memref<10240x128xf32, #tpu.memory_space<vmem_shared>> -> memref<128x128xf32, #tpu.memory_space<vmem_shared>>
      %dma_start3A_102 = arith.constant 0 : i32
      %dma_start3A_103 = tpu.memref_slice %arg10[%add3A_12, %dma_start3A_102] : memref<10240x128xf32, #tpu.memory_space<vmem_shared>> -> memref<128x128xf32, #tpu.memory_space<vmem_shared>>
      tpu.enqueue_dma source(%arg8 : memref<128x128xf32, #tpu.memory_space<vmem>>) target(%dma_start3A_103 : memref<128x128xf32, #tpu.memory_space<vmem_shared>>) target_semaphore(%run_scoped3A : memref<!tpu.dma_semaphore, #tpu.memory_space<semaphore_mem>>)
      %dma_wait3A = arith.constant 0 : i32
      %dma_wait3A_104 = tpu.memref_slice %arg10[%add3A_12, %dma_wait3A] : memref<10240x128xf32, #tpu.memory_space<vmem_shared>> -> memref<128x128xf32, #tpu.memory_space<vmem_shared>>
      %dma_wait3A_105 = arith.constant 0 : i32
      %dma_wait3A_106 = tpu.memref_slice %arg10[%add3A_12, %dma_wait3A_105] : memref<10240x128xf32, #tpu.memory_space<vmem_shared>> -> memref<128x128xf32, #tpu.memory_space<vmem_shared>>
      tpu.wait_dma2 semaphore(%run_scoped3A : memref<!tpu.dma_semaphore, #tpu.memory_space<semaphore_mem>>) src(%arg8 : memref<128x128xf32, #tpu.memory_space<vmem>>) dst(%dma_wait3A_106 : memref<128x128xf32, #tpu.memory_space<vmem_shared>>)
      tpu.yield
    }) : () -> ()
    %add3A_13 = arith.constant 512 : i32
    %add3A_14 = arith.addi %mul3A_1, %add3A_13 : i32
    "tpu.region"() ({
      %run_scoped3A = tpu.sem_alloc : memref<!tpu.dma_semaphore, #tpu.memory_space<semaphore_mem>>
      %dma_start3A_100 = arith.constant 0 : i32
      %dma_start3A_101 = tpu.memref_slice %arg10[%add3A_14, %dma_start3A_100] : memref<10240x128xf32, #tpu.memory_space<vmem_shared>> -> memref<128x128xf32, #tpu.memory_space<vmem_shared>>
      %dma_start3A_102 = arith.constant 0 : i32
      %dma_start3A_103 = tpu.memref_slice %arg10[%add3A_14, %dma_start3A_102] : memref<10240x128xf32, #tpu.memory_space<vmem_shared>> -> memref<128x128xf32, #tpu.memory_space<vmem_shared>>
      tpu.enqueue_dma source(%arg8 : memref<128x128xf32, #tpu.memory_space<vmem>>) target(%dma_start3A_103 : memref<128x128xf32, #tpu.memory_space<vmem_shared>>) target_semaphore(%run_scoped3A : memref<!tpu.dma_semaphore, #tpu.memory_space<semaphore_mem>>)
      %dma_wait3A = arith.constant 0 : i32
      %dma_wait3A_104 = tpu.memref_slice %arg10[%add3A_14, %dma_wait3A] : memref<10240x128xf32, #tpu.memory_space<vmem_shared>> -> memref<128x128xf32, #tpu.memory_space<vmem_shared>>
      %dma_wait3A_105 = arith.constant 0 : i32
      %dma_wait3A_106 = tpu.memref_slice %arg10[%add3A_14, %dma_wait3A_105] : memref<10240x128xf32, #tpu.memory_space<vmem_shared>> -> memref<128x128xf32, #tpu.memory_space<vmem_shared>>
      tpu.wait_dma2 semaphore(%run_scoped3A : memref<!tpu.dma_semaphore, #tpu.memory_space<semaphore_mem>>) src(%arg8 : memref<128x128xf32, #tpu.memory_space<vmem>>) dst(%dma_wait3A_106 : memref<128x128xf32, #tpu.memory_space<vmem_shared>>)
      tpu.yield
    }) : () -> ()
    %barrier3A = arith.constant 0 : index
    tpu.barrier barrier_id(%barrier3A)
    %mul3A_15 = arith.constant 1280 : i32
    %mul3A_16 = arith.muli %arg0, %mul3A_15 : i32
    %mul3A_17 = arith.constant 80 : i32
    %mul3A_18 = arith.muli %arg1, %mul3A_17 : i32
    %add3A_19 = arith.addi %mul3A_16, %mul3A_18 : i32
    %add3A_20 = arith.constant 0 : i32
    %add3A_21 = arith.addi %add3A_19, %add3A_20 : i32
    "tpu.region"() ({
      %run_scoped3A = tpu.sem_alloc : memref<!tpu.dma_semaphore, #tpu.memory_space<semaphore_mem>>
      %dma_start3A_100 = arith.constant 0 : i32
      %dma_start3A_101 = tpu.memref_slice %arg3[%add3A_21, %dma_start3A_100] : memref<2560x128xi32, #tpu.memory_space<hbm>> -> memref<16x128xi32, #tpu.memory_space<hbm>>
      %dma_start3A_102 = arith.constant 0 : i32
      %dma_start3A_103 = tpu.memref_slice %arg3[%add3A_21, %dma_start3A_102] : memref<2560x128xi32, #tpu.memory_space<hbm>> -> memref<16x128xi32, #tpu.memory_space<hbm>>
      tpu.enqueue_dma source(%dma_start3A_103 : memref<16x128xi32, #tpu.memory_space<hbm>>) target(%arg6 : memref<16x128xi32, #tpu.memory_space<vmem>>) target_semaphore(%run_scoped3A : memref<!tpu.dma_semaphore, #tpu.memory_space<semaphore_mem>>)
      %dma_wait3A = arith.constant 0 : i32
      %dma_wait3A_104 = tpu.memref_slice %arg3[%add3A_21, %dma_wait3A] : memref<2560x128xi32, #tpu.memory_space<hbm>> -> memref<16x128xi32, #tpu.memory_space<hbm>>
      %dma_wait3A_105 = arith.constant 0 : i32
      %dma_wait3A_106 = tpu.memref_slice %arg3[%add3A_21, %dma_wait3A_105] : memref<2560x128xi32, #tpu.memory_space<hbm>> -> memref<16x128xi32, #tpu.memory_space<hbm>>
      tpu.wait_dma2 semaphore(%run_scoped3A : memref<!tpu.dma_semaphore, #tpu.memory_space<semaphore_mem>>) src(%dma_wait3A_106 : memref<16x128xi32, #tpu.memory_space<hbm>>) dst(%arg6 : memref<16x128xi32, #tpu.memory_space<vmem>>)
      tpu.yield
    }) : () -> ()
    %add3A_22 = arith.constant 0 : i32
    %add3A_23 = arith.addi %add3A_19, %add3A_22 : i32
    "tpu.region"() ({
      %run_scoped3A = tpu.sem_alloc : memref<!tpu.dma_semaphore, #tpu.memory_space<semaphore_mem>>
      %dma_start3A_100 = arith.constant 0 : i32
      %dma_start3A_101 = tpu.memref_slice %arg4[%add3A_23, %dma_start3A_100] : memref<2560x128xi32, #tpu.memory_space<hbm>> -> memref<16x128xi32, #tpu.memory_space<hbm>>
      %dma_start3A_102 = arith.constant 0 : i32
      %dma_start3A_103 = tpu.memref_slice %arg4[%add3A_23, %dma_start3A_102] : memref<2560x128xi32, #tpu.memory_space<hbm>> -> memref<16x128xi32, #tpu.memory_space<hbm>>
      tpu.enqueue_dma source(%dma_start3A_103 : memref<16x128xi32, #tpu.memory_space<hbm>>) target(%arg7 : memref<16x128xi32, #tpu.memory_space<vmem>>) target_semaphore(%run_scoped3A : memref<!tpu.dma_semaphore, #tpu.memory_space<semaphore_mem>>)
      %dma_wait3A = arith.constant 0 : i32
      %dma_wait3A_104 = tpu.memref_slice %arg4[%add3A_23, %dma_wait3A] : memref<2560x128xi32, #tpu.memory_space<hbm>> -> memref<16x128xi32, #tpu.memory_space<hbm>>
      %dma_wait3A_105 = arith.constant 0 : i32
      %dma_wait3A_106 = tpu.memref_slice %arg4[%add3A_23, %dma_wait3A_105] : memref<2560x128xi32, #tpu.memory_space<hbm>> -> memref<16x128xi32, #tpu.memory_space<hbm>>
      tpu.wait_dma2 semaphore(%run_scoped3A : memref<!tpu.dma_semaphore, #tpu.memory_space<semaphore_mem>>) src(%dma_wait3A_106 : memref<16x128xi32, #tpu.memory_space<hbm>>) dst(%arg7 : memref<16x128xi32, #tpu.memory_space<vmem>>)
      tpu.yield
    }) : () -> ()
    %dma_start3A = arith.constant 0 : i32
    %dma_start3A_24 = arith.constant 0 : i32
    %dma_start3A_25 = tpu.memref_slice %arg6[%dma_start3A, %dma_start3A_24] : memref<16x128xi32, #tpu.memory_space<vmem>> -> memref<1x128xi32, #tpu.memory_space<vmem>>
    %dma_start3A_26 = tpu.memref_squeeze %dma_start3A_25 : memref<1x128xi32, #tpu.memory_space<vmem>> -> memref<128xi32, #tpu.memory_space<vmem>>
    %dma_start3A_27 = arith.constant 0 : i32
    %dma_start3A_28 = arith.constant 0 : i32
    %dma_start3A_29 = tpu.memref_slice %arg2[%dma_start3A_27, %dma_start3A_28] : memref<10240x128xf32, #tpu.memory_space<hbm>> -> memref<10240x128xf32, #tpu.memory_space<hbm>>
    tpu.enqueue_indirect_dma source(%dma_start3A_29 : memref<10240x128xf32, #tpu.memory_space<hbm>>) target(%arg8 : memref<128x128xf32, #tpu.memory_space<vmem>>) offsets(%dma_start3A_26 : memref<128xi32, #tpu.memory_space<vmem>>) semaphore(%arg11 : memref<!tpu.dma_semaphore, #tpu.memory_space<semaphore_mem>>)
    %scan3A_30 = arith.constant 0 : i32
    %scan3A_31 = arith.constant 8 : i32
    %scan3A_32 = arith.addi %scan3A_30, %scan3A_31 : i32
    %scan3A_33 = arith.constant 1 : i32
    scf.for %scan3A_100 = %scan3A_30 to %scan3A_32 step %scan3A_33  : i32 {
      %mul3A_101 = arith.constant 1 : i32
      %mul3A_102 = arith.muli %scan3A_100, %mul3A_101 : i32
      %add3A_103 = arith.constant 0 : i32
      %add3A_104 = arith.addi %add3A_103, %mul3A_102 : i32
      %mul3A_105 = arith.constant 2 : i32
      %mul3A_106 = arith.muli %mul3A_105, %add3A_104 : i32
      %dma_wait3A = arith.constant 0 : i32
      %dma_wait3A_107 = tpu.memref_slice %arg6[%mul3A_106, %dma_wait3A] : memref<16x128xi32, #tpu.memory_space<vmem>> -> memref<1x128xi32, #tpu.memory_space<vmem>>
      %dma_wait3A_108 = tpu.memref_squeeze %dma_wait3A_107 : memref<1x128xi32, #tpu.memory_space<vmem>> -> memref<128xi32, #tpu.memory_space<vmem>>
      %dma_wait3A_109 = arith.constant 0 : i32
      %dma_wait3A_110 = arith.constant 0 : i32
      %dma_wait3A_111 = tpu.memref_slice %arg2[%dma_wait3A_109, %dma_wait3A_110] : memref<10240x128xf32, #tpu.memory_space<hbm>> -> memref<10240x128xf32, #tpu.memory_space<hbm>>
      tpu.wait_indirect_dma semaphore(%arg11 : memref<!tpu.dma_semaphore, #tpu.memory_space<semaphore_mem>>) src(%dma_wait3A_111 : memref<10240x128xf32, #tpu.memory_space<hbm>>) dst(%arg8 : memref<128x128xf32, #tpu.memory_space<vmem>>)
      %add3A_112 = arith.constant 1 : i32
      %add3A_113 = arith.addi %mul3A_106, %add3A_112 : i32
      %dma_start3A_114 = arith.constant 0 : i32
      %dma_start3A_115 = tpu.memref_slice %arg6[%add3A_113, %dma_start3A_114] : memref<16x128xi32, #tpu.memory_space<vmem>> -> memref<1x128xi32, #tpu.memory_space<vmem>>
      %dma_start3A_116 = tpu.memref_squeeze %dma_start3A_115 : memref<1x128xi32, #tpu.memory_space<vmem>> -> memref<128xi32, #tpu.memory_space<vmem>>
      %dma_start3A_117 = arith.constant 0 : i32
      %dma_start3A_118 = arith.constant 0 : i32
      %dma_start3A_119 = tpu.memref_slice %arg2[%dma_start3A_117, %dma_start3A_118] : memref<10240x128xf32, #tpu.memory_space<hbm>> -> memref<10240x128xf32, #tpu.memory_space<hbm>>
      tpu.enqueue_indirect_dma source(%dma_start3A_119 : memref<10240x128xf32, #tpu.memory_space<hbm>>) target(%arg9 : memref<128x128xf32, #tpu.memory_space<vmem>>) offsets(%dma_start3A_116 : memref<128xi32, #tpu.memory_space<vmem>>) semaphore(%arg12 : memref<!tpu.dma_semaphore, #tpu.memory_space<semaphore_mem>>)
      "tpu.region"() ({
        %run_scoped3A = tpu.sem_alloc : memref<!tpu.dma_semaphore, #tpu.memory_space<semaphore_mem>>
        %dma_start3A_132 = arith.constant 0 : i32
        %dma_start3A_133 = tpu.memref_slice %arg7[%mul3A_106, %dma_start3A_132] : memref<16x128xi32, #tpu.memory_space<vmem>> -> memref<1x128xi32, #tpu.memory_space<vmem>>
        %dma_start3A_134 = tpu.memref_squeeze %dma_start3A_133 : memref<1x128xi32, #tpu.memory_space<vmem>> -> memref<128xi32, #tpu.memory_space<vmem>>
        %dma_start3A_135 = arith.constant 0 : i32
        %dma_start3A_136 = arith.constant 0 : i32
        %dma_start3A_137 = tpu.memref_slice %arg10[%dma_start3A_135, %dma_start3A_136] : memref<10240x128xf32, #tpu.memory_space<vmem_shared>> -> memref<10240x128xf32, #tpu.memory_space<vmem_shared>>
        tpu.enqueue_indirect_dma source(%arg8 : memref<128x128xf32, #tpu.memory_space<vmem>>) target(%dma_start3A_137 : memref<10240x128xf32, #tpu.memory_space<vmem_shared>>) offsets(%dma_start3A_134 : memref<128xi32, #tpu.memory_space<vmem>>) semaphore(%run_scoped3A : memref<!tpu.dma_semaphore, #tpu.memory_space<semaphore_mem>>) {add = true}
        %dma_wait3A_138 = arith.constant 0 : i32
        %dma_wait3A_139 = tpu.memref_slice %arg7[%mul3A_106, %dma_wait3A_138] : memref<16x128xi32, #tpu.memory_space<vmem>> -> memref<1x128xi32, #tpu.memory_space<vmem>>
        %dma_wait3A_140 = tpu.memref_squeeze %dma_wait3A_139 : memref<1x128xi32, #tpu.memory_space<vmem>> -> memref<128xi32, #tpu.memory_space<vmem>>
        %dma_wait3A_141 = arith.constant 0 : i32
        %dma_wait3A_142 = arith.constant 0 : i32
        %dma_wait3A_143 = tpu.memref_slice %arg10[%dma_wait3A_141, %dma_wait3A_142] : memref<10240x128xf32, #tpu.memory_space<vmem_shared>> -> memref<10240x128xf32, #tpu.memory_space<vmem_shared>>
        tpu.wait_indirect_dma semaphore(%run_scoped3A : memref<!tpu.dma_semaphore, #tpu.memory_space<semaphore_mem>>) src(%arg8 : memref<128x128xf32, #tpu.memory_space<vmem>>) dst(%dma_wait3A_143 : memref<10240x128xf32, #tpu.memory_space<vmem_shared>>)
        tpu.yield
      }) : () -> ()
      %add3A_120 = arith.constant 1 : i32
      %add3A_121 = arith.addi %mul3A_106, %add3A_120 : i32
      %dma_wait3A_122 = arith.constant 0 : i32
      %dma_wait3A_123 = tpu.memref_slice %arg6[%add3A_121, %dma_wait3A_122] : memref<16x128xi32, #tpu.memory_space<vmem>> -> memref<1x128xi32, #tpu.memory_space<vmem>>
      %dma_wait3A_124 = tpu.memref_squeeze %dma_wait3A_123 : memref<1x128xi32, #tpu.memory_space<vmem>> -> memref<128xi32, #tpu.memory_space<vmem>>
      %dma_wait3A_125 = arith.constant 0 : i32
      %dma_wait3A_126 = arith.constant 0 : i32
      %dma_wait3A_127 = tpu.memref_slice %arg2[%dma_wait3A_125, %dma_wait3A_126] : memref<10240x128xf32, #tpu.memory_space<hbm>> -> memref<10240x128xf32, #tpu.memory_space<hbm>>
      tpu.wait_indirect_dma semaphore(%arg12 : memref<!tpu.dma_semaphore, #tpu.memory_space<semaphore_mem>>) src(%dma_wait3A_127 : memref<10240x128xf32, #tpu.memory_space<hbm>>) dst(%arg9 : memref<128x128xf32, #tpu.memory_space<vmem>>)
      %lt3A = arith.constant 7 : i32
      %lt3A_128 = arith.cmpi slt, %add3A_104, %lt3A : i32
      %convert_element_type3A = arith.extui %lt3A_128 : i1 to i32
      %cond3A = arith.constant 0 : i32
      %cond3A_129 = arith.cmpi ne, %convert_element_type3A, %cond3A : i32
      scf.if %cond3A_129 {
        %add3A_132 = arith.constant 2 : i32
        %add3A_133 = arith.addi %mul3A_106, %add3A_132 : i32
        %dma_start3A_134 = arith.constant 0 : i32
        %dma_start3A_135 = tpu.memref_slice %arg6[%add3A_133, %dma_start3A_134] : memref<16x128xi32, #tpu.memory_space<vmem>> -> memref<1x128xi32, #tpu.memory_space<vmem>>
        %dma_start3A_136 = tpu.memref_squeeze %dma_start3A_135 : memref<1x128xi32, #tpu.memory_space<vmem>> -> memref<128xi32, #tpu.memory_space<vmem>>
        %dma_start3A_137 = arith.constant 0 : i32
        %dma_start3A_138 = arith.constant 0 : i32
        %dma_start3A_139 = tpu.memref_slice %arg2[%dma_start3A_137, %dma_start3A_138] : memref<10240x128xf32, #tpu.memory_space<hbm>> -> memref<10240x128xf32, #tpu.memory_space<hbm>>
        tpu.enqueue_indirect_dma source(%dma_start3A_139 : memref<10240x128xf32, #tpu.memory_space<hbm>>) target(%arg8 : memref<128x128xf32, #tpu.memory_space<vmem>>) offsets(%dma_start3A_136 : memref<128xi32, #tpu.memory_space<vmem>>) semaphore(%arg11 : memref<!tpu.dma_semaphore, #tpu.memory_space<semaphore_mem>>)
      } else {
      }
      %add3A_130 = arith.constant 1 : i32
      %add3A_131 = arith.addi %mul3A_106, %add3A_130 : i32
      "tpu.region"() ({
        %run_scoped3A = tpu.sem_alloc : memref<!tpu.dma_semaphore, #tpu.memory_space<semaphore_mem>>
        %dma_start3A_132 = arith.constant 0 : i32
        %dma_start3A_133 = tpu.memref_slice %arg7[%add3A_131, %dma_start3A_132] : memref<16x128xi32, #tpu.memory_space<vmem>> -> memref<1x128xi32, #tpu.memory_space<vmem>>
        %dma_start3A_134 = tpu.memref_squeeze %dma_start3A_133 : memref<1x128xi32, #tpu.memory_space<vmem>> -> memref<128xi32, #tpu.memory_space<vmem>>
        %dma_start3A_135 = arith.constant 0 : i32
        %dma_start3A_136 = arith.constant 0 : i32
        %dma_start3A_137 = tpu.memref_slice %arg10[%dma_start3A_135, %dma_start3A_136] : memref<10240x128xf32, #tpu.memory_space<vmem_shared>> -> memref<10240x128xf32, #tpu.memory_space<vmem_shared>>
        tpu.enqueue_indirect_dma source(%arg9 : memref<128x128xf32, #tpu.memory_space<vmem>>) target(%dma_start3A_137 : memref<10240x128xf32, #tpu.memory_space<vmem_shared>>) offsets(%dma_start3A_134 : memref<128xi32, #tpu.memory_space<vmem>>) semaphore(%run_scoped3A : memref<!tpu.dma_semaphore, #tpu.memory_space<semaphore_mem>>) {add = true}
        %dma_wait3A_138 = arith.constant 0 : i32
        %dma_wait3A_139 = tpu.memref_slice %arg7[%add3A_131, %dma_wait3A_138] : memref<16x128xi32, #tpu.memory_space<vmem>> -> memref<1x128xi32, #tpu.memory_space<vmem>>
        %dma_wait3A_140 = tpu.memref_squeeze %dma_wait3A_139 : memref<1x128xi32, #tpu.memory_space<vmem>> -> memref<128xi32, #tpu.memory_space<vmem>>
        %dma_wait3A_141 = arith.constant 0 : i32
        %dma_wait3A_142 = arith.constant 0 : i32
        %dma_wait3A_143 = tpu.memref_slice %arg10[%dma_wait3A_141, %dma_wait3A_142] : memref<10240x128xf32, #tpu.memory_space<vmem_shared>> -> memref<10240x128xf32, #tpu.memory_space<vmem_shared>>
        tpu.wait_indirect_dma semaphore(%run_scoped3A : memref<!tpu.dma_semaphore, #tpu.memory_space<semaphore_mem>>) src(%arg9 : memref<128x128xf32, #tpu.memory_space<vmem>>) dst(%dma_wait3A_143 : memref<10240x128xf32, #tpu.memory_space<vmem_shared>>)
        tpu.yield
      }) : () -> ()
    }
    %scan3A_34 = arith.constant 8 : i32
    %add3A_35 = arith.constant 16 : i32
    %add3A_36 = arith.addi %add3A_19, %add3A_35 : i32
    "tpu.region"() ({
      %run_scoped3A = tpu.sem_alloc : memref<!tpu.dma_semaphore, #tpu.memory_space<semaphore_mem>>
      %dma_start3A_100 = arith.constant 0 : i32
      %dma_start3A_101 = tpu.memref_slice %arg3[%add3A_36, %dma_start3A_100] : memref<2560x128xi32, #tpu.memory_space<hbm>> -> memref<16x128xi32, #tpu.memory_space<hbm>>
      %dma_start3A_102 = arith.constant 0 : i32
      %dma_start3A_103 = tpu.memref_slice %arg3[%add3A_36, %dma_start3A_102] : memref<2560x128xi32, #tpu.memory_space<hbm>> -> memref<16x128xi32, #tpu.memory_space<hbm>>
      tpu.enqueue_dma source(%dma_start3A_103 : memref<16x128xi32, #tpu.memory_space<hbm>>) target(%arg6 : memref<16x128xi32, #tpu.memory_space<vmem>>) target_semaphore(%run_scoped3A : memref<!tpu.dma_semaphore, #tpu.memory_space<semaphore_mem>>)
      %dma_wait3A = arith.constant 0 : i32
      %dma_wait3A_104 = tpu.memref_slice %arg3[%add3A_36, %dma_wait3A] : memref<2560x128xi32, #tpu.memory_space<hbm>> -> memref<16x128xi32, #tpu.memory_space<hbm>>
      %dma_wait3A_105 = arith.constant 0 : i32
      %dma_wait3A_106 = tpu.memref_slice %arg3[%add3A_36, %dma_wait3A_105] : memref<2560x128xi32, #tpu.memory_space<hbm>> -> memref<16x128xi32, #tpu.memory_space<hbm>>
      tpu.wait_dma2 semaphore(%run_scoped3A : memref<!tpu.dma_semaphore, #tpu.memory_space<semaphore_mem>>) src(%dma_wait3A_106 : memref<16x128xi32, #tpu.memory_space<hbm>>) dst(%arg6 : memref<16x128xi32, #tpu.memory_space<vmem>>)
      tpu.yield
    }) : () -> ()
    %add3A_37 = arith.constant 16 : i32
    %add3A_38 = arith.addi %add3A_19, %add3A_37 : i32
    "tpu.region"() ({
      %run_scoped3A = tpu.sem_alloc : memref<!tpu.dma_semaphore, #tpu.memory_space<semaphore_mem>>
      %dma_start3A_100 = arith.constant 0 : i32
      %dma_start3A_101 = tpu.memref_slice %arg4[%add3A_38, %dma_start3A_100] : memref<2560x128xi32, #tpu.memory_space<hbm>> -> memref<16x128xi32, #tpu.memory_space<hbm>>
      %dma_start3A_102 = arith.constant 0 : i32
      %dma_start3A_103 = tpu.memref_slice %arg4[%add3A_38, %dma_start3A_102] : memref<2560x128xi32, #tpu.memory_space<hbm>> -> memref<16x128xi32, #tpu.memory_space<hbm>>
      tpu.enqueue_dma source(%dma_start3A_103 : memref<16x128xi32, #tpu.memory_space<hbm>>) target(%arg7 : memref<16x128xi32, #tpu.memory_space<vmem>>) target_semaphore(%run_scoped3A : memref<!tpu.dma_semaphore, #tpu.memory_space<semaphore_mem>>)
      %dma_wait3A = arith.constant 0 : i32
      %dma_wait3A_104 = tpu.memref_slice %arg4[%add3A_38, %dma_wait3A] : memref<2560x128xi32, #tpu.memory_space<hbm>> -> memref<16x128xi32, #tpu.memory_space<hbm>>
      %dma_wait3A_105 = arith.constant 0 : i32
      %dma_wait3A_106 = tpu.memref_slice %arg4[%add3A_38, %dma_wait3A_105] : memref<2560x128xi32, #tpu.memory_space<hbm>> -> memref<16x128xi32, #tpu.memory_space<hbm>>
      tpu.wait_dma2 semaphore(%run_scoped3A : memref<!tpu.dma_semaphore, #tpu.memory_space<semaphore_mem>>) src(%dma_wait3A_106 : memref<16x128xi32, #tpu.memory_space<hbm>>) dst(%arg7 : memref<16x128xi32, #tpu.memory_space<vmem>>)
      tpu.yield
    }) : () -> ()
    %dma_start3A_39 = arith.constant 0 : i32
    %dma_start3A_40 = arith.constant 0 : i32
    %dma_start3A_41 = tpu.memref_slice %arg6[%dma_start3A_39, %dma_start3A_40] : memref<16x128xi32, #tpu.memory_space<vmem>> -> memref<1x128xi32, #tpu.memory_space<vmem>>
    %dma_start3A_42 = tpu.memref_squeeze %dma_start3A_41 : memref<1x128xi32, #tpu.memory_space<vmem>> -> memref<128xi32, #tpu.memory_space<vmem>>
    %dma_start3A_43 = arith.constant 0 : i32
    %dma_start3A_44 = arith.constant 0 : i32
    %dma_start3A_45 = tpu.memref_slice %arg2[%dma_start3A_43, %dma_start3A_44] : memref<10240x128xf32, #tpu.memory_space<hbm>> -> memref<10240x128xf32, #tpu.memory_space<hbm>>
    tpu.enqueue_indirect_dma source(%dma_start3A_45 : memref<10240x128xf32, #tpu.memory_space<hbm>>) target(%arg8 : memref<128x128xf32, #tpu.memory_space<vmem>>) offsets(%dma_start3A_42 : memref<128xi32, #tpu.memory_space<vmem>>) semaphore(%arg11 : memref<!tpu.dma_semaphore, #tpu.memory_space<semaphore_mem>>)
    %scan3A_46 = arith.constant 0 : i32
    %scan3A_47 = arith.constant 8 : i32
    %scan3A_48 = arith.addi %scan3A_46, %scan3A_47 : i32
    %scan3A_49 = arith.constant 1 : i32
    scf.for %scan3A_100 = %scan3A_46 to %scan3A_48 step %scan3A_49  : i32 {
      %mul3A_101 = arith.constant 1 : i32
      %mul3A_102 = arith.muli %scan3A_100, %mul3A_101 : i32
      %add3A_103 = arith.constant 0 : i32
      %add3A_104 = arith.addi %add3A_103, %mul3A_102 : i32
      %mul3A_105 = arith.constant 2 : i32
      %mul3A_106 = arith.muli %mul3A_105, %add3A_104 : i32
      %dma_wait3A = arith.constant 0 : i32
      %dma_wait3A_107 = tpu.memref_slice %arg6[%mul3A_106, %dma_wait3A] : memref<16x128xi32, #tpu.memory_space<vmem>> -> memref<1x128xi32, #tpu.memory_space<vmem>>
      %dma_wait3A_108 = tpu.memref_squeeze %dma_wait3A_107 : memref<1x128xi32, #tpu.memory_space<vmem>> -> memref<128xi32, #tpu.memory_space<vmem>>
      %dma_wait3A_109 = arith.constant 0 : i32
      %dma_wait3A_110 = arith.constant 0 : i32
      %dma_wait3A_111 = tpu.memref_slice %arg2[%dma_wait3A_109, %dma_wait3A_110] : memref<10240x128xf32, #tpu.memory_space<hbm>> -> memref<10240x128xf32, #tpu.memory_space<hbm>>
      tpu.wait_indirect_dma semaphore(%arg11 : memref<!tpu.dma_semaphore, #tpu.memory_space<semaphore_mem>>) src(%dma_wait3A_111 : memref<10240x128xf32, #tpu.memory_space<hbm>>) dst(%arg8 : memref<128x128xf32, #tpu.memory_space<vmem>>)
      %add3A_112 = arith.constant 1 : i32
      %add3A_113 = arith.addi %mul3A_106, %add3A_112 : i32
      %dma_start3A_114 = arith.constant 0 : i32
      %dma_start3A_115 = tpu.memref_slice %arg6[%add3A_113, %dma_start3A_114] : memref<16x128xi32, #tpu.memory_space<vmem>> -> memref<1x128xi32, #tpu.memory_space<vmem>>
      %dma_start3A_116 = tpu.memref_squeeze %dma_start3A_115 : memref<1x128xi32, #tpu.memory_space<vmem>> -> memref<128xi32, #tpu.memory_space<vmem>>
      %dma_start3A_117 = arith.constant 0 : i32
      %dma_start3A_118 = arith.constant 0 : i32
      %dma_start3A_119 = tpu.memref_slice %arg2[%dma_start3A_117, %dma_start3A_118] : memref<10240x128xf32, #tpu.memory_space<hbm>> -> memref<10240x128xf32, #tpu.memory_space<hbm>>
      tpu.enqueue_indirect_dma source(%dma_start3A_119 : memref<10240x128xf32, #tpu.memory_space<hbm>>) target(%arg9 : memref<128x128xf32, #tpu.memory_space<vmem>>) offsets(%dma_start3A_116 : memref<128xi32, #tpu.memory_space<vmem>>) semaphore(%arg12 : memref<!tpu.dma_semaphore, #tpu.memory_space<semaphore_mem>>)
      "tpu.region"() ({
        %run_scoped3A = tpu.sem_alloc : memref<!tpu.dma_semaphore, #tpu.memory_space<semaphore_mem>>
        %dma_start3A_132 = arith.constant 0 : i32
        %dma_start3A_133 = tpu.memref_slice %arg7[%mul3A_106, %dma_start3A_132] : memref<16x128xi32, #tpu.memory_space<vmem>> -> memref<1x128xi32, #tpu.memory_space<vmem>>
        %dma_start3A_134 = tpu.memref_squeeze %dma_start3A_133 : memref<1x128xi32, #tpu.memory_space<vmem>> -> memref<128xi32, #tpu.memory_space<vmem>>
        %dma_start3A_135 = arith.constant 0 : i32
        %dma_start3A_136 = arith.constant 0 : i32
        %dma_start3A_137 = tpu.memref_slice %arg10[%dma_start3A_135, %dma_start3A_136] : memref<10240x128xf32, #tpu.memory_space<vmem_shared>> -> memref<10240x128xf32, #tpu.memory_space<vmem_shared>>
        tpu.enqueue_indirect_dma source(%arg8 : memref<128x128xf32, #tpu.memory_space<vmem>>) target(%dma_start3A_137 : memref<10240x128xf32, #tpu.memory_space<vmem_shared>>) offsets(%dma_start3A_134 : memref<128xi32, #tpu.memory_space<vmem>>) semaphore(%run_scoped3A : memref<!tpu.dma_semaphore, #tpu.memory_space<semaphore_mem>>) {add = true}
        %dma_wait3A_138 = arith.constant 0 : i32
        %dma_wait3A_139 = tpu.memref_slice %arg7[%mul3A_106, %dma_wait3A_138] : memref<16x128xi32, #tpu.memory_space<vmem>> -> memref<1x128xi32, #tpu.memory_space<vmem>>
        %dma_wait3A_140 = tpu.memref_squeeze %dma_wait3A_139 : memref<1x128xi32, #tpu.memory_space<vmem>> -> memref<128xi32, #tpu.memory_space<vmem>>
        %dma_wait3A_141 = arith.constant 0 : i32
        %dma_wait3A_142 = arith.constant 0 : i32
        %dma_wait3A_143 = tpu.memref_slice %arg10[%dma_wait3A_141, %dma_wait3A_142] : memref<10240x128xf32, #tpu.memory_space<vmem_shared>> -> memref<10240x128xf32, #tpu.memory_space<vmem_shared>>
        tpu.wait_indirect_dma semaphore(%run_scoped3A : memref<!tpu.dma_semaphore, #tpu.memory_space<semaphore_mem>>) src(%arg8 : memref<128x128xf32, #tpu.memory_space<vmem>>) dst(%dma_wait3A_143 : memref<10240x128xf32, #tpu.memory_space<vmem_shared>>)
        tpu.yield
      }) : () -> ()
      %add3A_120 = arith.constant 1 : i32
      %add3A_121 = arith.addi %mul3A_106, %add3A_120 : i32
      %dma_wait3A_122 = arith.constant 0 : i32
      %dma_wait3A_123 = tpu.memref_slice %arg6[%add3A_121, %dma_wait3A_122] : memref<16x128xi32, #tpu.memory_space<vmem>> -> memref<1x128xi32, #tpu.memory_space<vmem>>
      %dma_wait3A_124 = tpu.memref_squeeze %dma_wait3A_123 : memref<1x128xi32, #tpu.memory_space<vmem>> -> memref<128xi32, #tpu.memory_space<vmem>>
      %dma_wait3A_125 = arith.constant 0 : i32
      %dma_wait3A_126 = arith.constant 0 : i32
      %dma_wait3A_127 = tpu.memref_slice %arg2[%dma_wait3A_125, %dma_wait3A_126] : memref<10240x128xf32, #tpu.memory_space<hbm>> -> memref<10240x128xf32, #tpu.memory_space<hbm>>
      tpu.wait_indirect_dma semaphore(%arg12 : memref<!tpu.dma_semaphore, #tpu.memory_space<semaphore_mem>>) src(%dma_wait3A_127 : memref<10240x128xf32, #tpu.memory_space<hbm>>) dst(%arg9 : memref<128x128xf32, #tpu.memory_space<vmem>>)
      %lt3A = arith.constant 7 : i32
      %lt3A_128 = arith.cmpi slt, %add3A_104, %lt3A : i32
      %convert_element_type3A = arith.extui %lt3A_128 : i1 to i32
      %cond3A = arith.constant 0 : i32
      %cond3A_129 = arith.cmpi ne, %convert_element_type3A, %cond3A : i32
      scf.if %cond3A_129 {
        %add3A_132 = arith.constant 2 : i32
        %add3A_133 = arith.addi %mul3A_106, %add3A_132 : i32
        %dma_start3A_134 = arith.constant 0 : i32
        %dma_start3A_135 = tpu.memref_slice %arg6[%add3A_133, %dma_start3A_134] : memref<16x128xi32, #tpu.memory_space<vmem>> -> memref<1x128xi32, #tpu.memory_space<vmem>>
        %dma_start3A_136 = tpu.memref_squeeze %dma_start3A_135 : memref<1x128xi32, #tpu.memory_space<vmem>> -> memref<128xi32, #tpu.memory_space<vmem>>
        %dma_start3A_137 = arith.constant 0 : i32
        %dma_start3A_138 = arith.constant 0 : i32
        %dma_start3A_139 = tpu.memref_slice %arg2[%dma_start3A_137, %dma_start3A_138] : memref<10240x128xf32, #tpu.memory_space<hbm>> -> memref<10240x128xf32, #tpu.memory_space<hbm>>
        tpu.enqueue_indirect_dma source(%dma_start3A_139 : memref<10240x128xf32, #tpu.memory_space<hbm>>) target(%arg8 : memref<128x128xf32, #tpu.memory_space<vmem>>) offsets(%dma_start3A_136 : memref<128xi32, #tpu.memory_space<vmem>>) semaphore(%arg11 : memref<!tpu.dma_semaphore, #tpu.memory_space<semaphore_mem>>)
      } else {
      }
      %add3A_130 = arith.constant 1 : i32
      %add3A_131 = arith.addi %mul3A_106, %add3A_130 : i32
      "tpu.region"() ({
        %run_scoped3A = tpu.sem_alloc : memref<!tpu.dma_semaphore, #tpu.memory_space<semaphore_mem>>
        %dma_start3A_132 = arith.constant 0 : i32
        %dma_start3A_133 = tpu.memref_slice %arg7[%add3A_131, %dma_start3A_132] : memref<16x128xi32, #tpu.memory_space<vmem>> -> memref<1x128xi32, #tpu.memory_space<vmem>>
        %dma_start3A_134 = tpu.memref_squeeze %dma_start3A_133 : memref<1x128xi32, #tpu.memory_space<vmem>> -> memref<128xi32, #tpu.memory_space<vmem>>
        %dma_start3A_135 = arith.constant 0 : i32
        %dma_start3A_136 = arith.constant 0 : i32
        %dma_start3A_137 = tpu.memref_slice %arg10[%dma_start3A_135, %dma_start3A_136] : memref<10240x128xf32, #tpu.memory_space<vmem_shared>> -> memref<10240x128xf32, #tpu.memory_space<vmem_shared>>
        tpu.enqueue_indirect_dma source(%arg9 : memref<128x128xf32, #tpu.memory_space<vmem>>) target(%dma_start3A_137 : memref<10240x128xf32, #tpu.memory_space<vmem_shared>>) offsets(%dma_start3A_134 : memref<128xi32, #tpu.memory_space<vmem>>) semaphore(%run_scoped3A : memref<!tpu.dma_semaphore, #tpu.memory_space<semaphore_mem>>) {add = true}
        %dma_wait3A_138 = arith.constant 0 : i32
        %dma_wait3A_139 = tpu.memref_slice %arg7[%add3A_131, %dma_wait3A_138] : memref<16x128xi32, #tpu.memory_space<vmem>> -> memref<1x128xi32, #tpu.memory_space<vmem>>
        %dma_wait3A_140 = tpu.memref_squeeze %dma_wait3A_139 : memref<1x128xi32, #tpu.memory_space<vmem>> -> memref<128xi32, #tpu.memory_space<vmem>>
        %dma_wait3A_141 = arith.constant 0 : i32
        %dma_wait3A_142 = arith.constant 0 : i32
        %dma_wait3A_143 = tpu.memref_slice %arg10[%dma_wait3A_141, %dma_wait3A_142] : memref<10240x128xf32, #tpu.memory_space<vmem_shared>> -> memref<10240x128xf32, #tpu.memory_space<vmem_shared>>
        tpu.wait_indirect_dma semaphore(%run_scoped3A : memref<!tpu.dma_semaphore, #tpu.memory_space<semaphore_mem>>) src(%arg9 : memref<128x128xf32, #tpu.memory_space<vmem>>) dst(%dma_wait3A_143 : memref<10240x128xf32, #tpu.memory_space<vmem_shared>>)
        tpu.yield
      }) : () -> ()
    }
    %scan3A_50 = arith.constant 8 : i32
    %add3A_51 = arith.constant 32 : i32
    %add3A_52 = arith.addi %add3A_19, %add3A_51 : i32
    "tpu.region"() ({
      %run_scoped3A = tpu.sem_alloc : memref<!tpu.dma_semaphore, #tpu.memory_space<semaphore_mem>>
      %dma_start3A_100 = arith.constant 0 : i32
      %dma_start3A_101 = tpu.memref_slice %arg3[%add3A_52, %dma_start3A_100] : memref<2560x128xi32, #tpu.memory_space<hbm>> -> memref<16x128xi32, #tpu.memory_space<hbm>>
      %dma_start3A_102 = arith.constant 0 : i32
      %dma_start3A_103 = tpu.memref_slice %arg3[%add3A_52, %dma_start3A_102] : memref<2560x128xi32, #tpu.memory_space<hbm>> -> memref<16x128xi32, #tpu.memory_space<hbm>>
      tpu.enqueue_dma source(%dma_start3A_103 : memref<16x128xi32, #tpu.memory_space<hbm>>) target(%arg6 : memref<16x128xi32, #tpu.memory_space<vmem>>) target_semaphore(%run_scoped3A : memref<!tpu.dma_semaphore, #tpu.memory_space<semaphore_mem>>)
      %dma_wait3A = arith.constant 0 : i32
      %dma_wait3A_104 = tpu.memref_slice %arg3[%add3A_52, %dma_wait3A] : memref<2560x128xi32, #tpu.memory_space<hbm>> -> memref<16x128xi32, #tpu.memory_space<hbm>>
      %dma_wait3A_105 = arith.constant 0 : i32
      %dma_wait3A_106 = tpu.memref_slice %arg3[%add3A_52, %dma_wait3A_105] : memref<2560x128xi32, #tpu.memory_space<hbm>> -> memref<16x128xi32, #tpu.memory_space<hbm>>
      tpu.wait_dma2 semaphore(%run_scoped3A : memref<!tpu.dma_semaphore, #tpu.memory_space<semaphore_mem>>) src(%dma_wait3A_106 : memref<16x128xi32, #tpu.memory_space<hbm>>) dst(%arg6 : memref<16x128xi32, #tpu.memory_space<vmem>>)
      tpu.yield
    }) : () -> ()
    %add3A_53 = arith.constant 32 : i32
    %add3A_54 = arith.addi %add3A_19, %add3A_53 : i32
    "tpu.region"() ({
      %run_scoped3A = tpu.sem_alloc : memref<!tpu.dma_semaphore, #tpu.memory_space<semaphore_mem>>
      %dma_start3A_100 = arith.constant 0 : i32
      %dma_start3A_101 = tpu.memref_slice %arg4[%add3A_54, %dma_start3A_100] : memref<2560x128xi32, #tpu.memory_space<hbm>> -> memref<16x128xi32, #tpu.memory_space<hbm>>
      %dma_start3A_102 = arith.constant 0 : i32
      %dma_start3A_103 = tpu.memref_slice %arg4[%add3A_54, %dma_start3A_102] : memref<2560x128xi32, #tpu.memory_space<hbm>> -> memref<16x128xi32, #tpu.memory_space<hbm>>
      tpu.enqueue_dma source(%dma_start3A_103 : memref<16x128xi32, #tpu.memory_space<hbm>>) target(%arg7 : memref<16x128xi32, #tpu.memory_space<vmem>>) target_semaphore(%run_scoped3A : memref<!tpu.dma_semaphore, #tpu.memory_space<semaphore_mem>>)
      %dma_wait3A = arith.constant 0 : i32
      %dma_wait3A_104 = tpu.memref_slice %arg4[%add3A_54, %dma_wait3A] : memref<2560x128xi32, #tpu.memory_space<hbm>> -> memref<16x128xi32, #tpu.memory_space<hbm>>
      %dma_wait3A_105 = arith.constant 0 : i32
      %dma_wait3A_106 = tpu.memref_slice %arg4[%add3A_54, %dma_wait3A_105] : memref<2560x128xi32, #tpu.memory_space<hbm>> -> memref<16x128xi32, #tpu.memory_space<hbm>>
      tpu.wait_dma2 semaphore(%run_scoped3A : memref<!tpu.dma_semaphore, #tpu.memory_space<semaphore_mem>>) src(%dma_wait3A_106 : memref<16x128xi32, #tpu.memory_space<hbm>>) dst(%arg7 : memref<16x128xi32, #tpu.memory_space<vmem>>)
      tpu.yield
    }) : () -> ()
    %dma_start3A_55 = arith.constant 0 : i32
    %dma_start3A_56 = arith.constant 0 : i32
    %dma_start3A_57 = tpu.memref_slice %arg6[%dma_start3A_55, %dma_start3A_56] : memref<16x128xi32, #tpu.memory_space<vmem>> -> memref<1x128xi32, #tpu.memory_space<vmem>>
    %dma_start3A_58 = tpu.memref_squeeze %dma_start3A_57 : memref<1x128xi32, #tpu.memory_space<vmem>> -> memref<128xi32, #tpu.memory_space<vmem>>
    %dma_start3A_59 = arith.constant 0 : i32
    %dma_start3A_60 = arith.constant 0 : i32
    %dma_start3A_61 = tpu.memref_slice %arg2[%dma_start3A_59, %dma_start3A_60] : memref<10240x128xf32, #tpu.memory_space<hbm>> -> memref<10240x128xf32, #tpu.memory_space<hbm>>
    tpu.enqueue_indirect_dma source(%dma_start3A_61 : memref<10240x128xf32, #tpu.memory_space<hbm>>) target(%arg8 : memref<128x128xf32, #tpu.memory_space<vmem>>) offsets(%dma_start3A_58 : memref<128xi32, #tpu.memory_space<vmem>>) semaphore(%arg11 : memref<!tpu.dma_semaphore, #tpu.memory_space<semaphore_mem>>)
    %scan3A_62 = arith.constant 0 : i32
    %scan3A_63 = arith.constant 8 : i32
    %scan3A_64 = arith.addi %scan3A_62, %scan3A_63 : i32
    %scan3A_65 = arith.constant 1 : i32
    scf.for %scan3A_100 = %scan3A_62 to %scan3A_64 step %scan3A_65  : i32 {
      %mul3A_101 = arith.constant 1 : i32
      %mul3A_102 = arith.muli %scan3A_100, %mul3A_101 : i32
      %add3A_103 = arith.constant 0 : i32
      %add3A_104 = arith.addi %add3A_103, %mul3A_102 : i32
      %mul3A_105 = arith.constant 2 : i32
      %mul3A_106 = arith.muli %mul3A_105, %add3A_104 : i32
      %dma_wait3A = arith.constant 0 : i32
      %dma_wait3A_107 = tpu.memref_slice %arg6[%mul3A_106, %dma_wait3A] : memref<16x128xi32, #tpu.memory_space<vmem>> -> memref<1x128xi32, #tpu.memory_space<vmem>>
      %dma_wait3A_108 = tpu.memref_squeeze %dma_wait3A_107 : memref<1x128xi32, #tpu.memory_space<vmem>> -> memref<128xi32, #tpu.memory_space<vmem>>
      %dma_wait3A_109 = arith.constant 0 : i32
      %dma_wait3A_110 = arith.constant 0 : i32
      %dma_wait3A_111 = tpu.memref_slice %arg2[%dma_wait3A_109, %dma_wait3A_110] : memref<10240x128xf32, #tpu.memory_space<hbm>> -> memref<10240x128xf32, #tpu.memory_space<hbm>>
      tpu.wait_indirect_dma semaphore(%arg11 : memref<!tpu.dma_semaphore, #tpu.memory_space<semaphore_mem>>) src(%dma_wait3A_111 : memref<10240x128xf32, #tpu.memory_space<hbm>>) dst(%arg8 : memref<128x128xf32, #tpu.memory_space<vmem>>)
      %add3A_112 = arith.constant 1 : i32
      %add3A_113 = arith.addi %mul3A_106, %add3A_112 : i32
      %dma_start3A_114 = arith.constant 0 : i32
      %dma_start3A_115 = tpu.memref_slice %arg6[%add3A_113, %dma_start3A_114] : memref<16x128xi32, #tpu.memory_space<vmem>> -> memref<1x128xi32, #tpu.memory_space<vmem>>
      %dma_start3A_116 = tpu.memref_squeeze %dma_start3A_115 : memref<1x128xi32, #tpu.memory_space<vmem>> -> memref<128xi32, #tpu.memory_space<vmem>>
      %dma_start3A_117 = arith.constant 0 : i32
      %dma_start3A_118 = arith.constant 0 : i32
      %dma_start3A_119 = tpu.memref_slice %arg2[%dma_start3A_117, %dma_start3A_118] : memref<10240x128xf32, #tpu.memory_space<hbm>> -> memref<10240x128xf32, #tpu.memory_space<hbm>>
      tpu.enqueue_indirect_dma source(%dma_start3A_119 : memref<10240x128xf32, #tpu.memory_space<hbm>>) target(%arg9 : memref<128x128xf32, #tpu.memory_space<vmem>>) offsets(%dma_start3A_116 : memref<128xi32, #tpu.memory_space<vmem>>) semaphore(%arg12 : memref<!tpu.dma_semaphore, #tpu.memory_space<semaphore_mem>>)
      "tpu.region"() ({
        %run_scoped3A = tpu.sem_alloc : memref<!tpu.dma_semaphore, #tpu.memory_space<semaphore_mem>>
        %dma_start3A_132 = arith.constant 0 : i32
        %dma_start3A_133 = tpu.memref_slice %arg7[%mul3A_106, %dma_start3A_132] : memref<16x128xi32, #tpu.memory_space<vmem>> -> memref<1x128xi32, #tpu.memory_space<vmem>>
        %dma_start3A_134 = tpu.memref_squeeze %dma_start3A_133 : memref<1x128xi32, #tpu.memory_space<vmem>> -> memref<128xi32, #tpu.memory_space<vmem>>
        %dma_start3A_135 = arith.constant 0 : i32
        %dma_start3A_136 = arith.constant 0 : i32
        %dma_start3A_137 = tpu.memref_slice %arg10[%dma_start3A_135, %dma_start3A_136] : memref<10240x128xf32, #tpu.memory_space<vmem_shared>> -> memref<10240x128xf32, #tpu.memory_space<vmem_shared>>
        tpu.enqueue_indirect_dma source(%arg8 : memref<128x128xf32, #tpu.memory_space<vmem>>) target(%dma_start3A_137 : memref<10240x128xf32, #tpu.memory_space<vmem_shared>>) offsets(%dma_start3A_134 : memref<128xi32, #tpu.memory_space<vmem>>) semaphore(%run_scoped3A : memref<!tpu.dma_semaphore, #tpu.memory_space<semaphore_mem>>) {add = true}
        %dma_wait3A_138 = arith.constant 0 : i32
        %dma_wait3A_139 = tpu.memref_slice %arg7[%mul3A_106, %dma_wait3A_138] : memref<16x128xi32, #tpu.memory_space<vmem>> -> memref<1x128xi32, #tpu.memory_space<vmem>>
        %dma_wait3A_140 = tpu.memref_squeeze %dma_wait3A_139 : memref<1x128xi32, #tpu.memory_space<vmem>> -> memref<128xi32, #tpu.memory_space<vmem>>
        %dma_wait3A_141 = arith.constant 0 : i32
        %dma_wait3A_142 = arith.constant 0 : i32
        %dma_wait3A_143 = tpu.memref_slice %arg10[%dma_wait3A_141, %dma_wait3A_142] : memref<10240x128xf32, #tpu.memory_space<vmem_shared>> -> memref<10240x128xf32, #tpu.memory_space<vmem_shared>>
        tpu.wait_indirect_dma semaphore(%run_scoped3A : memref<!tpu.dma_semaphore, #tpu.memory_space<semaphore_mem>>) src(%arg8 : memref<128x128xf32, #tpu.memory_space<vmem>>) dst(%dma_wait3A_143 : memref<10240x128xf32, #tpu.memory_space<vmem_shared>>)
        tpu.yield
      }) : () -> ()
      %add3A_120 = arith.constant 1 : i32
      %add3A_121 = arith.addi %mul3A_106, %add3A_120 : i32
      %dma_wait3A_122 = arith.constant 0 : i32
      %dma_wait3A_123 = tpu.memref_slice %arg6[%add3A_121, %dma_wait3A_122] : memref<16x128xi32, #tpu.memory_space<vmem>> -> memref<1x128xi32, #tpu.memory_space<vmem>>
      %dma_wait3A_124 = tpu.memref_squeeze %dma_wait3A_123 : memref<1x128xi32, #tpu.memory_space<vmem>> -> memref<128xi32, #tpu.memory_space<vmem>>
      %dma_wait3A_125 = arith.constant 0 : i32
      %dma_wait3A_126 = arith.constant 0 : i32
      %dma_wait3A_127 = tpu.memref_slice %arg2[%dma_wait3A_125, %dma_wait3A_126] : memref<10240x128xf32, #tpu.memory_space<hbm>> -> memref<10240x128xf32, #tpu.memory_space<hbm>>
      tpu.wait_indirect_dma semaphore(%arg12 : memref<!tpu.dma_semaphore, #tpu.memory_space<semaphore_mem>>) src(%dma_wait3A_127 : memref<10240x128xf32, #tpu.memory_space<hbm>>) dst(%arg9 : memref<128x128xf32, #tpu.memory_space<vmem>>)
      %lt3A = arith.constant 7 : i32
      %lt3A_128 = arith.cmpi slt, %add3A_104, %lt3A : i32
      %convert_element_type3A = arith.extui %lt3A_128 : i1 to i32
      %cond3A = arith.constant 0 : i32
      %cond3A_129 = arith.cmpi ne, %convert_element_type3A, %cond3A : i32
      scf.if %cond3A_129 {
        %add3A_132 = arith.constant 2 : i32
        %add3A_133 = arith.addi %mul3A_106, %add3A_132 : i32
        %dma_start3A_134 = arith.constant 0 : i32
        %dma_start3A_135 = tpu.memref_slice %arg6[%add3A_133, %dma_start3A_134] : memref<16x128xi32, #tpu.memory_space<vmem>> -> memref<1x128xi32, #tpu.memory_space<vmem>>
        %dma_start3A_136 = tpu.memref_squeeze %dma_start3A_135 : memref<1x128xi32, #tpu.memory_space<vmem>> -> memref<128xi32, #tpu.memory_space<vmem>>
        %dma_start3A_137 = arith.constant 0 : i32
        %dma_start3A_138 = arith.constant 0 : i32
        %dma_start3A_139 = tpu.memref_slice %arg2[%dma_start3A_137, %dma_start3A_138] : memref<10240x128xf32, #tpu.memory_space<hbm>> -> memref<10240x128xf32, #tpu.memory_space<hbm>>
        tpu.enqueue_indirect_dma source(%dma_start3A_139 : memref<10240x128xf32, #tpu.memory_space<hbm>>) target(%arg8 : memref<128x128xf32, #tpu.memory_space<vmem>>) offsets(%dma_start3A_136 : memref<128xi32, #tpu.memory_space<vmem>>) semaphore(%arg11 : memref<!tpu.dma_semaphore, #tpu.memory_space<semaphore_mem>>)
      } else {
      }
      %add3A_130 = arith.constant 1 : i32
      %add3A_131 = arith.addi %mul3A_106, %add3A_130 : i32
      "tpu.region"() ({
        %run_scoped3A = tpu.sem_alloc : memref<!tpu.dma_semaphore, #tpu.memory_space<semaphore_mem>>
        %dma_start3A_132 = arith.constant 0 : i32
        %dma_start3A_133 = tpu.memref_slice %arg7[%add3A_131, %dma_start3A_132] : memref<16x128xi32, #tpu.memory_space<vmem>> -> memref<1x128xi32, #tpu.memory_space<vmem>>
        %dma_start3A_134 = tpu.memref_squeeze %dma_start3A_133 : memref<1x128xi32, #tpu.memory_space<vmem>> -> memref<128xi32, #tpu.memory_space<vmem>>
        %dma_start3A_135 = arith.constant 0 : i32
        %dma_start3A_136 = arith.constant 0 : i32
        %dma_start3A_137 = tpu.memref_slice %arg10[%dma_start3A_135, %dma_start3A_136] : memref<10240x128xf32, #tpu.memory_space<vmem_shared>> -> memref<10240x128xf32, #tpu.memory_space<vmem_shared>>
        tpu.enqueue_indirect_dma source(%arg9 : memref<128x128xf32, #tpu.memory_space<vmem>>) target(%dma_start3A_137 : memref<10240x128xf32, #tpu.memory_space<vmem_shared>>) offsets(%dma_start3A_134 : memref<128xi32, #tpu.memory_space<vmem>>) semaphore(%run_scoped3A : memref<!tpu.dma_semaphore, #tpu.memory_space<semaphore_mem>>) {add = true}
        %dma_wait3A_138 = arith.constant 0 : i32
        %dma_wait3A_139 = tpu.memref_slice %arg7[%add3A_131, %dma_wait3A_138] : memref<16x128xi32, #tpu.memory_space<vmem>> -> memref<1x128xi32, #tpu.memory_space<vmem>>
        %dma_wait3A_140 = tpu.memref_squeeze %dma_wait3A_139 : memref<1x128xi32, #tpu.memory_space<vmem>> -> memref<128xi32, #tpu.memory_space<vmem>>
        %dma_wait3A_141 = arith.constant 0 : i32
        %dma_wait3A_142 = arith.constant 0 : i32
        %dma_wait3A_143 = tpu.memref_slice %arg10[%dma_wait3A_141, %dma_wait3A_142] : memref<10240x128xf32, #tpu.memory_space<vmem_shared>> -> memref<10240x128xf32, #tpu.memory_space<vmem_shared>>
        tpu.wait_indirect_dma semaphore(%run_scoped3A : memref<!tpu.dma_semaphore, #tpu.memory_space<semaphore_mem>>) src(%arg9 : memref<128x128xf32, #tpu.memory_space<vmem>>) dst(%dma_wait3A_143 : memref<10240x128xf32, #tpu.memory_space<vmem_shared>>)
        tpu.yield
      }) : () -> ()
    }
    %scan3A_66 = arith.constant 8 : i32
    %add3A_67 = arith.constant 48 : i32
    %add3A_68 = arith.addi %add3A_19, %add3A_67 : i32
    "tpu.region"() ({
      %run_scoped3A = tpu.sem_alloc : memref<!tpu.dma_semaphore, #tpu.memory_space<semaphore_mem>>
      %dma_start3A_100 = arith.constant 0 : i32
      %dma_start3A_101 = tpu.memref_slice %arg3[%add3A_68, %dma_start3A_100] : memref<2560x128xi32, #tpu.memory_space<hbm>> -> memref<16x128xi32, #tpu.memory_space<hbm>>
      %dma_start3A_102 = arith.constant 0 : i32
      %dma_start3A_103 = tpu.memref_slice %arg3[%add3A_68, %dma_start3A_102] : memref<2560x128xi32, #tpu.memory_space<hbm>> -> memref<16x128xi32, #tpu.memory_space<hbm>>
      tpu.enqueue_dma source(%dma_start3A_103 : memref<16x128xi32, #tpu.memory_space<hbm>>) target(%arg6 : memref<16x128xi32, #tpu.memory_space<vmem>>) target_semaphore(%run_scoped3A : memref<!tpu.dma_semaphore, #tpu.memory_space<semaphore_mem>>)
      %dma_wait3A = arith.constant 0 : i32
      %dma_wait3A_104 = tpu.memref_slice %arg3[%add3A_68, %dma_wait3A] : memref<2560x128xi32, #tpu.memory_space<hbm>> -> memref<16x128xi32, #tpu.memory_space<hbm>>
      %dma_wait3A_105 = arith.constant 0 : i32
      %dma_wait3A_106 = tpu.memref_slice %arg3[%add3A_68, %dma_wait3A_105] : memref<2560x128xi32, #tpu.memory_space<hbm>> -> memref<16x128xi32, #tpu.memory_space<hbm>>
      tpu.wait_dma2 semaphore(%run_scoped3A : memref<!tpu.dma_semaphore, #tpu.memory_space<semaphore_mem>>) src(%dma_wait3A_106 : memref<16x128xi32, #tpu.memory_space<hbm>>) dst(%arg6 : memref<16x128xi32, #tpu.memory_space<vmem>>)
      tpu.yield
    }) : () -> ()
    %add3A_69 = arith.constant 48 : i32
    %add3A_70 = arith.addi %add3A_19, %add3A_69 : i32
    "tpu.region"() ({
      %run_scoped3A = tpu.sem_alloc : memref<!tpu.dma_semaphore, #tpu.memory_space<semaphore_mem>>
      %dma_start3A_100 = arith.constant 0 : i32
      %dma_start3A_101 = tpu.memref_slice %arg4[%add3A_70, %dma_start3A_100] : memref<2560x128xi32, #tpu.memory_space<hbm>> -> memref<16x128xi32, #tpu.memory_space<hbm>>
      %dma_start3A_102 = arith.constant 0 : i32
      %dma_start3A_103 = tpu.memref_slice %arg4[%add3A_70, %dma_start3A_102] : memref<2560x128xi32, #tpu.memory_space<hbm>> -> memref<16x128xi32, #tpu.memory_space<hbm>>
      tpu.enqueue_dma source(%dma_start3A_103 : memref<16x128xi32, #tpu.memory_space<hbm>>) target(%arg7 : memref<16x128xi32, #tpu.memory_space<vmem>>) target_semaphore(%run_scoped3A : memref<!tpu.dma_semaphore, #tpu.memory_space<semaphore_mem>>)
      %dma_wait3A = arith.constant 0 : i32
      %dma_wait3A_104 = tpu.memref_slice %arg4[%add3A_70, %dma_wait3A] : memref<2560x128xi32, #tpu.memory_space<hbm>> -> memref<16x128xi32, #tpu.memory_space<hbm>>
      %dma_wait3A_105 = arith.constant 0 : i32
      %dma_wait3A_106 = tpu.memref_slice %arg4[%add3A_70, %dma_wait3A_105] : memref<2560x128xi32, #tpu.memory_space<hbm>> -> memref<16x128xi32, #tpu.memory_space<hbm>>
      tpu.wait_dma2 semaphore(%run_scoped3A : memref<!tpu.dma_semaphore, #tpu.memory_space<semaphore_mem>>) src(%dma_wait3A_106 : memref<16x128xi32, #tpu.memory_space<hbm>>) dst(%arg7 : memref<16x128xi32, #tpu.memory_space<vmem>>)
      tpu.yield
    }) : () -> ()
    %dma_start3A_71 = arith.constant 0 : i32
    %dma_start3A_72 = arith.constant 0 : i32
    %dma_start3A_73 = tpu.memref_slice %arg6[%dma_start3A_71, %dma_start3A_72] : memref<16x128xi32, #tpu.memory_space<vmem>> -> memref<1x128xi32, #tpu.memory_space<vmem>>
    %dma_start3A_74 = tpu.memref_squeeze %dma_start3A_73 : memref<1x128xi32, #tpu.memory_space<vmem>> -> memref<128xi32, #tpu.memory_space<vmem>>
    %dma_start3A_75 = arith.constant 0 : i32
    %dma_start3A_76 = arith.constant 0 : i32
    %dma_start3A_77 = tpu.memref_slice %arg2[%dma_start3A_75, %dma_start3A_76] : memref<10240x128xf32, #tpu.memory_space<hbm>> -> memref<10240x128xf32, #tpu.memory_space<hbm>>
    tpu.enqueue_indirect_dma source(%dma_start3A_77 : memref<10240x128xf32, #tpu.memory_space<hbm>>) target(%arg8 : memref<128x128xf32, #tpu.memory_space<vmem>>) offsets(%dma_start3A_74 : memref<128xi32, #tpu.memory_space<vmem>>) semaphore(%arg11 : memref<!tpu.dma_semaphore, #tpu.memory_space<semaphore_mem>>)
    %scan3A_78 = arith.constant 0 : i32
    %scan3A_79 = arith.constant 8 : i32
    %scan3A_80 = arith.addi %scan3A_78, %scan3A_79 : i32
    %scan3A_81 = arith.constant 1 : i32
    scf.for %scan3A_100 = %scan3A_78 to %scan3A_80 step %scan3A_81  : i32 {
      %mul3A_101 = arith.constant 1 : i32
      %mul3A_102 = arith.muli %scan3A_100, %mul3A_101 : i32
      %add3A_103 = arith.constant 0 : i32
      %add3A_104 = arith.addi %add3A_103, %mul3A_102 : i32
      %mul3A_105 = arith.constant 2 : i32
      %mul3A_106 = arith.muli %mul3A_105, %add3A_104 : i32
      %dma_wait3A = arith.constant 0 : i32
      %dma_wait3A_107 = tpu.memref_slice %arg6[%mul3A_106, %dma_wait3A] : memref<16x128xi32, #tpu.memory_space<vmem>> -> memref<1x128xi32, #tpu.memory_space<vmem>>
      %dma_wait3A_108 = tpu.memref_squeeze %dma_wait3A_107 : memref<1x128xi32, #tpu.memory_space<vmem>> -> memref<128xi32, #tpu.memory_space<vmem>>
      %dma_wait3A_109 = arith.constant 0 : i32
      %dma_wait3A_110 = arith.constant 0 : i32
      %dma_wait3A_111 = tpu.memref_slice %arg2[%dma_wait3A_109, %dma_wait3A_110] : memref<10240x128xf32, #tpu.memory_space<hbm>> -> memref<10240x128xf32, #tpu.memory_space<hbm>>
      tpu.wait_indirect_dma semaphore(%arg11 : memref<!tpu.dma_semaphore, #tpu.memory_space<semaphore_mem>>) src(%dma_wait3A_111 : memref<10240x128xf32, #tpu.memory_space<hbm>>) dst(%arg8 : memref<128x128xf32, #tpu.memory_space<vmem>>)
      %add3A_112 = arith.constant 1 : i32
      %add3A_113 = arith.addi %mul3A_106, %add3A_112 : i32
      %dma_start3A_114 = arith.constant 0 : i32
      %dma_start3A_115 = tpu.memref_slice %arg6[%add3A_113, %dma_start3A_114] : memref<16x128xi32, #tpu.memory_space<vmem>> -> memref<1x128xi32, #tpu.memory_space<vmem>>
      %dma_start3A_116 = tpu.memref_squeeze %dma_start3A_115 : memref<1x128xi32, #tpu.memory_space<vmem>> -> memref<128xi32, #tpu.memory_space<vmem>>
      %dma_start3A_117 = arith.constant 0 : i32
      %dma_start3A_118 = arith.constant 0 : i32
      %dma_start3A_119 = tpu.memref_slice %arg2[%dma_start3A_117, %dma_start3A_118] : memref<10240x128xf32, #tpu.memory_space<hbm>> -> memref<10240x128xf32, #tpu.memory_space<hbm>>
      tpu.enqueue_indirect_dma source(%dma_start3A_119 : memref<10240x128xf32, #tpu.memory_space<hbm>>) target(%arg9 : memref<128x128xf32, #tpu.memory_space<vmem>>) offsets(%dma_start3A_116 : memref<128xi32, #tpu.memory_space<vmem>>) semaphore(%arg12 : memref<!tpu.dma_semaphore, #tpu.memory_space<semaphore_mem>>)
      "tpu.region"() ({
        %run_scoped3A = tpu.sem_alloc : memref<!tpu.dma_semaphore, #tpu.memory_space<semaphore_mem>>
        %dma_start3A_132 = arith.constant 0 : i32
        %dma_start3A_133 = tpu.memref_slice %arg7[%mul3A_106, %dma_start3A_132] : memref<16x128xi32, #tpu.memory_space<vmem>> -> memref<1x128xi32, #tpu.memory_space<vmem>>
        %dma_start3A_134 = tpu.memref_squeeze %dma_start3A_133 : memref<1x128xi32, #tpu.memory_space<vmem>> -> memref<128xi32, #tpu.memory_space<vmem>>
        %dma_start3A_135 = arith.constant 0 : i32
        %dma_start3A_136 = arith.constant 0 : i32
        %dma_start3A_137 = tpu.memref_slice %arg10[%dma_start3A_135, %dma_start3A_136] : memref<10240x128xf32, #tpu.memory_space<vmem_shared>> -> memref<10240x128xf32, #tpu.memory_space<vmem_shared>>
        tpu.enqueue_indirect_dma source(%arg8 : memref<128x128xf32, #tpu.memory_space<vmem>>) target(%dma_start3A_137 : memref<10240x128xf32, #tpu.memory_space<vmem_shared>>) offsets(%dma_start3A_134 : memref<128xi32, #tpu.memory_space<vmem>>) semaphore(%run_scoped3A : memref<!tpu.dma_semaphore, #tpu.memory_space<semaphore_mem>>) {add = true}
        %dma_wait3A_138 = arith.constant 0 : i32
        %dma_wait3A_139 = tpu.memref_slice %arg7[%mul3A_106, %dma_wait3A_138] : memref<16x128xi32, #tpu.memory_space<vmem>> -> memref<1x128xi32, #tpu.memory_space<vmem>>
        %dma_wait3A_140 = tpu.memref_squeeze %dma_wait3A_139 : memref<1x128xi32, #tpu.memory_space<vmem>> -> memref<128xi32, #tpu.memory_space<vmem>>
        %dma_wait3A_141 = arith.constant 0 : i32
        %dma_wait3A_142 = arith.constant 0 : i32
        %dma_wait3A_143 = tpu.memref_slice %arg10[%dma_wait3A_141, %dma_wait3A_142] : memref<10240x128xf32, #tpu.memory_space<vmem_shared>> -> memref<10240x128xf32, #tpu.memory_space<vmem_shared>>
        tpu.wait_indirect_dma semaphore(%run_scoped3A : memref<!tpu.dma_semaphore, #tpu.memory_space<semaphore_mem>>) src(%arg8 : memref<128x128xf32, #tpu.memory_space<vmem>>) dst(%dma_wait3A_143 : memref<10240x128xf32, #tpu.memory_space<vmem_shared>>)
        tpu.yield
      }) : () -> ()
      %add3A_120 = arith.constant 1 : i32
      %add3A_121 = arith.addi %mul3A_106, %add3A_120 : i32
      %dma_wait3A_122 = arith.constant 0 : i32
      %dma_wait3A_123 = tpu.memref_slice %arg6[%add3A_121, %dma_wait3A_122] : memref<16x128xi32, #tpu.memory_space<vmem>> -> memref<1x128xi32, #tpu.memory_space<vmem>>
      %dma_wait3A_124 = tpu.memref_squeeze %dma_wait3A_123 : memref<1x128xi32, #tpu.memory_space<vmem>> -> memref<128xi32, #tpu.memory_space<vmem>>
      %dma_wait3A_125 = arith.constant 0 : i32
      %dma_wait3A_126 = arith.constant 0 : i32
      %dma_wait3A_127 = tpu.memref_slice %arg2[%dma_wait3A_125, %dma_wait3A_126] : memref<10240x128xf32, #tpu.memory_space<hbm>> -> memref<10240x128xf32, #tpu.memory_space<hbm>>
      tpu.wait_indirect_dma semaphore(%arg12 : memref<!tpu.dma_semaphore, #tpu.memory_space<semaphore_mem>>) src(%dma_wait3A_127 : memref<10240x128xf32, #tpu.memory_space<hbm>>) dst(%arg9 : memref<128x128xf32, #tpu.memory_space<vmem>>)
      %lt3A = arith.constant 7 : i32
      %lt3A_128 = arith.cmpi slt, %add3A_104, %lt3A : i32
      %convert_element_type3A = arith.extui %lt3A_128 : i1 to i32
      %cond3A = arith.constant 0 : i32
      %cond3A_129 = arith.cmpi ne, %convert_element_type3A, %cond3A : i32
      scf.if %cond3A_129 {
        %add3A_132 = arith.constant 2 : i32
        %add3A_133 = arith.addi %mul3A_106, %add3A_132 : i32
        %dma_start3A_134 = arith.constant 0 : i32
        %dma_start3A_135 = tpu.memref_slice %arg6[%add3A_133, %dma_start3A_134] : memref<16x128xi32, #tpu.memory_space<vmem>> -> memref<1x128xi32, #tpu.memory_space<vmem>>
        %dma_start3A_136 = tpu.memref_squeeze %dma_start3A_135 : memref<1x128xi32, #tpu.memory_space<vmem>> -> memref<128xi32, #tpu.memory_space<vmem>>
        %dma_start3A_137 = arith.constant 0 : i32
        %dma_start3A_138 = arith.constant 0 : i32
        %dma_start3A_139 = tpu.memref_slice %arg2[%dma_start3A_137, %dma_start3A_138] : memref<10240x128xf32, #tpu.memory_space<hbm>> -> memref<10240x128xf32, #tpu.memory_space<hbm>>
        tpu.enqueue_indirect_dma source(%dma_start3A_139 : memref<10240x128xf32, #tpu.memory_space<hbm>>) target(%arg8 : memref<128x128xf32, #tpu.memory_space<vmem>>) offsets(%dma_start3A_136 : memref<128xi32, #tpu.memory_space<vmem>>) semaphore(%arg11 : memref<!tpu.dma_semaphore, #tpu.memory_space<semaphore_mem>>)
      } else {
      }
      %add3A_130 = arith.constant 1 : i32
      %add3A_131 = arith.addi %mul3A_106, %add3A_130 : i32
      "tpu.region"() ({
        %run_scoped3A = tpu.sem_alloc : memref<!tpu.dma_semaphore, #tpu.memory_space<semaphore_mem>>
        %dma_start3A_132 = arith.constant 0 : i32
        %dma_start3A_133 = tpu.memref_slice %arg7[%add3A_131, %dma_start3A_132] : memref<16x128xi32, #tpu.memory_space<vmem>> -> memref<1x128xi32, #tpu.memory_space<vmem>>
        %dma_start3A_134 = tpu.memref_squeeze %dma_start3A_133 : memref<1x128xi32, #tpu.memory_space<vmem>> -> memref<128xi32, #tpu.memory_space<vmem>>
        %dma_start3A_135 = arith.constant 0 : i32
        %dma_start3A_136 = arith.constant 0 : i32
        %dma_start3A_137 = tpu.memref_slice %arg10[%dma_start3A_135, %dma_start3A_136] : memref<10240x128xf32, #tpu.memory_space<vmem_shared>> -> memref<10240x128xf32, #tpu.memory_space<vmem_shared>>
        tpu.enqueue_indirect_dma source(%arg9 : memref<128x128xf32, #tpu.memory_space<vmem>>) target(%dma_start3A_137 : memref<10240x128xf32, #tpu.memory_space<vmem_shared>>) offsets(%dma_start3A_134 : memref<128xi32, #tpu.memory_space<vmem>>) semaphore(%run_scoped3A : memref<!tpu.dma_semaphore, #tpu.memory_space<semaphore_mem>>) {add = true}
        %dma_wait3A_138 = arith.constant 0 : i32
        %dma_wait3A_139 = tpu.memref_slice %arg7[%add3A_131, %dma_wait3A_138] : memref<16x128xi32, #tpu.memory_space<vmem>> -> memref<1x128xi32, #tpu.memory_space<vmem>>
        %dma_wait3A_140 = tpu.memref_squeeze %dma_wait3A_139 : memref<1x128xi32, #tpu.memory_space<vmem>> -> memref<128xi32, #tpu.memory_space<vmem>>
        %dma_wait3A_141 = arith.constant 0 : i32
        %dma_wait3A_142 = arith.constant 0 : i32
        %dma_wait3A_143 = tpu.memref_slice %arg10[%dma_wait3A_141, %dma_wait3A_142] : memref<10240x128xf32, #tpu.memory_space<vmem_shared>> -> memref<10240x128xf32, #tpu.memory_space<vmem_shared>>
        tpu.wait_indirect_dma semaphore(%run_scoped3A : memref<!tpu.dma_semaphore, #tpu.memory_space<semaphore_mem>>) src(%arg9 : memref<128x128xf32, #tpu.memory_space<vmem>>) dst(%dma_wait3A_143 : memref<10240x128xf32, #tpu.memory_space<vmem_shared>>)
        tpu.yield
      }) : () -> ()
    }
    %scan3A_82 = arith.constant 8 : i32
    %add3A_83 = arith.constant 64 : i32
    %add3A_84 = arith.addi %add3A_19, %add3A_83 : i32
    "tpu.region"() ({
      %run_scoped3A = tpu.sem_alloc : memref<!tpu.dma_semaphore, #tpu.memory_space<semaphore_mem>>
      %dma_start3A_100 = arith.constant 0 : i32
      %dma_start3A_101 = tpu.memref_slice %arg3[%add3A_84, %dma_start3A_100] : memref<2560x128xi32, #tpu.memory_space<hbm>> -> memref<16x128xi32, #tpu.memory_space<hbm>>
      %dma_start3A_102 = arith.constant 0 : i32
      %dma_start3A_103 = tpu.memref_slice %arg3[%add3A_84, %dma_start3A_102] : memref<2560x128xi32, #tpu.memory_space<hbm>> -> memref<16x128xi32, #tpu.memory_space<hbm>>
      tpu.enqueue_dma source(%dma_start3A_103 : memref<16x128xi32, #tpu.memory_space<hbm>>) target(%arg6 : memref<16x128xi32, #tpu.memory_space<vmem>>) target_semaphore(%run_scoped3A : memref<!tpu.dma_semaphore, #tpu.memory_space<semaphore_mem>>)
      %dma_wait3A = arith.constant 0 : i32
      %dma_wait3A_104 = tpu.memref_slice %arg3[%add3A_84, %dma_wait3A] : memref<2560x128xi32, #tpu.memory_space<hbm>> -> memref<16x128xi32, #tpu.memory_space<hbm>>
      %dma_wait3A_105 = arith.constant 0 : i32
      %dma_wait3A_106 = tpu.memref_slice %arg3[%add3A_84, %dma_wait3A_105] : memref<2560x128xi32, #tpu.memory_space<hbm>> -> memref<16x128xi32, #tpu.memory_space<hbm>>
      tpu.wait_dma2 semaphore(%run_scoped3A : memref<!tpu.dma_semaphore, #tpu.memory_space<semaphore_mem>>) src(%dma_wait3A_106 : memref<16x128xi32, #tpu.memory_space<hbm>>) dst(%arg6 : memref<16x128xi32, #tpu.memory_space<vmem>>)
      tpu.yield
    }) : () -> ()
    %add3A_85 = arith.constant 64 : i32
    %add3A_86 = arith.addi %add3A_19, %add3A_85 : i32
    "tpu.region"() ({
      %run_scoped3A = tpu.sem_alloc : memref<!tpu.dma_semaphore, #tpu.memory_space<semaphore_mem>>
      %dma_start3A_100 = arith.constant 0 : i32
      %dma_start3A_101 = tpu.memref_slice %arg4[%add3A_86, %dma_start3A_100] : memref<2560x128xi32, #tpu.memory_space<hbm>> -> memref<16x128xi32, #tpu.memory_space<hbm>>
      %dma_start3A_102 = arith.constant 0 : i32
      %dma_start3A_103 = tpu.memref_slice %arg4[%add3A_86, %dma_start3A_102] : memref<2560x128xi32, #tpu.memory_space<hbm>> -> memref<16x128xi32, #tpu.memory_space<hbm>>
      tpu.enqueue_dma source(%dma_start3A_103 : memref<16x128xi32, #tpu.memory_space<hbm>>) target(%arg7 : memref<16x128xi32, #tpu.memory_space<vmem>>) target_semaphore(%run_scoped3A : memref<!tpu.dma_semaphore, #tpu.memory_space<semaphore_mem>>)
      %dma_wait3A = arith.constant 0 : i32
      %dma_wait3A_104 = tpu.memref_slice %arg4[%add3A_86, %dma_wait3A] : memref<2560x128xi32, #tpu.memory_space<hbm>> -> memref<16x128xi32, #tpu.memory_space<hbm>>
      %dma_wait3A_105 = arith.constant 0 : i32
      %dma_wait3A_106 = tpu.memref_slice %arg4[%add3A_86, %dma_wait3A_105] : memref<2560x128xi32, #tpu.memory_space<hbm>> -> memref<16x128xi32, #tpu.memory_space<hbm>>
      tpu.wait_dma2 semaphore(%run_scoped3A : memref<!tpu.dma_semaphore, #tpu.memory_space<semaphore_mem>>) src(%dma_wait3A_106 : memref<16x128xi32, #tpu.memory_space<hbm>>) dst(%arg7 : memref<16x128xi32, #tpu.memory_space<vmem>>)
      tpu.yield
    }) : () -> ()
    %dma_start3A_87 = arith.constant 0 : i32
    %dma_start3A_88 = arith.constant 0 : i32
    %dma_start3A_89 = tpu.memref_slice %arg6[%dma_start3A_87, %dma_start3A_88] : memref<16x128xi32, #tpu.memory_space<vmem>> -> memref<1x128xi32, #tpu.memory_space<vmem>>
    %dma_start3A_90 = tpu.memref_squeeze %dma_start3A_89 : memref<1x128xi32, #tpu.memory_space<vmem>> -> memref<128xi32, #tpu.memory_space<vmem>>
    %dma_start3A_91 = arith.constant 0 : i32
    %dma_start3A_92 = arith.constant 0 : i32
    %dma_start3A_93 = tpu.memref_slice %arg2[%dma_start3A_91, %dma_start3A_92] : memref<10240x128xf32, #tpu.memory_space<hbm>> -> memref<10240x128xf32, #tpu.memory_space<hbm>>
    tpu.enqueue_indirect_dma source(%dma_start3A_93 : memref<10240x128xf32, #tpu.memory_space<hbm>>) target(%arg8 : memref<128x128xf32, #tpu.memory_space<vmem>>) offsets(%dma_start3A_90 : memref<128xi32, #tpu.memory_space<vmem>>) semaphore(%arg11 : memref<!tpu.dma_semaphore, #tpu.memory_space<semaphore_mem>>)
    %scan3A_94 = arith.constant 0 : i32
    %scan3A_95 = arith.constant 8 : i32
    %scan3A_96 = arith.addi %scan3A_94, %scan3A_95 : i32
    %scan3A_97 = arith.constant 1 : i32
    scf.for %scan3A_100 = %scan3A_94 to %scan3A_96 step %scan3A_97  : i32 {
      %mul3A_101 = arith.constant 1 : i32
      %mul3A_102 = arith.muli %scan3A_100, %mul3A_101 : i32
      %add3A_103 = arith.constant 0 : i32
      %add3A_104 = arith.addi %add3A_103, %mul3A_102 : i32
      %mul3A_105 = arith.constant 2 : i32
      %mul3A_106 = arith.muli %mul3A_105, %add3A_104 : i32
      %dma_wait3A = arith.constant 0 : i32
      %dma_wait3A_107 = tpu.memref_slice %arg6[%mul3A_106, %dma_wait3A] : memref<16x128xi32, #tpu.memory_space<vmem>> -> memref<1x128xi32, #tpu.memory_space<vmem>>
      %dma_wait3A_108 = tpu.memref_squeeze %dma_wait3A_107 : memref<1x128xi32, #tpu.memory_space<vmem>> -> memref<128xi32, #tpu.memory_space<vmem>>
      %dma_wait3A_109 = arith.constant 0 : i32
      %dma_wait3A_110 = arith.constant 0 : i32
      %dma_wait3A_111 = tpu.memref_slice %arg2[%dma_wait3A_109, %dma_wait3A_110] : memref<10240x128xf32, #tpu.memory_space<hbm>> -> memref<10240x128xf32, #tpu.memory_space<hbm>>
      tpu.wait_indirect_dma semaphore(%arg11 : memref<!tpu.dma_semaphore, #tpu.memory_space<semaphore_mem>>) src(%dma_wait3A_111 : memref<10240x128xf32, #tpu.memory_space<hbm>>) dst(%arg8 : memref<128x128xf32, #tpu.memory_space<vmem>>)
      %add3A_112 = arith.constant 1 : i32
      %add3A_113 = arith.addi %mul3A_106, %add3A_112 : i32
      %dma_start3A_114 = arith.constant 0 : i32
      %dma_start3A_115 = tpu.memref_slice %arg6[%add3A_113, %dma_start3A_114] : memref<16x128xi32, #tpu.memory_space<vmem>> -> memref<1x128xi32, #tpu.memory_space<vmem>>
      %dma_start3A_116 = tpu.memref_squeeze %dma_start3A_115 : memref<1x128xi32, #tpu.memory_space<vmem>> -> memref<128xi32, #tpu.memory_space<vmem>>
      %dma_start3A_117 = arith.constant 0 : i32
      %dma_start3A_118 = arith.constant 0 : i32
      %dma_start3A_119 = tpu.memref_slice %arg2[%dma_start3A_117, %dma_start3A_118] : memref<10240x128xf32, #tpu.memory_space<hbm>> -> memref<10240x128xf32, #tpu.memory_space<hbm>>
      tpu.enqueue_indirect_dma source(%dma_start3A_119 : memref<10240x128xf32, #tpu.memory_space<hbm>>) target(%arg9 : memref<128x128xf32, #tpu.memory_space<vmem>>) offsets(%dma_start3A_116 : memref<128xi32, #tpu.memory_space<vmem>>) semaphore(%arg12 : memref<!tpu.dma_semaphore, #tpu.memory_space<semaphore_mem>>)
      "tpu.region"() ({
        %run_scoped3A = tpu.sem_alloc : memref<!tpu.dma_semaphore, #tpu.memory_space<semaphore_mem>>
        %dma_start3A_132 = arith.constant 0 : i32
        %dma_start3A_133 = tpu.memref_slice %arg7[%mul3A_106, %dma_start3A_132] : memref<16x128xi32, #tpu.memory_space<vmem>> -> memref<1x128xi32, #tpu.memory_space<vmem>>
        %dma_start3A_134 = tpu.memref_squeeze %dma_start3A_133 : memref<1x128xi32, #tpu.memory_space<vmem>> -> memref<128xi32, #tpu.memory_space<vmem>>
        %dma_start3A_135 = arith.constant 0 : i32
        %dma_start3A_136 = arith.constant 0 : i32
        %dma_start3A_137 = tpu.memref_slice %arg10[%dma_start3A_135, %dma_start3A_136] : memref<10240x128xf32, #tpu.memory_space<vmem_shared>> -> memref<10240x128xf32, #tpu.memory_space<vmem_shared>>
        tpu.enqueue_indirect_dma source(%arg8 : memref<128x128xf32, #tpu.memory_space<vmem>>) target(%dma_start3A_137 : memref<10240x128xf32, #tpu.memory_space<vmem_shared>>) offsets(%dma_start3A_134 : memref<128xi32, #tpu.memory_space<vmem>>) semaphore(%run_scoped3A : memref<!tpu.dma_semaphore, #tpu.memory_space<semaphore_mem>>) {add = true}
        %dma_wait3A_138 = arith.constant 0 : i32
        %dma_wait3A_139 = tpu.memref_slice %arg7[%mul3A_106, %dma_wait3A_138] : memref<16x128xi32, #tpu.memory_space<vmem>> -> memref<1x128xi32, #tpu.memory_space<vmem>>
        %dma_wait3A_140 = tpu.memref_squeeze %dma_wait3A_139 : memref<1x128xi32, #tpu.memory_space<vmem>> -> memref<128xi32, #tpu.memory_space<vmem>>
        %dma_wait3A_141 = arith.constant 0 : i32
        %dma_wait3A_142 = arith.constant 0 : i32
        %dma_wait3A_143 = tpu.memref_slice %arg10[%dma_wait3A_141, %dma_wait3A_142] : memref<10240x128xf32, #tpu.memory_space<vmem_shared>> -> memref<10240x128xf32, #tpu.memory_space<vmem_shared>>
        tpu.wait_indirect_dma semaphore(%run_scoped3A : memref<!tpu.dma_semaphore, #tpu.memory_space<semaphore_mem>>) src(%arg8 : memref<128x128xf32, #tpu.memory_space<vmem>>) dst(%dma_wait3A_143 : memref<10240x128xf32, #tpu.memory_space<vmem_shared>>)
        tpu.yield
      }) : () -> ()
      %add3A_120 = arith.constant 1 : i32
      %add3A_121 = arith.addi %mul3A_106, %add3A_120 : i32
      %dma_wait3A_122 = arith.constant 0 : i32
      %dma_wait3A_123 = tpu.memref_slice %arg6[%add3A_121, %dma_wait3A_122] : memref<16x128xi32, #tpu.memory_space<vmem>> -> memref<1x128xi32, #tpu.memory_space<vmem>>
      %dma_wait3A_124 = tpu.memref_squeeze %dma_wait3A_123 : memref<1x128xi32, #tpu.memory_space<vmem>> -> memref<128xi32, #tpu.memory_space<vmem>>
      %dma_wait3A_125 = arith.constant 0 : i32
      %dma_wait3A_126 = arith.constant 0 : i32
      %dma_wait3A_127 = tpu.memref_slice %arg2[%dma_wait3A_125, %dma_wait3A_126] : memref<10240x128xf32, #tpu.memory_space<hbm>> -> memref<10240x128xf32, #tpu.memory_space<hbm>>
      tpu.wait_indirect_dma semaphore(%arg12 : memref<!tpu.dma_semaphore, #tpu.memory_space<semaphore_mem>>) src(%dma_wait3A_127 : memref<10240x128xf32, #tpu.memory_space<hbm>>) dst(%arg9 : memref<128x128xf32, #tpu.memory_space<vmem>>)
      %lt3A = arith.constant 7 : i32
      %lt3A_128 = arith.cmpi slt, %add3A_104, %lt3A : i32
      %convert_element_type3A = arith.extui %lt3A_128 : i1 to i32
      %cond3A = arith.constant 0 : i32
      %cond3A_129 = arith.cmpi ne, %convert_element_type3A, %cond3A : i32
      scf.if %cond3A_129 {
        %add3A_132 = arith.constant 2 : i32
        %add3A_133 = arith.addi %mul3A_106, %add3A_132 : i32
        %dma_start3A_134 = arith.constant 0 : i32
        %dma_start3A_135 = tpu.memref_slice %arg6[%add3A_133, %dma_start3A_134] : memref<16x128xi32, #tpu.memory_space<vmem>> -> memref<1x128xi32, #tpu.memory_space<vmem>>
        %dma_start3A_136 = tpu.memref_squeeze %dma_start3A_135 : memref<1x128xi32, #tpu.memory_space<vmem>> -> memref<128xi32, #tpu.memory_space<vmem>>
        %dma_start3A_137 = arith.constant 0 : i32
        %dma_start3A_138 = arith.constant 0 : i32
        %dma_start3A_139 = tpu.memref_slice %arg2[%dma_start3A_137, %dma_start3A_138] : memref<10240x128xf32, #tpu.memory_space<hbm>> -> memref<10240x128xf32, #tpu.memory_space<hbm>>
        tpu.enqueue_indirect_dma source(%dma_start3A_139 : memref<10240x128xf32, #tpu.memory_space<hbm>>) target(%arg8 : memref<128x128xf32, #tpu.memory_space<vmem>>) offsets(%dma_start3A_136 : memref<128xi32, #tpu.memory_space<vmem>>) semaphore(%arg11 : memref<!tpu.dma_semaphore, #tpu.memory_space<semaphore_mem>>)
      } else {
      }
      %add3A_130 = arith.constant 1 : i32
      %add3A_131 = arith.addi %mul3A_106, %add3A_130 : i32
      "tpu.region"() ({
        %run_scoped3A = tpu.sem_alloc : memref<!tpu.dma_semaphore, #tpu.memory_space<semaphore_mem>>
        %dma_start3A_132 = arith.constant 0 : i32
        %dma_start3A_133 = tpu.memref_slice %arg7[%add3A_131, %dma_start3A_132] : memref<16x128xi32, #tpu.memory_space<vmem>> -> memref<1x128xi32, #tpu.memory_space<vmem>>
        %dma_start3A_134 = tpu.memref_squeeze %dma_start3A_133 : memref<1x128xi32, #tpu.memory_space<vmem>> -> memref<128xi32, #tpu.memory_space<vmem>>
        %dma_start3A_135 = arith.constant 0 : i32
        %dma_start3A_136 = arith.constant 0 : i32
        %dma_start3A_137 = tpu.memref_slice %arg10[%dma_start3A_135, %dma_start3A_136] : memref<10240x128xf32, #tpu.memory_space<vmem_shared>> -> memref<10240x128xf32, #tpu.memory_space<vmem_shared>>
        tpu.enqueue_indirect_dma source(%arg9 : memref<128x128xf32, #tpu.memory_space<vmem>>) target(%dma_start3A_137 : memref<10240x128xf32, #tpu.memory_space<vmem_shared>>) offsets(%dma_start3A_134 : memref<128xi32, #tpu.memory_space<vmem>>) semaphore(%run_scoped3A : memref<!tpu.dma_semaphore, #tpu.memory_space<semaphore_mem>>) {add = true}
        %dma_wait3A_138 = arith.constant 0 : i32
        %dma_wait3A_139 = tpu.memref_slice %arg7[%add3A_131, %dma_wait3A_138] : memref<16x128xi32, #tpu.memory_space<vmem>> -> memref<1x128xi32, #tpu.memory_space<vmem>>
        %dma_wait3A_140 = tpu.memref_squeeze %dma_wait3A_139 : memref<1x128xi32, #tpu.memory_space<vmem>> -> memref<128xi32, #tpu.memory_space<vmem>>
        %dma_wait3A_141 = arith.constant 0 : i32
        %dma_wait3A_142 = arith.constant 0 : i32
        %dma_wait3A_143 = tpu.memref_slice %arg10[%dma_wait3A_141, %dma_wait3A_142] : memref<10240x128xf32, #tpu.memory_space<vmem_shared>> -> memref<10240x128xf32, #tpu.memory_space<vmem_shared>>
        tpu.wait_indirect_dma semaphore(%run_scoped3A : memref<!tpu.dma_semaphore, #tpu.memory_space<semaphore_mem>>) src(%arg9 : memref<128x128xf32, #tpu.memory_space<vmem>>) dst(%dma_wait3A_143 : memref<10240x128xf32, #tpu.memory_space<vmem_shared>>)
        tpu.yield
      }) : () -> ()
    }
    %scan3A_98 = arith.constant 8 : i32
    %barrier3A_99 = arith.constant 0 : index
    tpu.barrier barrier_id(%barrier3A_99)
    "tpu.region"() ({
      %run_scoped3A = tpu.sem_alloc : memref<!tpu.dma_semaphore, #tpu.memory_space<semaphore_mem>>
      %dma_start3A_100 = arith.constant 0 : i32
      %dma_start3A_101 = tpu.memref_slice %arg5[%arg0, %mul3A_1, %dma_start3A_100] : memref<2x10240x128xf32, #tpu.memory_space<hbm>> -> memref<1x640x128xf32, #tpu.memory_space<hbm>>
      %dma_start3A_102 = tpu.memref_squeeze %dma_start3A_101 : memref<1x640x128xf32, #tpu.memory_space<hbm>> -> memref<640x128xf32, #tpu.memory_space<hbm>>
      %dma_start3A_103 = arith.constant 0 : i32
      %dma_start3A_104 = tpu.memref_slice %arg10[%mul3A_1, %dma_start3A_103] : memref<10240x128xf32, #tpu.memory_space<vmem_shared>> -> memref<640x128xf32, #tpu.memory_space<vmem_shared>>
      tpu.enqueue_dma source(%dma_start3A_104 : memref<640x128xf32, #tpu.memory_space<vmem_shared>>) target(%dma_start3A_102 : memref<640x128xf32, #tpu.memory_space<hbm>>) target_semaphore(%run_scoped3A : memref<!tpu.dma_semaphore, #tpu.memory_space<semaphore_mem>>)
      %dma_wait3A = arith.constant 0 : i32
      %dma_wait3A_105 = tpu.memref_slice %arg5[%arg0, %mul3A_1, %dma_wait3A] : memref<2x10240x128xf32, #tpu.memory_space<hbm>> -> memref<1x640x128xf32, #tpu.memory_space<hbm>>
      %dma_wait3A_106 = tpu.memref_squeeze %dma_wait3A_105 : memref<1x640x128xf32, #tpu.memory_space<hbm>> -> memref<640x128xf32, #tpu.memory_space<hbm>>
      %dma_wait3A_107 = arith.constant 0 : i32
      %dma_wait3A_108 = tpu.memref_slice %arg10[%mul3A_1, %dma_wait3A_107] : memref<10240x128xf32, #tpu.memory_space<vmem_shared>> -> memref<640x128xf32, #tpu.memory_space<vmem_shared>>
      tpu.wait_dma2 semaphore(%run_scoped3A : memref<!tpu.dma_semaphore, #tpu.memory_space<semaphore_mem>>) src(%dma_wait3A_108 : memref<640x128xf32, #tpu.memory_space<vmem_shared>>) dst(%dma_wait3A_106 : memref<640x128xf32, #tpu.memory_space<hbm>>)
      tpu.yield
    }) : () -> ()
    return
  }
}

#map = affine_map<(d0, d1) -> (0, 0)>
#map1 = affine_map<(d0, d1) -> (0, 0, 0)>
module attributes {stable_mosaic.version = 14 : i64} {
  func.func @agg_kernel(%arg0: i32, %arg1: i32, %arg2: memref<10240x128xf32, #tpu.memory_space<hbm>>, %arg3: memref<2560x128xi32, #tpu.memory_space<hbm>>, %arg4: memref<2560x128xi32, #tpu.memory_space<hbm>>, %arg5: memref<2x10240x128xf32, #tpu.memory_space<hbm>>, %arg6: memref<16x128xi32, #tpu.memory_space<vmem>>, %arg7: memref<16x128xi32, #tpu.memory_space<vmem>>, %arg8: memref<128x128xf32, #tpu.memory_space<vmem>>, %arg9: memref<128x128xf32, #tpu.memory_space<vmem>>, %arg10: memref<10240x128xf32, #tpu.memory_space<vmem_shared>>, %arg11: memref<!tpu.dma_semaphore, #tpu.memory_space<semaphore_mem>>, %arg12: memref<!tpu.dma_semaphore, #tpu.memory_space<semaphore_mem>>) attributes {dimension_semantics = [#tpu.dimension_semantics<core_parallel>, #tpu.dimension_semantics<subcore_parallel>], iteration_bounds = array<i64: 2, 16>, scalar_prefetch = 0 : i64, scratch_operands = 7 : i64, tpu.core_type = #tpu.core_type<sc_vector_subcore>, window_params = [{transform_indices = #map}, {transform_indices = #map}, {transform_indices = #map}, {transform_indices = #map1}]} {
    %broadcast_in_dim3A = arith.constant 0.000000e+00 : f32
    %broadcast_in_dim3A_0 = vector.broadcast %broadcast_in_dim3A : f32 to vector<16xf32>
    %mul3A = arith.constant 640 : i32
    %mul3A_1 = arith.muli %arg1, %mul3A : i32
    %scan3A = arith.constant 0 : i32
    %scan3A_2 = arith.constant 128 : i32
    %scan3A_3 = arith.addi %scan3A, %scan3A_2 : i32
    %scan3A_4 = arith.constant 1 : i32
    scf.for %scan3A_100 = %scan3A to %scan3A_3 step %scan3A_4  : i32 {
      %mul3A_101 = arith.constant 1 : i32
      %mul3A_102 = arith.muli %scan3A_100, %mul3A_101 : i32
      %add3A_103 = arith.constant 0 : i32
      %add3A_104 = arith.addi %add3A_103, %mul3A_102 : i32
      %swap3A = arith.index_cast %add3A_104 : i32 to index
      %swap3A_105 = arith.constant 0 : index
      %swap3A_106 = tpu.vector_load %arg8[%swap3A, %swap3A_105] {strides = array<i32>} : memref<128x128xf32, #tpu.memory_space<vmem>>, vector<1x16xf32>,
      %swap3A_107 = vector.shape_cast %swap3A_106 : vector<1x16xf32> to vector<16xf32>
      %swap3A_108 = vector.shape_cast %broadcast_in_dim3A_0 : vector<16xf32> to vector<1x16xf32>
      tpu.vector_store %arg8[%swap3A, %swap3A_105], %swap3A_108 {strides = array<i32>} : memref<128x128xf32, #tpu.memory_space<vmem>>, vector<1x16xf32>,
      %swap3A_109 = arith.index_cast %add3A_104 : i32 to index
      %swap3A_110 = arith.constant 16 : index
      %swap3A_111 = tpu.vector_load %arg8[%swap3A_109, %swap3A_110] {strides = array<i32>} : memref<128x128xf32, #tpu.memory_space<vmem>>, vector<1x16xf32>,
      %swap3A_112 = vector.shape_cast %swap3A_111 : vector<1x16xf32> to vector<16xf32>
      %swap3A_113 = vector.shape_cast %broadcast_in_dim3A_0 : vector<16xf32> to vector<1x16xf32>
      tpu.vector_store %arg8[%swap3A_109, %swap3A_110], %swap3A_113 {strides = array<i32>} : memref<128x128xf32, #tpu.memory_space<vmem>>, vector<1x16xf32>,
      %swap3A_114 = arith.index_cast %add3A_104 : i32 to index
      %swap3A_115 = arith.constant 32 : index
      %swap3A_116 = tpu.vector_load %arg8[%swap3A_114, %swap3A_115] {strides = array<i32>} : memref<128x128xf32, #tpu.memory_space<vmem>>, vector<1x16xf32>,
      %swap3A_117 = vector.shape_cast %swap3A_116 : vector<1x16xf32> to vector<16xf32>
      %swap3A_118 = vector.shape_cast %broadcast_in_dim3A_0 : vector<16xf32> to vector<1x16xf32>
      tpu.vector_store %arg8[%swap3A_114, %swap3A_115], %swap3A_118 {strides = array<i32>} : memref<128x128xf32, #tpu.memory_space<vmem>>, vector<1x16xf32>,
      %swap3A_119 = arith.index_cast %add3A_104 : i32 to index
      %swap3A_120 = arith.constant 48 : index
      %swap3A_121 = tpu.vector_load %arg8[%swap3A_119, %swap3A_120] {strides = array<i32>} : memref<128x128xf32, #tpu.memory_space<vmem>>, vector<1x16xf32>,
      %swap3A_122 = vector.shape_cast %swap3A_121 : vector<1x16xf32> to vector<16xf32>
      %swap3A_123 = vector.shape_cast %broadcast_in_dim3A_0 : vector<16xf32> to vector<1x16xf32>
      tpu.vector_store %arg8[%swap3A_119, %swap3A_120], %swap3A_123 {strides = array<i32>} : memref<128x128xf32, #tpu.memory_space<vmem>>, vector<1x16xf32>,
      %swap3A_124 = arith.index_cast %add3A_104 : i32 to index
      %swap3A_125 = arith.constant 64 : index
      %swap3A_126 = tpu.vector_load %arg8[%swap3A_124, %swap3A_125] {strides = array<i32>} : memref<128x128xf32, #tpu.memory_space<vmem>>, vector<1x16xf32>,
      %swap3A_127 = vector.shape_cast %swap3A_126 : vector<1x16xf32> to vector<16xf32>
      %swap3A_128 = vector.shape_cast %broadcast_in_dim3A_0 : vector<16xf32> to vector<1x16xf32>
      tpu.vector_store %arg8[%swap3A_124, %swap3A_125], %swap3A_128 {strides = array<i32>} : memref<128x128xf32, #tpu.memory_space<vmem>>, vector<1x16xf32>,
      %swap3A_129 = arith.index_cast %add3A_104 : i32 to index
      %swap3A_130 = arith.constant 80 : index
      %swap3A_131 = tpu.vector_load %arg8[%swap3A_129, %swap3A_130] {strides = array<i32>} : memref<128x128xf32, #tpu.memory_space<vmem>>, vector<1x16xf32>,
      %swap3A_132 = vector.shape_cast %swap3A_131 : vector<1x16xf32> to vector<16xf32>
      %swap3A_133 = vector.shape_cast %broadcast_in_dim3A_0 : vector<16xf32> to vector<1x16xf32>
      tpu.vector_store %arg8[%swap3A_129, %swap3A_130], %swap3A_133 {strides = array<i32>} : memref<128x128xf32, #tpu.memory_space<vmem>>, vector<1x16xf32>,
      %swap3A_134 = arith.index_cast %add3A_104 : i32 to index
      %swap3A_135 = arith.constant 96 : index
      %swap3A_136 = tpu.vector_load %arg8[%swap3A_134, %swap3A_135] {strides = array<i32>} : memref<128x128xf32, #tpu.memory_space<vmem>>, vector<1x16xf32>,
      %swap3A_137 = vector.shape_cast %swap3A_136 : vector<1x16xf32> to vector<16xf32>
      %swap3A_138 = vector.shape_cast %broadcast_in_dim3A_0 : vector<16xf32> to vector<1x16xf32>
      tpu.vector_store %arg8[%swap3A_134, %swap3A_135], %swap3A_138 {strides = array<i32>} : memref<128x128xf32, #tpu.memory_space<vmem>>, vector<1x16xf32>,
      %swap3A_139 = arith.index_cast %add3A_104 : i32 to index
      %swap3A_140 = arith.constant 112 : index
      %swap3A_141 = tpu.vector_load %arg8[%swap3A_139, %swap3A_140] {strides = array<i32>} : memref<128x128xf32, #tpu.memory_space<vmem>>, vector<1x16xf32>,
      %swap3A_142 = vector.shape_cast %swap3A_141 : vector<1x16xf32> to vector<16xf32>
      %swap3A_143 = vector.shape_cast %broadcast_in_dim3A_0 : vector<16xf32> to vector<1x16xf32>
      tpu.vector_store %arg8[%swap3A_139, %swap3A_140], %swap3A_143 {strides = array<i32>} : memref<128x128xf32, #tpu.memory_space<vmem>>, vector<1x16xf32>,
    }
    %scan3A_5 = arith.constant 128 : i32
    %add3A = arith.constant 0 : i32
    %add3A_6 = arith.addi %mul3A_1, %add3A : i32
    "tpu.region"() ({
      %run_scoped3A = tpu.sem_alloc : memref<!tpu.dma_semaphore, #tpu.memory_space<semaphore_mem>>
      %dma_start3A_100 = arith.constant 0 : i32
      %dma_start3A_101 = tpu.memref_slice %arg10[%add3A_6, %dma_start3A_100] : memref<10240x128xf32, #tpu.memory_space<vmem_shared>> -> memref<128x128xf32, #tpu.memory_space<vmem_shared>>
      %dma_start3A_102 = arith.constant 0 : i32
      %dma_start3A_103 = tpu.memref_slice %arg10[%add3A_6, %dma_start3A_102] : memref<10240x128xf32, #tpu.memory_space<vmem_shared>> -> memref<128x128xf32, #tpu.memory_space<vmem_shared>>
      tpu.enqueue_dma source(%arg8 : memref<128x128xf32, #tpu.memory_space<vmem>>) target(%dma_start3A_103 : memref<128x128xf32, #tpu.memory_space<vmem_shared>>) target_semaphore(%run_scoped3A : memref<!tpu.dma_semaphore, #tpu.memory_space<semaphore_mem>>)
      %dma_wait3A = arith.constant 0 : i32
      %dma_wait3A_104 = tpu.memref_slice %arg10[%add3A_6, %dma_wait3A] : memref<10240x128xf32, #tpu.memory_space<vmem_shared>> -> memref<128x128xf32, #tpu.memory_space<vmem_shared>>
      %dma_wait3A_105 = arith.constant 0 : i32
      %dma_wait3A_106 = tpu.memref_slice %arg10[%add3A_6, %dma_wait3A_105] : memref<10240x128xf32, #tpu.memory_space<vmem_shared>> -> memref<128x128xf32, #tpu.memory_space<vmem_shared>>
      tpu.wait_dma2 semaphore(%run_scoped3A : memref<!tpu.dma_semaphore, #tpu.memory_space<semaphore_mem>>) src(%arg8 : memref<128x128xf32, #tpu.memory_space<vmem>>) dst(%dma_wait3A_106 : memref<128x128xf32, #tpu.memory_space<vmem_shared>>)
      tpu.yield
    }) : () -> ()
    %add3A_7 = arith.constant 128 : i32
    %add3A_8 = arith.addi %mul3A_1, %add3A_7 : i32
    "tpu.region"() ({
      %run_scoped3A = tpu.sem_alloc : memref<!tpu.dma_semaphore, #tpu.memory_space<semaphore_mem>>
      %dma_start3A_100 = arith.constant 0 : i32
      %dma_start3A_101 = tpu.memref_slice %arg10[%add3A_8, %dma_start3A_100] : memref<10240x128xf32, #tpu.memory_space<vmem_shared>> -> memref<128x128xf32, #tpu.memory_space<vmem_shared>>
      %dma_start3A_102 = arith.constant 0 : i32
      %dma_start3A_103 = tpu.memref_slice %arg10[%add3A_8, %dma_start3A_102] : memref<10240x128xf32, #tpu.memory_space<vmem_shared>> -> memref<128x128xf32, #tpu.memory_space<vmem_shared>>
      tpu.enqueue_dma source(%arg8 : memref<128x128xf32, #tpu.memory_space<vmem>>) target(%dma_start3A_103 : memref<128x128xf32, #tpu.memory_space<vmem_shared>>) target_semaphore(%run_scoped3A : memref<!tpu.dma_semaphore, #tpu.memory_space<semaphore_mem>>)
      %dma_wait3A = arith.constant 0 : i32
      %dma_wait3A_104 = tpu.memref_slice %arg10[%add3A_8, %dma_wait3A] : memref<10240x128xf32, #tpu.memory_space<vmem_shared>> -> memref<128x128xf32, #tpu.memory_space<vmem_shared>>
      %dma_wait3A_105 = arith.constant 0 : i32
      %dma_wait3A_106 = tpu.memref_slice %arg10[%add3A_8, %dma_wait3A_105] : memref<10240x128xf32, #tpu.memory_space<vmem_shared>> -> memref<128x128xf32, #tpu.memory_space<vmem_shared>>
      tpu.wait_dma2 semaphore(%run_scoped3A : memref<!tpu.dma_semaphore, #tpu.memory_space<semaphore_mem>>) src(%arg8 : memref<128x128xf32, #tpu.memory_space<vmem>>) dst(%dma_wait3A_106 : memref<128x128xf32, #tpu.memory_space<vmem_shared>>)
      tpu.yield
    }) : () -> ()
    %add3A_9 = arith.constant 256 : i32
    %add3A_10 = arith.addi %mul3A_1, %add3A_9 : i32
    "tpu.region"() ({
      %run_scoped3A = tpu.sem_alloc : memref<!tpu.dma_semaphore, #tpu.memory_space<semaphore_mem>>
      %dma_start3A_100 = arith.constant 0 : i32
      %dma_start3A_101 = tpu.memref_slice %arg10[%add3A_10, %dma_start3A_100] : memref<10240x128xf32, #tpu.memory_space<vmem_shared>> -> memref<128x128xf32, #tpu.memory_space<vmem_shared>>
      %dma_start3A_102 = arith.constant 0 : i32
      %dma_start3A_103 = tpu.memref_slice %arg10[%add3A_10, %dma_start3A_102] : memref<10240x128xf32, #tpu.memory_space<vmem_shared>> -> memref<128x128xf32, #tpu.memory_space<vmem_shared>>
      tpu.enqueue_dma source(%arg8 : memref<128x128xf32, #tpu.memory_space<vmem>>) target(%dma_start3A_103 : memref<128x128xf32, #tpu.memory_space<vmem_shared>>) target_semaphore(%run_scoped3A : memref<!tpu.dma_semaphore, #tpu.memory_space<semaphore_mem>>)
      %dma_wait3A = arith.constant 0 : i32
      %dma_wait3A_104 = tpu.memref_slice %arg10[%add3A_10, %dma_wait3A] : memref<10240x128xf32, #tpu.memory_space<vmem_shared>> -> memref<128x128xf32, #tpu.memory_space<vmem_shared>>
      %dma_wait3A_105 = arith.constant 0 : i32
      %dma_wait3A_106 = tpu.memref_slice %arg10[%add3A_10, %dma_wait3A_105] : memref<10240x128xf32, #tpu.memory_space<vmem_shared>> -> memref<128x128xf32, #tpu.memory_space<vmem_shared>>
      tpu.wait_dma2 semaphore(%run_scoped3A : memref<!tpu.dma_semaphore, #tpu.memory_space<semaphore_mem>>) src(%arg8 : memref<128x128xf32, #tpu.memory_space<vmem>>) dst(%dma_wait3A_106 : memref<128x128xf32, #tpu.memory_space<vmem_shared>>)
      tpu.yield
    }) : () -> ()
    %add3A_11 = arith.constant 384 : i32
    %add3A_12 = arith.addi %mul3A_1, %add3A_11 : i32
    "tpu.region"() ({
      %run_scoped3A = tpu.sem_alloc : memref<!tpu.dma_semaphore, #tpu.memory_space<semaphore_mem>>
      %dma_start3A_100 = arith.constant 0 : i32
      %dma_start3A_101 = tpu.memref_slice %arg10[%add3A_12, %dma_start3A_100] : memref<10240x128xf32, #tpu.memory_space<vmem_shared>> -> memref<128x128xf32, #tpu.memory_space<vmem_shared>>
      %dma_start3A_102 = arith.constant 0 : i32
      %dma_start3A_103 = tpu.memref_slice %arg10[%add3A_12, %dma_start3A_102] : memref<10240x128xf32, #tpu.memory_space<vmem_shared>> -> memref<128x128xf32, #tpu.memory_space<vmem_shared>>
      tpu.enqueue_dma source(%arg8 : memref<128x128xf32, #tpu.memory_space<vmem>>) target(%dma_start3A_103 : memref<128x128xf32, #tpu.memory_space<vmem_shared>>) target_semaphore(%run_scoped3A : memref<!tpu.dma_semaphore, #tpu.memory_space<semaphore_mem>>)
      %dma_wait3A = arith.constant 0 : i32
      %dma_wait3A_104 = tpu.memref_slice %arg10[%add3A_12, %dma_wait3A] : memref<10240x128xf32, #tpu.memory_space<vmem_shared>> -> memref<128x128xf32, #tpu.memory_space<vmem_shared>>
      %dma_wait3A_105 = arith.constant 0 : i32
      %dma_wait3A_106 = tpu.memref_slice %arg10[%add3A_12, %dma_wait3A_105] : memref<10240x128xf32, #tpu.memory_space<vmem_shared>> -> memref<128x128xf32, #tpu.memory_space<vmem_shared>>
      tpu.wait_dma2 semaphore(%run_scoped3A : memref<!tpu.dma_semaphore, #tpu.memory_space<semaphore_mem>>) src(%arg8 : memref<128x128xf32, #tpu.memory_space<vmem>>) dst(%dma_wait3A_106 : memref<128x128xf32, #tpu.memory_space<vmem_shared>>)
      tpu.yield
    }) : () -> ()
    %add3A_13 = arith.constant 512 : i32
    %add3A_14 = arith.addi %mul3A_1, %add3A_13 : i32
    "tpu.region"() ({
      %run_scoped3A = tpu.sem_alloc : memref<!tpu.dma_semaphore, #tpu.memory_space<semaphore_mem>>
      %dma_start3A_100 = arith.constant 0 : i32
      %dma_start3A_101 = tpu.memref_slice %arg10[%add3A_14, %dma_start3A_100] : memref<10240x128xf32, #tpu.memory_space<vmem_shared>> -> memref<128x128xf32, #tpu.memory_space<vmem_shared>>
      %dma_start3A_102 = arith.constant 0 : i32
      %dma_start3A_103 = tpu.memref_slice %arg10[%add3A_14, %dma_start3A_102] : memref<10240x128xf32, #tpu.memory_space<vmem_shared>> -> memref<128x128xf32, #tpu.memory_space<vmem_shared>>
      tpu.enqueue_dma source(%arg8 : memref<128x128xf32, #tpu.memory_space<vmem>>) target(%dma_start3A_103 : memref<128x128xf32, #tpu.memory_space<vmem_shared>>) target_semaphore(%run_scoped3A : memref<!tpu.dma_semaphore, #tpu.memory_space<semaphore_mem>>)
      %dma_wait3A = arith.constant 0 : i32
      %dma_wait3A_104 = tpu.memref_slice %arg10[%add3A_14, %dma_wait3A] : memref<10240x128xf32, #tpu.memory_space<vmem_shared>> -> memref<128x128xf32, #tpu.memory_space<vmem_shared>>
      %dma_wait3A_105 = arith.constant 0 : i32
      %dma_wait3A_106 = tpu.memref_slice %arg10[%add3A_14, %dma_wait3A_105] : memref<10240x128xf32, #tpu.memory_space<vmem_shared>> -> memref<128x128xf32, #tpu.memory_space<vmem_shared>>
      tpu.wait_dma2 semaphore(%run_scoped3A : memref<!tpu.dma_semaphore, #tpu.memory_space<semaphore_mem>>) src(%arg8 : memref<128x128xf32, #tpu.memory_space<vmem>>) dst(%dma_wait3A_106 : memref<128x128xf32, #tpu.memory_space<vmem_shared>>)
      tpu.yield
    }) : () -> ()
    %barrier3A = arith.constant 0 : index
    tpu.barrier barrier_id(%barrier3A)
    %mul3A_15 = arith.constant 1280 : i32
    %mul3A_16 = arith.muli %arg0, %mul3A_15 : i32
    %mul3A_17 = arith.constant 80 : i32
    %mul3A_18 = arith.muli %arg1, %mul3A_17 : i32
    %add3A_19 = arith.addi %mul3A_16, %mul3A_18 : i32
    %add3A_20 = arith.constant 0 : i32
    %add3A_21 = arith.addi %add3A_19, %add3A_20 : i32
    "tpu.region"() ({
      %run_scoped3A = tpu.sem_alloc : memref<!tpu.dma_semaphore, #tpu.memory_space<semaphore_mem>>
      %dma_start3A_100 = arith.constant 0 : i32
      %dma_start3A_101 = tpu.memref_slice %arg3[%add3A_21, %dma_start3A_100] : memref<2560x128xi32, #tpu.memory_space<hbm>> -> memref<16x128xi32, #tpu.memory_space<hbm>>
      %dma_start3A_102 = arith.constant 0 : i32
      %dma_start3A_103 = tpu.memref_slice %arg3[%add3A_21, %dma_start3A_102] : memref<2560x128xi32, #tpu.memory_space<hbm>> -> memref<16x128xi32, #tpu.memory_space<hbm>>
      tpu.enqueue_dma source(%dma_start3A_103 : memref<16x128xi32, #tpu.memory_space<hbm>>) target(%arg6 : memref<16x128xi32, #tpu.memory_space<vmem>>) target_semaphore(%run_scoped3A : memref<!tpu.dma_semaphore, #tpu.memory_space<semaphore_mem>>)
      %dma_wait3A = arith.constant 0 : i32
      %dma_wait3A_104 = tpu.memref_slice %arg3[%add3A_21, %dma_wait3A] : memref<2560x128xi32, #tpu.memory_space<hbm>> -> memref<16x128xi32, #tpu.memory_space<hbm>>
      %dma_wait3A_105 = arith.constant 0 : i32
      %dma_wait3A_106 = tpu.memref_slice %arg3[%add3A_21, %dma_wait3A_105] : memref<2560x128xi32, #tpu.memory_space<hbm>> -> memref<16x128xi32, #tpu.memory_space<hbm>>
      tpu.wait_dma2 semaphore(%run_scoped3A : memref<!tpu.dma_semaphore, #tpu.memory_space<semaphore_mem>>) src(%dma_wait3A_106 : memref<16x128xi32, #tpu.memory_space<hbm>>) dst(%arg6 : memref<16x128xi32, #tpu.memory_space<vmem>>)
      tpu.yield
    }) : () -> ()
    %add3A_22 = arith.constant 0 : i32
    %add3A_23 = arith.addi %add3A_19, %add3A_22 : i32
    "tpu.region"() ({
      %run_scoped3A = tpu.sem_alloc : memref<!tpu.dma_semaphore, #tpu.memory_space<semaphore_mem>>
      %dma_start3A_100 = arith.constant 0 : i32
      %dma_start3A_101 = tpu.memref_slice %arg4[%add3A_23, %dma_start3A_100] : memref<2560x128xi32, #tpu.memory_space<hbm>> -> memref<16x128xi32, #tpu.memory_space<hbm>>
      %dma_start3A_102 = arith.constant 0 : i32
      %dma_start3A_103 = tpu.memref_slice %arg4[%add3A_23, %dma_start3A_102] : memref<2560x128xi32, #tpu.memory_space<hbm>> -> memref<16x128xi32, #tpu.memory_space<hbm>>
      tpu.enqueue_dma source(%dma_start3A_103 : memref<16x128xi32, #tpu.memory_space<hbm>>) target(%arg7 : memref<16x128xi32, #tpu.memory_space<vmem>>) target_semaphore(%run_scoped3A : memref<!tpu.dma_semaphore, #tpu.memory_space<semaphore_mem>>)
      %dma_wait3A = arith.constant 0 : i32
      %dma_wait3A_104 = tpu.memref_slice %arg4[%add3A_23, %dma_wait3A] : memref<2560x128xi32, #tpu.memory_space<hbm>> -> memref<16x128xi32, #tpu.memory_space<hbm>>
      %dma_wait3A_105 = arith.constant 0 : i32
      %dma_wait3A_106 = tpu.memref_slice %arg4[%add3A_23, %dma_wait3A_105] : memref<2560x128xi32, #tpu.memory_space<hbm>> -> memref<16x128xi32, #tpu.memory_space<hbm>>
      tpu.wait_dma2 semaphore(%run_scoped3A : memref<!tpu.dma_semaphore, #tpu.memory_space<semaphore_mem>>) src(%dma_wait3A_106 : memref<16x128xi32, #tpu.memory_space<hbm>>) dst(%arg7 : memref<16x128xi32, #tpu.memory_space<vmem>>)
      tpu.yield
    }) : () -> ()
    %dma_start3A = arith.constant 0 : i32
    %dma_start3A_24 = arith.constant 0 : i32
    %dma_start3A_25 = tpu.memref_slice %arg6[%dma_start3A, %dma_start3A_24] : memref<16x128xi32, #tpu.memory_space<vmem>> -> memref<1x128xi32, #tpu.memory_space<vmem>>
    %dma_start3A_26 = tpu.memref_squeeze %dma_start3A_25 : memref<1x128xi32, #tpu.memory_space<vmem>> -> memref<128xi32, #tpu.memory_space<vmem>>
    %dma_start3A_27 = arith.constant 0 : i32
    %dma_start3A_28 = arith.constant 0 : i32
    %dma_start3A_29 = tpu.memref_slice %arg2[%dma_start3A_27, %dma_start3A_28] : memref<10240x128xf32, #tpu.memory_space<hbm>> -> memref<10240x128xf32, #tpu.memory_space<hbm>>
    tpu.enqueue_indirect_dma source(%dma_start3A_29 : memref<10240x128xf32, #tpu.memory_space<hbm>>) target(%arg8 : memref<128x128xf32, #tpu.memory_space<vmem>>) offsets(%dma_start3A_26 : memref<128xi32, #tpu.memory_space<vmem>>) semaphore(%arg11 : memref<!tpu.dma_semaphore, #tpu.memory_space<semaphore_mem>>)
    %scan3A_30 = arith.constant 0 : i32
    %scan3A_31 = arith.constant 8 : i32
    %scan3A_32 = arith.addi %scan3A_30, %scan3A_31 : i32
    %scan3A_33 = arith.constant 1 : i32
    scf.for %scan3A_100 = %scan3A_30 to %scan3A_32 step %scan3A_33  : i32 {
      %mul3A_101 = arith.constant 1 : i32
      %mul3A_102 = arith.muli %scan3A_100, %mul3A_101 : i32
      %add3A_103 = arith.constant 0 : i32
      %add3A_104 = arith.addi %add3A_103, %mul3A_102 : i32
      %mul3A_105 = arith.constant 2 : i32
      %mul3A_106 = arith.muli %mul3A_105, %add3A_104 : i32
      %dma_wait3A = arith.constant 0 : i32
      %dma_wait3A_107 = tpu.memref_slice %arg6[%mul3A_106, %dma_wait3A] : memref<16x128xi32, #tpu.memory_space<vmem>> -> memref<1x128xi32, #tpu.memory_space<vmem>>
      %dma_wait3A_108 = tpu.memref_squeeze %dma_wait3A_107 : memref<1x128xi32, #tpu.memory_space<vmem>> -> memref<128xi32, #tpu.memory_space<vmem>>
      %dma_wait3A_109 = arith.constant 0 : i32
      %dma_wait3A_110 = arith.constant 0 : i32
      %dma_wait3A_111 = tpu.memref_slice %arg2[%dma_wait3A_109, %dma_wait3A_110] : memref<10240x128xf32, #tpu.memory_space<hbm>> -> memref<10240x128xf32, #tpu.memory_space<hbm>>
      tpu.wait_indirect_dma semaphore(%arg11 : memref<!tpu.dma_semaphore, #tpu.memory_space<semaphore_mem>>) src(%dma_wait3A_111 : memref<10240x128xf32, #tpu.memory_space<hbm>>) dst(%arg8 : memref<128x128xf32, #tpu.memory_space<vmem>>)
      %add3A_112 = arith.constant 1 : i32
      %add3A_113 = arith.addi %mul3A_106, %add3A_112 : i32
      %dma_start3A_114 = arith.constant 0 : i32
      %dma_start3A_115 = tpu.memref_slice %arg6[%add3A_113, %dma_start3A_114] : memref<16x128xi32, #tpu.memory_space<vmem>> -> memref<1x128xi32, #tpu.memory_space<vmem>>
      %dma_start3A_116 = tpu.memref_squeeze %dma_start3A_115 : memref<1x128xi32, #tpu.memory_space<vmem>> -> memref<128xi32, #tpu.memory_space<vmem>>
      %dma_start3A_117 = arith.constant 0 : i32
      %dma_start3A_118 = arith.constant 0 : i32
      %dma_start3A_119 = tpu.memref_slice %arg2[%dma_start3A_117, %dma_start3A_118] : memref<10240x128xf32, #tpu.memory_space<hbm>> -> memref<10240x128xf32, #tpu.memory_space<hbm>>
      tpu.enqueue_indirect_dma source(%dma_start3A_119 : memref<10240x128xf32, #tpu.memory_space<hbm>>) target(%arg9 : memref<128x128xf32, #tpu.memory_space<vmem>>) offsets(%dma_start3A_116 : memref<128xi32, #tpu.memory_space<vmem>>) semaphore(%arg12 : memref<!tpu.dma_semaphore, #tpu.memory_space<semaphore_mem>>)
      "tpu.region"() ({
        %run_scoped3A = tpu.sem_alloc : memref<!tpu.dma_semaphore, #tpu.memory_space<semaphore_mem>>
        %dma_start3A_132 = arith.constant 0 : i32
        %dma_start3A_133 = tpu.memref_slice %arg7[%mul3A_106, %dma_start3A_132] : memref<16x128xi32, #tpu.memory_space<vmem>> -> memref<1x128xi32, #tpu.memory_space<vmem>>
        %dma_start3A_134 = tpu.memref_squeeze %dma_start3A_133 : memref<1x128xi32, #tpu.memory_space<vmem>> -> memref<128xi32, #tpu.memory_space<vmem>>
        %dma_start3A_135 = arith.constant 0 : i32
        %dma_start3A_136 = arith.constant 0 : i32
        %dma_start3A_137 = tpu.memref_slice %arg10[%dma_start3A_135, %dma_start3A_136] : memref<10240x128xf32, #tpu.memory_space<vmem_shared>> -> memref<10240x128xf32, #tpu.memory_space<vmem_shared>>
        tpu.enqueue_indirect_dma source(%arg8 : memref<128x128xf32, #tpu.memory_space<vmem>>) target(%dma_start3A_137 : memref<10240x128xf32, #tpu.memory_space<vmem_shared>>) offsets(%dma_start3A_134 : memref<128xi32, #tpu.memory_space<vmem>>) semaphore(%run_scoped3A : memref<!tpu.dma_semaphore, #tpu.memory_space<semaphore_mem>>) {add = true}
        %dma_wait3A_138 = arith.constant 0 : i32
        %dma_wait3A_139 = tpu.memref_slice %arg7[%mul3A_106, %dma_wait3A_138] : memref<16x128xi32, #tpu.memory_space<vmem>> -> memref<1x128xi32, #tpu.memory_space<vmem>>
        %dma_wait3A_140 = tpu.memref_squeeze %dma_wait3A_139 : memref<1x128xi32, #tpu.memory_space<vmem>> -> memref<128xi32, #tpu.memory_space<vmem>>
        %dma_wait3A_141 = arith.constant 0 : i32
        %dma_wait3A_142 = arith.constant 0 : i32
        %dma_wait3A_143 = tpu.memref_slice %arg10[%dma_wait3A_141, %dma_wait3A_142] : memref<10240x128xf32, #tpu.memory_space<vmem_shared>> -> memref<10240x128xf32, #tpu.memory_space<vmem_shared>>
        tpu.wait_indirect_dma semaphore(%run_scoped3A : memref<!tpu.dma_semaphore, #tpu.memory_space<semaphore_mem>>) src(%arg8 : memref<128x128xf32, #tpu.memory_space<vmem>>) dst(%dma_wait3A_143 : memref<10240x128xf32, #tpu.memory_space<vmem_shared>>)
        tpu.yield
      }) : () -> ()
      %add3A_120 = arith.constant 1 : i32
      %add3A_121 = arith.addi %mul3A_106, %add3A_120 : i32
      %dma_wait3A_122 = arith.constant 0 : i32
      %dma_wait3A_123 = tpu.memref_slice %arg6[%add3A_121, %dma_wait3A_122] : memref<16x128xi32, #tpu.memory_space<vmem>> -> memref<1x128xi32, #tpu.memory_space<vmem>>
      %dma_wait3A_124 = tpu.memref_squeeze %dma_wait3A_123 : memref<1x128xi32, #tpu.memory_space<vmem>> -> memref<128xi32, #tpu.memory_space<vmem>>
      %dma_wait3A_125 = arith.constant 0 : i32
      %dma_wait3A_126 = arith.constant 0 : i32
      %dma_wait3A_127 = tpu.memref_slice %arg2[%dma_wait3A_125, %dma_wait3A_126] : memref<10240x128xf32, #tpu.memory_space<hbm>> -> memref<10240x128xf32, #tpu.memory_space<hbm>>
      tpu.wait_indirect_dma semaphore(%arg12 : memref<!tpu.dma_semaphore, #tpu.memory_space<semaphore_mem>>) src(%dma_wait3A_127 : memref<10240x128xf32, #tpu.memory_space<hbm>>) dst(%arg9 : memref<128x128xf32, #tpu.memory_space<vmem>>)
      %lt3A = arith.constant 7 : i32
      %lt3A_128 = arith.cmpi slt, %add3A_104, %lt3A : i32
      %convert_element_type3A = arith.extui %lt3A_128 : i1 to i32
      %cond3A = arith.constant 0 : i32
      %cond3A_129 = arith.cmpi ne, %convert_element_type3A, %cond3A : i32
      scf.if %cond3A_129 {
        %add3A_132 = arith.constant 2 : i32
        %add3A_133 = arith.addi %mul3A_106, %add3A_132 : i32
        %dma_start3A_134 = arith.constant 0 : i32
        %dma_start3A_135 = tpu.memref_slice %arg6[%add3A_133, %dma_start3A_134] : memref<16x128xi32, #tpu.memory_space<vmem>> -> memref<1x128xi32, #tpu.memory_space<vmem>>
        %dma_start3A_136 = tpu.memref_squeeze %dma_start3A_135 : memref<1x128xi32, #tpu.memory_space<vmem>> -> memref<128xi32, #tpu.memory_space<vmem>>
        %dma_start3A_137 = arith.constant 0 : i32
        %dma_start3A_138 = arith.constant 0 : i32
        %dma_start3A_139 = tpu.memref_slice %arg2[%dma_start3A_137, %dma_start3A_138] : memref<10240x128xf32, #tpu.memory_space<hbm>> -> memref<10240x128xf32, #tpu.memory_space<hbm>>
        tpu.enqueue_indirect_dma source(%dma_start3A_139 : memref<10240x128xf32, #tpu.memory_space<hbm>>) target(%arg8 : memref<128x128xf32, #tpu.memory_space<vmem>>) offsets(%dma_start3A_136 : memref<128xi32, #tpu.memory_space<vmem>>) semaphore(%arg11 : memref<!tpu.dma_semaphore, #tpu.memory_space<semaphore_mem>>)
      } else {
      }
      %add3A_130 = arith.constant 1 : i32
      %add3A_131 = arith.addi %mul3A_106, %add3A_130 : i32
      "tpu.region"() ({
        %run_scoped3A = tpu.sem_alloc : memref<!tpu.dma_semaphore, #tpu.memory_space<semaphore_mem>>
        %dma_start3A_132 = arith.constant 0 : i32
        %dma_start3A_133 = tpu.memref_slice %arg7[%add3A_131, %dma_start3A_132] : memref<16x128xi32, #tpu.memory_space<vmem>> -> memref<1x128xi32, #tpu.memory_space<vmem>>
        %dma_start3A_134 = tpu.memref_squeeze %dma_start3A_133 : memref<1x128xi32, #tpu.memory_space<vmem>> -> memref<128xi32, #tpu.memory_space<vmem>>
        %dma_start3A_135 = arith.constant 0 : i32
        %dma_start3A_136 = arith.constant 0 : i32
        %dma_start3A_137 = tpu.memref_slice %arg10[%dma_start3A_135, %dma_start3A_136] : memref<10240x128xf32, #tpu.memory_space<vmem_shared>> -> memref<10240x128xf32, #tpu.memory_space<vmem_shared>>
        tpu.enqueue_indirect_dma source(%arg9 : memref<128x128xf32, #tpu.memory_space<vmem>>) target(%dma_start3A_137 : memref<10240x128xf32, #tpu.memory_space<vmem_shared>>) offsets(%dma_start3A_134 : memref<128xi32, #tpu.memory_space<vmem>>) semaphore(%run_scoped3A : memref<!tpu.dma_semaphore, #tpu.memory_space<semaphore_mem>>) {add = true}
        %dma_wait3A_138 = arith.constant 0 : i32
        %dma_wait3A_139 = tpu.memref_slice %arg7[%add3A_131, %dma_wait3A_138] : memref<16x128xi32, #tpu.memory_space<vmem>> -> memref<1x128xi32, #tpu.memory_space<vmem>>
        %dma_wait3A_140 = tpu.memref_squeeze %dma_wait3A_139 : memref<1x128xi32, #tpu.memory_space<vmem>> -> memref<128xi32, #tpu.memory_space<vmem>>
        %dma_wait3A_141 = arith.constant 0 : i32
        %dma_wait3A_142 = arith.constant 0 : i32
        %dma_wait3A_143 = tpu.memref_slice %arg10[%dma_wait3A_141, %dma_wait3A_142] : memref<10240x128xf32, #tpu.memory_space<vmem_shared>> -> memref<10240x128xf32, #tpu.memory_space<vmem_shared>>
        tpu.wait_indirect_dma semaphore(%run_scoped3A : memref<!tpu.dma_semaphore, #tpu.memory_space<semaphore_mem>>) src(%arg9 : memref<128x128xf32, #tpu.memory_space<vmem>>) dst(%dma_wait3A_143 : memref<10240x128xf32, #tpu.memory_space<vmem_shared>>)
        tpu.yield
      }) : () -> ()
    }
    %scan3A_34 = arith.constant 8 : i32
    %add3A_35 = arith.constant 16 : i32
    %add3A_36 = arith.addi %add3A_19, %add3A_35 : i32
    "tpu.region"() ({
      %run_scoped3A = tpu.sem_alloc : memref<!tpu.dma_semaphore, #tpu.memory_space<semaphore_mem>>
      %dma_start3A_100 = arith.constant 0 : i32
      %dma_start3A_101 = tpu.memref_slice %arg3[%add3A_36, %dma_start3A_100] : memref<2560x128xi32, #tpu.memory_space<hbm>> -> memref<16x128xi32, #tpu.memory_space<hbm>>
      %dma_start3A_102 = arith.constant 0 : i32
      %dma_start3A_103 = tpu.memref_slice %arg3[%add3A_36, %dma_start3A_102] : memref<2560x128xi32, #tpu.memory_space<hbm>> -> memref<16x128xi32, #tpu.memory_space<hbm>>
      tpu.enqueue_dma source(%dma_start3A_103 : memref<16x128xi32, #tpu.memory_space<hbm>>) target(%arg6 : memref<16x128xi32, #tpu.memory_space<vmem>>) target_semaphore(%run_scoped3A : memref<!tpu.dma_semaphore, #tpu.memory_space<semaphore_mem>>)
      %dma_wait3A = arith.constant 0 : i32
      %dma_wait3A_104 = tpu.memref_slice %arg3[%add3A_36, %dma_wait3A] : memref<2560x128xi32, #tpu.memory_space<hbm>> -> memref<16x128xi32, #tpu.memory_space<hbm>>
      %dma_wait3A_105 = arith.constant 0 : i32
      %dma_wait3A_106 = tpu.memref_slice %arg3[%add3A_36, %dma_wait3A_105] : memref<2560x128xi32, #tpu.memory_space<hbm>> -> memref<16x128xi32, #tpu.memory_space<hbm>>
      tpu.wait_dma2 semaphore(%run_scoped3A : memref<!tpu.dma_semaphore, #tpu.memory_space<semaphore_mem>>) src(%dma_wait3A_106 : memref<16x128xi32, #tpu.memory_space<hbm>>) dst(%arg6 : memref<16x128xi32, #tpu.memory_space<vmem>>)
      tpu.yield
    }) : () -> ()
    %add3A_37 = arith.constant 16 : i32
    %add3A_38 = arith.addi %add3A_19, %add3A_37 : i32
    "tpu.region"() ({
      %run_scoped3A = tpu.sem_alloc : memref<!tpu.dma_semaphore, #tpu.memory_space<semaphore_mem>>
      %dma_start3A_100 = arith.constant 0 : i32
      %dma_start3A_101 = tpu.memref_slice %arg4[%add3A_38, %dma_start3A_100] : memref<2560x128xi32, #tpu.memory_space<hbm>> -> memref<16x128xi32, #tpu.memory_space<hbm>>
      %dma_start3A_102 = arith.constant 0 : i32
      %dma_start3A_103 = tpu.memref_slice %arg4[%add3A_38, %dma_start3A_102] : memref<2560x128xi32, #tpu.memory_space<hbm>> -> memref<16x128xi32, #tpu.memory_space<hbm>>
      tpu.enqueue_dma source(%dma_start3A_103 : memref<16x128xi32, #tpu.memory_space<hbm>>) target(%arg7 : memref<16x128xi32, #tpu.memory_space<vmem>>) target_semaphore(%run_scoped3A : memref<!tpu.dma_semaphore, #tpu.memory_space<semaphore_mem>>)
      %dma_wait3A = arith.constant 0 : i32
      %dma_wait3A_104 = tpu.memref_slice %arg4[%add3A_38, %dma_wait3A] : memref<2560x128xi32, #tpu.memory_space<hbm>> -> memref<16x128xi32, #tpu.memory_space<hbm>>
      %dma_wait3A_105 = arith.constant 0 : i32
      %dma_wait3A_106 = tpu.memref_slice %arg4[%add3A_38, %dma_wait3A_105] : memref<2560x128xi32, #tpu.memory_space<hbm>> -> memref<16x128xi32, #tpu.memory_space<hbm>>
      tpu.wait_dma2 semaphore(%run_scoped3A : memref<!tpu.dma_semaphore, #tpu.memory_space<semaphore_mem>>) src(%dma_wait3A_106 : memref<16x128xi32, #tpu.memory_space<hbm>>) dst(%arg7 : memref<16x128xi32, #tpu.memory_space<vmem>>)
      tpu.yield
    }) : () -> ()
    %dma_start3A_39 = arith.constant 0 : i32
    %dma_start3A_40 = arith.constant 0 : i32
    %dma_start3A_41 = tpu.memref_slice %arg6[%dma_start3A_39, %dma_start3A_40] : memref<16x128xi32, #tpu.memory_space<vmem>> -> memref<1x128xi32, #tpu.memory_space<vmem>>
    %dma_start3A_42 = tpu.memref_squeeze %dma_start3A_41 : memref<1x128xi32, #tpu.memory_space<vmem>> -> memref<128xi32, #tpu.memory_space<vmem>>
    %dma_start3A_43 = arith.constant 0 : i32
    %dma_start3A_44 = arith.constant 0 : i32
    %dma_start3A_45 = tpu.memref_slice %arg2[%dma_start3A_43, %dma_start3A_44] : memref<10240x128xf32, #tpu.memory_space<hbm>> -> memref<10240x128xf32, #tpu.memory_space<hbm>>
    tpu.enqueue_indirect_dma source(%dma_start3A_45 : memref<10240x128xf32, #tpu.memory_space<hbm>>) target(%arg8 : memref<128x128xf32, #tpu.memory_space<vmem>>) offsets(%dma_start3A_42 : memref<128xi32, #tpu.memory_space<vmem>>) semaphore(%arg11 : memref<!tpu.dma_semaphore, #tpu.memory_space<semaphore_mem>>)
    %scan3A_46 = arith.constant 0 : i32
    %scan3A_47 = arith.constant 8 : i32
    %scan3A_48 = arith.addi %scan3A_46, %scan3A_47 : i32
    %scan3A_49 = arith.constant 1 : i32
    scf.for %scan3A_100 = %scan3A_46 to %scan3A_48 step %scan3A_49  : i32 {
      %mul3A_101 = arith.constant 1 : i32
      %mul3A_102 = arith.muli %scan3A_100, %mul3A_101 : i32
      %add3A_103 = arith.constant 0 : i32
      %add3A_104 = arith.addi %add3A_103, %mul3A_102 : i32
      %mul3A_105 = arith.constant 2 : i32
      %mul3A_106 = arith.muli %mul3A_105, %add3A_104 : i32
      %dma_wait3A = arith.constant 0 : i32
      %dma_wait3A_107 = tpu.memref_slice %arg6[%mul3A_106, %dma_wait3A] : memref<16x128xi32, #tpu.memory_space<vmem>> -> memref<1x128xi32, #tpu.memory_space<vmem>>
      %dma_wait3A_108 = tpu.memref_squeeze %dma_wait3A_107 : memref<1x128xi32, #tpu.memory_space<vmem>> -> memref<128xi32, #tpu.memory_space<vmem>>
      %dma_wait3A_109 = arith.constant 0 : i32
      %dma_wait3A_110 = arith.constant 0 : i32
      %dma_wait3A_111 = tpu.memref_slice %arg2[%dma_wait3A_109, %dma_wait3A_110] : memref<10240x128xf32, #tpu.memory_space<hbm>> -> memref<10240x128xf32, #tpu.memory_space<hbm>>
      tpu.wait_indirect_dma semaphore(%arg11 : memref<!tpu.dma_semaphore, #tpu.memory_space<semaphore_mem>>) src(%dma_wait3A_111 : memref<10240x128xf32, #tpu.memory_space<hbm>>) dst(%arg8 : memref<128x128xf32, #tpu.memory_space<vmem>>)
      %add3A_112 = arith.constant 1 : i32
      %add3A_113 = arith.addi %mul3A_106, %add3A_112 : i32
      %dma_start3A_114 = arith.constant 0 : i32
      %dma_start3A_115 = tpu.memref_slice %arg6[%add3A_113, %dma_start3A_114] : memref<16x128xi32, #tpu.memory_space<vmem>> -> memref<1x128xi32, #tpu.memory_space<vmem>>
      %dma_start3A_116 = tpu.memref_squeeze %dma_start3A_115 : memref<1x128xi32, #tpu.memory_space<vmem>> -> memref<128xi32, #tpu.memory_space<vmem>>
      %dma_start3A_117 = arith.constant 0 : i32
      %dma_start3A_118 = arith.constant 0 : i32
      %dma_start3A_119 = tpu.memref_slice %arg2[%dma_start3A_117, %dma_start3A_118] : memref<10240x128xf32, #tpu.memory_space<hbm>> -> memref<10240x128xf32, #tpu.memory_space<hbm>>
      tpu.enqueue_indirect_dma source(%dma_start3A_119 : memref<10240x128xf32, #tpu.memory_space<hbm>>) target(%arg9 : memref<128x128xf32, #tpu.memory_space<vmem>>) offsets(%dma_start3A_116 : memref<128xi32, #tpu.memory_space<vmem>>) semaphore(%arg12 : memref<!tpu.dma_semaphore, #tpu.memory_space<semaphore_mem>>)
      "tpu.region"() ({
        %run_scoped3A = tpu.sem_alloc : memref<!tpu.dma_semaphore, #tpu.memory_space<semaphore_mem>>
        %dma_start3A_132 = arith.constant 0 : i32
        %dma_start3A_133 = tpu.memref_slice %arg7[%mul3A_106, %dma_start3A_132] : memref<16x128xi32, #tpu.memory_space<vmem>> -> memref<1x128xi32, #tpu.memory_space<vmem>>
        %dma_start3A_134 = tpu.memref_squeeze %dma_start3A_133 : memref<1x128xi32, #tpu.memory_space<vmem>> -> memref<128xi32, #tpu.memory_space<vmem>>
        %dma_start3A_135 = arith.constant 0 : i32
        %dma_start3A_136 = arith.constant 0 : i32
        %dma_start3A_137 = tpu.memref_slice %arg10[%dma_start3A_135, %dma_start3A_136] : memref<10240x128xf32, #tpu.memory_space<vmem_shared>> -> memref<10240x128xf32, #tpu.memory_space<vmem_shared>>
        tpu.enqueue_indirect_dma source(%arg8 : memref<128x128xf32, #tpu.memory_space<vmem>>) target(%dma_start3A_137 : memref<10240x128xf32, #tpu.memory_space<vmem_shared>>) offsets(%dma_start3A_134 : memref<128xi32, #tpu.memory_space<vmem>>) semaphore(%run_scoped3A : memref<!tpu.dma_semaphore, #tpu.memory_space<semaphore_mem>>) {add = true}
        %dma_wait3A_138 = arith.constant 0 : i32
        %dma_wait3A_139 = tpu.memref_slice %arg7[%mul3A_106, %dma_wait3A_138] : memref<16x128xi32, #tpu.memory_space<vmem>> -> memref<1x128xi32, #tpu.memory_space<vmem>>
        %dma_wait3A_140 = tpu.memref_squeeze %dma_wait3A_139 : memref<1x128xi32, #tpu.memory_space<vmem>> -> memref<128xi32, #tpu.memory_space<vmem>>
        %dma_wait3A_141 = arith.constant 0 : i32
        %dma_wait3A_142 = arith.constant 0 : i32
        %dma_wait3A_143 = tpu.memref_slice %arg10[%dma_wait3A_141, %dma_wait3A_142] : memref<10240x128xf32, #tpu.memory_space<vmem_shared>> -> memref<10240x128xf32, #tpu.memory_space<vmem_shared>>
        tpu.wait_indirect_dma semaphore(%run_scoped3A : memref<!tpu.dma_semaphore, #tpu.memory_space<semaphore_mem>>) src(%arg8 : memref<128x128xf32, #tpu.memory_space<vmem>>) dst(%dma_wait3A_143 : memref<10240x128xf32, #tpu.memory_space<vmem_shared>>)
        tpu.yield
      }) : () -> ()
      %add3A_120 = arith.constant 1 : i32
      %add3A_121 = arith.addi %mul3A_106, %add3A_120 : i32
      %dma_wait3A_122 = arith.constant 0 : i32
      %dma_wait3A_123 = tpu.memref_slice %arg6[%add3A_121, %dma_wait3A_122] : memref<16x128xi32, #tpu.memory_space<vmem>> -> memref<1x128xi32, #tpu.memory_space<vmem>>
      %dma_wait3A_124 = tpu.memref_squeeze %dma_wait3A_123 : memref<1x128xi32, #tpu.memory_space<vmem>> -> memref<128xi32, #tpu.memory_space<vmem>>
      %dma_wait3A_125 = arith.constant 0 : i32
      %dma_wait3A_126 = arith.constant 0 : i32
      %dma_wait3A_127 = tpu.memref_slice %arg2[%dma_wait3A_125, %dma_wait3A_126] : memref<10240x128xf32, #tpu.memory_space<hbm>> -> memref<10240x128xf32, #tpu.memory_space<hbm>>
      tpu.wait_indirect_dma semaphore(%arg12 : memref<!tpu.dma_semaphore, #tpu.memory_space<semaphore_mem>>) src(%dma_wait3A_127 : memref<10240x128xf32, #tpu.memory_space<hbm>>) dst(%arg9 : memref<128x128xf32, #tpu.memory_space<vmem>>)
      %lt3A = arith.constant 7 : i32
      %lt3A_128 = arith.cmpi slt, %add3A_104, %lt3A : i32
      %convert_element_type3A = arith.extui %lt3A_128 : i1 to i32
      %cond3A = arith.constant 0 : i32
      %cond3A_129 = arith.cmpi ne, %convert_element_type3A, %cond3A : i32
      scf.if %cond3A_129 {
        %add3A_132 = arith.constant 2 : i32
        %add3A_133 = arith.addi %mul3A_106, %add3A_132 : i32
        %dma_start3A_134 = arith.constant 0 : i32
        %dma_start3A_135 = tpu.memref_slice %arg6[%add3A_133, %dma_start3A_134] : memref<16x128xi32, #tpu.memory_space<vmem>> -> memref<1x128xi32, #tpu.memory_space<vmem>>
        %dma_start3A_136 = tpu.memref_squeeze %dma_start3A_135 : memref<1x128xi32, #tpu.memory_space<vmem>> -> memref<128xi32, #tpu.memory_space<vmem>>
        %dma_start3A_137 = arith.constant 0 : i32
        %dma_start3A_138 = arith.constant 0 : i32
        %dma_start3A_139 = tpu.memref_slice %arg2[%dma_start3A_137, %dma_start3A_138] : memref<10240x128xf32, #tpu.memory_space<hbm>> -> memref<10240x128xf32, #tpu.memory_space<hbm>>
        tpu.enqueue_indirect_dma source(%dma_start3A_139 : memref<10240x128xf32, #tpu.memory_space<hbm>>) target(%arg8 : memref<128x128xf32, #tpu.memory_space<vmem>>) offsets(%dma_start3A_136 : memref<128xi32, #tpu.memory_space<vmem>>) semaphore(%arg11 : memref<!tpu.dma_semaphore, #tpu.memory_space<semaphore_mem>>)
      } else {
      }
      %add3A_130 = arith.constant 1 : i32
      %add3A_131 = arith.addi %mul3A_106, %add3A_130 : i32
      "tpu.region"() ({
        %run_scoped3A = tpu.sem_alloc : memref<!tpu.dma_semaphore, #tpu.memory_space<semaphore_mem>>
        %dma_start3A_132 = arith.constant 0 : i32
        %dma_start3A_133 = tpu.memref_slice %arg7[%add3A_131, %dma_start3A_132] : memref<16x128xi32, #tpu.memory_space<vmem>> -> memref<1x128xi32, #tpu.memory_space<vmem>>
        %dma_start3A_134 = tpu.memref_squeeze %dma_start3A_133 : memref<1x128xi32, #tpu.memory_space<vmem>> -> memref<128xi32, #tpu.memory_space<vmem>>
        %dma_start3A_135 = arith.constant 0 : i32
        %dma_start3A_136 = arith.constant 0 : i32
        %dma_start3A_137 = tpu.memref_slice %arg10[%dma_start3A_135, %dma_start3A_136] : memref<10240x128xf32, #tpu.memory_space<vmem_shared>> -> memref<10240x128xf32, #tpu.memory_space<vmem_shared>>
        tpu.enqueue_indirect_dma source(%arg9 : memref<128x128xf32, #tpu.memory_space<vmem>>) target(%dma_start3A_137 : memref<10240x128xf32, #tpu.memory_space<vmem_shared>>) offsets(%dma_start3A_134 : memref<128xi32, #tpu.memory_space<vmem>>) semaphore(%run_scoped3A : memref<!tpu.dma_semaphore, #tpu.memory_space<semaphore_mem>>) {add = true}
        %dma_wait3A_138 = arith.constant 0 : i32
        %dma_wait3A_139 = tpu.memref_slice %arg7[%add3A_131, %dma_wait3A_138] : memref<16x128xi32, #tpu.memory_space<vmem>> -> memref<1x128xi32, #tpu.memory_space<vmem>>
        %dma_wait3A_140 = tpu.memref_squeeze %dma_wait3A_139 : memref<1x128xi32, #tpu.memory_space<vmem>> -> memref<128xi32, #tpu.memory_space<vmem>>
        %dma_wait3A_141 = arith.constant 0 : i32
        %dma_wait3A_142 = arith.constant 0 : i32
        %dma_wait3A_143 = tpu.memref_slice %arg10[%dma_wait3A_141, %dma_wait3A_142] : memref<10240x128xf32, #tpu.memory_space<vmem_shared>> -> memref<10240x128xf32, #tpu.memory_space<vmem_shared>>
        tpu.wait_indirect_dma semaphore(%run_scoped3A : memref<!tpu.dma_semaphore, #tpu.memory_space<semaphore_mem>>) src(%arg9 : memref<128x128xf32, #tpu.memory_space<vmem>>) dst(%dma_wait3A_143 : memref<10240x128xf32, #tpu.memory_space<vmem_shared>>)
        tpu.yield
      }) : () -> ()
    }
    %scan3A_50 = arith.constant 8 : i32
    %add3A_51 = arith.constant 32 : i32
    %add3A_52 = arith.addi %add3A_19, %add3A_51 : i32
    "tpu.region"() ({
      %run_scoped3A = tpu.sem_alloc : memref<!tpu.dma_semaphore, #tpu.memory_space<semaphore_mem>>
      %dma_start3A_100 = arith.constant 0 : i32
      %dma_start3A_101 = tpu.memref_slice %arg3[%add3A_52, %dma_start3A_100] : memref<2560x128xi32, #tpu.memory_space<hbm>> -> memref<16x128xi32, #tpu.memory_space<hbm>>
      %dma_start3A_102 = arith.constant 0 : i32
      %dma_start3A_103 = tpu.memref_slice %arg3[%add3A_52, %dma_start3A_102] : memref<2560x128xi32, #tpu.memory_space<hbm>> -> memref<16x128xi32, #tpu.memory_space<hbm>>
      tpu.enqueue_dma source(%dma_start3A_103 : memref<16x128xi32, #tpu.memory_space<hbm>>) target(%arg6 : memref<16x128xi32, #tpu.memory_space<vmem>>) target_semaphore(%run_scoped3A : memref<!tpu.dma_semaphore, #tpu.memory_space<semaphore_mem>>)
      %dma_wait3A = arith.constant 0 : i32
      %dma_wait3A_104 = tpu.memref_slice %arg3[%add3A_52, %dma_wait3A] : memref<2560x128xi32, #tpu.memory_space<hbm>> -> memref<16x128xi32, #tpu.memory_space<hbm>>
      %dma_wait3A_105 = arith.constant 0 : i32
      %dma_wait3A_106 = tpu.memref_slice %arg3[%add3A_52, %dma_wait3A_105] : memref<2560x128xi32, #tpu.memory_space<hbm>> -> memref<16x128xi32, #tpu.memory_space<hbm>>
      tpu.wait_dma2 semaphore(%run_scoped3A : memref<!tpu.dma_semaphore, #tpu.memory_space<semaphore_mem>>) src(%dma_wait3A_106 : memref<16x128xi32, #tpu.memory_space<hbm>>) dst(%arg6 : memref<16x128xi32, #tpu.memory_space<vmem>>)
      tpu.yield
    }) : () -> ()
    %add3A_53 = arith.constant 32 : i32
    %add3A_54 = arith.addi %add3A_19, %add3A_53 : i32
    "tpu.region"() ({
      %run_scoped3A = tpu.sem_alloc : memref<!tpu.dma_semaphore, #tpu.memory_space<semaphore_mem>>
      %dma_start3A_100 = arith.constant 0 : i32
      %dma_start3A_101 = tpu.memref_slice %arg4[%add3A_54, %dma_start3A_100] : memref<2560x128xi32, #tpu.memory_space<hbm>> -> memref<16x128xi32, #tpu.memory_space<hbm>>
      %dma_start3A_102 = arith.constant 0 : i32
      %dma_start3A_103 = tpu.memref_slice %arg4[%add3A_54, %dma_start3A_102] : memref<2560x128xi32, #tpu.memory_space<hbm>> -> memref<16x128xi32, #tpu.memory_space<hbm>>
      tpu.enqueue_dma source(%dma_start3A_103 : memref<16x128xi32, #tpu.memory_space<hbm>>) target(%arg7 : memref<16x128xi32, #tpu.memory_space<vmem>>) target_semaphore(%run_scoped3A : memref<!tpu.dma_semaphore, #tpu.memory_space<semaphore_mem>>)
      %dma_wait3A = arith.constant 0 : i32
      %dma_wait3A_104 = tpu.memref_slice %arg4[%add3A_54, %dma_wait3A] : memref<2560x128xi32, #tpu.memory_space<hbm>> -> memref<16x128xi32, #tpu.memory_space<hbm>>
      %dma_wait3A_105 = arith.constant 0 : i32
      %dma_wait3A_106 = tpu.memref_slice %arg4[%add3A_54, %dma_wait3A_105] : memref<2560x128xi32, #tpu.memory_space<hbm>> -> memref<16x128xi32, #tpu.memory_space<hbm>>
      tpu.wait_dma2 semaphore(%run_scoped3A : memref<!tpu.dma_semaphore, #tpu.memory_space<semaphore_mem>>) src(%dma_wait3A_106 : memref<16x128xi32, #tpu.memory_space<hbm>>) dst(%arg7 : memref<16x128xi32, #tpu.memory_space<vmem>>)
      tpu.yield
    }) : () -> ()
    %dma_start3A_55 = arith.constant 0 : i32
    %dma_start3A_56 = arith.constant 0 : i32
    %dma_start3A_57 = tpu.memref_slice %arg6[%dma_start3A_55, %dma_start3A_56] : memref<16x128xi32, #tpu.memory_space<vmem>> -> memref<1x128xi32, #tpu.memory_space<vmem>>
    %dma_start3A_58 = tpu.memref_squeeze %dma_start3A_57 : memref<1x128xi32, #tpu.memory_space<vmem>> -> memref<128xi32, #tpu.memory_space<vmem>>
    %dma_start3A_59 = arith.constant 0 : i32
    %dma_start3A_60 = arith.constant 0 : i32
    %dma_start3A_61 = tpu.memref_slice %arg2[%dma_start3A_59, %dma_start3A_60] : memref<10240x128xf32, #tpu.memory_space<hbm>> -> memref<10240x128xf32, #tpu.memory_space<hbm>>
    tpu.enqueue_indirect_dma source(%dma_start3A_61 : memref<10240x128xf32, #tpu.memory_space<hbm>>) target(%arg8 : memref<128x128xf32, #tpu.memory_space<vmem>>) offsets(%dma_start3A_58 : memref<128xi32, #tpu.memory_space<vmem>>) semaphore(%arg11 : memref<!tpu.dma_semaphore, #tpu.memory_space<semaphore_mem>>)
    %scan3A_62 = arith.constant 0 : i32
    %scan3A_63 = arith.constant 8 : i32
    %scan3A_64 = arith.addi %scan3A_62, %scan3A_63 : i32
    %scan3A_65 = arith.constant 1 : i32
    scf.for %scan3A_100 = %scan3A_62 to %scan3A_64 step %scan3A_65  : i32 {
      %mul3A_101 = arith.constant 1 : i32
      %mul3A_102 = arith.muli %scan3A_100, %mul3A_101 : i32
      %add3A_103 = arith.constant 0 : i32
      %add3A_104 = arith.addi %add3A_103, %mul3A_102 : i32
      %mul3A_105 = arith.constant 2 : i32
      %mul3A_106 = arith.muli %mul3A_105, %add3A_104 : i32
      %dma_wait3A = arith.constant 0 : i32
      %dma_wait3A_107 = tpu.memref_slice %arg6[%mul3A_106, %dma_wait3A] : memref<16x128xi32, #tpu.memory_space<vmem>> -> memref<1x128xi32, #tpu.memory_space<vmem>>
      %dma_wait3A_108 = tpu.memref_squeeze %dma_wait3A_107 : memref<1x128xi32, #tpu.memory_space<vmem>> -> memref<128xi32, #tpu.memory_space<vmem>>
      %dma_wait3A_109 = arith.constant 0 : i32
      %dma_wait3A_110 = arith.constant 0 : i32
      %dma_wait3A_111 = tpu.memref_slice %arg2[%dma_wait3A_109, %dma_wait3A_110] : memref<10240x128xf32, #tpu.memory_space<hbm>> -> memref<10240x128xf32, #tpu.memory_space<hbm>>
      tpu.wait_indirect_dma semaphore(%arg11 : memref<!tpu.dma_semaphore, #tpu.memory_space<semaphore_mem>>) src(%dma_wait3A_111 : memref<10240x128xf32, #tpu.memory_space<hbm>>) dst(%arg8 : memref<128x128xf32, #tpu.memory_space<vmem>>)
      %add3A_112 = arith.constant 1 : i32
      %add3A_113 = arith.addi %mul3A_106, %add3A_112 : i32
      %dma_start3A_114 = arith.constant 0 : i32
      %dma_start3A_115 = tpu.memref_slice %arg6[%add3A_113, %dma_start3A_114] : memref<16x128xi32, #tpu.memory_space<vmem>> -> memref<1x128xi32, #tpu.memory_space<vmem>>
      %dma_start3A_116 = tpu.memref_squeeze %dma_start3A_115 : memref<1x128xi32, #tpu.memory_space<vmem>> -> memref<128xi32, #tpu.memory_space<vmem>>
      %dma_start3A_117 = arith.constant 0 : i32
      %dma_start3A_118 = arith.constant 0 : i32
      %dma_start3A_119 = tpu.memref_slice %arg2[%dma_start3A_117, %dma_start3A_118] : memref<10240x128xf32, #tpu.memory_space<hbm>> -> memref<10240x128xf32, #tpu.memory_space<hbm>>
      tpu.enqueue_indirect_dma source(%dma_start3A_119 : memref<10240x128xf32, #tpu.memory_space<hbm>>) target(%arg9 : memref<128x128xf32, #tpu.memory_space<vmem>>) offsets(%dma_start3A_116 : memref<128xi32, #tpu.memory_space<vmem>>) semaphore(%arg12 : memref<!tpu.dma_semaphore, #tpu.memory_space<semaphore_mem>>)
      "tpu.region"() ({
        %run_scoped3A = tpu.sem_alloc : memref<!tpu.dma_semaphore, #tpu.memory_space<semaphore_mem>>
        %dma_start3A_132 = arith.constant 0 : i32
        %dma_start3A_133 = tpu.memref_slice %arg7[%mul3A_106, %dma_start3A_132] : memref<16x128xi32, #tpu.memory_space<vmem>> -> memref<1x128xi32, #tpu.memory_space<vmem>>
        %dma_start3A_134 = tpu.memref_squeeze %dma_start3A_133 : memref<1x128xi32, #tpu.memory_space<vmem>> -> memref<128xi32, #tpu.memory_space<vmem>>
        %dma_start3A_135 = arith.constant 0 : i32
        %dma_start3A_136 = arith.constant 0 : i32
        %dma_start3A_137 = tpu.memref_slice %arg10[%dma_start3A_135, %dma_start3A_136] : memref<10240x128xf32, #tpu.memory_space<vmem_shared>> -> memref<10240x128xf32, #tpu.memory_space<vmem_shared>>
        tpu.enqueue_indirect_dma source(%arg8 : memref<128x128xf32, #tpu.memory_space<vmem>>) target(%dma_start3A_137 : memref<10240x128xf32, #tpu.memory_space<vmem_shared>>) offsets(%dma_start3A_134 : memref<128xi32, #tpu.memory_space<vmem>>) semaphore(%run_scoped3A : memref<!tpu.dma_semaphore, #tpu.memory_space<semaphore_mem>>) {add = true}
        %dma_wait3A_138 = arith.constant 0 : i32
        %dma_wait3A_139 = tpu.memref_slice %arg7[%mul3A_106, %dma_wait3A_138] : memref<16x128xi32, #tpu.memory_space<vmem>> -> memref<1x128xi32, #tpu.memory_space<vmem>>
        %dma_wait3A_140 = tpu.memref_squeeze %dma_wait3A_139 : memref<1x128xi32, #tpu.memory_space<vmem>> -> memref<128xi32, #tpu.memory_space<vmem>>
        %dma_wait3A_141 = arith.constant 0 : i32
        %dma_wait3A_142 = arith.constant 0 : i32
        %dma_wait3A_143 = tpu.memref_slice %arg10[%dma_wait3A_141, %dma_wait3A_142] : memref<10240x128xf32, #tpu.memory_space<vmem_shared>> -> memref<10240x128xf32, #tpu.memory_space<vmem_shared>>
        tpu.wait_indirect_dma semaphore(%run_scoped3A : memref<!tpu.dma_semaphore, #tpu.memory_space<semaphore_mem>>) src(%arg8 : memref<128x128xf32, #tpu.memory_space<vmem>>) dst(%dma_wait3A_143 : memref<10240x128xf32, #tpu.memory_space<vmem_shared>>)
        tpu.yield
      }) : () -> ()
      %add3A_120 = arith.constant 1 : i32
      %add3A_121 = arith.addi %mul3A_106, %add3A_120 : i32
      %dma_wait3A_122 = arith.constant 0 : i32
      %dma_wait3A_123 = tpu.memref_slice %arg6[%add3A_121, %dma_wait3A_122] : memref<16x128xi32, #tpu.memory_space<vmem>> -> memref<1x128xi32, #tpu.memory_space<vmem>>
      %dma_wait3A_124 = tpu.memref_squeeze %dma_wait3A_123 : memref<1x128xi32, #tpu.memory_space<vmem>> -> memref<128xi32, #tpu.memory_space<vmem>>
      %dma_wait3A_125 = arith.constant 0 : i32
      %dma_wait3A_126 = arith.constant 0 : i32
      %dma_wait3A_127 = tpu.memref_slice %arg2[%dma_wait3A_125, %dma_wait3A_126] : memref<10240x128xf32, #tpu.memory_space<hbm>> -> memref<10240x128xf32, #tpu.memory_space<hbm>>
      tpu.wait_indirect_dma semaphore(%arg12 : memref<!tpu.dma_semaphore, #tpu.memory_space<semaphore_mem>>) src(%dma_wait3A_127 : memref<10240x128xf32, #tpu.memory_space<hbm>>) dst(%arg9 : memref<128x128xf32, #tpu.memory_space<vmem>>)
      %lt3A = arith.constant 7 : i32
      %lt3A_128 = arith.cmpi slt, %add3A_104, %lt3A : i32
      %convert_element_type3A = arith.extui %lt3A_128 : i1 to i32
      %cond3A = arith.constant 0 : i32
      %cond3A_129 = arith.cmpi ne, %convert_element_type3A, %cond3A : i32
      scf.if %cond3A_129 {
        %add3A_132 = arith.constant 2 : i32
        %add3A_133 = arith.addi %mul3A_106, %add3A_132 : i32
        %dma_start3A_134 = arith.constant 0 : i32
        %dma_start3A_135 = tpu.memref_slice %arg6[%add3A_133, %dma_start3A_134] : memref<16x128xi32, #tpu.memory_space<vmem>> -> memref<1x128xi32, #tpu.memory_space<vmem>>
        %dma_start3A_136 = tpu.memref_squeeze %dma_start3A_135 : memref<1x128xi32, #tpu.memory_space<vmem>> -> memref<128xi32, #tpu.memory_space<vmem>>
        %dma_start3A_137 = arith.constant 0 : i32
        %dma_start3A_138 = arith.constant 0 : i32
        %dma_start3A_139 = tpu.memref_slice %arg2[%dma_start3A_137, %dma_start3A_138] : memref<10240x128xf32, #tpu.memory_space<hbm>> -> memref<10240x128xf32, #tpu.memory_space<hbm>>
        tpu.enqueue_indirect_dma source(%dma_start3A_139 : memref<10240x128xf32, #tpu.memory_space<hbm>>) target(%arg8 : memref<128x128xf32, #tpu.memory_space<vmem>>) offsets(%dma_start3A_136 : memref<128xi32, #tpu.memory_space<vmem>>) semaphore(%arg11 : memref<!tpu.dma_semaphore, #tpu.memory_space<semaphore_mem>>)
      } else {
      }
      %add3A_130 = arith.constant 1 : i32
      %add3A_131 = arith.addi %mul3A_106, %add3A_130 : i32
      "tpu.region"() ({
        %run_scoped3A = tpu.sem_alloc : memref<!tpu.dma_semaphore, #tpu.memory_space<semaphore_mem>>
        %dma_start3A_132 = arith.constant 0 : i32
        %dma_start3A_133 = tpu.memref_slice %arg7[%add3A_131, %dma_start3A_132] : memref<16x128xi32, #tpu.memory_space<vmem>> -> memref<1x128xi32, #tpu.memory_space<vmem>>
        %dma_start3A_134 = tpu.memref_squeeze %dma_start3A_133 : memref<1x128xi32, #tpu.memory_space<vmem>> -> memref<128xi32, #tpu.memory_space<vmem>>
        %dma_start3A_135 = arith.constant 0 : i32
        %dma_start3A_136 = arith.constant 0 : i32
        %dma_start3A_137 = tpu.memref_slice %arg10[%dma_start3A_135, %dma_start3A_136] : memref<10240x128xf32, #tpu.memory_space<vmem_shared>> -> memref<10240x128xf32, #tpu.memory_space<vmem_shared>>
        tpu.enqueue_indirect_dma source(%arg9 : memref<128x128xf32, #tpu.memory_space<vmem>>) target(%dma_start3A_137 : memref<10240x128xf32, #tpu.memory_space<vmem_shared>>) offsets(%dma_start3A_134 : memref<128xi32, #tpu.memory_space<vmem>>) semaphore(%run_scoped3A : memref<!tpu.dma_semaphore, #tpu.memory_space<semaphore_mem>>) {add = true}
        %dma_wait3A_138 = arith.constant 0 : i32
        %dma_wait3A_139 = tpu.memref_slice %arg7[%add3A_131, %dma_wait3A_138] : memref<16x128xi32, #tpu.memory_space<vmem>> -> memref<1x128xi32, #tpu.memory_space<vmem>>
        %dma_wait3A_140 = tpu.memref_squeeze %dma_wait3A_139 : memref<1x128xi32, #tpu.memory_space<vmem>> -> memref<128xi32, #tpu.memory_space<vmem>>
        %dma_wait3A_141 = arith.constant 0 : i32
        %dma_wait3A_142 = arith.constant 0 : i32
        %dma_wait3A_143 = tpu.memref_slice %arg10[%dma_wait3A_141, %dma_wait3A_142] : memref<10240x128xf32, #tpu.memory_space<vmem_shared>> -> memref<10240x128xf32, #tpu.memory_space<vmem_shared>>
        tpu.wait_indirect_dma semaphore(%run_scoped3A : memref<!tpu.dma_semaphore, #tpu.memory_space<semaphore_mem>>) src(%arg9 : memref<128x128xf32, #tpu.memory_space<vmem>>) dst(%dma_wait3A_143 : memref<10240x128xf32, #tpu.memory_space<vmem_shared>>)
        tpu.yield
      }) : () -> ()
    }
    %scan3A_66 = arith.constant 8 : i32
    %add3A_67 = arith.constant 48 : i32
    %add3A_68 = arith.addi %add3A_19, %add3A_67 : i32
    "tpu.region"() ({
      %run_scoped3A = tpu.sem_alloc : memref<!tpu.dma_semaphore, #tpu.memory_space<semaphore_mem>>
      %dma_start3A_100 = arith.constant 0 : i32
      %dma_start3A_101 = tpu.memref_slice %arg3[%add3A_68, %dma_start3A_100] : memref<2560x128xi32, #tpu.memory_space<hbm>> -> memref<16x128xi32, #tpu.memory_space<hbm>>
      %dma_start3A_102 = arith.constant 0 : i32
      %dma_start3A_103 = tpu.memref_slice %arg3[%add3A_68, %dma_start3A_102] : memref<2560x128xi32, #tpu.memory_space<hbm>> -> memref<16x128xi32, #tpu.memory_space<hbm>>
      tpu.enqueue_dma source(%dma_start3A_103 : memref<16x128xi32, #tpu.memory_space<hbm>>) target(%arg6 : memref<16x128xi32, #tpu.memory_space<vmem>>) target_semaphore(%run_scoped3A : memref<!tpu.dma_semaphore, #tpu.memory_space<semaphore_mem>>)
      %dma_wait3A = arith.constant 0 : i32
      %dma_wait3A_104 = tpu.memref_slice %arg3[%add3A_68, %dma_wait3A] : memref<2560x128xi32, #tpu.memory_space<hbm>> -> memref<16x128xi32, #tpu.memory_space<hbm>>
      %dma_wait3A_105 = arith.constant 0 : i32
      %dma_wait3A_106 = tpu.memref_slice %arg3[%add3A_68, %dma_wait3A_105] : memref<2560x128xi32, #tpu.memory_space<hbm>> -> memref<16x128xi32, #tpu.memory_space<hbm>>
      tpu.wait_dma2 semaphore(%run_scoped3A : memref<!tpu.dma_semaphore, #tpu.memory_space<semaphore_mem>>) src(%dma_wait3A_106 : memref<16x128xi32, #tpu.memory_space<hbm>>) dst(%arg6 : memref<16x128xi32, #tpu.memory_space<vmem>>)
      tpu.yield
    }) : () -> ()
    %add3A_69 = arith.constant 48 : i32
    %add3A_70 = arith.addi %add3A_19, %add3A_69 : i32
    "tpu.region"() ({
      %run_scoped3A = tpu.sem_alloc : memref<!tpu.dma_semaphore, #tpu.memory_space<semaphore_mem>>
      %dma_start3A_100 = arith.constant 0 : i32
      %dma_start3A_101 = tpu.memref_slice %arg4[%add3A_70, %dma_start3A_100] : memref<2560x128xi32, #tpu.memory_space<hbm>> -> memref<16x128xi32, #tpu.memory_space<hbm>>
      %dma_start3A_102 = arith.constant 0 : i32
      %dma_start3A_103 = tpu.memref_slice %arg4[%add3A_70, %dma_start3A_102] : memref<2560x128xi32, #tpu.memory_space<hbm>> -> memref<16x128xi32, #tpu.memory_space<hbm>>
      tpu.enqueue_dma source(%dma_start3A_103 : memref<16x128xi32, #tpu.memory_space<hbm>>) target(%arg7 : memref<16x128xi32, #tpu.memory_space<vmem>>) target_semaphore(%run_scoped3A : memref<!tpu.dma_semaphore, #tpu.memory_space<semaphore_mem>>)
      %dma_wait3A = arith.constant 0 : i32
      %dma_wait3A_104 = tpu.memref_slice %arg4[%add3A_70, %dma_wait3A] : memref<2560x128xi32, #tpu.memory_space<hbm>> -> memref<16x128xi32, #tpu.memory_space<hbm>>
      %dma_wait3A_105 = arith.constant 0 : i32
      %dma_wait3A_106 = tpu.memref_slice %arg4[%add3A_70, %dma_wait3A_105] : memref<2560x128xi32, #tpu.memory_space<hbm>> -> memref<16x128xi32, #tpu.memory_space<hbm>>
      tpu.wait_dma2 semaphore(%run_scoped3A : memref<!tpu.dma_semaphore, #tpu.memory_space<semaphore_mem>>) src(%dma_wait3A_106 : memref<16x128xi32, #tpu.memory_space<hbm>>) dst(%arg7 : memref<16x128xi32, #tpu.memory_space<vmem>>)
      tpu.yield
    }) : () -> ()
    %dma_start3A_71 = arith.constant 0 : i32
    %dma_start3A_72 = arith.constant 0 : i32
    %dma_start3A_73 = tpu.memref_slice %arg6[%dma_start3A_71, %dma_start3A_72] : memref<16x128xi32, #tpu.memory_space<vmem>> -> memref<1x128xi32, #tpu.memory_space<vmem>>
    %dma_start3A_74 = tpu.memref_squeeze %dma_start3A_73 : memref<1x128xi32, #tpu.memory_space<vmem>> -> memref<128xi32, #tpu.memory_space<vmem>>
    %dma_start3A_75 = arith.constant 0 : i32
    %dma_start3A_76 = arith.constant 0 : i32
    %dma_start3A_77 = tpu.memref_slice %arg2[%dma_start3A_75, %dma_start3A_76] : memref<10240x128xf32, #tpu.memory_space<hbm>> -> memref<10240x128xf32, #tpu.memory_space<hbm>>
    tpu.enqueue_indirect_dma source(%dma_start3A_77 : memref<10240x128xf32, #tpu.memory_space<hbm>>) target(%arg8 : memref<128x128xf32, #tpu.memory_space<vmem>>) offsets(%dma_start3A_74 : memref<128xi32, #tpu.memory_space<vmem>>) semaphore(%arg11 : memref<!tpu.dma_semaphore, #tpu.memory_space<semaphore_mem>>)
    %scan3A_78 = arith.constant 0 : i32
    %scan3A_79 = arith.constant 8 : i32
    %scan3A_80 = arith.addi %scan3A_78, %scan3A_79 : i32
    %scan3A_81 = arith.constant 1 : i32
    scf.for %scan3A_100 = %scan3A_78 to %scan3A_80 step %scan3A_81  : i32 {
      %mul3A_101 = arith.constant 1 : i32
      %mul3A_102 = arith.muli %scan3A_100, %mul3A_101 : i32
      %add3A_103 = arith.constant 0 : i32
      %add3A_104 = arith.addi %add3A_103, %mul3A_102 : i32
      %mul3A_105 = arith.constant 2 : i32
      %mul3A_106 = arith.muli %mul3A_105, %add3A_104 : i32
      %dma_wait3A = arith.constant 0 : i32
      %dma_wait3A_107 = tpu.memref_slice %arg6[%mul3A_106, %dma_wait3A] : memref<16x128xi32, #tpu.memory_space<vmem>> -> memref<1x128xi32, #tpu.memory_space<vmem>>
      %dma_wait3A_108 = tpu.memref_squeeze %dma_wait3A_107 : memref<1x128xi32, #tpu.memory_space<vmem>> -> memref<128xi32, #tpu.memory_space<vmem>>
      %dma_wait3A_109 = arith.constant 0 : i32
      %dma_wait3A_110 = arith.constant 0 : i32
      %dma_wait3A_111 = tpu.memref_slice %arg2[%dma_wait3A_109, %dma_wait3A_110] : memref<10240x128xf32, #tpu.memory_space<hbm>> -> memref<10240x128xf32, #tpu.memory_space<hbm>>
      tpu.wait_indirect_dma semaphore(%arg11 : memref<!tpu.dma_semaphore, #tpu.memory_space<semaphore_mem>>) src(%dma_wait3A_111 : memref<10240x128xf32, #tpu.memory_space<hbm>>) dst(%arg8 : memref<128x128xf32, #tpu.memory_space<vmem>>)
      %add3A_112 = arith.constant 1 : i32
      %add3A_113 = arith.addi %mul3A_106, %add3A_112 : i32
      %dma_start3A_114 = arith.constant 0 : i32
      %dma_start3A_115 = tpu.memref_slice %arg6[%add3A_113, %dma_start3A_114] : memref<16x128xi32, #tpu.memory_space<vmem>> -> memref<1x128xi32, #tpu.memory_space<vmem>>
      %dma_start3A_116 = tpu.memref_squeeze %dma_start3A_115 : memref<1x128xi32, #tpu.memory_space<vmem>> -> memref<128xi32, #tpu.memory_space<vmem>>
      %dma_start3A_117 = arith.constant 0 : i32
      %dma_start3A_118 = arith.constant 0 : i32
      %dma_start3A_119 = tpu.memref_slice %arg2[%dma_start3A_117, %dma_start3A_118] : memref<10240x128xf32, #tpu.memory_space<hbm>> -> memref<10240x128xf32, #tpu.memory_space<hbm>>
      tpu.enqueue_indirect_dma source(%dma_start3A_119 : memref<10240x128xf32, #tpu.memory_space<hbm>>) target(%arg9 : memref<128x128xf32, #tpu.memory_space<vmem>>) offsets(%dma_start3A_116 : memref<128xi32, #tpu.memory_space<vmem>>) semaphore(%arg12 : memref<!tpu.dma_semaphore, #tpu.memory_space<semaphore_mem>>)
      "tpu.region"() ({
        %run_scoped3A = tpu.sem_alloc : memref<!tpu.dma_semaphore, #tpu.memory_space<semaphore_mem>>
        %dma_start3A_132 = arith.constant 0 : i32
        %dma_start3A_133 = tpu.memref_slice %arg7[%mul3A_106, %dma_start3A_132] : memref<16x128xi32, #tpu.memory_space<vmem>> -> memref<1x128xi32, #tpu.memory_space<vmem>>
        %dma_start3A_134 = tpu.memref_squeeze %dma_start3A_133 : memref<1x128xi32, #tpu.memory_space<vmem>> -> memref<128xi32, #tpu.memory_space<vmem>>
        %dma_start3A_135 = arith.constant 0 : i32
        %dma_start3A_136 = arith.constant 0 : i32
        %dma_start3A_137 = tpu.memref_slice %arg10[%dma_start3A_135, %dma_start3A_136] : memref<10240x128xf32, #tpu.memory_space<vmem_shared>> -> memref<10240x128xf32, #tpu.memory_space<vmem_shared>>
        tpu.enqueue_indirect_dma source(%arg8 : memref<128x128xf32, #tpu.memory_space<vmem>>) target(%dma_start3A_137 : memref<10240x128xf32, #tpu.memory_space<vmem_shared>>) offsets(%dma_start3A_134 : memref<128xi32, #tpu.memory_space<vmem>>) semaphore(%run_scoped3A : memref<!tpu.dma_semaphore, #tpu.memory_space<semaphore_mem>>) {add = true}
        %dma_wait3A_138 = arith.constant 0 : i32
        %dma_wait3A_139 = tpu.memref_slice %arg7[%mul3A_106, %dma_wait3A_138] : memref<16x128xi32, #tpu.memory_space<vmem>> -> memref<1x128xi32, #tpu.memory_space<vmem>>
        %dma_wait3A_140 = tpu.memref_squeeze %dma_wait3A_139 : memref<1x128xi32, #tpu.memory_space<vmem>> -> memref<128xi32, #tpu.memory_space<vmem>>
        %dma_wait3A_141 = arith.constant 0 : i32
        %dma_wait3A_142 = arith.constant 0 : i32
        %dma_wait3A_143 = tpu.memref_slice %arg10[%dma_wait3A_141, %dma_wait3A_142] : memref<10240x128xf32, #tpu.memory_space<vmem_shared>> -> memref<10240x128xf32, #tpu.memory_space<vmem_shared>>
        tpu.wait_indirect_dma semaphore(%run_scoped3A : memref<!tpu.dma_semaphore, #tpu.memory_space<semaphore_mem>>) src(%arg8 : memref<128x128xf32, #tpu.memory_space<vmem>>) dst(%dma_wait3A_143 : memref<10240x128xf32, #tpu.memory_space<vmem_shared>>)
        tpu.yield
      }) : () -> ()
      %add3A_120 = arith.constant 1 : i32
      %add3A_121 = arith.addi %mul3A_106, %add3A_120 : i32
      %dma_wait3A_122 = arith.constant 0 : i32
      %dma_wait3A_123 = tpu.memref_slice %arg6[%add3A_121, %dma_wait3A_122] : memref<16x128xi32, #tpu.memory_space<vmem>> -> memref<1x128xi32, #tpu.memory_space<vmem>>
      %dma_wait3A_124 = tpu.memref_squeeze %dma_wait3A_123 : memref<1x128xi32, #tpu.memory_space<vmem>> -> memref<128xi32, #tpu.memory_space<vmem>>
      %dma_wait3A_125 = arith.constant 0 : i32
      %dma_wait3A_126 = arith.constant 0 : i32
      %dma_wait3A_127 = tpu.memref_slice %arg2[%dma_wait3A_125, %dma_wait3A_126] : memref<10240x128xf32, #tpu.memory_space<hbm>> -> memref<10240x128xf32, #tpu.memory_space<hbm>>
      tpu.wait_indirect_dma semaphore(%arg12 : memref<!tpu.dma_semaphore, #tpu.memory_space<semaphore_mem>>) src(%dma_wait3A_127 : memref<10240x128xf32, #tpu.memory_space<hbm>>) dst(%arg9 : memref<128x128xf32, #tpu.memory_space<vmem>>)
      %lt3A = arith.constant 7 : i32
      %lt3A_128 = arith.cmpi slt, %add3A_104, %lt3A : i32
      %convert_element_type3A = arith.extui %lt3A_128 : i1 to i32
      %cond3A = arith.constant 0 : i32
      %cond3A_129 = arith.cmpi ne, %convert_element_type3A, %cond3A : i32
      scf.if %cond3A_129 {
        %add3A_132 = arith.constant 2 : i32
        %add3A_133 = arith.addi %mul3A_106, %add3A_132 : i32
        %dma_start3A_134 = arith.constant 0 : i32
        %dma_start3A_135 = tpu.memref_slice %arg6[%add3A_133, %dma_start3A_134] : memref<16x128xi32, #tpu.memory_space<vmem>> -> memref<1x128xi32, #tpu.memory_space<vmem>>
        %dma_start3A_136 = tpu.memref_squeeze %dma_start3A_135 : memref<1x128xi32, #tpu.memory_space<vmem>> -> memref<128xi32, #tpu.memory_space<vmem>>
        %dma_start3A_137 = arith.constant 0 : i32
        %dma_start3A_138 = arith.constant 0 : i32
        %dma_start3A_139 = tpu.memref_slice %arg2[%dma_start3A_137, %dma_start3A_138] : memref<10240x128xf32, #tpu.memory_space<hbm>> -> memref<10240x128xf32, #tpu.memory_space<hbm>>
        tpu.enqueue_indirect_dma source(%dma_start3A_139 : memref<10240x128xf32, #tpu.memory_space<hbm>>) target(%arg8 : memref<128x128xf32, #tpu.memory_space<vmem>>) offsets(%dma_start3A_136 : memref<128xi32, #tpu.memory_space<vmem>>) semaphore(%arg11 : memref<!tpu.dma_semaphore, #tpu.memory_space<semaphore_mem>>)
      } else {
      }
      %add3A_130 = arith.constant 1 : i32
      %add3A_131 = arith.addi %mul3A_106, %add3A_130 : i32
      "tpu.region"() ({
        %run_scoped3A = tpu.sem_alloc : memref<!tpu.dma_semaphore, #tpu.memory_space<semaphore_mem>>
        %dma_start3A_132 = arith.constant 0 : i32
        %dma_start3A_133 = tpu.memref_slice %arg7[%add3A_131, %dma_start3A_132] : memref<16x128xi32, #tpu.memory_space<vmem>> -> memref<1x128xi32, #tpu.memory_space<vmem>>
        %dma_start3A_134 = tpu.memref_squeeze %dma_start3A_133 : memref<1x128xi32, #tpu.memory_space<vmem>> -> memref<128xi32, #tpu.memory_space<vmem>>
        %dma_start3A_135 = arith.constant 0 : i32
        %dma_start3A_136 = arith.constant 0 : i32
        %dma_start3A_137 = tpu.memref_slice %arg10[%dma_start3A_135, %dma_start3A_136] : memref<10240x128xf32, #tpu.memory_space<vmem_shared>> -> memref<10240x128xf32, #tpu.memory_space<vmem_shared>>
        tpu.enqueue_indirect_dma source(%arg9 : memref<128x128xf32, #tpu.memory_space<vmem>>) target(%dma_start3A_137 : memref<10240x128xf32, #tpu.memory_space<vmem_shared>>) offsets(%dma_start3A_134 : memref<128xi32, #tpu.memory_space<vmem>>) semaphore(%run_scoped3A : memref<!tpu.dma_semaphore, #tpu.memory_space<semaphore_mem>>) {add = true}
        %dma_wait3A_138 = arith.constant 0 : i32
        %dma_wait3A_139 = tpu.memref_slice %arg7[%add3A_131, %dma_wait3A_138] : memref<16x128xi32, #tpu.memory_space<vmem>> -> memref<1x128xi32, #tpu.memory_space<vmem>>
        %dma_wait3A_140 = tpu.memref_squeeze %dma_wait3A_139 : memref<1x128xi32, #tpu.memory_space<vmem>> -> memref<128xi32, #tpu.memory_space<vmem>>
        %dma_wait3A_141 = arith.constant 0 : i32
        %dma_wait3A_142 = arith.constant 0 : i32
        %dma_wait3A_143 = tpu.memref_slice %arg10[%dma_wait3A_141, %dma_wait3A_142] : memref<10240x128xf32, #tpu.memory_space<vmem_shared>> -> memref<10240x128xf32, #tpu.memory_space<vmem_shared>>
        tpu.wait_indirect_dma semaphore(%run_scoped3A : memref<!tpu.dma_semaphore, #tpu.memory_space<semaphore_mem>>) src(%arg9 : memref<128x128xf32, #tpu.memory_space<vmem>>) dst(%dma_wait3A_143 : memref<10240x128xf32, #tpu.memory_space<vmem_shared>>)
        tpu.yield
      }) : () -> ()
    }
    %scan3A_82 = arith.constant 8 : i32
    %add3A_83 = arith.constant 64 : i32
    %add3A_84 = arith.addi %add3A_19, %add3A_83 : i32
    "tpu.region"() ({
      %run_scoped3A = tpu.sem_alloc : memref<!tpu.dma_semaphore, #tpu.memory_space<semaphore_mem>>
      %dma_start3A_100 = arith.constant 0 : i32
      %dma_start3A_101 = tpu.memref_slice %arg3[%add3A_84, %dma_start3A_100] : memref<2560x128xi32, #tpu.memory_space<hbm>> -> memref<16x128xi32, #tpu.memory_space<hbm>>
      %dma_start3A_102 = arith.constant 0 : i32
      %dma_start3A_103 = tpu.memref_slice %arg3[%add3A_84, %dma_start3A_102] : memref<2560x128xi32, #tpu.memory_space<hbm>> -> memref<16x128xi32, #tpu.memory_space<hbm>>
      tpu.enqueue_dma source(%dma_start3A_103 : memref<16x128xi32, #tpu.memory_space<hbm>>) target(%arg6 : memref<16x128xi32, #tpu.memory_space<vmem>>) target_semaphore(%run_scoped3A : memref<!tpu.dma_semaphore, #tpu.memory_space<semaphore_mem>>)
      %dma_wait3A = arith.constant 0 : i32
      %dma_wait3A_104 = tpu.memref_slice %arg3[%add3A_84, %dma_wait3A] : memref<2560x128xi32, #tpu.memory_space<hbm>> -> memref<16x128xi32, #tpu.memory_space<hbm>>
      %dma_wait3A_105 = arith.constant 0 : i32
      %dma_wait3A_106 = tpu.memref_slice %arg3[%add3A_84, %dma_wait3A_105] : memref<2560x128xi32, #tpu.memory_space<hbm>> -> memref<16x128xi32, #tpu.memory_space<hbm>>
      tpu.wait_dma2 semaphore(%run_scoped3A : memref<!tpu.dma_semaphore, #tpu.memory_space<semaphore_mem>>) src(%dma_wait3A_106 : memref<16x128xi32, #tpu.memory_space<hbm>>) dst(%arg6 : memref<16x128xi32, #tpu.memory_space<vmem>>)
      tpu.yield
    }) : () -> ()
    %add3A_85 = arith.constant 64 : i32
    %add3A_86 = arith.addi %add3A_19, %add3A_85 : i32
    "tpu.region"() ({
      %run_scoped3A = tpu.sem_alloc : memref<!tpu.dma_semaphore, #tpu.memory_space<semaphore_mem>>
      %dma_start3A_100 = arith.constant 0 : i32
      %dma_start3A_101 = tpu.memref_slice %arg4[%add3A_86, %dma_start3A_100] : memref<2560x128xi32, #tpu.memory_space<hbm>> -> memref<16x128xi32, #tpu.memory_space<hbm>>
      %dma_start3A_102 = arith.constant 0 : i32
      %dma_start3A_103 = tpu.memref_slice %arg4[%add3A_86, %dma_start3A_102] : memref<2560x128xi32, #tpu.memory_space<hbm>> -> memref<16x128xi32, #tpu.memory_space<hbm>>
      tpu.enqueue_dma source(%dma_start3A_103 : memref<16x128xi32, #tpu.memory_space<hbm>>) target(%arg7 : memref<16x128xi32, #tpu.memory_space<vmem>>) target_semaphore(%run_scoped3A : memref<!tpu.dma_semaphore, #tpu.memory_space<semaphore_mem>>)
      %dma_wait3A = arith.constant 0 : i32
      %dma_wait3A_104 = tpu.memref_slice %arg4[%add3A_86, %dma_wait3A] : memref<2560x128xi32, #tpu.memory_space<hbm>> -> memref<16x128xi32, #tpu.memory_space<hbm>>
      %dma_wait3A_105 = arith.constant 0 : i32
      %dma_wait3A_106 = tpu.memref_slice %arg4[%add3A_86, %dma_wait3A_105] : memref<2560x128xi32, #tpu.memory_space<hbm>> -> memref<16x128xi32, #tpu.memory_space<hbm>>
      tpu.wait_dma2 semaphore(%run_scoped3A : memref<!tpu.dma_semaphore, #tpu.memory_space<semaphore_mem>>) src(%dma_wait3A_106 : memref<16x128xi32, #tpu.memory_space<hbm>>) dst(%arg7 : memref<16x128xi32, #tpu.memory_space<vmem>>)
      tpu.yield
    }) : () -> ()
    %dma_start3A_87 = arith.constant 0 : i32
    %dma_start3A_88 = arith.constant 0 : i32
    %dma_start3A_89 = tpu.memref_slice %arg6[%dma_start3A_87, %dma_start3A_88] : memref<16x128xi32, #tpu.memory_space<vmem>> -> memref<1x128xi32, #tpu.memory_space<vmem>>
    %dma_start3A_90 = tpu.memref_squeeze %dma_start3A_89 : memref<1x128xi32, #tpu.memory_space<vmem>> -> memref<128xi32, #tpu.memory_space<vmem>>
    %dma_start3A_91 = arith.constant 0 : i32
    %dma_start3A_92 = arith.constant 0 : i32
    %dma_start3A_93 = tpu.memref_slice %arg2[%dma_start3A_91, %dma_start3A_92] : memref<10240x128xf32, #tpu.memory_space<hbm>> -> memref<10240x128xf32, #tpu.memory_space<hbm>>
    tpu.enqueue_indirect_dma source(%dma_start3A_93 : memref<10240x128xf32, #tpu.memory_space<hbm>>) target(%arg8 : memref<128x128xf32, #tpu.memory_space<vmem>>) offsets(%dma_start3A_90 : memref<128xi32, #tpu.memory_space<vmem>>) semaphore(%arg11 : memref<!tpu.dma_semaphore, #tpu.memory_space<semaphore_mem>>)
    %scan3A_94 = arith.constant 0 : i32
    %scan3A_95 = arith.constant 8 : i32
    %scan3A_96 = arith.addi %scan3A_94, %scan3A_95 : i32
    %scan3A_97 = arith.constant 1 : i32
    scf.for %scan3A_100 = %scan3A_94 to %scan3A_96 step %scan3A_97  : i32 {
      %mul3A_101 = arith.constant 1 : i32
      %mul3A_102 = arith.muli %scan3A_100, %mul3A_101 : i32
      %add3A_103 = arith.constant 0 : i32
      %add3A_104 = arith.addi %add3A_103, %mul3A_102 : i32
      %mul3A_105 = arith.constant 2 : i32
      %mul3A_106 = arith.muli %mul3A_105, %add3A_104 : i32
      %dma_wait3A = arith.constant 0 : i32
      %dma_wait3A_107 = tpu.memref_slice %arg6[%mul3A_106, %dma_wait3A] : memref<16x128xi32, #tpu.memory_space<vmem>> -> memref<1x128xi32, #tpu.memory_space<vmem>>
      %dma_wait3A_108 = tpu.memref_squeeze %dma_wait3A_107 : memref<1x128xi32, #tpu.memory_space<vmem>> -> memref<128xi32, #tpu.memory_space<vmem>>
      %dma_wait3A_109 = arith.constant 0 : i32
      %dma_wait3A_110 = arith.constant 0 : i32
      %dma_wait3A_111 = tpu.memref_slice %arg2[%dma_wait3A_109, %dma_wait3A_110] : memref<10240x128xf32, #tpu.memory_space<hbm>> -> memref<10240x128xf32, #tpu.memory_space<hbm>>
      tpu.wait_indirect_dma semaphore(%arg11 : memref<!tpu.dma_semaphore, #tpu.memory_space<semaphore_mem>>) src(%dma_wait3A_111 : memref<10240x128xf32, #tpu.memory_space<hbm>>) dst(%arg8 : memref<128x128xf32, #tpu.memory_space<vmem>>)
      %add3A_112 = arith.constant 1 : i32
      %add3A_113 = arith.addi %mul3A_106, %add3A_112 : i32
      %dma_start3A_114 = arith.constant 0 : i32
      %dma_start3A_115 = tpu.memref_slice %arg6[%add3A_113, %dma_start3A_114] : memref<16x128xi32, #tpu.memory_space<vmem>> -> memref<1x128xi32, #tpu.memory_space<vmem>>
      %dma_start3A_116 = tpu.memref_squeeze %dma_start3A_115 : memref<1x128xi32, #tpu.memory_space<vmem>> -> memref<128xi32, #tpu.memory_space<vmem>>
      %dma_start3A_117 = arith.constant 0 : i32
      %dma_start3A_118 = arith.constant 0 : i32
      %dma_start3A_119 = tpu.memref_slice %arg2[%dma_start3A_117, %dma_start3A_118] : memref<10240x128xf32, #tpu.memory_space<hbm>> -> memref<10240x128xf32, #tpu.memory_space<hbm>>
      tpu.enqueue_indirect_dma source(%dma_start3A_119 : memref<10240x128xf32, #tpu.memory_space<hbm>>) target(%arg9 : memref<128x128xf32, #tpu.memory_space<vmem>>) offsets(%dma_start3A_116 : memref<128xi32, #tpu.memory_space<vmem>>) semaphore(%arg12 : memref<!tpu.dma_semaphore, #tpu.memory_space<semaphore_mem>>)
      "tpu.region"() ({
        %run_scoped3A = tpu.sem_alloc : memref<!tpu.dma_semaphore, #tpu.memory_space<semaphore_mem>>
        %dma_start3A_132 = arith.constant 0 : i32
        %dma_start3A_133 = tpu.memref_slice %arg7[%mul3A_106, %dma_start3A_132] : memref<16x128xi32, #tpu.memory_space<vmem>> -> memref<1x128xi32, #tpu.memory_space<vmem>>
        %dma_start3A_134 = tpu.memref_squeeze %dma_start3A_133 : memref<1x128xi32, #tpu.memory_space<vmem>> -> memref<128xi32, #tpu.memory_space<vmem>>
        %dma_start3A_135 = arith.constant 0 : i32
        %dma_start3A_136 = arith.constant 0 : i32
        %dma_start3A_137 = tpu.memref_slice %arg10[%dma_start3A_135, %dma_start3A_136] : memref<10240x128xf32, #tpu.memory_space<vmem_shared>> -> memref<10240x128xf32, #tpu.memory_space<vmem_shared>>
        tpu.enqueue_indirect_dma source(%arg8 : memref<128x128xf32, #tpu.memory_space<vmem>>) target(%dma_start3A_137 : memref<10240x128xf32, #tpu.memory_space<vmem_shared>>) offsets(%dma_start3A_134 : memref<128xi32, #tpu.memory_space<vmem>>) semaphore(%run_scoped3A : memref<!tpu.dma_semaphore, #tpu.memory_space<semaphore_mem>>) {add = true}
        %dma_wait3A_138 = arith.constant 0 : i32
        %dma_wait3A_139 = tpu.memref_slice %arg7[%mul3A_106, %dma_wait3A_138] : memref<16x128xi32, #tpu.memory_space<vmem>> -> memref<1x128xi32, #tpu.memory_space<vmem>>
        %dma_wait3A_140 = tpu.memref_squeeze %dma_wait3A_139 : memref<1x128xi32, #tpu.memory_space<vmem>> -> memref<128xi32, #tpu.memory_space<vmem>>
        %dma_wait3A_141 = arith.constant 0 : i32
        %dma_wait3A_142 = arith.constant 0 : i32
        %dma_wait3A_143 = tpu.memref_slice %arg10[%dma_wait3A_141, %dma_wait3A_142] : memref<10240x128xf32, #tpu.memory_space<vmem_shared>> -> memref<10240x128xf32, #tpu.memory_space<vmem_shared>>
        tpu.wait_indirect_dma semaphore(%run_scoped3A : memref<!tpu.dma_semaphore, #tpu.memory_space<semaphore_mem>>) src(%arg8 : memref<128x128xf32, #tpu.memory_space<vmem>>) dst(%dma_wait3A_143 : memref<10240x128xf32, #tpu.memory_space<vmem_shared>>)
        tpu.yield
      }) : () -> ()
      %add3A_120 = arith.constant 1 : i32
      %add3A_121 = arith.addi %mul3A_106, %add3A_120 : i32
      %dma_wait3A_122 = arith.constant 0 : i32
      %dma_wait3A_123 = tpu.memref_slice %arg6[%add3A_121, %dma_wait3A_122] : memref<16x128xi32, #tpu.memory_space<vmem>> -> memref<1x128xi32, #tpu.memory_space<vmem>>
      %dma_wait3A_124 = tpu.memref_squeeze %dma_wait3A_123 : memref<1x128xi32, #tpu.memory_space<vmem>> -> memref<128xi32, #tpu.memory_space<vmem>>
      %dma_wait3A_125 = arith.constant 0 : i32
      %dma_wait3A_126 = arith.constant 0 : i32
      %dma_wait3A_127 = tpu.memref_slice %arg2[%dma_wait3A_125, %dma_wait3A_126] : memref<10240x128xf32, #tpu.memory_space<hbm>> -> memref<10240x128xf32, #tpu.memory_space<hbm>>
      tpu.wait_indirect_dma semaphore(%arg12 : memref<!tpu.dma_semaphore, #tpu.memory_space<semaphore_mem>>) src(%dma_wait3A_127 : memref<10240x128xf32, #tpu.memory_space<hbm>>) dst(%arg9 : memref<128x128xf32, #tpu.memory_space<vmem>>)
      %lt3A = arith.constant 7 : i32
      %lt3A_128 = arith.cmpi slt, %add3A_104, %lt3A : i32
      %convert_element_type3A = arith.extui %lt3A_128 : i1 to i32
      %cond3A = arith.constant 0 : i32
      %cond3A_129 = arith.cmpi ne, %convert_element_type3A, %cond3A : i32
      scf.if %cond3A_129 {
        %add3A_132 = arith.constant 2 : i32
        %add3A_133 = arith.addi %mul3A_106, %add3A_132 : i32
        %dma_start3A_134 = arith.constant 0 : i32
        %dma_start3A_135 = tpu.memref_slice %arg6[%add3A_133, %dma_start3A_134] : memref<16x128xi32, #tpu.memory_space<vmem>> -> memref<1x128xi32, #tpu.memory_space<vmem>>
        %dma_start3A_136 = tpu.memref_squeeze %dma_start3A_135 : memref<1x128xi32, #tpu.memory_space<vmem>> -> memref<128xi32, #tpu.memory_space<vmem>>
        %dma_start3A_137 = arith.constant 0 : i32
        %dma_start3A_138 = arith.constant 0 : i32
        %dma_start3A_139 = tpu.memref_slice %arg2[%dma_start3A_137, %dma_start3A_138] : memref<10240x128xf32, #tpu.memory_space<hbm>> -> memref<10240x128xf32, #tpu.memory_space<hbm>>
        tpu.enqueue_indirect_dma source(%dma_start3A_139 : memref<10240x128xf32, #tpu.memory_space<hbm>>) target(%arg8 : memref<128x128xf32, #tpu.memory_space<vmem>>) offsets(%dma_start3A_136 : memref<128xi32, #tpu.memory_space<vmem>>) semaphore(%arg11 : memref<!tpu.dma_semaphore, #tpu.memory_space<semaphore_mem>>)
      } else {
      }
      %add3A_130 = arith.constant 1 : i32
      %add3A_131 = arith.addi %mul3A_106, %add3A_130 : i32
      "tpu.region"() ({
        %run_scoped3A = tpu.sem_alloc : memref<!tpu.dma_semaphore, #tpu.memory_space<semaphore_mem>>
        %dma_start3A_132 = arith.constant 0 : i32
        %dma_start3A_133 = tpu.memref_slice %arg7[%add3A_131, %dma_start3A_132] : memref<16x128xi32, #tpu.memory_space<vmem>> -> memref<1x128xi32, #tpu.memory_space<vmem>>
        %dma_start3A_134 = tpu.memref_squeeze %dma_start3A_133 : memref<1x128xi32, #tpu.memory_space<vmem>> -> memref<128xi32, #tpu.memory_space<vmem>>
        %dma_start3A_135 = arith.constant 0 : i32
        %dma_start3A_136 = arith.constant 0 : i32
        %dma_start3A_137 = tpu.memref_slice %arg10[%dma_start3A_135, %dma_start3A_136] : memref<10240x128xf32, #tpu.memory_space<vmem_shared>> -> memref<10240x128xf32, #tpu.memory_space<vmem_shared>>
        tpu.enqueue_indirect_dma source(%arg9 : memref<128x128xf32, #tpu.memory_space<vmem>>) target(%dma_start3A_137 : memref<10240x128xf32, #tpu.memory_space<vmem_shared>>) offsets(%dma_start3A_134 : memref<128xi32, #tpu.memory_space<vmem>>) semaphore(%run_scoped3A : memref<!tpu.dma_semaphore, #tpu.memory_space<semaphore_mem>>) {add = true}
        %dma_wait3A_138 = arith.constant 0 : i32
        %dma_wait3A_139 = tpu.memref_slice %arg7[%add3A_131, %dma_wait3A_138] : memref<16x128xi32, #tpu.memory_space<vmem>> -> memref<1x128xi32, #tpu.memory_space<vmem>>
        %dma_wait3A_140 = tpu.memref_squeeze %dma_wait3A_139 : memref<1x128xi32, #tpu.memory_space<vmem>> -> memref<128xi32, #tpu.memory_space<vmem>>
        %dma_wait3A_141 = arith.constant 0 : i32
        %dma_wait3A_142 = arith.constant 0 : i32
        %dma_wait3A_143 = tpu.memref_slice %arg10[%dma_wait3A_141, %dma_wait3A_142] : memref<10240x128xf32, #tpu.memory_space<vmem_shared>> -> memref<10240x128xf32, #tpu.memory_space<vmem_shared>>
        tpu.wait_indirect_dma semaphore(%run_scoped3A : memref<!tpu.dma_semaphore, #tpu.memory_space<semaphore_mem>>) src(%arg9 : memref<128x128xf32, #tpu.memory_space<vmem>>) dst(%dma_wait3A_143 : memref<10240x128xf32, #tpu.memory_space<vmem_shared>>)
        tpu.yield
      }) : () -> ()
    }
    %scan3A_98 = arith.constant 8 : i32
    %barrier3A_99 = arith.constant 0 : index
    tpu.barrier barrier_id(%barrier3A_99)
    "tpu.region"() ({
      %run_scoped3A = tpu.sem_alloc : memref<!tpu.dma_semaphore, #tpu.memory_space<semaphore_mem>>
      %dma_start3A_100 = arith.constant 0 : i32
      %dma_start3A_101 = tpu.memref_slice %arg5[%arg0, %mul3A_1, %dma_start3A_100] : memref<2x10240x128xf32, #tpu.memory_space<hbm>> -> memref<1x640x128xf32, #tpu.memory_space<hbm>>
      %dma_start3A_102 = tpu.memref_squeeze %dma_start3A_101 : memref<1x640x128xf32, #tpu.memory_space<hbm>> -> memref<640x128xf32, #tpu.memory_space<hbm>>
      %dma_start3A_103 = arith.constant 0 : i32
      %dma_start3A_104 = tpu.memref_slice %arg10[%mul3A_1, %dma_start3A_103] : memref<10240x128xf32, #tpu.memory_space<vmem_shared>> -> memref<640x128xf32, #tpu.memory_space<vmem_shared>>
      tpu.enqueue_dma source(%dma_start3A_104 : memref<640x128xf32, #tpu.memory_space<vmem_shared>>) target(%dma_start3A_102 : memref<640x128xf32, #tpu.memory_space<hbm>>) target_semaphore(%run_scoped3A : memref<!tpu.dma_semaphore, #tpu.memory_space<semaphore_mem>>)
      %dma_wait3A = arith.constant 0 : i32
      %dma_wait3A_105 = tpu.memref_slice %arg5[%arg0, %mul3A_1, %dma_wait3A] : memref<2x10240x128xf32, #tpu.memory_space<hbm>> -> memref<1x640x128xf32, #tpu.memory_space<hbm>>
      %dma_wait3A_106 = tpu.memref_squeeze %dma_wait3A_105 : memref<1x640x128xf32, #tpu.memory_space<hbm>> -> memref<640x128xf32, #tpu.memory_space<hbm>>
      %dma_wait3A_107 = arith.constant 0 : i32
      %dma_wait3A_108 = tpu.memref_slice %arg10[%mul3A_1, %dma_wait3A_107] : memref<10240x128xf32, #tpu.memory_space<vmem_shared>> -> memref<640x128xf32, #tpu.memory_space<vmem_shared>>
      tpu.wait_dma2 semaphore(%run_scoped3A : memref<!tpu.dma_semaphore, #tpu.memory_space<semaphore_mem>>) src(%dma_wait3A_108 : memref<640x128xf32, #tpu.memory_space<vmem_shared>>) dst(%dma_wait3A_106 : memref<640x128xf32, #tpu.memory_space<hbm>>)
      tpu.yield
    }) : () -> ()
    return
  }
}

module attributes {stable_mosaic.version = 14 : i64} {
  func.func @body(%arg0: i32, %arg1: memref<1280x128xf32, #tpu.memory_space<vmem>>, %arg2: memref<32x2x1280xf32, #tpu.memory_space<vmem>>, %arg3: memref<128x128xf32, #tpu.memory_space<vmem>>, %arg4: memref<1280x128xf32, #tpu.memory_space<vmem>>) attributes {dimension_semantics = [#tpu.dimension_semantics<arbitrary>], iteration_bounds = array<i64: 8>, scalar_prefetch = 0 : i64, scratch_operands = 0 : i64, tpu.core_type = #tpu.core_type<tc>, window_params = [{transform_indices = @transform_0, window_bounds = array<i64: 1280, 128>}, {transform_indices = @transform_1, window_bounds = array<i64: 32, 2, 1280>}, {pipeline_mode = #tpu.pipeline_mode<synchronous>, transform_indices = @transform_2, window_bounds = array<i64: 128, 128>}, {transform_indices = @transform_3, window_bounds = array<i64: 1280, 128>}]} {
    %get3A = arith.constant 0 : index
    %get3A_0 = arith.constant 0 : index
    %get3A_1 = arith.constant 0 : index
    %get3A_2 = vector.load %arg2[%get3A, %get3A_0, %get3A_1] : memref<32x2x1280xf32, #tpu.memory_space<vmem>>, vector<32x2x1280xf32>
    %reduce_sum3A = arith.constant dense<0.000000e+00> : vector<2x1280xf32>
    %reduce_sum3A_3 = vector.multi_reduction <add>, %get3A_2, %reduce_sum3A [0] : vector<32x2x1280xf32> to vector<2x1280xf32>
    %slice3A = vector.extract_strided_slice %reduce_sum3A_3 {offsets = [0, 0], sizes = [1, 1280], strides = [1, 1]} : vector<2x1280xf32> to vector<1x1280xf32>
    %squeeze3A = vector.shape_cast %slice3A : vector<1x1280xf32> to vector<1280xf32>
    %gt3A = arith.constant 0.000000e+00 : f32
    %gt3A_4 = vector.broadcast %gt3A : f32 to vector<1280xf32>
    %gt3A_5 = arith.cmpf ogt, %squeeze3A, %gt3A_4 : vector<1280xf32>
    %max3A = arith.constant 9.99999996E-13 : f32
    %max3A_6 = vector.broadcast %max3A : f32 to vector<1280xf32>
    %max3A_7 = arith.maximumf %squeeze3A, %max3A_6 : vector<1280xf32>
    %rsqrt3A = math.rsqrt %max3A_7 : vector<1280xf32>
    %jit3A = arith.constant 0.000000e+00 : f32
    %broadcast_in_dim3A = vector.broadcast %jit3A : f32 to vector<1280xf32>
    %select_n3A = arith.select %gt3A_5, %rsqrt3A, %broadcast_in_dim3A : vector<1280xi1>, vector<1280xf32>
    %get3A_8 = arith.constant 0 : index
    %get3A_9 = arith.constant 0 : index
    %get3A_10 = vector.load %arg1[%get3A_8, %get3A_9] : memref<1280x128xf32, #tpu.memory_space<vmem>>, vector<1280x128xf32>
    %broadcast_in_dim3A_11 = vector.shape_cast %select_n3A : vector<1280xf32> to vector<1280x1xf32>
    %mul3A = vector.broadcast %broadcast_in_dim3A_11 : vector<1280x1xf32> to vector<1280x128xf32>
    %mul3A_12 = arith.mulf %get3A_10, %mul3A : vector<1280x128xf32>
    %get3A_13 = arith.constant 0 : index
    %get3A_14 = arith.constant 0 : index
    %get3A_15 = vector.load %arg3[%get3A_13, %get3A_14] : memref<128x128xf32, #tpu.memory_space<vmem>>, vector<128x128xf32>
    %dot_general3A = arith.constant dense<0.000000e+00> : vector<1280x128xf32>
    %dot_general3A_16 = tpu.matmul %mul3A_12, %get3A_15, %dot_general3A {dimension_numbers = #tpu.dot_dimension_numbers<[1], [0], [0], [1], [0, 0, 1, 1], [], []>, precision = #tpu.contract_precision<fp32>, transpose_lhs_hint = false} : vector<1280x128xf32>, vector<128x128xf32>, vector<1280x128xf32> -> vector<1280x128xf32>
    %swap3A = arith.constant 0 : index
    %swap3A_17 = arith.constant 0 : index
    %swap3A_18 = vector.load %arg4[%swap3A, %swap3A_17] : memref<1280x128xf32, #tpu.memory_space<vmem>>, vector<1280x128xf32>
    tpu.vector_store %arg4[%swap3A, %swap3A_17], %dot_general3A_16 {strides = array<i32>} : memref<1280x128xf32, #tpu.memory_space<vmem>>, vector<1280x128xf32>,
    return
  }
  func.func @transform_0(%arg0: i32) -> (i32, i32) {
    %c0_i32 = arith.constant 0 : i32
    %c0_i32_0 = arith.constant 0 : i32
    return %arg0, %c0_i32 : i32, i32
  }
  func.func @transform_1(%arg0: i32) -> (i32, i32, i32) {
    %c0_i32 = arith.constant 0 : i32
    %c0_i32_0 = arith.constant 0 : i32
    %c0_i32_1 = arith.constant 0 : i32
    return %c0_i32, %c0_i32_0, %arg0 : i32, i32, i32
  }
  func.func @transform_2(%arg0: i32) -> (i32, i32) {
    %c0_i32 = arith.constant 0 : i32
    %c0_i32_0 = arith.constant 0 : i32
    %c0_i32_1 = arith.constant 0 : i32
    return %c0_i32, %c0_i32_0 : i32, i32
  }
  func.func @transform_3(%arg0: i32) -> (i32, i32) {
    %c0_i32 = arith.constant 0 : i32
    %c0_i32_0 = arith.constant 0 : i32
    return %arg0, %c0_i32 : i32, i32
  }
}

module attributes {stable_mosaic.version = 14 : i64} {
  func.func @body(%arg0: i32, %arg1: memref<2x1280x128xf32, #tpu.memory_space<vmem>>, %arg2: memref<32x2x1280xf32, #tpu.memory_space<vmem>>, %arg3: memref<1x128xf32, #tpu.memory_space<vmem>>, %arg4: memref<128x128xf32, #tpu.memory_space<vmem>>, %arg5: memref<1280x128xf32, #tpu.memory_space<vmem>>) attributes {dimension_semantics = [#tpu.dimension_semantics<arbitrary>], iteration_bounds = array<i64: 8>, scalar_prefetch = 0 : i64, scratch_operands = 0 : i64, tpu.core_type = #tpu.core_type<tc>, window_params = [{transform_indices = @transform_0, window_bounds = array<i64: 2, 1280, 128>}, {transform_indices = @transform_1, window_bounds = array<i64: 32, 2, 1280>}, {pipeline_mode = #tpu.pipeline_mode<synchronous>, transform_indices = @transform_2, window_bounds = array<i64: 1, 128>}, {pipeline_mode = #tpu.pipeline_mode<synchronous>, transform_indices = @transform_3, window_bounds = array<i64: 128, 128>}, {transform_indices = @transform_4, window_bounds = array<i64: 1280, 128>}]} {
    %get3A = arith.constant 0 : index
    %get3A_0 = arith.constant 0 : index
    %get3A_1 = arith.constant 0 : index
    %get3A_2 = vector.load %arg1[%get3A, %get3A_0, %get3A_1] : memref<2x1280x128xf32, #tpu.memory_space<vmem>>, vector<1x1280x128xf32>
    %get3A_3 = vector.shape_cast %get3A_2 : vector<1x1280x128xf32> to vector<1280x128xf32>
    %get3A_4 = arith.constant 1 : index
    %get3A_5 = arith.constant 0 : index
    %get3A_6 = arith.constant 0 : index
    %get3A_7 = vector.load %arg1[%get3A_4, %get3A_5, %get3A_6] : memref<2x1280x128xf32, #tpu.memory_space<vmem>>, vector<1x1280x128xf32>
    %get3A_8 = vector.shape_cast %get3A_7 : vector<1x1280x128xf32> to vector<1280x128xf32>
    %add3A = arith.addf %get3A_3, %get3A_8 : vector<1280x128xf32>
    %get3A_9 = arith.constant 0 : index
    %get3A_10 = arith.constant 0 : index
    %get3A_11 = arith.constant 0 : index
    %get3A_12 = vector.load %arg2[%get3A_9, %get3A_10, %get3A_11] : memref<32x2x1280xf32, #tpu.memory_space<vmem>>, vector<32x2x1280xf32>
    %reduce_sum3A = arith.constant dense<0.000000e+00> : vector<2x1280xf32>
    %reduce_sum3A_13 = vector.multi_reduction <add>, %get3A_12, %reduce_sum3A [0] : vector<32x2x1280xf32> to vector<2x1280xf32>
    %slice3A = vector.extract_strided_slice %reduce_sum3A_13 {offsets = [0, 0], sizes = [1, 1280], strides = [1, 1]} : vector<2x1280xf32> to vector<1x1280xf32>
    %squeeze3A = vector.shape_cast %slice3A : vector<1x1280xf32> to vector<1280xf32>
    %gt3A = arith.constant 0.000000e+00 : f32
    %gt3A_14 = vector.broadcast %gt3A : f32 to vector<1280xf32>
    %gt3A_15 = arith.cmpf ogt, %squeeze3A, %gt3A_14 : vector<1280xf32>
    %max3A = arith.constant 9.99999996E-13 : f32
    %max3A_16 = vector.broadcast %max3A : f32 to vector<1280xf32>
    %max3A_17 = arith.maximumf %squeeze3A, %max3A_16 : vector<1280xf32>
    %rsqrt3A = math.rsqrt %max3A_17 : vector<1280xf32>
    %jit3A = arith.constant 0.000000e+00 : f32
    %broadcast_in_dim3A = vector.broadcast %jit3A : f32 to vector<1280xf32>
    %select_n3A = arith.select %gt3A_15, %rsqrt3A, %broadcast_in_dim3A : vector<1280xi1>, vector<1280xf32>
    %slice3A_18 = vector.extract_strided_slice %reduce_sum3A_13 {offsets = [1, 0], sizes = [1, 1280], strides = [1, 1]} : vector<2x1280xf32> to vector<1x1280xf32>
    %squeeze3A_19 = vector.shape_cast %slice3A_18 : vector<1x1280xf32> to vector<1280xf32>
    %gt3A_20 = arith.constant 0.000000e+00 : f32
    %gt3A_21 = vector.broadcast %gt3A_20 : f32 to vector<1280xf32>
    %gt3A_22 = arith.cmpf ogt, %squeeze3A_19, %gt3A_21 : vector<1280xf32>
    %max3A_23 = arith.constant 9.99999996E-13 : f32
    %max3A_24 = vector.broadcast %max3A_23 : f32 to vector<1280xf32>
    %max3A_25 = arith.maximumf %squeeze3A_19, %max3A_24 : vector<1280xf32>
    %rsqrt3A_26 = math.rsqrt %max3A_25 : vector<1280xf32>
    %jit3A_27 = arith.constant 0.000000e+00 : f32
    %broadcast_in_dim3A_28 = vector.broadcast %jit3A_27 : f32 to vector<1280xf32>
    %select_n3A_29 = arith.select %gt3A_22, %rsqrt3A_26, %broadcast_in_dim3A_28 : vector<1280xi1>, vector<1280xf32>
    %broadcast_in_dim3A_30 = vector.shape_cast %select_n3A_29 : vector<1280xf32> to vector<1280x1xf32>
    %mul3A = vector.broadcast %broadcast_in_dim3A_30 : vector<1280x1xf32> to vector<1280x128xf32>
    %mul3A_31 = arith.mulf %add3A, %mul3A : vector<1280x128xf32>
    %get3A_32 = arith.constant 0 : index
    %get3A_33 = arith.constant 0 : index
    %get3A_34 = vector.load %arg3[%get3A_32, %get3A_33] : memref<1x128xf32, #tpu.memory_space<vmem>>, vector<1x128xf32>
    %add3A_35 = vector.broadcast %get3A_34 : vector<1x128xf32> to vector<1280x128xf32>
    %add3A_36 = arith.addf %mul3A_31, %add3A_35 : vector<1280x128xf32>
    %max3A_37 = arith.constant 0.000000e+00 : f32
    %max3A_38 = vector.broadcast %max3A_37 : f32 to vector<1280x128xf32>
    %max3A_39 = arith.maximumf %add3A_36, %max3A_38 : vector<1280x128xf32>
    %broadcast_in_dim3A_40 = vector.shape_cast %select_n3A : vector<1280xf32> to vector<1280x1xf32>
    %mul3A_41 = vector.broadcast %broadcast_in_dim3A_40 : vector<1280x1xf32> to vector<1280x128xf32>
    %mul3A_42 = arith.mulf %max3A_39, %mul3A_41 : vector<1280x128xf32>
    %get3A_43 = arith.constant 0 : index
    %get3A_44 = arith.constant 0 : index
    %get3A_45 = vector.load %arg4[%get3A_43, %get3A_44] : memref<128x128xf32, #tpu.memory_space<vmem>>, vector<128x128xf32>
    %dot_general3A = arith.constant dense<0.000000e+00> : vector<1280x128xf32>
    %dot_general3A_46 = tpu.matmul %mul3A_42, %get3A_45, %dot_general3A {dimension_numbers = #tpu.dot_dimension_numbers<[1], [0], [0], [1], [0, 0, 1, 1], [], []>, precision = #tpu.contract_precision<fp32>, transpose_lhs_hint = false} : vector<1280x128xf32>, vector<128x128xf32>, vector<1280x128xf32> -> vector<1280x128xf32>
    %swap3A = arith.constant 0 : index
    %swap3A_47 = arith.constant 0 : index
    %swap3A_48 = vector.load %arg5[%swap3A, %swap3A_47] : memref<1280x128xf32, #tpu.memory_space<vmem>>, vector<1280x128xf32>
    tpu.vector_store %arg5[%swap3A, %swap3A_47], %dot_general3A_46 {strides = array<i32>} : memref<1280x128xf32, #tpu.memory_space<vmem>>, vector<1280x128xf32>,
    return
  }
  func.func @transform_0(%arg0: i32) -> (i32, i32, i32) {
    %c0_i32 = arith.constant 0 : i32
    %c0_i32_0 = arith.constant 0 : i32
    %c0_i32_1 = arith.constant 0 : i32
    return %c0_i32, %arg0, %c0_i32_0 : i32, i32, i32
  }
  func.func @transform_1(%arg0: i32) -> (i32, i32, i32) {
    %c0_i32 = arith.constant 0 : i32
    %c0_i32_0 = arith.constant 0 : i32
    %c0_i32_1 = arith.constant 0 : i32
    return %c0_i32, %c0_i32_0, %arg0 : i32, i32, i32
  }
  func.func @transform_2(%arg0: i32) -> (i32, i32) {
    %c0_i32 = arith.constant 0 : i32
    %c0_i32_0 = arith.constant 0 : i32
    %c0_i32_1 = arith.constant 0 : i32
    return %c0_i32, %c0_i32_0 : i32, i32
  }
  func.func @transform_3(%arg0: i32) -> (i32, i32) {
    %c0_i32 = arith.constant 0 : i32
    %c0_i32_0 = arith.constant 0 : i32
    %c0_i32_1 = arith.constant 0 : i32
    return %c0_i32, %c0_i32_0 : i32, i32
  }
  func.func @transform_4(%arg0: i32) -> (i32, i32) {
    %c0_i32 = arith.constant 0 : i32
    %c0_i32_0 = arith.constant 0 : i32
    return %arg0, %c0_i32 : i32, i32
  }
}

module attributes {stable_mosaic.version = 14 : i64} {
  func.func @body(%arg0: i32, %arg1: memref<2x1280x128xf32, #tpu.memory_space<vmem>>, %arg2: memref<32x2x1280xf32, #tpu.memory_space<vmem>>, %arg3: memref<1x64xf32, #tpu.memory_space<vmem>>, %arg4: memref<1280x64xf32, #tpu.memory_space<vmem>>) attributes {dimension_semantics = [#tpu.dimension_semantics<arbitrary>], iteration_bounds = array<i64: 8>, scalar_prefetch = 0 : i64, scratch_operands = 0 : i64, tpu.core_type = #tpu.core_type<tc>, window_params = [{transform_indices = @transform_0, window_bounds = array<i64: 2, 1280, 128>}, {transform_indices = @transform_1, window_bounds = array<i64: 32, 2, 1280>}, {pipeline_mode = #tpu.pipeline_mode<synchronous>, transform_indices = @transform_2, window_bounds = array<i64: 1, 64>}, {transform_indices = @transform_3, window_bounds = array<i64: 1280, 64>}]} {
    %get3A = arith.constant 0 : index
    %get3A_0 = arith.constant 0 : index
    %get3A_1 = arith.constant 0 : index
    %get3A_2 = vector.load %arg1[%get3A, %get3A_0, %get3A_1] : memref<2x1280x128xf32, #tpu.memory_space<vmem>>, vector<1x1280x64xf32>
    %get3A_3 = vector.shape_cast %get3A_2 : vector<1x1280x64xf32> to vector<1280x64xf32>
    %get3A_4 = arith.constant 1 : index
    %get3A_5 = arith.constant 0 : index
    %get3A_6 = arith.constant 0 : index
    %get3A_7 = vector.load %arg1[%get3A_4, %get3A_5, %get3A_6] : memref<2x1280x128xf32, #tpu.memory_space<vmem>>, vector<1x1280x64xf32>
    %get3A_8 = vector.shape_cast %get3A_7 : vector<1x1280x64xf32> to vector<1280x64xf32>
    %add3A = arith.addf %get3A_3, %get3A_8 : vector<1280x64xf32>
    %get3A_9 = arith.constant 0 : index
    %get3A_10 = arith.constant 0 : index
    %get3A_11 = arith.constant 0 : index
    %get3A_12 = vector.load %arg2[%get3A_9, %get3A_10, %get3A_11] : memref<32x2x1280xf32, #tpu.memory_space<vmem>>, vector<32x2x1280xf32>
    %reduce_sum3A = arith.constant dense<0.000000e+00> : vector<2x1280xf32>
    %reduce_sum3A_13 = vector.multi_reduction <add>, %get3A_12, %reduce_sum3A [0] : vector<32x2x1280xf32> to vector<2x1280xf32>
    %slice3A = vector.extract_strided_slice %reduce_sum3A_13 {offsets = [1, 0], sizes = [1, 1280], strides = [1, 1]} : vector<2x1280xf32> to vector<1x1280xf32>
    %squeeze3A = vector.shape_cast %slice3A : vector<1x1280xf32> to vector<1280xf32>
    %gt3A = arith.constant 0.000000e+00 : f32
    %gt3A_14 = vector.broadcast %gt3A : f32 to vector<1280xf32>
    %gt3A_15 = arith.cmpf ogt, %squeeze3A, %gt3A_14 : vector<1280xf32>
    %max3A = arith.constant 9.99999996E-13 : f32
    %max3A_16 = vector.broadcast %max3A : f32 to vector<1280xf32>
    %max3A_17 = arith.maximumf %squeeze3A, %max3A_16 : vector<1280xf32>
    %rsqrt3A = math.rsqrt %max3A_17 : vector<1280xf32>
    %jit3A = arith.constant 0.000000e+00 : f32
    %broadcast_in_dim3A = vector.broadcast %jit3A : f32 to vector<1280xf32>
    %select_n3A = arith.select %gt3A_15, %rsqrt3A, %broadcast_in_dim3A : vector<1280xi1>, vector<1280xf32>
    %broadcast_in_dim3A_18 = vector.shape_cast %select_n3A : vector<1280xf32> to vector<1280x1xf32>
    %mul3A = vector.broadcast %broadcast_in_dim3A_18 : vector<1280x1xf32> to vector<1280x64xf32>
    %mul3A_19 = arith.mulf %add3A, %mul3A : vector<1280x64xf32>
    %get3A_20 = arith.constant 0 : index
    %get3A_21 = arith.constant 0 : index
    %get3A_22 = vector.load %arg3[%get3A_20, %get3A_21] : memref<1x64xf32, #tpu.memory_space<vmem>>, vector<1x64xf32>
    %add3A_23 = vector.broadcast %get3A_22 : vector<1x64xf32> to vector<1280x64xf32>
    %add3A_24 = arith.addf %mul3A_19, %add3A_23 : vector<1280x64xf32>
    %swap3A = arith.constant 0 : index
    %swap3A_25 = arith.constant 0 : index
    %swap3A_26 = vector.load %arg4[%swap3A, %swap3A_25] : memref<1280x64xf32, #tpu.memory_space<vmem>>, vector<1280x64xf32>
    tpu.vector_store %arg4[%swap3A, %swap3A_25], %add3A_24 {strides = array<i32>} : memref<1280x64xf32, #tpu.memory_space<vmem>>, vector<1280x64xf32>,
    return
  }
  func.func @transform_0(%arg0: i32) -> (i32, i32, i32) {
    %c0_i32 = arith.constant 0 : i32
    %c0_i32_0 = arith.constant 0 : i32
    %c0_i32_1 = arith.constant 0 : i32
    return %c0_i32, %arg0, %c0_i32_0 : i32, i32, i32
  }
  func.func @transform_1(%arg0: i32) -> (i32, i32, i32) {
    %c0_i32 = arith.constant 0 : i32
    %c0_i32_0 = arith.constant 0 : i32
    %c0_i32_1 = arith.constant 0 : i32
    return %c0_i32, %c0_i32_0, %arg0 : i32, i32, i32
  }
  func.func @transform_2(%arg0: i32) -> (i32, i32) {
    %c0_i32 = arith.constant 0 : i32
    %c0_i32_0 = arith.constant 0 : i32
    %c0_i32_1 = arith.constant 0 : i32
    return %c0_i32, %c0_i32_0 : i32, i32
  }
  func.func @transform_3(%arg0: i32) -> (i32, i32) {
    %c0_i32 = arith.constant 0 : i32
    %c0_i32_0 = arith.constant 0 : i32
    return %arg0, %c0_i32 : i32, i32
  }
}

</mosaic_0001>

<sc_bundles>
// kernel: kernel.11.cloned.1.call-start
scs
__scs_entry_jumppad:
0x0: {  	(pc) =	sbr.rel $0x88, $3  }
0x1: {  	(tag) =	ssettag $0x0;
	lr =	simm.s32 $0x1  }
0x2: {  	[smem:$0x3F9B] =	sst lr;
	_ =	strace $0xD0000000  }
0x3: {  	_ = 	snop  }
0x4: {  	_ = 	snop  }
0x5: {  	_ = 	snop  }
0x6: {  	_ = 	snop  }
0x7: {  	_ = 	snop  }
__scs_overlays_trampoline_lowered:
0x8: {  	[smem:$0x3FAA] =	sst s0  }
0x9: {  	[smem:$0x3FAB] =	sst s1  }
0xa: {  	[smem:$0x3FAC] =	sst s2  }
0xb: {  	[smem:$0x3FAD] =	sst s3  }
0xc: {  	[smem:$0x3FAE] =	sst s4  }
0xd: {  	[smem:$0x3FAF] =	sst s5  }
0xe: {  	[smem:$0x3FB0] =	sst s6  }
0xf: {  	[smem:$0x3FB1] =	sst s7  }
0x10: {  	[smem:$0x3FB2] =	sst s8  }
0x11: {  	[smem:$0x3FB3] =	sst s9;
	s0 =	simm.s32 @!p0 $0x0  }
0x12: {  	s1 =	sld [smem:$0x3F99];
	s0 =	simm.s32 @p0 $0x1  }
0x13: {  	[smem:$0x3FB4] =	sst s0;
	s0 =	simm.s32 @!p1 $0x0  }
0x14: {  	s2 =	sld [smem:$0x3F98];
	s0 =	simm.s32 @p1 $0x1  }
0x15: {  	[smem:$0x3FB5] =	sst s0;
	s0 =	simm.s32 @!p2 $0x0  }
0x16: {  	s3 =	sld [smem:$0x3FDB];
	s0 =	simm.s32 @p2 $0x1  }
0x17: {  	s4 =	simm.s32 $0x1BF5;
	[smem:$0x3FB7] =	sst s0  }
0x18: {  	s0 =	sld [smem:$0x3F9A];
	_ =	swait.ge [sflag:s4], $0x0  }
0x19: {  	s7 =	sld [smem:$0x3F9B]  }
0x1a: {  	s8 =	sadd.s32 $0xFFFFE003, lr  }
0x1b: {  	s9 =	sadd.s32 $0xFFFFFEF7, lr;
	s5 =	simm.s32 $0xFFFFFFFF;
	p2 =	slt.u32 s8, $0xFFFFF086  }
0x1c: {  	p1 =	slt.u32 s9, $0xF7A;
	s5 =	simm.s32 @!p2 $0x0  }
0x1d: {  	s5 =	simm.s32 @p1 $0x1;
	p0 =	seq.s32 s7, s2  }
0x1e: {  	s7 =	smul.u32 @!p0 $0xF7A, s2;
	p2 =	seq.s32 @!p0 s5, $0x0  }
0x1f: {  	s9 =	smul.u32 $0xF7A, s1;
	s8 =	simm.s32 @!p0 $0x1BF5;
	p2 =	por !p2, p0  }
0x20: {  	[sflag:s8] =	ssyncset.s32 @!p0 $0xFFFFF086;
	s6 =	sadd.s32 @!p0 s3, s7;
	s7 =	simm.s32 @!p0 $0x108  }
0x21: {  	s3 =	sadd.s32 s3, s9;
	s6 =	sadd.s32 @!p0 $0x88, s6;
	s7 =	simm.s32 @p2 $0x1082  }
0x22: {  	[simem:s7], [sflag:s8] =	dma.local @!p0 [hbm:s6], $0xF7A  }
0x23: {  	s9 =	sor.u32 $0xD0000000, s2;
	s6 =	simm.s32 $0x108;
	_ =	swait.ge @!p0 [sflag:s8], $0x0  }
0x24: {  	s3 =	sadd.s32 $0x88, s3;
	s6 =	simm.s32 @!p1 $0x1082;
	[sflag:s4] =	ssyncset.s32 $0xFFFFF086  }
0x25: {  	[simem:s6], [sflag:s4] =	dma.local [hbm:s3], $0xF7A  }
0x26: {  	[smem:$0x3F9B] =	sst s1;
	(tag) =	ssettag s2;
	_ =	strace s9  }
0x27: {  	s1 =	sld [smem:$0x3FAB]  }
0x28: {  	s2 =	sld [smem:$0x3FAC]  }
0x29: {  	s4 =	sld [smem:$0x3FAE]  }
0x2a: {  	p0 =	seq.s32 s5, $0x0;
	s5 =	sld [smem:$0x3FAF]  }
0x2b: {  	s6 =	sld [smem:$0x3FB0]  }
0x2c: {  	s7 =	sld [smem:$0x3FB1]  }
0x2d: {  	s3 =	simm.s32 $0x108;
	s8 =	sld [smem:$0x3FB2]  }
0x2e: {  	s3 =	simm.s32 @!p0 $0x1082;
	s9 =	sld [smem:$0x3FB3]  }
0x2f: {  	lr =	sadd.s32 s0, s3;
	s0 =	sld [smem:$0x3FAA]  }
0x30: {  	s3 =	sld [smem:$0x3FAD]  }
0x31: {  	[smem:$0x3FB6] =	sst s10  }
0x32: {  	s10 =	sld [smem:$0x3FB4];
	_ =	sdelay $0x3  }
0x33: {  	p0 =	seq.s32 s10, $0x1;
	s10 =	sld [smem:$0x3FB6];
	_ =	sdelay $0x3  }
0x34: {  	[smem:$0x3FB6] =	sst s10  }
0x35: {  	s10 =	sld [smem:$0x3FB5];
	_ =	sdelay $0x3  }
0x36: {  	p1 =	seq.s32 s10, $0x1;
	s10 =	sld [smem:$0x3FB6];
	_ =	sdelay $0x3  }
0x37: {  	[smem:$0x3FB6] =	sst s10  }
0x38: {  	s10 =	sld [smem:$0x3FB7]  }
0x39: {  	_ = 	snop;
	(pc) =	sbr.ind lr, $3  }
0x3a: {  	_ = 	snop  }
0x3b: {  	_ = 	snop  }
0x3c: {  	p2 =	seq.s32 s10, $0x1;
	s10 =	sld [smem:$0x3FB6]  }
0x3d: {  	_ =	shalt  }
0x3e: {  	_ =	shalt  }
0x3f: {  	_ =	shalt  }
0x40: {  	_ =	shalt  }
0x41: {  	_ =	shalt  }
0x42: {  	_ =	shalt  }
0x43: {  	_ =	shalt  }
0x44: {  	_ =	shalt  }
0x45: {  	_ =	shalt  }
0x46: {  	_ =	shalt  }
0x47: {  	_ =	shalt  }
0x48: {  	_ =	shalt  }
0x49: {  	_ =	shalt  }
0x4a: {  	_ =	shalt  }
0x4b: {  	_ =	shalt  }
0x4c: {  	_ =	shalt  }
0x4d: {  	_ =	shalt  }
0x4e: {  	_ =	shalt  }
0x4f: {  	_ =	shalt  }
0x50: {  	_ =	shalt  }
0x51: {  	_ =	shalt  }
0x52: {  	_ =	shalt  }
0x53: {  	_ =	shalt  }
0x54: {  	_ =	shalt  }
0x55: {  	_ =	shalt  }
0x56: {  	_ =	shalt  }
0x57: {  	_ =	shalt  }
0x58: {  	_ =	shalt  }
0x59: {  	_ =	shalt  }
0x5a: {  	_ =	shalt  }
0x5b: {  	_ =	shalt  }
0x5c: {  	_ =	shalt  }
0x5d: {  	_ =	shalt  }
0x5e: {  	_ =	shalt  }
0x5f: {  	_ =	shalt  }
0x60: {  	_ =	shalt  }
0x61: {  	_ =	shalt  }
0x62: {  	_ =	shalt  }
0x63: {  	_ =	shalt  }
0x64: {  	_ =	shalt  }
0x65: {  	_ =	shalt  }
0x66: {  	_ =	shalt  }
0x67: {  	_ =	shalt  }
0x68: {  	_ =	shalt  }
0x69: {  	_ =	shalt  }
0x6a: {  	_ =	shalt  }
0x6b: {  	_ =	shalt  }
0x6c: {  	_ =	shalt  }
0x6d: {  	_ =	shalt  }
0x6e: {  	_ =	shalt  }
0x6f: {  	_ =	shalt  }
0x70: {  	_ =	shalt  }
0x71: {  	_ =	shalt  }
0x72: {  	_ =	shalt  }
0x73: {  	_ =	shalt  }
0x74: {  	_ =	shalt  }
0x75: {  	_ =	shalt  }
0x76: {  	_ =	shalt  }
0x77: {  	_ =	shalt  }
0x78: {  	_ =	shalt  }
0x79: {  	_ =	shalt  }
0x7a: {  	_ =	shalt  }
0x7b: {  	_ =	shalt  }
0x7c: {  	_ =	shalt  }
0x7d: {  	_ =	shalt  }
0x7e: {  	_ =	shalt  }
0x7f: {  	_ =	shalt  }
0x80: {  	_ =	shalt  }
0x81: {  	_ =	shalt  }
0x82: {  	_ =	shalt  }
0x83: {  	_ =	shalt  }
0x84: {  	_ =	shalt  }
0x85: {  	_ =	shalt  }
0x86: {  	_ =	shalt  }
0x87: {  	_ =	shalt  }
.Lfunc_end0:
.L_simem_size_0:
called_computation.1_lowered:
.L_overlay_start_0:
0x88: {  	s2 =	sld [smem:$0x3FD9]  }
0x89: {  	s3 =	sld [smem:$0x3FFE];
	_ =	sdelay $0x1  }
0x8a: {  	s1 =	srdreg.scid  }
0x8b: {  	s0 =	sand.u32 $0x1, s1  }
0x8c: {  	s17 =	sshll.u32 s0, $0xA;
	s2 =	sadd.s32 s3, s2  }
0x8d: {  	s2 =	sadd.s32 s2, s17  }
0x8e: {  	[smem:$0x3FC2] =	sst s2  }
0x8f: {  	_ = 	snop  }
0x90: {  	s2 =	sld [smem:$0x3FD0];
	(tm) =	ssettm $0x1  }
0x91: {  	s18 =	sld [smem:$0x3FFB];
	_ =	sdelay $0x3  }
0x92: {  	_ =	strace s18  }
0x93: {  	s3 =	sld [smem:$0x3FFC];
	_ =	sdelay $0x3  }
0x94: {  	_ =	strace s3  }
0x95: {  	s3 =	sld [smem:$0x3FFD];
	_ =	sdelay $0x3  }
0x96: {  	_ =	strace s3  }
0x97: {  	_ =	strace $0x8FFFFFFF  }
0x98: {  	s19 =	sld [smem:$0x3FDB];
	_ =	sdelay $0x1  }
0x99: {  	s4 =	simm.s32 $_scs_section_size  }
0x9a: {  	s5 =	simm.s32 $_size__tile_overlayer_lowered;
	s6 =	simm.s32 $_tile_overlayer_lowered  }
0x9b: {  	s22 =	simm.s32 $0x1BFF;
	s21 =	sshll.u32 s6, $0x1;
	s3 =	sadd.s32 s4, s19  }
0x9c: {  	s7 =	simm.s32 $0x0;
	s20 =	sshll.u32 s5, $0x1;
	s5 =	sadd.s32 s21, s3  }
0x9d: {  	[timem:s7], [sflag:s22] =	dma.local [hbm:s5], s20  }
0x9e: {  	_ =	swait.ge [sflag:s22], s20  }
0x9f: {  	s4 =	ssub.s32 $0x0, s20;
	[sflag:s22] =	ssyncset.done $0x0  }
0xa0: {  	[sflag:s22] =	ssyncadd.s32 s4;
	_ =	sdelay $0x1  }
0xa1: {  	s23 =	simm.s32 $0x1B8B  }
0xa2: {  	_ =	swait.ge [sflag:s23], $0x1  }
0xa3: {  	[sflag:s23] =	ssyncset.done $0x0  }
0xa4: {  	s25 =	simm.s32 $0x1B8E;
	s24 =	sld [smem:$0x3FFE];
	[sflag:s23] =	ssyncadd.s32 $0xFFFFFFFF  }
0xa5: {  	s26 =	simm.s32 $execute0_lowered;
	[smem:$0x3FD2] =	sst s25  }
0xa6: {  	s5 =	sshll.u32 s26, $0x1;
	_ =	strace $0x80000049;
	[dreg:$0x1] =	wrdreg $0xFFFFFFFF  }
0xa7: {  	s28 =	simm.s32 $_size_execute0_lowered;
	s3 =	sadd.s32 s3, s5;
	[dreg:$0x0] =	wrdreg $0x0  }
0xa8: {  	s5 =	sshll.u32 s28, $0x1;
	[dreg:$0x2] =	wrdreg s3  }
0xa9: {  	[dreg:$0x3] =	wrdreg s5  }
0xaa: {  	[dreg:$0x4] =	wrdreg $0xC0  }
0xab: {  	_ =	task [dreg:s7], $0x5FFFF  }
0xac: {  	[dreg:$0x1] =	wrdreg $0xFFFFFFFF  }
0xad: {  	[dreg:$0x0] =	wrdreg $0x60  }
0xae: {  	[dreg:$0x2] =	wrdreg s24  }
0xaf: {  	[dreg:$0x3] =	wrdreg s2  }
0xb0: {  	[dreg:$0x4] =	wrdreg $0x90000  }
0xb1: {  	[dreg:$0x5] =	wrdreg $0x9  }
0xb2: {  	_ =	task.clear_ibuf [dreg:s7], $0x6FFFF;
	_ =	strace $0x90000049  }
0xb3: {  	s29 =	simm.s32 $0x9;
	_ =	strace $0x8000004B  }
0xb4: {  	_ =	swait.ge [sflag:s29], $0x1  }
0xb5: {  	[sflag:s29] =	ssyncadd.s32 $0xFFFFFFFF  }
0xb6: {  	_ =	strace $0x9000004B  }
0xb7: {  	_ =	sfence  }
0xb8: {  	s30 =	sld [smem:$0x0];
	_ =	sdelay $0x2  }
0xb9: {  	s31 =	sshll.u32 s1, $0xD;
	s1 =	sshrl.u32 s1, $0x2  }
0xba: {  	s3 =	sand.u32 $0x4000, s31;
	s1 =	sadd.s32 s1, s30  }
0xbb: {  	s0 =	sor.u32 s3, s0;
	s1 =	sshll.u32 s1, $0x11  }
0xbc: {  	s0 =	sor.u32 s1, s0  }
0xbd: {  	s0 =	sadd.s32 $0x8F2B, s0  }
0xbe: {  	[sflag:s0] =	ssyncadd.remote.s32 $0x1  }
0xbf: {  	_ =	sfence.sel $0xFFFF  }
0xc0: {  	[dreg:$0x0] =	wrdreg $0xFFFFFFFF;
	(pc) =	sbr.abs _section_cstart, $3  }
0xc1: {  	[dreg:$0x1] =	wrdreg $0xFFFFFFFF  }
0xc2: {  	_ =	task.clear_ibuf [dreg:s7], $0x2FFFF;
	_ =	strace $0x9FFFFFFF  }
0xc3: {  	(tm) =	ssettm $0x7FFFFFFF  }
tec
execute0_lowered:
.L_overlay_start_1:
0x0: {  	(tag) =	ssettag $0x1  }
0x1: {  	s0 =	rddreg [dreg:$0x0]  }
0x2: {  	s2 =	rddreg [dreg:$0x1]  }
0x3: {  	s1 =	rddreg [dreg:$0x2];
	s10 =	stileid.u32  }
0x4: {  	s3 =	srdreg.scid;
	s7 =	smul.u32 $0x14000, s10  }
0x5: {  	s5 =	simm.s32 $0x0;
	s3 =	sand.u32 $0x1, s3;
	s13 =	smul.u32 $0x50000, s10  }
0x6: {  	[smem:$0x7FF] =	sst s5;
	s4 =	sadd.s32 $0xC800, s0;
	s6 =	smul.u32 $0x140000, s3  }
0x7: {  	s8 =	sadd.s32 $0x2800, s0;
	s9 =	smul.u32 $0x500, s3;
	s3 =	ssub.s32 $0x2, s3  }
0x8: {  	s14 =	sshrl.u32 s3, $0x1;
	s6 =	sadd.s32 s7, s6;
	s7 =	sshrl.u32 s13, $0x2  }
0x9: {  	s10 =	smul.u32 $0x50, s10;
	s3 =	ssub.s32 s3, s14;
	s7 =	sadd.s32 s7, s1  }
0xa: {  	_ =	strace $0x8000004A;
	s31 =	smax.u32 s3, $0x1;
	[dreg:$0x4] =	wrdreg s7  }
0xb: {  	s16 =	sadd.s32 s10, s9;
	s15 =	sadd.s32 $0x4000, s7;
	[dreg:$0x14] =	wrdreg s31  }
0xc: {  	s6 =	sshrl.u32 s6, $0x3;
	s17 =	sadd.s32 $0x8000, s7;
	[dreg:$0x5] =	wrdreg s15  }
0xd: {  	s0 =	sadd.s32 s6, s0;
	s18 =	sadd.s32 $0xC000, s7;
	[dreg:$0x6] =	wrdreg s17  }
0xe: {  	s6 =	sshll.u32 s16, $0x4;
	s7 =	sadd.s32 $0x10000, s7;
	[dreg:$0x7] =	wrdreg s18  }
0xf: {  	[dreg:$0x8] =	wrdreg s7;
	s19 =	sadd.s32 s8, s6  }
0x10: {  	s21 =	sadd.s32 s2, s6;
	[dreg:$0x9] =	wrdreg s19  }
0x11: {  	s20 =	sadd.s32 $0x100, s6;
	s0 =	sadd.s32 $0x34800, s0;
	[dreg:$0xa] =	wrdreg s21  }
0x12: {  	s28 =	simm.s32 $0x5000;
	s22 =	sadd.s32 s8, s20;
	[dreg:$0x13] =	wrdreg s0  }
0x13: {  	s23 =	sadd.s32 $0x200, s6;
	s7 =	sadd.s32 s2, s20;
	[dreg:$0xb] =	wrdreg s22  }
0x14: {  	s29 =	simm.s32 $0x2;
	s24 =	sadd.s32 s8, s23;
	[dreg:$0xc] =	wrdreg s7  }
0x15: {  	s25 =	sadd.s32 $0x300, s6;
	s9 =	sadd.s32 s2, s23;
	[dreg:$0xd] =	wrdreg s24  }
0x16: {  	s6 =	sadd.s32 $0x400, s6;
	s26 =	sadd.s32 s8, s25;
	[dreg:$0xe] =	wrdreg s9  }
0x17: {  	s10 =	simm.s32 $0x0;
	s30 =	sadd.s32 s8, s6;
	[dreg:$0xf] =	wrdreg s26  }
0x18: {  	s23 =	simm.s32 $0x3;
	s7 =	sadd.s32 s2, s25;
	[dreg:$0x11] =	wrdreg s30  }
0x19: {  	s2 =	sadd.s32 s2, s6;
	s22 =	simm.s32 $0x1000;
	[dreg:$0x10] =	wrdreg s7  }
0x1a: {  	v0 =	vimm.f32 $0.0e+00;
	s25 =	simm.s32 $0x80;
	s26 =	simm.s32 $0x1;
	[dreg:$0x12] =	wrdreg s2  }
.LBB2_1:
0x1b: {  	s11 =	simm.s32 $0x0;
	s12 =	simm.s32 $0x200  }
.LBB2_2:
0x1c: {  	p0 =	sne.s32 s12, $0xFE00;
	[tilespmem:s11+$0x1070] =	vst v0  }
0x1d: {  	[tilespmem:s11+$0x1000] =	vst v0  }
0x1e: {  	[tilespmem:s11+$0x1010] =	vst v0  }
.Ltmp0:
0x1f: {  	[tilespmem:s11+$0x1020] =	vst v0;
	(pc) =	sbr.rel @p0 .LBB2_2-.Ltmp0, $4  }
0x20: {  	[tilespmem:s11+$0x1030] =	vst v0  }
0x21: {  	[tilespmem:s11+$0x1040] =	vst v0  }
0x22: {  	[tilespmem:s11+$0x1050] =	vst v0  }
0x23: {  	[tilespmem:s11+$0x1060] =	vst v0;
	s11 =	sshra.s32 s12, $0x2;
	s12 =	sadd.s32 $0x200, s12  }
0x24: {  	[tilespmem:s11+$0x1070] =	vst v0  }
0x25: {  	[tilespmem:s11+$0x1000] =	vst v0  }
0x26: {  	[tilespmem:s11+$0x1010] =	vst v0  }
0x27: {  	[tilespmem:s11+$0x1020] =	vst v0  }
0x28: {  	[tilespmem:s11+$0x1030] =	vst v0  }
0x29: {  	[tilespmem:s11+$0x1040] =	vst v0  }
0x2a: {  	[tilespmem:s11+$0x1050] =	vst v0  }
0x2b: {  	[tilespmem:s11+$0x1060] =	vst v0;
	s0 =	rddreg [dreg:$0x4]  }
0x2c: {  	[spmem:s0] =	stream.linear.scatter [tilespmem:s22], [sflag:$0x3], $0x4000, $0x38;
	[tilespmem:$0x1D000] =	vst v63  }
0x2d: {  	_ =	swait.ge [sflag:s23], $0x4000  }
0x2e: {  	[sflag:s23] =	ssyncset.done $0x0  }
0x2f: {  	s17 =	rddreg [dreg:$0x5];
	[sflag:s23] =	ssyncadd.s32 $0xFFFFC000  }
0x30: {  	[spmem:s17] =	stream.linear.scatter [tilespmem:s22], [sflag:$0x3], $0x4000, $0x38;
	[tilespmem:$0x1D000] =	vst v63  }
0x31: {  	_ =	swait.ge [sflag:s23], $0x4000  }
0x32: {  	[sflag:s23] =	ssyncset.done $0x0  }
0x33: {  	s18 =	rddreg [dreg:$0x6];
	[sflag:s23] =	ssyncadd.s32 $0xFFFFC000  }
0x34: {  	[spmem:s18] =	stream.linear.scatter [tilespmem:s22], [sflag:$0x3], $0x4000, $0x38;
	[tilespmem:$0x1D000] =	vst v63  }
0x35: {  	_ =	swait.ge [sflag:s23], $0x4000  }
0x36: {  	[sflag:s23] =	ssyncset.done $0x0  }
0x37: {  	s19 =	rddreg [dreg:$0x7];
	[sflag:s23] =	ssyncadd.s32 $0xFFFFC000  }
0x38: {  	[spmem:s19] =	stream.linear.scatter [tilespmem:s22], [sflag:$0x3], $0x4000, $0x38;
	[tilespmem:$0x1D000] =	vst v63  }
0x39: {  	_ =	swait.ge [sflag:s23], $0x4000  }
0x3a: {  	[sflag:s23] =	ssyncset.done $0x0  }
0x3b: {  	s20 =	rddreg [dreg:$0x8];
	[sflag:s23] =	ssyncadd.s32 $0xFFFFC000  }
0x3c: {  	[spmem:s20] =	stream.linear.scatter [tilespmem:s22], [sflag:$0x3], $0x4000, $0x38;
	[tilespmem:$0x1D000] =	vst v63  }
0x3d: {  	_ =	swait.ge [sflag:s23], $0x4000  }
0x3e: {  	[sflag:s23] =	ssyncset.done $0x0  }
0x3f: {  	[sflag:s23] =	ssyncadd.s32 $0xFFFFC000  }
0x40: {  	[bflag:$0x0] =	sbarrier.arrive $0xFFFF  }
0x41: {  	s21 =	rddreg [dreg:$0x9]  }
0x42: {  	[tilespmem:s5], [sflag:$0x3] =	stream.linear.gather [hbm4b:s21+s5], $0x800, $0x38;
	[tilespmem:$0x1D000] =	vst v63  }
0x43: {  	_ =	swait.ge [sflag:s23], $0x800  }
0x44: {  	[sflag:s23] =	ssyncset.done $0x0  }
0x45: {  	s2 =	simm.s32 $0x800;
	s24 =	rddreg [dreg:$0xa];
	[sflag:s23] =	ssyncadd.s32 $0xFFFFF800  }
0x46: {  	[tilespmem:s2], [sflag:$0x3] =	stream.linear.gather [hbm4b:s24+s5], $0x800, $0x38;
	[tilespmem:$0x1D000] =	vst v63  }
0x47: {  	_ =	swait.ge [sflag:s23], $0x800  }
0x48: {  	[sflag:s23] =	ssyncset.done $0x0  }
0x49: {  	[sflag:s23] =	ssyncadd.s32 $0xFFFFF800  }
0x4a: {  	[tilespmem:s22], [sflag:$0x1] =	stream.indirect.gather [hbm4b:s4+s25], $0x80, s5, s25, $0xb8;
	[tilespmem:$0x1D000] =	vst v63  }
0x4b: {  	_ =	swait.ge [sflag:s26], $0x4000  }
0x4c: {  	[sflag:s26] =	ssyncset.done $0x0  }
0x4d: {  	[sflag:s26] =	ssyncadd.s32 $0xFFFFC000  }
0x4e: {  	[tilespmem:s28], [sflag:$0x2] =	stream.indirect.gather [hbm4b:s4+s25], $0x80, s25, s25, $0xb8;
	[tilespmem:$0x1D000] =	vst v63  }
0x4f: {  	_ = 	snop  }
0x50: {  	[spmem:s1] =	stream.indirect.scatter.add.f32 [tilespmem:s22], [sflag:$0x3], $0x80, s2, s25, $0xb8;
	[tilespmem:$0x1D000] =	vst v63  }
0x51: {  	_ =	swait.ge [sflag:s23], $0x4000  }
0x52: {  	[sflag:s23] =	ssyncset.done $0x0  }
0x53: {  	[sflag:s23] =	ssyncadd.s32 $0xFFFFC000  }
0x54: {  	_ =	swait.ge [sflag:s29], $0x4000  }
0x55: {  	[sflag:s29] =	ssyncset.done $0x0  }
0x56: {  	s30 =	simm.s32 $0x100;
	[sflag:s29] =	ssyncadd.s32 $0xFFFFC000  }
0x57: {  	[tilespmem:s22], [sflag:$0x1] =	stream.indirect.gather [hbm4b:s4+s25], $0x80, s30, s25, $0xb8;
	[tilespmem:$0x1D000] =	vst v63  }
0x58: {  	s31 =	simm.s32 $0x880  }
0x59: {  	[spmem:s1] =	stream.indirect.scatter.add.f32 [tilespmem:s28], [sflag:$0x3], $0x80, s31, s25, $0xb8;
	[tilespmem:$0x1D000] =	vst v63  }
0x5a: {  	_ =	swait.ge [sflag:s23], $0x4000  }
0x5b: {  	[sflag:s23] =	ssyncset.done $0x0  }
0x5c: {  	[sflag:s23] =	ssyncadd.s32 $0xFFFFC000  }
0x5d: {  	_ =	swait.ge [sflag:s26], $0x4000  }
0x5e: {  	[sflag:s26] =	ssyncset.done $0x0  }
0x5f: {  	s3 =	simm.s32 $0x180;
	[sflag:s26] =	ssyncadd.s32 $0xFFFFC000  }
0x60: {  	[tilespmem:s28], [sflag:$0x2] =	stream.indirect.gather [hbm4b:s4+s25], $0x80, s3, s25, $0xb8;
	[tilespmem:$0x1D000] =	vst v63  }
0x61: {  	s6 =	simm.s32 $0x900  }
0x62: {  	[spmem:s1] =	stream.indirect.scatter.add.f32 [tilespmem:s22], [sflag:$0x3], $0x80, s6, s25, $0xb8;
	[tilespmem:$0x1D000] =	vst v63  }
0x63: {  	_ =	swait.ge [sflag:s23], $0x4000  }
0x64: {  	[sflag:s23] =	ssyncset.done $0x0  }
0x65: {  	[sflag:s23] =	ssyncadd.s32 $0xFFFFC000  }
0x66: {  	_ =	swait.ge [sflag:s29], $0x4000  }
0x67: {  	[sflag:s29] =	ssyncset.done $0x0  }
0x68: {  	s8 =	simm.s32 $0x200;
	[sflag:s29] =	ssyncadd.s32 $0xFFFFC000  }
0x69: {  	[tilespmem:s22], [sflag:$0x1] =	stream.indirect.gather [hbm4b:s4+s25], $0x80, s8, s25, $0xb8;
	[tilespmem:$0x1D000] =	vst v63  }
0x6a: {  	s9 =	simm.s32 $0x980  }
0x6b: {  	[spmem:s1] =	stream.indirect.scatter.add.f32 [tilespmem:s28], [sflag:$0x3], $0x80, s9, s25, $0xb8;
	[tilespmem:$0x1D000] =	vst v63  }
0x6c: {  	_ =	swait.ge [sflag:s23], $0x4000  }
0x6d: {  	[sflag:s23] =	ssyncset.done $0x0  }
0x6e: {  	[sflag:s23] =	ssyncadd.s32 $0xFFFFC000  }
0x6f: {  	_ =	swait.ge [sflag:s26], $0x4000  }
0x70: {  	[sflag:s26] =	ssyncset.done $0x0  }
0x71: {  	s11 =	simm.s32 $0x280;
	[sflag:s26] =	ssyncadd.s32 $0xFFFFC000  }
0x72: {  	[tilespmem:s28], [sflag:$0x2] =	stream.indirect.gather [hbm4b:s4+s25], $0x80, s11, s25, $0xb8;
	[tilespmem:$0x1D000] =	vst v63  }
0x73: {  	s12 =	simm.s32 $0xA00  }
0x74: {  	[spmem:s1] =	stream.indirect.scatter.add.f32 [tilespmem:s22], [sflag:$0x3], $0x80, s12, s25, $0xb8;
	[tilespmem:$0x1D000] =	vst v63  }
0x75: {  	_ =	swait.ge [sflag:s23], $0x4000  }
0x76: {  	[sflag:s23] =	ssyncset.done $0x0  }
0x77: {  	[sflag:s23] =	ssyncadd.s32 $0xFFFFC000  }
0x78: {  	_ =	swait.ge [sflag:s29], $0x4000  }
0x79: {  	[sflag:s29] =	ssyncset.done $0x0  }
0x7a: {  	s13 =	simm.s32 $0x300;
	[sflag:s29] =	ssyncadd.s32 $0xFFFFC000  }
0x7b: {  	[tilespmem:s22], [sflag:$0x1] =	stream.indirect.gather [hbm4b:s4+s25], $0x80, s13, s25, $0xb8;
	[tilespmem:$0x1D000] =	vst v63  }
0x7c: {  	s14 =	simm.s32 $0xA80  }
0x7d: {  	[spmem:s1] =	stream.indirect.scatter.add.f32 [tilespmem:s28], [sflag:$0x3], $0x80, s14, s25, $0xb8;
	[tilespmem:$0x1D000] =	vst v63  }
0x7e: {  	_ =	swait.ge [sflag:s23], $0x4000  }
0x7f: {  	[sflag:s23] =	ssyncset.done $0x0  }
0x80: {  	[sflag:s23] =	ssyncadd.s32 $0xFFFFC000  }
0x81: {  	_ =	swait.ge [sflag:s26], $0x4000  }
0x82: {  	[sflag:s26] =	ssyncset.done $0x0  }
0x83: {  	s15 =	simm.s32 $0x380;
	[sflag:s26] =	ssyncadd.s32 $0xFFFFC000  }
0x84: {  	[tilespmem:s28], [sflag:$0x2] =	stream.indirect.gather [hbm4b:s4+s25], $0x80, s15, s25, $0xb8;
	[tilespmem:$0x1D000] =	vst v63  }
0x85: {  	s16 =	simm.s32 $0xB00  }
0x86: {  	[spmem:s1] =	stream.indirect.scatter.add.f32 [tilespmem:s22], [sflag:$0x3], $0x80, s16, s25, $0xb8;
	[tilespmem:$0x1D000] =	vst v63  }
0x87: {  	_ =	swait.ge [sflag:s23], $0x4000  }
0x88: {  	[sflag:s23] =	ssyncset.done $0x0  }
0x89: {  	[sflag:s23] =	ssyncadd.s32 $0xFFFFC000  }
0x8a: {  	_ =	swait.ge [sflag:s29], $0x4000  }
0x8b: {  	[sflag:s29] =	ssyncset.done $0x0  }
0x8c: {  	s17 =	simm.s32 $0x400;
	[sflag:s29] =	ssyncadd.s32 $0xFFFFC000  }
0x8d: {  	[tilespmem:s22], [sflag:$0x1] =	stream.indirect.gather [hbm4b:s4+s25], $0x80, s17, s25, $0xb8;
	[tilespmem:$0x1D000] =	vst v63  }
0x8e: {  	s18 =	simm.s32 $0xB80  }
0x8f: {  	[spmem:s1] =	stream.indirect.scatter.add.f32 [tilespmem:s28], [sflag:$0x3], $0x80, s18, s25, $0xb8;
	[tilespmem:$0x1D000] =	vst v63  }
0x90: {  	_ =	swait.ge [sflag:s23], $0x4000  }
0x91: {  	[sflag:s23] =	ssyncset.done $0x0  }
0x92: {  	[sflag:s23] =	ssyncadd.s32 $0xFFFFC000  }
0x93: {  	_ =	swait.ge [sflag:s26], $0x4000  }
0x94: {  	[sflag:s26] =	ssyncset.done $0x0  }
0x95: {  	s3 =	simm.s32 $0x480;
	[sflag:s26] =	ssyncadd.s32 $0xFFFFC000  }
0x96: {  	[tilespmem:s28], [sflag:$0x2] =	stream.indirect.gather [hbm4b:s4+s25], $0x80, s3, s25, $0xb8;
	[tilespmem:$0x1D000] =	vst v63  }
0x97: {  	s6 =	simm.s32 $0xC00  }
0x98: {  	[spmem:s1] =	stream.indirect.scatter.add.f32 [tilespmem:s22], [sflag:$0x3], $0x80, s6, s25, $0xb8;
	[tilespmem:$0x1D000] =	vst v63  }
0x99: {  	_ =	swait.ge [sflag:s23], $0x4000  }
0x9a: {  	[sflag:s23] =	ssyncset.done $0x0  }
0x9b: {  	[sflag:s23] =	ssyncadd.s32 $0xFFFFC000  }
0x9c: {  	_ =	swait.ge [sflag:s29], $0x4000  }
0x9d: {  	[sflag:s29] =	ssyncset.done $0x0  }
0x9e: {  	s8 =	simm.s32 $0x500;
	[sflag:s29] =	ssyncadd.s32 $0xFFFFC000  }
0x9f: {  	[tilespmem:s22], [sflag:$0x1] =	stream.indirect.gather [hbm4b:s4+s25], $0x80, s8, s25, $0xb8;
	[tilespmem:$0x1D000] =	vst v63  }
0xa0: {  	s9 =	simm.s32 $0xC80  }
0xa1: {  	[spmem:s1] =	stream.indirect.scatter.add.f32 [tilespmem:s28], [sflag:$0x3], $0x80, s9, s25, $0xb8;
	[tilespmem:$0x1D000] =	vst v63  }
0xa2: {  	_ =	swait.ge [sflag:s23], $0x4000  }
0xa3: {  	[sflag:s23] =	ssyncset.done $0x0  }
0xa4: {  	[sflag:s23] =	ssyncadd.s32 $0xFFFFC000  }
0xa5: {  	_ =	swait.ge [sflag:s26], $0x4000  }
0xa6: {  	[sflag:s26] =	ssyncset.done $0x0  }
0xa7: {  	s11 =	simm.s32 $0x580;
	[sflag:s26] =	ssyncadd.s32 $0xFFFFC000  }
0xa8: {  	[tilespmem:s28], [sflag:$0x2] =	stream.indirect.gather [hbm4b:s4+s25], $0x80, s11, s25, $0xb8;
	[tilespmem:$0x1D000] =	vst v63  }
0xa9: {  	s12 =	simm.s32 $0xD00  }
0xaa: {  	[spmem:s1] =	stream.indirect.scatter.add.f32 [tilespmem:s22], [sflag:$0x3], $0x80, s12, s25, $0xb8;
	[tilespmem:$0x1D000] =	vst v63  }
0xab: {  	_ =	swait.ge [sflag:s23], $0x4000  }
0xac: {  	[sflag:s23] =	ssyncset.done $0x0  }
0xad: {  	[sflag:s23] =	ssyncadd.s32 $0xFFFFC000  }
0xae: {  	_ =	swait.ge [sflag:s29], $0x4000  }
0xaf: {  	[sflag:s29] =	ssyncset.done $0x0  }
0xb0: {  	s14 =	simm.s32 $0x600;
	[sflag:s29] =	ssyncadd.s32 $0xFFFFC000  }
0xb1: {  	[tilespmem:s22], [sflag:$0x1] =	stream.indirect.gather [hbm4b:s4+s25], $0x80, s14, s25, $0xb8;
	[tilespmem:$0x1D000] =	vst v63  }
0xb2: {  	s15 =	simm.s32 $0xD80  }
0xb3: {  	[spmem:s1] =	stream.indirect.scatter.add.f32 [tilespmem:s28], [sflag:$0x3], $0x80, s15, s25, $0xb8;
	[tilespmem:$0x1D000] =	vst v63  }
0xb4: {  	_ =	swait.ge [sflag:s23], $0x4000  }
0xb5: {  	[sflag:s23] =	ssyncset.done $0x0  }
0xb6: {  	[sflag:s23] =	ssyncadd.s32 $0xFFFFC000  }
0xb7: {  	_ =	swait.ge [sflag:s26], $0x4000  }
0xb8: {  	[sflag:s26] =	ssyncset.done $0x0  }
0xb9: {  	s16 =	simm.s32 $0x680;
	[sflag:s26] =	ssyncadd.s32 $0xFFFFC000  }
0xba: {  	[tilespmem:s28], [sflag:$0x2] =	stream.indirect.gather [hbm4b:s4+s25], $0x80, s16, s25, $0xb8;
	[tilespmem:$0x1D000] =	vst v63  }
0xbb: {  	s17 =	simm.s32 $0xE00  }
0xbc: {  	[spmem:s1] =	stream.indirect.scatter.add.f32 [tilespmem:s22], [sflag:$0x3], $0x80, s17, s25, $0xb8;
	[tilespmem:$0x1D000] =	vst v63  }
0xbd: {  	_ =	swait.ge [sflag:s23], $0x4000  }
0xbe: {  	[sflag:s23] =	ssyncset.done $0x0  }
0xbf: {  	[sflag:s23] =	ssyncadd.s32 $0xFFFFC000  }
0xc0: {  	_ =	swait.ge [sflag:s29], $0x4000  }
0xc1: {  	[sflag:s29] =	ssyncset.done $0x0  }
0xc2: {  	s18 =	simm.s32 $0x700;
	[sflag:s29] =	ssyncadd.s32 $0xFFFFC000  }
0xc3: {  	[tilespmem:s22], [sflag:$0x1] =	stream.indirect.gather [hbm4b:s4+s25], $0x80, s18, s25, $0xb8;
	[tilespmem:$0x1D000] =	vst v63  }
0xc4: {  	s0 =	simm.s32 $0xE80  }
0xc5: {  	[spmem:s1] =	stream.indirect.scatter.add.f32 [tilespmem:s28], [sflag:$0x3], $0x80, s0, s25, $0xb8;
	[tilespmem:$0x1D000] =	vst v63  }
0xc6: {  	_ =	swait.ge [sflag:s23], $0x4000  }
0xc7: {  	[sflag:s23] =	ssyncset.done $0x0  }
0xc8: {  	[sflag:s23] =	ssyncadd.s32 $0xFFFFC000  }
0xc9: {  	_ =	swait.ge [sflag:s26], $0x4000  }
0xca: {  	[sflag:s26] =	ssyncset.done $0x0  }
0xcb: {  	s3 =	simm.s32 $0x780;
	[sflag:s26] =	ssyncadd.s32 $0xFFFFC000  }
0xcc: {  	[tilespmem:s28], [sflag:$0x2] =	stream.indirect.gather [hbm4b:s4+s25], $0x80, s3, s25, $0xb8;
	[tilespmem:$0x1D000] =	vst v63  }
0xcd: {  	s17 =	simm.s32 $0xF00  }
0xce: {  	[spmem:s1] =	stream.indirect.scatter.add.f32 [tilespmem:s22], [sflag:$0x3], $0x80, s17, s25, $0xb8;
	[tilespmem:$0x1D000] =	vst v63  }
0xcf: {  	_ =	swait.ge [sflag:s23], $0x4000  }
0xd0: {  	[sflag:s23] =	ssyncset.done $0x0  }
0xd1: {  	[sflag:s23] =	ssyncadd.s32 $0xFFFFC000  }
0xd2: {  	_ =	swait.ge [sflag:s29], $0x4000  }
0xd3: {  	[sflag:s29] =	ssyncset.done $0x0  }
0xd4: {  	s18 =	simm.s32 $0xF80;
	[sflag:s29] =	ssyncadd.s32 $0xFFFFC000  }
0xd5: {  	[spmem:s1] =	stream.indirect.scatter.add.f32 [tilespmem:s28], [sflag:$0x3], $0x80, s18, s25, $0xb8;
	[tilespmem:$0x1D000] =	vst v63  }
0xd6: {  	_ =	swait.ge [sflag:s23], $0x4000  }
0xd7: {  	[sflag:s23] =	ssyncset.done $0x0  }
0xd8: {  	s0 =	rddreg [dreg:$0xb];
	[sflag:s23] =	ssyncadd.s32 $0xFFFFC000  }
0xd9: {  	[tilespmem:s5], [sflag:$0x3] =	stream.linear.gather [hbm4b:s0+s5], $0x800, $0x38;
	[tilespmem:$0x1D000] =	vst v63  }
0xda: {  	_ =	swait.ge [sflag:s23], $0x800  }
0xdb: {  	[sflag:s23] =	ssyncset.done $0x0  }
0xdc: {  	s3 =	rddreg [dreg:$0xc];
	[sflag:s23] =	ssyncadd.s32 $0xFFFFF800  }
0xdd: {  	[tilespmem:s2], [sflag:$0x3] =	stream.linear.gather [hbm4b:s3+s5], $0x800, $0x38;
	[tilespmem:$0x1D000] =	vst v63  }
0xde: {  	_ =	swait.ge [sflag:s23], $0x800  }
0xdf: {  	[sflag:s23] =	ssyncset.done $0x0  }
0xe0: {  	[sflag:s23] =	ssyncadd.s32 $0xFFFFF800  }
0xe1: {  	[tilespmem:s22], [sflag:$0x1] =	stream.indirect.gather [hbm4b:s4+s25], $0x80, s5, s25, $0xb8;
	[tilespmem:$0x1D000] =	vst v63  }
0xe2: {  	_ =	swait.ge [sflag:s26], $0x4000  }
0xe3: {  	[sflag:s26] =	ssyncset.done $0x0  }
0xe4: {  	[sflag:s26] =	ssyncadd.s32 $0xFFFFC000  }
0xe5: {  	[tilespmem:s28], [sflag:$0x2] =	stream.indirect.gather [hbm4b:s4+s25], $0x80, s25, s25, $0xb8;
	[tilespmem:$0x1D000] =	vst v63  }
0xe6: {  	_ = 	snop  }
0xe7: {  	[spmem:s1] =	stream.indirect.scatter.add.f32 [tilespmem:s22], [sflag:$0x3], $0x80, s2, s25, $0xb8;
	[tilespmem:$0x1D000] =	vst v63  }
0xe8: {  	_ =	swait.ge [sflag:s23], $0x4000  }
0xe9: {  	[sflag:s23] =	ssyncset.done $0x0  }
0xea: {  	[sflag:s23] =	ssyncadd.s32 $0xFFFFC000  }
0xeb: {  	_ =	swait.ge [sflag:s29], $0x4000  }
0xec: {  	[sflag:s29] =	ssyncset.done $0x0  }
0xed: {  	s19 =	simm.s32 $0x100;
	[sflag:s29] =	ssyncadd.s32 $0xFFFFC000  }
0xee: {  	[tilespmem:s22], [sflag:$0x1] =	stream.indirect.gather [hbm4b:s4+s25], $0x80, s19, s25, $0xb8;
	[tilespmem:$0x1D000] =	vst v63  }
0xef: {  	s21 =	simm.s32 $0x880  }
0xf0: {  	[spmem:s1] =	stream.indirect.scatter.add.f32 [tilespmem:s28], [sflag:$0x3], $0x80, s21, s25, $0xb8;
	[tilespmem:$0x1D000] =	vst v63  }
0xf1: {  	_ =	swait.ge [sflag:s23], $0x4000  }
0xf2: {  	[sflag:s23] =	ssyncset.done $0x0  }
0xf3: {  	[sflag:s23] =	ssyncadd.s32 $0xFFFFC000  }
0xf4: {  	_ =	swait.ge [sflag:s26], $0x4000  }
0xf5: {  	[sflag:s26] =	ssyncset.done $0x0  }
0xf6: {  	s7 =	simm.s32 $0x180;
	[sflag:s26] =	ssyncadd.s32 $0xFFFFC000  }
0xf7: {  	[tilespmem:s28], [sflag:$0x2] =	stream.indirect.gather [hbm4b:s4+s25], $0x80, s7, s25, $0xb8;
	[tilespmem:$0x1D000] =	vst v63  }
0xf8: {  	s30 =	simm.s32 $0x900  }
0xf9: {  	[spmem:s1] =	stream.indirect.scatter.add.f32 [tilespmem:s22], [sflag:$0x3], $0x80, s30, s25, $0xb8;
	[tilespmem:$0x1D000] =	vst v63  }
0xfa: {  	_ =	swait.ge [sflag:s23], $0x4000  }
0xfb: {  	[sflag:s23] =	ssyncset.done $0x0  }
0xfc: {  	[sflag:s23] =	ssyncadd.s32 $0xFFFFC000  }
0xfd: {  	_ =	swait.ge [sflag:s29], $0x4000  }
0xfe: {  	[sflag:s29] =	ssyncset.done $0x0  }
0xff: {  	s24 =	simm.s32 $0x200;
	[sflag:s29] =	ssyncadd.s32 $0xFFFFC000  }
0x100: {  	[tilespmem:s22], [sflag:$0x1] =	stream.indirect.gather [hbm4b:s4+s25], $0x80, s24, s25, $0xb8;
	[tilespmem:$0x1D000] =	vst v63  }
0x101: {  	s31 =	simm.s32 $0x980  }
0x102: {  	[spmem:s1] =	stream.indirect.scatter.add.f32 [tilespmem:s28], [sflag:$0x3], $0x80, s31, s25, $0xb8;
	[tilespmem:$0x1D000] =	vst v63  }
0x103: {  	_ =	swait.ge [sflag:s23], $0x4000  }
0x104: {  	[sflag:s23] =	ssyncset.done $0x0  }
0x105: {  	[sflag:s23] =	ssyncadd.s32 $0xFFFFC000  }
0x106: {  	_ =	swait.ge [sflag:s26], $0x4000  }
0x107: {  	[sflag:s26] =	ssyncset.done $0x0  }
0x108: {  	s19 =	simm.s32 $0x280;
	[sflag:s26] =	ssyncadd.s32 $0xFFFFC000  }
0x109: {  	[tilespmem:s28], [sflag:$0x2] =	stream.indirect.gather [hbm4b:s4+s25], $0x80, s19, s25, $0xb8;
	[tilespmem:$0x1D000] =	vst v63  }
0x10a: {  	s0 =	simm.s32 $0xA00  }
0x10b: {  	[spmem:s1] =	stream.indirect.scatter.add.f32 [tilespmem:s22], [sflag:$0x3], $0x80, s0, s25, $0xb8;
	[tilespmem:$0x1D000] =	vst v63  }
0x10c: {  	_ =	swait.ge [sflag:s23], $0x4000  }
0x10d: {  	[sflag:s23] =	ssyncset.done $0x0  }
0x10e: {  	[sflag:s23] =	ssyncadd.s32 $0xFFFFC000  }
0x10f: {  	_ =	swait.ge [sflag:s29], $0x4000  }
0x110: {  	[sflag:s29] =	ssyncset.done $0x0  }
0x111: {  	s20 =	simm.s32 $0x300;
	[sflag:s29] =	ssyncadd.s32 $0xFFFFC000  }
0x112: {  	[tilespmem:s22], [sflag:$0x1] =	stream.indirect.gather [hbm4b:s4+s25], $0x80, s20, s25, $0xb8;
	[tilespmem:$0x1D000] =	vst v63  }
0x113: {  	s21 =	simm.s32 $0xA80  }
0x114: {  	[spmem:s1] =	stream.indirect.scatter.add.f32 [tilespmem:s28], [sflag:$0x3], $0x80, s21, s25, $0xb8;
	[tilespmem:$0x1D000] =	vst v63  }
0x115: {  	_ =	swait.ge [sflag:s23], $0x4000  }
0x116: {  	[sflag:s23] =	ssyncset.done $0x0  }
0x117: {  	[sflag:s23] =	ssyncadd.s32 $0xFFFFC000  }
0x118: {  	_ =	swait.ge [sflag:s26], $0x4000  }
0x119: {  	[sflag:s26] =	ssyncset.done $0x0  }
0x11a: {  	s30 =	simm.s32 $0x380;
	[sflag:s26] =	ssyncadd.s32 $0xFFFFC000  }
0x11b: {  	[tilespmem:s28], [sflag:$0x2] =	stream.indirect.gather [hbm4b:s4+s25], $0x80, s30, s25, $0xb8;
	[tilespmem:$0x1D000] =	vst v63  }
0x11c: {  	s3 =	simm.s32 $0xB00  }
0x11d: {  	[spmem:s1] =	stream.indirect.scatter.add.f32 [tilespmem:s22], [sflag:$0x3], $0x80, s3, s25, $0xb8;
	[tilespmem:$0x1D000] =	vst v63  }
0x11e: {  	_ =	swait.ge [sflag:s23], $0x4000  }
0x11f: {  	[sflag:s23] =	ssyncset.done $0x0  }
0x120: {  	[sflag:s23] =	ssyncadd.s32 $0xFFFFC000  }
0x121: {  	_ =	swait.ge [sflag:s29], $0x4000  }
0x122: {  	[sflag:s29] =	ssyncset.done $0x0  }
0x123: {  	s24 =	simm.s32 $0x400;
	[sflag:s29] =	ssyncadd.s32 $0xFFFFC000  }
0x124: {  	[tilespmem:s22], [sflag:$0x1] =	stream.indirect.gather [hbm4b:s4+s25], $0x80, s24, s25, $0xb8;
	[tilespmem:$0x1D000] =	vst v63  }
0x125: {  	s20 =	simm.s32 $0xB80  }
0x126: {  	[spmem:s1] =	stream.indirect.scatter.add.f32 [tilespmem:s28], [sflag:$0x3], $0x80, s20, s25, $0xb8;
	[tilespmem:$0x1D000] =	vst v63  }
0x127: {  	_ =	swait.ge [sflag:s23], $0x4000  }
0x128: {  	[sflag:s23] =	ssyncset.done $0x0  }
0x129: {  	[sflag:s23] =	ssyncadd.s32 $0xFFFFC000  }
0x12a: {  	_ =	swait.ge [sflag:s26], $0x4000  }
0x12b: {  	[sflag:s26] =	ssyncset.done $0x0  }
0x12c: {  	s7 =	simm.s32 $0x480;
	[sflag:s26] =	ssyncadd.s32 $0xFFFFC000  }
0x12d: {  	[tilespmem:s28], [sflag:$0x2] =	stream.indirect.gather [hbm4b:s4+s25], $0x80, s7, s25, $0xb8;
	[tilespmem:$0x1D000] =	vst v63  }
0x12e: {  	s31 =	simm.s32 $0xC00  }
0x12f: {  	[spmem:s1] =	stream.indirect.scatter.add.f32 [tilespmem:s22], [sflag:$0x3], $0x80, s31, s25, $0xb8;
	[tilespmem:$0x1D000] =	vst v63  }
0x130: {  	_ =	swait.ge [sflag:s23], $0x4000  }
0x131: {  	[sflag:s23] =	ssyncset.done $0x0  }
0x132: {  	[sflag:s23] =	ssyncadd.s32 $0xFFFFC000  }
0x133: {  	_ =	swait.ge [sflag:s29], $0x4000  }
0x134: {  	[sflag:s29] =	ssyncset.done $0x0  }
0x135: {  	s8 =	simm.s32 $0x500;
	[sflag:s29] =	ssyncadd.s32 $0xFFFFC000  }
0x136: {  	[tilespmem:s22], [sflag:$0x1] =	stream.indirect.gather [hbm4b:s4+s25], $0x80, s8, s25, $0xb8;
	[tilespmem:$0x1D000] =	vst v63  }
0x137: {  	s8 =	simm.s32 $0xC80  }
0x138: {  	[spmem:s1] =	stream.indirect.scatter.add.f32 [tilespmem:s28], [sflag:$0x3], $0x80, s8, s25, $0xb8;
	[tilespmem:$0x1D000] =	vst v63  }
0x139: {  	_ =	swait.ge [sflag:s23], $0x4000  }
0x13a: {  	[sflag:s23] =	ssyncset.done $0x0  }
0x13b: {  	[sflag:s23] =	ssyncadd.s32 $0xFFFFC000  }
0x13c: {  	_ =	swait.ge [sflag:s26], $0x4000  }
0x13d: {  	[sflag:s26] =	ssyncset.done $0x0  }
0x13e: {  	s13 =	simm.s32 $0x580;
	[sflag:s26] =	ssyncadd.s32 $0xFFFFC000  }
0x13f: {  	[tilespmem:s28], [sflag:$0x2] =	stream.indirect.gather [hbm4b:s4+s25], $0x80, s13, s25, $0xb8;
	[tilespmem:$0x1D000] =	vst v63  }
0x140: {  	s9 =	simm.s32 $0xD00  }
0x141: {  	[spmem:s1] =	stream.indirect.scatter.add.f32 [tilespmem:s22], [sflag:$0x3], $0x80, s9, s25, $0xb8;
	[tilespmem:$0x1D000] =	vst v63  }
0x142: {  	_ =	swait.ge [sflag:s23], $0x4000  }
0x143: {  	[sflag:s23] =	ssyncset.done $0x0  }
0x144: {  	[sflag:s23] =	ssyncadd.s32 $0xFFFFC000  }
0x145: {  	_ =	swait.ge [sflag:s29], $0x4000  }
0x146: {  	[sflag:s29] =	ssyncset.done $0x0  }
0x147: {  	s6 =	simm.s32 $0x600;
	[sflag:s29] =	ssyncadd.s32 $0xFFFFC000  }
0x148: {  	[tilespmem:s22], [sflag:$0x1] =	stream.indirect.gather [hbm4b:s4+s25], $0x80, s6, s25, $0xb8;
	[tilespmem:$0x1D000] =	vst v63  }
0x149: {  	s14 =	simm.s32 $0xD80  }
0x14a: {  	[spmem:s1] =	stream.indirect.scatter.add.f32 [tilespmem:s28], [sflag:$0x3], $0x80, s14, s25, $0xb8;
	[tilespmem:$0x1D000] =	vst v63  }
0x14b: {  	_ =	swait.ge [sflag:s23], $0x4000  }
0x14c: {  	[sflag:s23] =	ssyncset.done $0x0  }
0x14d: {  	[sflag:s23] =	ssyncadd.s32 $0xFFFFC000  }
0x14e: {  	_ =	swait.ge [sflag:s26], $0x4000  }
0x14f: {  	[sflag:s26] =	ssyncset.done $0x0  }
0x150: {  	s12 =	simm.s32 $0x680;
	[sflag:s26] =	ssyncadd.s32 $0xFFFFC000  }
0x151: {  	[tilespmem:s28], [sflag:$0x2] =	stream.indirect.gather [hbm4b:s4+s25], $0x80, s12, s25, $0xb8;
	[tilespmem:$0x1D000] =	vst v63  }
0x152: {  	s15 =	simm.s32 $0xE00  }
0x153: {  	[spmem:s1] =	stream.indirect.scatter.add.f32 [tilespmem:s22], [sflag:$0x3], $0x80, s15, s25, $0xb8;
	[tilespmem:$0x1D000] =	vst v63  }
0x154: {  	_ =	swait.ge [sflag:s23], $0x4000  }
0x155: {  	[sflag:s23] =	ssyncset.done $0x0  }
0x156: {  	[sflag:s23] =	ssyncadd.s32 $0xFFFFC000  }
0x157: {  	_ =	swait.ge [sflag:s29], $0x4000  }
0x158: {  	[sflag:s29] =	ssyncset.done $0x0  }
0x159: {  	s12 =	simm.s32 $0x700;
	[sflag:s29] =	ssyncadd.s32 $0xFFFFC000  }
0x15a: {  	[tilespmem:s22], [sflag:$0x1] =	stream.indirect.gather [hbm4b:s4+s25], $0x80, s12, s25, $0xb8;
	[tilespmem:$0x1D000] =	vst v63  }
0x15b: {  	s16 =	simm.s32 $0xE80  }
0x15c: {  	[spmem:s1] =	stream.indirect.scatter.add.f32 [tilespmem:s28], [sflag:$0x3], $0x80, s16, s25, $0xb8;
	[tilespmem:$0x1D000] =	vst v63  }
0x15d: {  	_ =	swait.ge [sflag:s23], $0x4000  }
0x15e: {  	[sflag:s23] =	ssyncset.done $0x0  }
0x15f: {  	[sflag:s23] =	ssyncadd.s32 $0xFFFFC000  }
0x160: {  	_ =	swait.ge [sflag:s26], $0x4000  }
0x161: {  	[sflag:s26] =	ssyncset.done $0x0  }
0x162: {  	s13 =	simm.s32 $0x780;
	[sflag:s26] =	ssyncadd.s32 $0xFFFFC000  }
0x163: {  	[tilespmem:s28], [sflag:$0x2] =	stream.indirect.gather [hbm4b:s4+s25], $0x80, s13, s25, $0xb8;
	[tilespmem:$0x1D000] =	vst v63  }
0x164: {  	s17 =	simm.s32 $0xF00  }
0x165: {  	[spmem:s1] =	stream.indirect.scatter.add.f32 [tilespmem:s22], [sflag:$0x3], $0x80, s17, s25, $0xb8;
	[tilespmem:$0x1D000] =	vst v63  }
0x166: {  	_ =	swait.ge [sflag:s23], $0x4000  }
0x167: {  	[sflag:s23] =	ssyncset.done $0x0  }
0x168: {  	[sflag:s23] =	ssyncadd.s32 $0xFFFFC000  }
0x169: {  	_ =	swait.ge [sflag:s29], $0x4000  }
0x16a: {  	[sflag:s29] =	ssyncset.done $0x0  }
0x16b: {  	s18 =	simm.s32 $0xF80;
	[sflag:s29] =	ssyncadd.s32 $0xFFFFC000  }
0x16c: {  	[spmem:s1] =	stream.indirect.scatter.add.f32 [tilespmem:s28], [sflag:$0x3], $0x80, s18, s25, $0xb8;
	[tilespmem:$0x1D000] =	vst v63  }
0x16d: {  	_ =	swait.ge [sflag:s23], $0x4000  }
0x16e: {  	[sflag:s23] =	ssyncset.done $0x0  }
0x16f: {  	s11 =	rddreg [dreg:$0xd];
	[sflag:s23] =	ssyncadd.s32 $0xFFFFC000  }
0x170: {  	[tilespmem:s5], [sflag:$0x3] =	stream.linear.gather [hbm4b:s11+s5], $0x800, $0x38;
	[tilespmem:$0x1D000] =	vst v63  }
0x171: {  	_ =	swait.ge [sflag:s23], $0x800  }
0x172: {  	[sflag:s23] =	ssyncset.done $0x0  }
0x173: {  	s11 =	rddreg [dreg:$0xe];
	[sflag:s23] =	ssyncadd.s32 $0xFFFFF800  }
0x174: {  	[tilespmem:s2], [sflag:$0x3] =	stream.linear.gather [hbm4b:s11+s5], $0x800, $0x38;
	[tilespmem:$0x1D000] =	vst v63  }
0x175: {  	_ =	swait.ge [sflag:s23], $0x800  }
0x176: {  	[sflag:s23] =	ssyncset.done $0x0  }
0x177: {  	[sflag:s23] =	ssyncadd.s32 $0xFFFFF800  }
0x178: {  	[tilespmem:s22], [sflag:$0x1] =	stream.indirect.gather [hbm4b:s4+s25], $0x80, s5, s25, $0xb8;
	[tilespmem:$0x1D000] =	vst v63  }
0x179: {  	_ =	swait.ge [sflag:s26], $0x4000  }
0x17a: {  	[sflag:s26] =	ssyncset.done $0x0  }
0x17b: {  	[sflag:s26] =	ssyncadd.s32 $0xFFFFC000  }
0x17c: {  	[tilespmem:s28], [sflag:$0x2] =	stream.indirect.gather [hbm4b:s4+s25], $0x80, s25, s25, $0xb8;
	[tilespmem:$0x1D000] =	vst v63  }
0x17d: {  	_ = 	snop  }
0x17e: {  	[spmem:s1] =	stream.indirect.scatter.add.f32 [tilespmem:s22], [sflag:$0x3], $0x80, s2, s25, $0xb8;
	[tilespmem:$0x1D000] =	vst v63  }
0x17f: {  	_ =	swait.ge [sflag:s23], $0x4000  }
0x180: {  	[sflag:s23] =	ssyncset.done $0x0  }
0x181: {  	[sflag:s23] =	ssyncadd.s32 $0xFFFFC000  }
0x182: {  	_ =	swait.ge [sflag:s29], $0x4000  }
0x183: {  	[sflag:s29] =	ssyncset.done $0x0  }
0x184: {  	s11 =	simm.s32 $0x100;
	[sflag:s29] =	ssyncadd.s32 $0xFFFFC000  }
0x185: {  	[tilespmem:s22], [sflag:$0x1] =	stream.indirect.gather [hbm4b:s4+s25], $0x80, s11, s25, $0xb8;
	[tilespmem:$0x1D000] =	vst v63  }
0x186: {  	s11 =	simm.s32 $0x880  }
0x187: {  	[spmem:s1] =	stream.indirect.scatter.add.f32 [tilespmem:s28], [sflag:$0x3], $0x80, s11, s25, $0xb8;
	[tilespmem:$0x1D000] =	vst v63  }
0x188: {  	_ =	swait.ge [sflag:s23], $0x4000  }
0x189: {  	[sflag:s23] =	ssyncset.done $0x0  }
0x18a: {  	[sflag:s23] =	ssyncadd.s32 $0xFFFFC000  }
0x18b: {  	_ =	swait.ge [sflag:s26], $0x4000  }
0x18c: {  	[sflag:s26] =	ssyncset.done $0x0  }
0x18d: {  	s11 =	simm.s32 $0x180;
	[sflag:s26] =	ssyncadd.s32 $0xFFFFC000  }
0x18e: {  	[tilespmem:s28], [sflag:$0x2] =	stream.indirect.gather [hbm4b:s4+s25], $0x80, s11, s25, $0xb8;
	[tilespmem:$0x1D000] =	vst v63  }
0x18f: {  	s11 =	simm.s32 $0x900  }
0x190: {  	[spmem:s1] =	stream.indirect.scatter.add.f32 [tilespmem:s22], [sflag:$0x3], $0x80, s11, s25, $0xb8;
	[tilespmem:$0x1D000] =	vst v63  }
0x191: {  	_ =	swait.ge [sflag:s23], $0x4000  }
0x192: {  	[sflag:s23] =	ssyncset.done $0x0  }
0x193: {  	[sflag:s23] =	ssyncadd.s32 $0xFFFFC000  }
0x194: {  	_ =	swait.ge [sflag:s29], $0x4000  }
0x195: {  	[sflag:s29] =	ssyncset.done $0x0  }
0x196: {  	s11 =	simm.s32 $0x200;
	[sflag:s29] =	ssyncadd.s32 $0xFFFFC000  }
0x197: {  	[tilespmem:s22], [sflag:$0x1] =	stream.indirect.gather [hbm4b:s4+s25], $0x80, s11, s25, $0xb8;
	[tilespmem:$0x1D000] =	vst v63  }
0x198: {  	s11 =	simm.s32 $0x980  }
0x199: {  	[spmem:s1] =	stream.indirect.scatter.add.f32 [tilespmem:s28], [sflag:$0x3], $0x80, s11, s25, $0xb8;
	[tilespmem:$0x1D000] =	vst v63  }
0x19a: {  	_ =	swait.ge [sflag:s23], $0x4000  }
0x19b: {  	[sflag:s23] =	ssyncset.done $0x0  }
0x19c: {  	[sflag:s23] =	ssyncadd.s32 $0xFFFFC000  }
0x19d: {  	_ =	swait.ge [sflag:s26], $0x4000  }
0x19e: {  	[sflag:s26] =	ssyncset.done $0x0  }
0x19f: {  	[sflag:s26] =	ssyncadd.s32 $0xFFFFC000  }
0x1a0: {  	[tilespmem:s28], [sflag:$0x2] =	stream.indirect.gather [hbm4b:s4+s25], $0x80, s19, s25, $0xb8;
	[tilespmem:$0x1D000] =	vst v63  }
0x1a1: {  	_ = 	snop  }
0x1a2: {  	[spmem:s1] =	stream.indirect.scatter.add.f32 [tilespmem:s22], [sflag:$0x3], $0x80, s0, s25, $0xb8;
	[tilespmem:$0x1D000] =	vst v63  }
0x1a3: {  	_ =	swait.ge [sflag:s23], $0x4000  }
0x1a4: {  	[sflag:s23] =	ssyncset.done $0x0  }
0x1a5: {  	[sflag:s23] =	ssyncadd.s32 $0xFFFFC000  }
0x1a6: {  	_ =	swait.ge [sflag:s29], $0x4000  }
0x1a7: {  	[sflag:s29] =	ssyncset.done $0x0  }
0x1a8: {  	s11 =	simm.s32 $0x300;
	[sflag:s29] =	ssyncadd.s32 $0xFFFFC000  }
0x1a9: {  	[tilespmem:s22], [sflag:$0x1] =	stream.indirect.gather [hbm4b:s4+s25], $0x80, s11, s25, $0xb8;
	[tilespmem:$0x1D000] =	vst v63  }
0x1aa: {  	_ = 	snop  }
0x1ab: {  	[spmem:s1] =	stream.indirect.scatter.add.f32 [tilespmem:s28], [sflag:$0x3], $0x80, s21, s25, $0xb8;
	[tilespmem:$0x1D000] =	vst v63  }
0x1ac: {  	_ =	swait.ge [sflag:s23], $0x4000  }
0x1ad: {  	[sflag:s23] =	ssyncset.done $0x0  }
0x1ae: {  	[sflag:s23] =	ssyncadd.s32 $0xFFFFC000  }
0x1af: {  	_ =	swait.ge [sflag:s26], $0x4000  }
0x1b0: {  	[sflag:s26] =	ssyncset.done $0x0  }
0x1b1: {  	[sflag:s26] =	ssyncadd.s32 $0xFFFFC000  }
0x1b2: {  	[tilespmem:s28], [sflag:$0x2] =	stream.indirect.gather [hbm4b:s4+s25], $0x80, s30, s25, $0xb8;
	[tilespmem:$0x1D000] =	vst v63  }
0x1b3: {  	_ = 	snop  }
0x1b4: {  	[spmem:s1] =	stream.indirect.scatter.add.f32 [tilespmem:s22], [sflag:$0x3], $0x80, s3, s25, $0xb8;
	[tilespmem:$0x1D000] =	vst v63  }
0x1b5: {  	_ =	swait.ge [sflag:s23], $0x4000  }
0x1b6: {  	[sflag:s23] =	ssyncset.done $0x0  }
0x1b7: {  	[sflag:s23] =	ssyncadd.s32 $0xFFFFC000  }
0x1b8: {  	_ =	swait.ge [sflag:s29], $0x4000  }
0x1b9: {  	[sflag:s29] =	ssyncset.done $0x0  }
0x1ba: {  	[sflag:s29] =	ssyncadd.s32 $0xFFFFC000  }
0x1bb: {  	[tilespmem:s22], [sflag:$0x1] =	stream.indirect.gather [hbm4b:s4+s25], $0x80, s24, s25, $0xb8;
	[tilespmem:$0x1D000] =	vst v63  }
0x1bc: {  	_ = 	snop  }
0x1bd: {  	[spmem:s1] =	stream.indirect.scatter.add.f32 [tilespmem:s28], [sflag:$0x3], $0x80, s20, s25, $0xb8;
	[tilespmem:$0x1D000] =	vst v63  }
0x1be: {  	_ =	swait.ge [sflag:s23], $0x4000  }
0x1bf: {  	[sflag:s23] =	ssyncset.done $0x0  }
0x1c0: {  	[sflag:s23] =	ssyncadd.s32 $0xFFFFC000  }
0x1c1: {  	_ =	swait.ge [sflag:s26], $0x4000  }
0x1c2: {  	[sflag:s26] =	ssyncset.done $0x0  }
0x1c3: {  	[sflag:s26] =	ssyncadd.s32 $0xFFFFC000  }
0x1c4: {  	[tilespmem:s28], [sflag:$0x2] =	stream.indirect.gather [hbm4b:s4+s25], $0x80, s7, s25, $0xb8;
	[tilespmem:$0x1D000] =	vst v63  }
0x1c5: {  	_ = 	snop  }
0x1c6: {  	[spmem:s1] =	stream.indirect.scatter.add.f32 [tilespmem:s22], [sflag:$0x3], $0x80, s31, s25, $0xb8;
	[tilespmem:$0x1D000] =	vst v63  }
0x1c7: {  	_ =	swait.ge [sflag:s23], $0x4000  }
0x1c8: {  	[sflag:s23] =	ssyncset.done $0x0  }
0x1c9: {  	[sflag:s23] =	ssyncadd.s32 $0xFFFFC000  }
0x1ca: {  	_ =	swait.ge [sflag:s29], $0x4000  }
0x1cb: {  	[sflag:s29] =	ssyncset.done $0x0  }
0x1cc: {  	s24 =	simm.s32 $0x500;
	[sflag:s29] =	ssyncadd.s32 $0xFFFFC000  }
0x1cd: {  	[tilespmem:s22], [sflag:$0x1] =	stream.indirect.gather [hbm4b:s4+s25], $0x80, s24, s25, $0xb8;
	[tilespmem:$0x1D000] =	vst v63  }
0x1ce: {  	_ = 	snop  }
0x1cf: {  	[spmem:s1] =	stream.indirect.scatter.add.f32 [tilespmem:s28], [sflag:$0x3], $0x80, s8, s25, $0xb8;
	[tilespmem:$0x1D000] =	vst v63  }
0x1d0: {  	_ =	swait.ge [sflag:s23], $0x4000  }
0x1d1: {  	[sflag:s23] =	ssyncset.done $0x0  }
0x1d2: {  	[sflag:s23] =	ssyncadd.s32 $0xFFFFC000  }
0x1d3: {  	_ =	swait.ge [sflag:s26], $0x4000  }
0x1d4: {  	[sflag:s26] =	ssyncset.done $0x0  }
0x1d5: {  	s31 =	simm.s32 $0x580;
	[sflag:s26] =	ssyncadd.s32 $0xFFFFC000  }
0x1d6: {  	[tilespmem:s28], [sflag:$0x2] =	stream.indirect.gather [hbm4b:s4+s25], $0x80, s31, s25, $0xb8;
	[tilespmem:$0x1D000] =	vst v63  }
0x1d7: {  	s11 =	simm.s32 $0xD00  }
0x1d8: {  	[spmem:s1] =	stream.indirect.scatter.add.f32 [tilespmem:s22], [sflag:$0x3], $0x80, s11, s25, $0xb8;
	[tilespmem:$0x1D000] =	vst v63  }
0x1d9: {  	_ =	swait.ge [sflag:s23], $0x4000  }
0x1da: {  	[sflag:s23] =	ssyncset.done $0x0  }
0x1db: {  	[sflag:s23] =	ssyncadd.s32 $0xFFFFC000  }
0x1dc: {  	_ =	swait.ge [sflag:s29], $0x4000  }
0x1dd: {  	[sflag:s29] =	ssyncset.done $0x0  }
0x1de: {  	s6 =	simm.s32 $0x600;
	[sflag:s29] =	ssyncadd.s32 $0xFFFFC000  }
0x1df: {  	[tilespmem:s22], [sflag:$0x1] =	stream.indirect.gather [hbm4b:s4+s25], $0x80, s6, s25, $0xb8;
	[tilespmem:$0x1D000] =	vst v63  }
0x1e0: {  	s14 =	simm.s32 $0xD80  }
0x1e1: {  	[spmem:s1] =	stream.indirect.scatter.add.f32 [tilespmem:s28], [sflag:$0x3], $0x80, s14, s25, $0xb8;
	[tilespmem:$0x1D000] =	vst v63  }
0x1e2: {  	_ =	swait.ge [sflag:s23], $0x4000  }
0x1e3: {  	[sflag:s23] =	ssyncset.done $0x0  }
0x1e4: {  	[sflag:s23] =	ssyncadd.s32 $0xFFFFC000  }
0x1e5: {  	_ =	swait.ge [sflag:s26], $0x4000  }
0x1e6: {  	[sflag:s26] =	ssyncset.done $0x0  }
0x1e7: {  	s9 =	simm.s32 $0x680;
	[sflag:s26] =	ssyncadd.s32 $0xFFFFC000  }
0x1e8: {  	[tilespmem:s28], [sflag:$0x2] =	stream.indirect.gather [hbm4b:s4+s25], $0x80, s9, s25, $0xb8;
	[tilespmem:$0x1D000] =	vst v63  }
0x1e9: {  	s15 =	simm.s32 $0xE00  }
0x1ea: {  	[spmem:s1] =	stream.indirect.scatter.add.f32 [tilespmem:s22], [sflag:$0x3], $0x80, s15, s25, $0xb8;
	[tilespmem:$0x1D000] =	vst v63  }
0x1eb: {  	_ =	swait.ge [sflag:s23], $0x4000  }
0x1ec: {  	[sflag:s23] =	ssyncset.done $0x0  }
0x1ed: {  	[sflag:s23] =	ssyncadd.s32 $0xFFFFC000  }
0x1ee: {  	_ =	swait.ge [sflag:s29], $0x4000  }
0x1ef: {  	[sflag:s29] =	ssyncset.done $0x0  }
0x1f0: {  	s12 =	simm.s32 $0x700;
	[sflag:s29] =	ssyncadd.s32 $0xFFFFC000  }
0x1f1: {  	[tilespmem:s22], [sflag:$0x1] =	stream.indirect.gather [hbm4b:s4+s25], $0x80, s12, s25, $0xb8;
	[tilespmem:$0x1D000] =	vst v63  }
0x1f2: {  	s16 =	simm.s32 $0xE80  }
0x1f3: {  	[spmem:s1] =	stream.indirect.scatter.add.f32 [tilespmem:s28], [sflag:$0x3], $0x80, s16, s25, $0xb8;
	[tilespmem:$0x1D000] =	vst v63  }
0x1f4: {  	_ =	swait.ge [sflag:s23], $0x4000  }
0x1f5: {  	[sflag:s23] =	ssyncset.done $0x0  }
0x1f6: {  	[sflag:s23] =	ssyncadd.s32 $0xFFFFC000  }
0x1f7: {  	_ =	swait.ge [sflag:s26], $0x4000  }
0x1f8: {  	[sflag:s26] =	ssyncset.done $0x0  }
0x1f9: {  	s13 =	simm.s32 $0x780;
	[sflag:s26] =	ssyncadd.s32 $0xFFFFC000  }
0x1fa: {  	[tilespmem:s28], [sflag:$0x2] =	stream.indirect.gather [hbm4b:s4+s25], $0x80, s13, s25, $0xb8;
	[tilespmem:$0x1D000] =	vst v63  }
0x1fb: {  	s17 =	simm.s32 $0xF00  }
0x1fc: {  	[spmem:s1] =	stream.indirect.scatter.add.f32 [tilespmem:s22], [sflag:$0x3], $0x80, s17, s25, $0xb8;
	[tilespmem:$0x1D000] =	vst v63  }
0x1fd: {  	_ =	swait.ge [sflag:s23], $0x4000  }
0x1fe: {  	[sflag:s23] =	ssyncset.done $0x0  }
0x1ff: {  	[sflag:s23] =	ssyncadd.s32 $0xFFFFC000  }
0x200: {  	_ =	swait.ge [sflag:s29], $0x4000  }
0x201: {  	[sflag:s29] =	ssyncset.done $0x0  }
0x202: {  	s18 =	simm.s32 $0xF80;
	[sflag:s29] =	ssyncadd.s32 $0xFFFFC000  }
0x203: {  	[spmem:s1] =	stream.indirect.scatter.add.f32 [tilespmem:s28], [sflag:$0x3], $0x80, s18, s25, $0xb8;
	[tilespmem:$0x1D000] =	vst v63  }
0x204: {  	_ =	swait.ge [sflag:s23], $0x4000  }
0x205: {  	[sflag:s23] =	ssyncset.done $0x0  }
0x206: {  	s16 =	rddreg [dreg:$0xf];
	[sflag:s23] =	ssyncadd.s32 $0xFFFFC000  }
0x207: {  	[tilespmem:s5], [sflag:$0x3] =	stream.linear.gather [hbm4b:s16+s5], $0x800, $0x38;
	[tilespmem:$0x1D000] =	vst v63  }
0x208: {  	_ =	swait.ge [sflag:s23], $0x800  }
0x209: {  	[sflag:s23] =	ssyncset.done $0x0  }
0x20a: {  	s17 =	rddreg [dreg:$0x10];
	[sflag:s23] =	ssyncadd.s32 $0xFFFFF800  }
0x20b: {  	[tilespmem:s2], [sflag:$0x3] =	stream.linear.gather [hbm4b:s17+s5], $0x800, $0x38;
	[tilespmem:$0x1D000] =	vst v63  }
0x20c: {  	_ =	swait.ge [sflag:s23], $0x800  }
0x20d: {  	[sflag:s23] =	ssyncset.done $0x0  }
0x20e: {  	[sflag:s23] =	ssyncadd.s32 $0xFFFFF800  }
0x20f: {  	[tilespmem:s22], [sflag:$0x1] =	stream.indirect.gather [hbm4b:s4+s25], $0x80, s5, s25, $0xb8;
	[tilespmem:$0x1D000] =	vst v63  }
0x210: {  	_ =	swait.ge [sflag:s26], $0x4000  }
0x211: {  	[sflag:s26] =	ssyncset.done $0x0  }
0x212: {  	[sflag:s26] =	ssyncadd.s32 $0xFFFFC000  }
0x213: {  	[tilespmem:s28], [sflag:$0x2] =	stream.indirect.gather [hbm4b:s4+s25], $0x80, s25, s25, $0xb8;
	[tilespmem:$0x1D000] =	vst v63  }
0x214: {  	_ = 	snop  }
0x215: {  	[spmem:s1] =	stream.indirect.scatter.add.f32 [tilespmem:s22], [sflag:$0x3], $0x80, s2, s25, $0xb8;
	[tilespmem:$0x1D000] =	vst v63  }
0x216: {  	_ =	swait.ge [sflag:s23], $0x4000  }
0x217: {  	[sflag:s23] =	ssyncset.done $0x0  }
0x218: {  	[sflag:s23] =	ssyncadd.s32 $0xFFFFC000  }
0x219: {  	_ =	swait.ge [sflag:s29], $0x4000  }
0x21a: {  	[sflag:s29] =	ssyncset.done $0x0  }
0x21b: {  	s18 =	simm.s32 $0x100;
	[sflag:s29] =	ssyncadd.s32 $0xFFFFC000  }
0x21c: {  	[tilespmem:s22], [sflag:$0x1] =	stream.indirect.gather [hbm4b:s4+s25], $0x80, s18, s25, $0xb8;
	[tilespmem:$0x1D000] =	vst v63  }
0x21d: {  	s11 =	simm.s32 $0x880  }
0x21e: {  	[spmem:s1] =	stream.indirect.scatter.add.f32 [tilespmem:s28], [sflag:$0x3], $0x80, s11, s25, $0xb8;
	[tilespmem:$0x1D000] =	vst v63  }
0x21f: {  	_ =	swait.ge [sflag:s23], $0x4000  }
0x220: {  	[sflag:s23] =	ssyncset.done $0x0  }
0x221: {  	[sflag:s23] =	ssyncadd.s32 $0xFFFFC000  }
0x222: {  	_ =	swait.ge [sflag:s26], $0x4000  }
0x223: {  	[sflag:s26] =	ssyncset.done $0x0  }
0x224: {  	s14 =	simm.s32 $0x180;
	[sflag:s26] =	ssyncadd.s32 $0xFFFFC000  }
0x225: {  	[tilespmem:s28], [sflag:$0x2] =	stream.indirect.gather [hbm4b:s4+s25], $0x80, s14, s25, $0xb8;
	[tilespmem:$0x1D000] =	vst v63  }
0x226: {  	s15 =	simm.s32 $0x900  }
0x227: {  	[spmem:s1] =	stream.indirect.scatter.add.f32 [tilespmem:s22], [sflag:$0x3], $0x80, s15, s25, $0xb8;
	[tilespmem:$0x1D000] =	vst v63  }
0x228: {  	_ =	swait.ge [sflag:s23], $0x4000  }
0x229: {  	[sflag:s23] =	ssyncset.done $0x0  }
0x22a: {  	[sflag:s23] =	ssyncadd.s32 $0xFFFFC000  }
0x22b: {  	_ =	swait.ge [sflag:s29], $0x4000  }
0x22c: {  	[sflag:s29] =	ssyncset.done $0x0  }
0x22d: {  	s16 =	simm.s32 $0x200;
	[sflag:s29] =	ssyncadd.s32 $0xFFFFC000  }
0x22e: {  	[tilespmem:s22], [sflag:$0x1] =	stream.indirect.gather [hbm4b:s4+s25], $0x80, s16, s25, $0xb8;
	[tilespmem:$0x1D000] =	vst v63  }
0x22f: {  	s17 =	simm.s32 $0x980  }
0x230: {  	[spmem:s1] =	stream.indirect.scatter.add.f32 [tilespmem:s28], [sflag:$0x3], $0x80, s17, s25, $0xb8;
	[tilespmem:$0x1D000] =	vst v63  }
0x231: {  	_ =	swait.ge [sflag:s23], $0x4000  }
0x232: {  	[sflag:s23] =	ssyncset.done $0x0  }
0x233: {  	[sflag:s23] =	ssyncadd.s32 $0xFFFFC000  }
0x234: {  	_ =	swait.ge [sflag:s26], $0x4000  }
0x235: {  	[sflag:s26] =	ssyncset.done $0x0  }
0x236: {  	s19 =	simm.s32 $0x280;
	[sflag:s26] =	ssyncadd.s32 $0xFFFFC000  }
0x237: {  	[tilespmem:s28], [sflag:$0x2] =	stream.indirect.gather [hbm4b:s4+s25], $0x80, s19, s25, $0xb8;
	[tilespmem:$0x1D000] =	vst v63  }
0x238: {  	s18 =	simm.s32 $0xA00  }
0x239: {  	[spmem:s1] =	stream.indirect.scatter.add.f32 [tilespmem:s22], [sflag:$0x3], $0x80, s18, s25, $0xb8;
	[tilespmem:$0x1D000] =	vst v63  }
0x23a: {  	_ =	swait.ge [sflag:s23], $0x4000  }
0x23b: {  	[sflag:s23] =	ssyncset.done $0x0  }
0x23c: {  	[sflag:s23] =	ssyncadd.s32 $0xFFFFC000  }
0x23d: {  	_ =	swait.ge [sflag:s29], $0x4000  }
0x23e: {  	[sflag:s29] =	ssyncset.done $0x0  }
0x23f: {  	s19 =	simm.s32 $0x300;
	[sflag:s29] =	ssyncadd.s32 $0xFFFFC000  }
0x240: {  	[tilespmem:s22], [sflag:$0x1] =	stream.indirect.gather [hbm4b:s4+s25], $0x80, s19, s25, $0xb8;
	[tilespmem:$0x1D000] =	vst v63  }
0x241: {  	s21 =	simm.s32 $0xA80  }
0x242: {  	[spmem:s1] =	stream.indirect.scatter.add.f32 [tilespmem:s28], [sflag:$0x3], $0x80, s21, s25, $0xb8;
	[tilespmem:$0x1D000] =	vst v63  }
0x243: {  	_ =	swait.ge [sflag:s23], $0x4000  }
0x244: {  	[sflag:s23] =	ssyncset.done $0x0  }
0x245: {  	[sflag:s23] =	ssyncadd.s32 $0xFFFFC000  }
0x246: {  	_ =	swait.ge [sflag:s26], $0x4000  }
0x247: {  	[sflag:s26] =	ssyncset.done $0x0  }
0x248: {  	s30 =	simm.s32 $0x380;
	[sflag:s26] =	ssyncadd.s32 $0xFFFFC000  }
0x249: {  	[tilespmem:s28], [sflag:$0x2] =	stream.indirect.gather [hbm4b:s4+s25], $0x80, s30, s25, $0xb8;
	[tilespmem:$0x1D000] =	vst v63  }
0x24a: {  	s14 =	simm.s32 $0xB00  }
0x24b: {  	[spmem:s1] =	stream.indirect.scatter.add.f32 [tilespmem:s22], [sflag:$0x3], $0x80, s14, s25, $0xb8;
	[tilespmem:$0x1D000] =	vst v63  }
0x24c: {  	_ =	swait.ge [sflag:s23], $0x4000  }
0x24d: {  	[sflag:s23] =	ssyncset.done $0x0  }
0x24e: {  	[sflag:s23] =	ssyncadd.s32 $0xFFFFC000  }
0x24f: {  	_ =	swait.ge [sflag:s29], $0x4000  }
0x250: {  	[sflag:s29] =	ssyncset.done $0x0  }
0x251: {  	s0 =	simm.s32 $0x400;
	[sflag:s29] =	ssyncadd.s32 $0xFFFFC000  }
0x252: {  	[tilespmem:s22], [sflag:$0x1] =	stream.indirect.gather [hbm4b:s4+s25], $0x80, s0, s25, $0xb8;
	[tilespmem:$0x1D000] =	vst v63  }
0x253: {  	s3 =	simm.s32 $0xB80  }
0x254: {  	[spmem:s1] =	stream.indirect.scatter.add.f32 [tilespmem:s28], [sflag:$0x3], $0x80, s3, s25, $0xb8;
	[tilespmem:$0x1D000] =	vst v63  }
0x255: {  	_ =	swait.ge [sflag:s23], $0x4000  }
0x256: {  	[sflag:s23] =	ssyncset.done $0x0  }
0x257: {  	[sflag:s23] =	ssyncadd.s32 $0xFFFFC000  }
0x258: {  	_ =	swait.ge [sflag:s26], $0x4000  }
0x259: {  	[sflag:s26] =	ssyncset.done $0x0  }
0x25a: {  	s15 =	simm.s32 $0x480;
	[sflag:s26] =	ssyncadd.s32 $0xFFFFC000  }
0x25b: {  	[tilespmem:s28], [sflag:$0x2] =	stream.indirect.gather [hbm4b:s4+s25], $0x80, s15, s25, $0xb8;
	[tilespmem:$0x1D000] =	vst v63  }
0x25c: {  	s20 =	simm.s32 $0xC00  }
0x25d: {  	[spmem:s1] =	stream.indirect.scatter.add.f32 [tilespmem:s22], [sflag:$0x3], $0x80, s20, s25, $0xb8;
	[tilespmem:$0x1D000] =	vst v63  }
0x25e: {  	_ =	swait.ge [sflag:s23], $0x4000  }
0x25f: {  	[sflag:s23] =	ssyncset.done $0x0  }
0x260: {  	[sflag:s23] =	ssyncadd.s32 $0xFFFFC000  }
0x261: {  	_ =	swait.ge [sflag:s29], $0x4000  }
0x262: {  	[sflag:s29] =	ssyncset.done $0x0  }
0x263: {  	s20 =	simm.s32 $0x500;
	[sflag:s29] =	ssyncadd.s32 $0xFFFFC000  }
0x264: {  	[tilespmem:s22], [sflag:$0x1] =	stream.indirect.gather [hbm4b:s4+s25], $0x80, s20, s25, $0xb8;
	[tilespmem:$0x1D000] =	vst v63  }
0x265: {  	s8 =	simm.s32 $0xC80  }
0x266: {  	[spmem:s1] =	stream.indirect.scatter.add.f32 [tilespmem:s28], [sflag:$0x3], $0x80, s8, s25, $0xb8;
	[tilespmem:$0x1D000] =	vst v63  }
0x267: {  	_ =	swait.ge [sflag:s23], $0x4000  }
0x268: {  	[sflag:s23] =	ssyncset.done $0x0  }
0x269: {  	[sflag:s23] =	ssyncadd.s32 $0xFFFFC000  }
0x26a: {  	_ =	swait.ge [sflag:s26], $0x4000  }
0x26b: {  	[sflag:s26] =	ssyncset.done $0x0  }
0x26c: {  	s8 =	simm.s32 $0x580;
	[sflag:s26] =	ssyncadd.s32 $0xFFFFC000  }
0x26d: {  	[tilespmem:s28], [sflag:$0x2] =	stream.indirect.gather [hbm4b:s4+s25], $0x80, s8, s25, $0xb8;
	[tilespmem:$0x1D000] =	vst v63  }
0x26e: {  	s24 =	simm.s32 $0xD00  }
0x26f: {  	[spmem:s1] =	stream.indirect.scatter.add.f32 [tilespmem:s22], [sflag:$0x3], $0x80, s24, s25, $0xb8;
	[tilespmem:$0x1D000] =	vst v63  }
0x270: {  	_ =	swait.ge [sflag:s23], $0x4000  }
0x271: {  	[sflag:s23] =	ssyncset.done $0x0  }
0x272: {  	[sflag:s23] =	ssyncadd.s32 $0xFFFFC000  }
0x273: {  	_ =	swait.ge [sflag:s29], $0x4000  }
0x274: {  	[sflag:s29] =	ssyncset.done $0x0  }
0x275: {  	s7 =	simm.s32 $0x600;
	[sflag:s29] =	ssyncadd.s32 $0xFFFFC000  }
0x276: {  	[tilespmem:s22], [sflag:$0x1] =	stream.indirect.gather [hbm4b:s4+s25], $0x80, s7, s25, $0xb8;
	[tilespmem:$0x1D000] =	vst v63  }
0x277: {  	s31 =	simm.s32 $0xD80  }
0x278: {  	[spmem:s1] =	stream.indirect.scatter.add.f32 [tilespmem:s28], [sflag:$0x3], $0x80, s31, s25, $0xb8;
	[tilespmem:$0x1D000] =	vst v63  }
0x279: {  	_ =	swait.ge [sflag:s23], $0x4000  }
0x27a: {  	[sflag:s23] =	ssyncset.done $0x0  }
0x27b: {  	[sflag:s23] =	ssyncadd.s32 $0xFFFFC000  }
0x27c: {  	_ =	swait.ge [sflag:s26], $0x4000  }
0x27d: {  	[sflag:s26] =	ssyncset.done $0x0  }
0x27e: {  	s9 =	simm.s32 $0x680;
	[sflag:s26] =	ssyncadd.s32 $0xFFFFC000  }
0x27f: {  	[tilespmem:s28], [sflag:$0x2] =	stream.indirect.gather [hbm4b:s4+s25], $0x80, s9, s25, $0xb8;
	[tilespmem:$0x1D000] =	vst v63  }
0x280: {  	s11 =	simm.s32 $0xE00  }
0x281: {  	[spmem:s1] =	stream.indirect.scatter.add.f32 [tilespmem:s22], [sflag:$0x3], $0x80, s11, s25, $0xb8;
	[tilespmem:$0x1D000] =	vst v63  }
0x282: {  	_ =	swait.ge [sflag:s23], $0x4000  }
0x283: {  	[sflag:s23] =	ssyncset.done $0x0  }
0x284: {  	[sflag:s23] =	ssyncadd.s32 $0xFFFFC000  }
0x285: {  	_ =	swait.ge [sflag:s29], $0x4000  }
0x286: {  	[sflag:s29] =	ssyncset.done $0x0  }
0x287: {  	s12 =	simm.s32 $0x700;
	[sflag:s29] =	ssyncadd.s32 $0xFFFFC000  }
0x288: {  	[tilespmem:s22], [sflag:$0x1] =	stream.indirect.gather [hbm4b:s4+s25], $0x80, s12, s25, $0xb8;
	[tilespmem:$0x1D000] =	vst v63  }
0x289: {  	s12 =	simm.s32 $0xE80  }
0x28a: {  	[spmem:s1] =	stream.indirect.scatter.add.f32 [tilespmem:s28], [sflag:$0x3], $0x80, s12, s25, $0xb8;
	[tilespmem:$0x1D000] =	vst v63  }
0x28b: {  	_ =	swait.ge [sflag:s23], $0x4000  }
0x28c: {  	[sflag:s23] =	ssyncset.done $0x0  }
0x28d: {  	[sflag:s23] =	ssyncadd.s32 $0xFFFFC000  }
0x28e: {  	_ =	swait.ge [sflag:s26], $0x4000  }
0x28f: {  	[sflag:s26] =	ssyncset.done $0x0  }
0x290: {  	s13 =	simm.s32 $0x780;
	[sflag:s26] =	ssyncadd.s32 $0xFFFFC000  }
0x291: {  	[tilespmem:s28], [sflag:$0x2] =	stream.indirect.gather [hbm4b:s4+s25], $0x80, s13, s25, $0xb8;
	[tilespmem:$0x1D000] =	vst v63  }
0x292: {  	s13 =	simm.s32 $0xF00  }
0x293: {  	[spmem:s1] =	stream.indirect.scatter.add.f32 [tilespmem:s22], [sflag:$0x3], $0x80, s13, s25, $0xb8;
	[tilespmem:$0x1D000] =	vst v63  }
0x294: {  	_ =	swait.ge [sflag:s23], $0x4000  }
0x295: {  	[sflag:s23] =	ssyncset.done $0x0  }
0x296: {  	[sflag:s23] =	ssyncadd.s32 $0xFFFFC000  }
0x297: {  	_ =	swait.ge [sflag:s29], $0x4000  }
0x298: {  	[sflag:s29] =	ssyncset.done $0x0  }
0x299: {  	s11 =	simm.s32 $0xF80;
	[sflag:s29] =	ssyncadd.s32 $0xFFFFC000  }
0x29a: {  	[spmem:s1] =	stream.indirect.scatter.add.f32 [tilespmem:s28], [sflag:$0x3], $0x80, s11, s25, $0xb8;
	[tilespmem:$0x1D000] =	vst v63  }
0x29b: {  	_ =	swait.ge [sflag:s23], $0x4000  }
0x29c: {  	[sflag:s23] =	ssyncset.done $0x0  }
0x29d: {  	s11 =	rddreg [dreg:$0x11];
	[sflag:s23] =	ssyncadd.s32 $0xFFFFC000  }
0x29e: {  	[tilespmem:s5], [sflag:$0x3] =	stream.linear.gather [hbm4b:s11+s5], $0x800, $0x38;
	[tilespmem:$0x1D000] =	vst v63  }
0x29f: {  	_ =	swait.ge [sflag:s23], $0x800  }
0x2a0: {  	[sflag:s23] =	ssyncset.done $0x0  }
0x2a1: {  	s11 =	rddreg [dreg:$0x12];
	[sflag:s23] =	ssyncadd.s32 $0xFFFFF800  }
0x2a2: {  	[tilespmem:s2], [sflag:$0x3] =	stream.linear.gather [hbm4b:s11+s5], $0x800, $0x38;
	[tilespmem:$0x1D000] =	vst v63  }
0x2a3: {  	_ =	swait.ge [sflag:s23], $0x800  }
0x2a4: {  	[sflag:s23] =	ssyncset.done $0x0  }
0x2a5: {  	[sflag:s23] =	ssyncadd.s32 $0xFFFFF800  }
0x2a6: {  	[tilespmem:s22], [sflag:$0x1] =	stream.indirect.gather [hbm4b:s4+s25], $0x80, s5, s25, $0xb8;
	[tilespmem:$0x1D000] =	vst v63  }
0x2a7: {  	_ =	swait.ge [sflag:s26], $0x4000  }
0x2a8: {  	[sflag:s26] =	ssyncset.done $0x0  }
0x2a9: {  	[sflag:s26] =	ssyncadd.s32 $0xFFFFC000  }
0x2aa: {  	[tilespmem:s28], [sflag:$0x2] =	stream.indirect.gather [hbm4b:s4+s25], $0x80, s25, s25, $0xb8;
	[tilespmem:$0x1D000] =	vst v63  }
0x2ab: {  	_ = 	snop  }
0x2ac: {  	[spmem:s1] =	stream.indirect.scatter.add.f32 [tilespmem:s22], [sflag:$0x3], $0x80, s2, s25, $0xb8;
	[tilespmem:$0x1D000] =	vst v63  }
0x2ad: {  	_ =	swait.ge [sflag:s23], $0x4000  }
0x2ae: {  	[sflag:s23] =	ssyncset.done $0x0  }
0x2af: {  	[sflag:s23] =	ssyncadd.s32 $0xFFFFC000  }
0x2b0: {  	_ =	swait.ge [sflag:s29], $0x4000  }
0x2b1: {  	[sflag:s29] =	ssyncset.done $0x0  }
0x2b2: {  	s11 =	simm.s32 $0x100;
	[sflag:s29] =	ssyncadd.s32 $0xFFFFC000  }
0x2b3: {  	[tilespmem:s22], [sflag:$0x1] =	stream.indirect.gather [hbm4b:s4+s25], $0x80, s11, s25, $0xb8;
	[tilespmem:$0x1D000] =	vst v63  }
0x2b4: {  	s11 =	simm.s32 $0x880  }
0x2b5: {  	[spmem:s1] =	stream.indirect.scatter.add.f32 [tilespmem:s28], [sflag:$0x3], $0x80, s11, s25, $0xb8;
	[tilespmem:$0x1D000] =	vst v63  }
0x2b6: {  	_ =	swait.ge [sflag:s23], $0x4000  }
0x2b7: {  	[sflag:s23] =	ssyncset.done $0x0  }
0x2b8: {  	[sflag:s23] =	ssyncadd.s32 $0xFFFFC000  }
0x2b9: {  	_ =	swait.ge [sflag:s26], $0x4000  }
0x2ba: {  	[sflag:s26] =	ssyncset.done $0x0  }
0x2bb: {  	s11 =	simm.s32 $0x180;
	[sflag:s26] =	ssyncadd.s32 $0xFFFFC000  }
0x2bc: {  	[tilespmem:s28], [sflag:$0x2] =	stream.indirect.gather [hbm4b:s4+s25], $0x80, s11, s25, $0xb8;
	[tilespmem:$0x1D000] =	vst v63  }
0x2bd: {  	s11 =	simm.s32 $0x900  }
0x2be: {  	[spmem:s1] =	stream.indirect.scatter.add.f32 [tilespmem:s22], [sflag:$0x3], $0x80, s11, s25, $0xb8;
	[tilespmem:$0x1D000] =	vst v63  }
0x2bf: {  	_ =	swait.ge [sflag:s23], $0x4000  }
0x2c0: {  	[sflag:s23] =	ssyncset.done $0x0  }
0x2c1: {  	[sflag:s23] =	ssyncadd.s32 $0xFFFFC000  }
0x2c2: {  	_ =	swait.ge [sflag:s29], $0x4000  }
0x2c3: {  	[sflag:s29] =	ssyncset.done $0x0  }
0x2c4: {  	s11 =	simm.s32 $0x200;
	[sflag:s29] =	ssyncadd.s32 $0xFFFFC000  }
0x2c5: {  	[tilespmem:s22], [sflag:$0x1] =	stream.indirect.gather [hbm4b:s4+s25], $0x80, s11, s25, $0xb8;
	[tilespmem:$0x1D000] =	vst v63  }
0x2c6: {  	s11 =	simm.s32 $0x980  }
0x2c7: {  	[spmem:s1] =	stream.indirect.scatter.add.f32 [tilespmem:s28], [sflag:$0x3], $0x80, s11, s25, $0xb8;
	[tilespmem:$0x1D000] =	vst v63  }
0x2c8: {  	_ =	swait.ge [sflag:s23], $0x4000  }
0x2c9: {  	[sflag:s23] =	ssyncset.done $0x0  }
0x2ca: {  	[sflag:s23] =	ssyncadd.s32 $0xFFFFC000  }
0x2cb: {  	_ =	swait.ge [sflag:s26], $0x4000  }
0x2cc: {  	[sflag:s26] =	ssyncset.done $0x0  }
0x2cd: {  	s17 =	simm.s32 $0x280;
	[sflag:s26] =	ssyncadd.s32 $0xFFFFC000  }
0x2ce: {  	[tilespmem:s28], [sflag:$0x2] =	stream.indirect.gather [hbm4b:s4+s25], $0x80, s17, s25, $0xb8;
	[tilespmem:$0x1D000] =	vst v63  }
0x2cf: {  	s6 =	simm.s32 $0xA00  }
0x2d0: {  	[spmem:s1] =	stream.indirect.scatter.add.f32 [tilespmem:s22], [sflag:$0x3], $0x80, s6, s25, $0xb8;
	[tilespmem:$0x1D000] =	vst v63  }
0x2d1: {  	_ =	swait.ge [sflag:s23], $0x4000  }
0x2d2: {  	[sflag:s23] =	ssyncset.done $0x0  }
0x2d3: {  	[sflag:s23] =	ssyncadd.s32 $0xFFFFC000  }
0x2d4: {  	_ =	swait.ge [sflag:s29], $0x4000  }
0x2d5: {  	[sflag:s29] =	ssyncset.done $0x0  }
0x2d6: {  	s11 =	simm.s32 $0x300;
	[sflag:s29] =	ssyncadd.s32 $0xFFFFC000  }
0x2d7: {  	[tilespmem:s22], [sflag:$0x1] =	stream.indirect.gather [hbm4b:s4+s25], $0x80, s11, s25, $0xb8;
	[tilespmem:$0x1D000] =	vst v63  }
0x2d8: {  	s18 =	simm.s32 $0xA80  }
0x2d9: {  	[spmem:s1] =	stream.indirect.scatter.add.f32 [tilespmem:s28], [sflag:$0x3], $0x80, s18, s25, $0xb8;
	[tilespmem:$0x1D000] =	vst v63  }
0x2da: {  	_ =	swait.ge [sflag:s23], $0x4000  }
0x2db: {  	[sflag:s23] =	ssyncset.done $0x0  }
0x2dc: {  	[sflag:s23] =	ssyncadd.s32 $0xFFFFC000  }
0x2dd: {  	_ =	swait.ge [sflag:s26], $0x4000  }
0x2de: {  	[sflag:s26] =	ssyncset.done $0x0  }
0x2df: {  	s19 =	simm.s32 $0x380;
	[sflag:s26] =	ssyncadd.s32 $0xFFFFC000  }
0x2e0: {  	[tilespmem:s28], [sflag:$0x2] =	stream.indirect.gather [hbm4b:s4+s25], $0x80, s19, s25, $0xb8;
	[tilespmem:$0x1D000] =	vst v63  }
0x2e1: {  	s21 =	simm.s32 $0xB00  }
0x2e2: {  	[spmem:s1] =	stream.indirect.scatter.add.f32 [tilespmem:s22], [sflag:$0x3], $0x80, s21, s25, $0xb8;
	[tilespmem:$0x1D000] =	vst v63  }
0x2e3: {  	_ =	swait.ge [sflag:s23], $0x4000  }
0x2e4: {  	[sflag:s23] =	ssyncset.done $0x0  }
0x2e5: {  	[sflag:s23] =	ssyncadd.s32 $0xFFFFC000  }
0x2e6: {  	_ =	swait.ge [sflag:s29], $0x4000  }
0x2e7: {  	[sflag:s29] =	ssyncset.done $0x0  }
0x2e8: {  	s16 =	simm.s32 $0x400;
	[sflag:s29] =	ssyncadd.s32 $0xFFFFC000  }
0x2e9: {  	[tilespmem:s22], [sflag:$0x1] =	stream.indirect.gather [hbm4b:s4+s25], $0x80, s16, s25, $0xb8;
	[tilespmem:$0x1D000] =	vst v63  }
0x2ea: {  	s0 =	simm.s32 $0xB80  }
0x2eb: {  	[spmem:s1] =	stream.indirect.scatter.add.f32 [tilespmem:s28], [sflag:$0x3], $0x80, s0, s25, $0xb8;
	[tilespmem:$0x1D000] =	vst v63  }
0x2ec: {  	_ =	swait.ge [sflag:s23], $0x4000  }
0x2ed: {  	[sflag:s23] =	ssyncset.done $0x0  }
0x2ee: {  	[sflag:s23] =	ssyncadd.s32 $0xFFFFC000  }
0x2ef: {  	_ =	swait.ge [sflag:s26], $0x4000  }
0x2f0: {  	[sflag:s26] =	ssyncset.done $0x0  }
0x2f1: {  	s15 =	simm.s32 $0x480;
	[sflag:s26] =	ssyncadd.s32 $0xFFFFC000  }
0x2f2: {  	[tilespmem:s28], [sflag:$0x2] =	stream.indirect.gather [hbm4b:s4+s25], $0x80, s15, s25, $0xb8;
	[tilespmem:$0x1D000] =	vst v63  }
0x2f3: {  	s30 =	simm.s32 $0xC00  }
0x2f4: {  	[spmem:s1] =	stream.indirect.scatter.add.f32 [tilespmem:s22], [sflag:$0x3], $0x80, s30, s25, $0xb8;
	[tilespmem:$0x1D000] =	vst v63  }
0x2f5: {  	_ =	swait.ge [sflag:s23], $0x4000  }
0x2f6: {  	[sflag:s23] =	ssyncset.done $0x0  }
0x2f7: {  	[sflag:s23] =	ssyncadd.s32 $0xFFFFC000  }
0x2f8: {  	_ =	swait.ge [sflag:s29], $0x4000  }
0x2f9: {  	[sflag:s29] =	ssyncset.done $0x0  }
0x2fa: {  	s17 =	simm.s32 $0x500;
	[sflag:s29] =	ssyncadd.s32 $0xFFFFC000  }
0x2fb: {  	[tilespmem:s22], [sflag:$0x1] =	stream.indirect.gather [hbm4b:s4+s25], $0x80, s17, s25, $0xb8;
	[tilespmem:$0x1D000] =	vst v63  }
0x2fc: {  	s20 =	simm.s32 $0xC80  }
0x2fd: {  	[spmem:s1] =	stream.indirect.scatter.add.f32 [tilespmem:s28], [sflag:$0x3], $0x80, s20, s25, $0xb8;
	[tilespmem:$0x1D000] =	vst v63  }
0x2fe: {  	_ =	swait.ge [sflag:s23], $0x4000  }
0x2ff: {  	[sflag:s23] =	ssyncset.done $0x0  }
0x300: {  	[sflag:s23] =	ssyncadd.s32 $0xFFFFC000  }
0x301: {  	_ =	swait.ge [sflag:s26], $0x4000  }
0x302: {  	[sflag:s26] =	ssyncset.done $0x0  }
0x303: {  	s18 =	simm.s32 $0x580;
	[sflag:s26] =	ssyncadd.s32 $0xFFFFC000  }
0x304: {  	[tilespmem:s28], [sflag:$0x2] =	stream.indirect.gather [hbm4b:s4+s25], $0x80, s18, s25, $0xb8;
	[tilespmem:$0x1D000] =	vst v63  }
0x305: {  	s14 =	simm.s32 $0xD00  }
0x306: {  	[spmem:s1] =	stream.indirect.scatter.add.f32 [tilespmem:s22], [sflag:$0x3], $0x80, s14, s25, $0xb8;
	[tilespmem:$0x1D000] =	vst v63  }
0x307: {  	_ =	swait.ge [sflag:s23], $0x4000  }
0x308: {  	[sflag:s23] =	ssyncset.done $0x0  }
0x309: {  	[sflag:s23] =	ssyncadd.s32 $0xFFFFC000  }
0x30a: {  	_ =	swait.ge [sflag:s29], $0x4000  }
0x30b: {  	[sflag:s29] =	ssyncset.done $0x0  }
0x30c: {  	s3 =	simm.s32 $0x600;
	[sflag:s29] =	ssyncadd.s32 $0xFFFFC000  }
0x30d: {  	[tilespmem:s22], [sflag:$0x1] =	stream.indirect.gather [hbm4b:s4+s25], $0x80, s3, s25, $0xb8;
	[tilespmem:$0x1D000] =	vst v63  }
0x30e: {  	s24 =	simm.s32 $0xD80  }
0x30f: {  	[spmem:s1] =	stream.indirect.scatter.add.f32 [tilespmem:s28], [sflag:$0x3], $0x80, s24, s25, $0xb8;
	[tilespmem:$0x1D000] =	vst v63  }
0x310: {  	_ =	swait.ge [sflag:s23], $0x4000  }
0x311: {  	[sflag:s23] =	ssyncset.done $0x0  }
0x312: {  	[sflag:s23] =	ssyncadd.s32 $0xFFFFC000  }
0x313: {  	_ =	swait.ge [sflag:s26], $0x4000  }
0x314: {  	[sflag:s26] =	ssyncset.done $0x0  }
0x315: {  	s7 =	simm.s32 $0x680;
	[sflag:s26] =	ssyncadd.s32 $0xFFFFC000  }
0x316: {  	[tilespmem:s28], [sflag:$0x2] =	stream.indirect.gather [hbm4b:s4+s25], $0x80, s7, s25, $0xb8;
	[tilespmem:$0x1D000] =	vst v63  }
0x317: {  	s31 =	simm.s32 $0xE00  }
0x318: {  	[spmem:s1] =	stream.indirect.scatter.add.f32 [tilespmem:s22], [sflag:$0x3], $0x80, s31, s25, $0xb8;
	[tilespmem:$0x1D000] =	vst v63  }
0x319: {  	_ =	swait.ge [sflag:s23], $0x4000  }
0x31a: {  	[sflag:s23] =	ssyncset.done $0x0  }
0x31b: {  	[sflag:s23] =	ssyncadd.s32 $0xFFFFC000  }
0x31c: {  	_ =	swait.ge [sflag:s29], $0x4000  }
0x31d: {  	[sflag:s29] =	ssyncset.done $0x0  }
0x31e: {  	s8 =	simm.s32 $0x700;
	[sflag:s29] =	ssyncadd.s32 $0xFFFFC000  }
0x31f: {  	[tilespmem:s22], [sflag:$0x1] =	stream.indirect.gather [hbm4b:s4+s25], $0x80, s8, s25, $0xb8;
	[tilespmem:$0x1D000] =	vst v63  }
0x320: {  	s12 =	simm.s32 $0xE80  }
0x321: {  	[spmem:s1] =	stream.indirect.scatter.add.f32 [tilespmem:s28], [sflag:$0x3], $0x80, s12, s25, $0xb8;
	[tilespmem:$0x1D000] =	vst v63  }
0x322: {  	_ =	swait.ge [sflag:s23], $0x4000  }
0x323: {  	[sflag:s23] =	ssyncset.done $0x0  }
0x324: {  	[sflag:s23] =	ssyncadd.s32 $0xFFFFC000  }
0x325: {  	_ =	swait.ge [sflag:s26], $0x4000  }
0x326: {  	[sflag:s26] =	ssyncset.done $0x0  }
0x327: {  	s9 =	simm.s32 $0x780;
	[sflag:s26] =	ssyncadd.s32 $0xFFFFC000  }
0x328: {  	[tilespmem:s28], [sflag:$0x2] =	stream.indirect.gather [hbm4b:s4+s25], $0x80, s9, s25, $0xb8;
	[tilespmem:$0x1D000] =	vst v63  }
0x329: {  	s13 =	simm.s32 $0xF00  }
0x32a: {  	[spmem:s1] =	stream.indirect.scatter.add.f32 [tilespmem:s22], [sflag:$0x3], $0x80, s13, s25, $0xb8;
	[tilespmem:$0x1D000] =	vst v63  }
0x32b: {  	_ =	swait.ge [sflag:s23], $0x4000  }
0x32c: {  	[sflag:s23] =	ssyncset.done $0x0  }
0x32d: {  	[sflag:s23] =	ssyncadd.s32 $0xFFFFC000  }
0x32e: {  	_ =	swait.ge [sflag:s29], $0x4000  }
0x32f: {  	[sflag:s29] =	ssyncset.done $0x0  }
0x330: {  	s19 =	simm.s32 $0xF80;
	[sflag:s29] =	ssyncadd.s32 $0xFFFFC000  }
0x331: {  	[spmem:s1] =	stream.indirect.scatter.add.f32 [tilespmem:s28], [sflag:$0x3], $0x80, s19, s25, $0xb8;
	[tilespmem:$0x1D000] =	vst v63  }
0x332: {  	_ =	swait.ge [sflag:s23], $0x4000  }
0x333: {  	[sflag:s23] =	ssyncset.done $0x0  }
0x334: {  	[sflag:s23] =	ssyncadd.s32 $0xFFFFC000  }
0x335: {  	s20 =	stileid.u32;
	[bflag:$0x0] =	sbarrier.arrive $0xFFFF  }
0x336: {  	s11 =	sshll.u32 s20, $0x6;
	s21 =	rddreg [dreg:$0x4]  }
0x337: {  	s11 =	sor.u32 $0x1C03, s11;
	s30 =	rddreg [dreg:$0x13];
	s24 =	sshrl.u32 s21, $0x3  }
0x338: {  	[hbm:s30], [sflag:s11] =	dma.local [spmem:s24], $0x2800  }
0x339: {  	_ =	swait.ge [sflag:s23], $0x2800  }
0x33a: {  	s10 =	sadd.s32 $0x1, s10;
	s31 =	rddreg [dreg:$0x14]  }
0x33b: {  	p0 =	sne.s32 s10, s31  }
.Ltmp1:
0x33c: {  	_ = 	snop;
	(pc) =	sbr.rel @p0 .LBB2_1-.Ltmp1, $3  }
0x33d: {  	_ =	sdelay $0x1  }
0x33e: {  	[sflag:s23] =	ssyncset.done $0x0  }
0x33f: {  	[sflag:s23] =	ssyncadd.s32 $0xFFFFD800  }
0x340: {  	_ =	sfence.sel $0x180000  }
0x341: {  	[bflag:$0x0] =	sbarrier.arrive $0xFFFF  }
0x342: {  	_ =	strace $0x9000004A  }
0x343: {  	s0 =	stileid.u32;
	[bflag:$0x2] =	sbarrier.arrive $0xFFFF  }
0x344: {  	p0 =	sne.s32 s0, $0x0;
	s0 =	rddreg [dreg:$0x3]  }
0x345: {  	s0 =	sadd.s32 @!p0 $0x100000, s0  }
0x346: {  	[sflag:s0] =	ssyncadd.tile.s32 @!p0 $0x1;
	_ =	shalt  }
.Lfunc_end2:
_tile_overlayer_lowered:
.L_overlay_start_2:
0x347: {  	(tag) =	ssettag $0x2  }
0x348: {  	s0 =	rddreg [dreg:$0x0];
	s2 =	stileid.u32  }
0x349: {  	s1 =	rddreg [dreg:$0x1];
	p0 =	sne.s32 s2, $0x0  }
0x34a: {  	s3 =	rddreg [dreg:$0x2];
	[bflag:$0x3] =	sbarrier.arrive $0xFFFF;
	s2 =	simm.s32 @!p0 $0x1C03  }
0x34b: {  	[timem:s3], [sflag:s2] =	dma.local @!p0 [hbm:s0], s1  }
0x34c: {  	s0 =	simm.s32 @!p0 $0x3  }
0x34d: {  	_ =	swait.ge @!p0 [sflag:s0], s1  }
0x34e: {  	s1 =	ssub.s32 @!p0 $0x0, s1;
	[sflag:s0] =	ssyncset.done @!p0 $0x0  }
0x34f: {  	[sflag:s0] =	ssyncadd.s32 @!p0 s1  }
0x350: {  	[bflag:$0x3] =	sbarrier.arrive $0xFFFF  }
0x351: {  	_ =	shalt  }

// kernel: kernel.14.cloned.1.call-start
scs
__scs_entry_jumppad:
0x0: {  	(pc) =	sbr.rel $0x88, $3  }
0x1: {  	(tag) =	ssettag $0x0;
	lr =	simm.s32 $0x1  }
0x2: {  	[smem:$0x3F9B] =	sst lr;
	_ =	strace $0xD0000000  }
0x3: {  	_ = 	snop  }
0x4: {  	_ = 	snop  }
0x5: {  	_ = 	snop  }
0x6: {  	_ = 	snop  }
0x7: {  	_ = 	snop  }
__scs_overlays_trampoline_lowered:
0x8: {  	[smem:$0x3FAA] =	sst s0  }
0x9: {  	[smem:$0x3FAB] =	sst s1  }
0xa: {  	[smem:$0x3FAC] =	sst s2  }
0xb: {  	[smem:$0x3FAD] =	sst s3  }
0xc: {  	[smem:$0x3FAE] =	sst s4  }
0xd: {  	[smem:$0x3FAF] =	sst s5  }
0xe: {  	[smem:$0x3FB0] =	sst s6  }
0xf: {  	[smem:$0x3FB1] =	sst s7  }
0x10: {  	[smem:$0x3FB2] =	sst s8  }
0x11: {  	[smem:$0x3FB3] =	sst s9;
	s0 =	simm.s32 @!p0 $0x0  }
0x12: {  	s1 =	sld [smem:$0x3F99];
	s0 =	simm.s32 @p0 $0x1  }
0x13: {  	[smem:$0x3FB4] =	sst s0;
	s0 =	simm.s32 @!p1 $0x0  }
0x14: {  	s2 =	sld [smem:$0x3F98];
	s0 =	simm.s32 @p1 $0x1  }
0x15: {  	[smem:$0x3FB5] =	sst s0;
	s0 =	simm.s32 @!p2 $0x0  }
0x16: {  	s3 =	sld [smem:$0x3FDB];
	s0 =	simm.s32 @p2 $0x1  }
0x17: {  	s4 =	simm.s32 $0x1BF5;
	[smem:$0x3FB7] =	sst s0  }
0x18: {  	s0 =	sld [smem:$0x3F9A];
	_ =	swait.ge [sflag:s4], $0x0  }
0x19: {  	s7 =	sld [smem:$0x3F9B]  }
0x1a: {  	s8 =	sadd.s32 $0xFFFFE003, lr  }
0x1b: {  	s9 =	sadd.s32 $0xFFFFFEF7, lr;
	s5 =	simm.s32 $0xFFFFFFFF;
	p2 =	slt.u32 s8, $0xFFFFF086  }
0x1c: {  	p1 =	slt.u32 s9, $0xF7A;
	s5 =	simm.s32 @!p2 $0x0  }
0x1d: {  	s5 =	simm.s32 @p1 $0x1;
	p0 =	seq.s32 s7, s2  }
0x1e: {  	s7 =	smul.u32 @!p0 $0xF7A, s2;
	p2 =	seq.s32 @!p0 s5, $0x0  }
0x1f: {  	s9 =	smul.u32 $0xF7A, s1;
	s8 =	simm.s32 @!p0 $0x1BF5;
	p2 =	por !p2, p0  }
0x20: {  	[sflag:s8] =	ssyncset.s32 @!p0 $0xFFFFF086;
	s6 =	sadd.s32 @!p0 s3, s7;
	s7 =	simm.s32 @!p0 $0x108  }
0x21: {  	s3 =	sadd.s32 s3, s9;
	s6 =	sadd.s32 @!p0 $0x88, s6;
	s7 =	simm.s32 @p2 $0x1082  }
0x22: {  	[simem:s7], [sflag:s8] =	dma.local @!p0 [hbm:s6], $0xF7A  }
0x23: {  	s9 =	sor.u32 $0xD0000000, s2;
	s6 =	simm.s32 $0x108;
	_ =	swait.ge @!p0 [sflag:s8], $0x0  }
0x24: {  	s3 =	sadd.s32 $0x88, s3;
	s6 =	simm.s32 @!p1 $0x1082;
	[sflag:s4] =	ssyncset.s32 $0xFFFFF086  }
0x25: {  	[simem:s6], [sflag:s4] =	dma.local [hbm:s3], $0xF7A  }
0x26: {  	[smem:$0x3F9B] =	sst s1;
	(tag) =	ssettag s2;
	_ =	strace s9  }
0x27: {  	s1 =	sld [smem:$0x3FAB]  }
0x28: {  	s2 =	sld [smem:$0x3FAC]  }
0x29: {  	s4 =	sld [smem:$0x3FAE]  }
0x2a: {  	p0 =	seq.s32 s5, $0x0;
	s5 =	sld [smem:$0x3FAF]  }
0x2b: {  	s6 =	sld [smem:$0x3FB0]  }
0x2c: {  	s7 =	sld [smem:$0x3FB1]  }
0x2d: {  	s3 =	simm.s32 $0x108;
	s8 =	sld [smem:$0x3FB2]  }
0x2e: {  	s3 =	simm.s32 @!p0 $0x1082;
	s9 =	sld [smem:$0x3FB3]  }
0x2f: {  	lr =	sadd.s32 s0, s3;
	s0 =	sld [smem:$0x3FAA]  }
0x30: {  	s3 =	sld [smem:$0x3FAD]  }
0x31: {  	[smem:$0x3FB6] =	sst s10  }
0x32: {  	s10 =	sld [smem:$0x3FB4];
	_ =	sdelay $0x3  }
0x33: {  	p0 =	seq.s32 s10, $0x1;
	s10 =	sld [smem:$0x3FB6];
	_ =	sdelay $0x3  }
0x34: {  	[smem:$0x3FB6] =	sst s10  }
0x35: {  	s10 =	sld [smem:$0x3FB5];
	_ =	sdelay $0x3  }
0x36: {  	p1 =	seq.s32 s10, $0x1;
	s10 =	sld [smem:$0x3FB6];
	_ =	sdelay $0x3  }
0x37: {  	[smem:$0x3FB6] =	sst s10  }
0x38: {  	s10 =	sld [smem:$0x3FB7]  }
0x39: {  	_ = 	snop;
	(pc) =	sbr.ind lr, $3  }
0x3a: {  	_ = 	snop  }
0x3b: {  	_ = 	snop  }
0x3c: {  	p2 =	seq.s32 s10, $0x1;
	s10 =	sld [smem:$0x3FB6]  }
0x3d: {  	_ =	shalt  }
0x3e: {  	_ =	shalt  }
0x3f: {  	_ =	shalt  }
0x40: {  	_ =	shalt  }
0x41: {  	_ =	shalt  }
0x42: {  	_ =	shalt  }
0x43: {  	_ =	shalt  }
0x44: {  	_ =	shalt  }
0x45: {  	_ =	shalt  }
0x46: {  	_ =	shalt  }
0x47: {  	_ =	shalt  }
0x48: {  	_ =	shalt  }
0x49: {  	_ =	shalt  }
0x4a: {  	_ =	shalt  }
0x4b: {  	_ =	shalt  }
0x4c: {  	_ =	shalt  }
0x4d: {  	_ =	shalt  }
0x4e: {  	_ =	shalt  }
0x4f: {  	_ =	shalt  }
0x50: {  	_ =	shalt  }
0x51: {  	_ =	shalt  }
0x52: {  	_ =	shalt  }
0x53: {  	_ =	shalt  }
0x54: {  	_ =	shalt  }
0x55: {  	_ =	shalt  }
0x56: {  	_ =	shalt  }
0x57: {  	_ =	shalt  }
0x58: {  	_ =	shalt  }
0x59: {  	_ =	shalt  }
0x5a: {  	_ =	shalt  }
0x5b: {  	_ =	shalt  }
0x5c: {  	_ =	shalt  }
0x5d: {  	_ =	shalt  }
0x5e: {  	_ =	shalt  }
0x5f: {  	_ =	shalt  }
0x60: {  	_ =	shalt  }
0x61: {  	_ =	shalt  }
0x62: {  	_ =	shalt  }
0x63: {  	_ =	shalt  }
0x64: {  	_ =	shalt  }
0x65: {  	_ =	shalt  }
0x66: {  	_ =	shalt  }
0x67: {  	_ =	shalt  }
0x68: {  	_ =	shalt  }
0x69: {  	_ =	shalt  }
0x6a: {  	_ =	shalt  }
0x6b: {  	_ =	shalt  }
0x6c: {  	_ =	shalt  }
0x6d: {  	_ =	shalt  }
0x6e: {  	_ =	shalt  }
0x6f: {  	_ =	shalt  }
0x70: {  	_ =	shalt  }
0x71: {  	_ =	shalt  }
0x72: {  	_ =	shalt  }
0x73: {  	_ =	shalt  }
0x74: {  	_ =	shalt  }
0x75: {  	_ =	shalt  }
0x76: {  	_ =	shalt  }
0x77: {  	_ =	shalt  }
0x78: {  	_ =	shalt  }
0x79: {  	_ =	shalt  }
0x7a: {  	_ =	shalt  }
0x7b: {  	_ =	shalt  }
0x7c: {  	_ =	shalt  }
0x7d: {  	_ =	shalt  }
0x7e: {  	_ =	shalt  }
0x7f: {  	_ =	shalt  }
0x80: {  	_ =	shalt  }
0x81: {  	_ =	shalt  }
0x82: {  	_ =	shalt  }
0x83: {  	_ =	shalt  }
0x84: {  	_ =	shalt  }
0x85: {  	_ =	shalt  }
0x86: {  	_ =	shalt  }
0x87: {  	_ =	shalt  }
.Lfunc_end0:
.L_simem_size_0:
called_computation.2_lowered:
.L_overlay_start_0:
0x88: {  	s2 =	sld [smem:$0x3FD9]  }
0x89: {  	s3 =	sld [smem:$0x3FFE];
	_ =	sdelay $0x1  }
0x8a: {  	s1 =	srdreg.scid  }
0x8b: {  	s0 =	sand.u32 $0x1, s1  }
0x8c: {  	s17 =	sshll.u32 s0, $0xA;
	s2 =	sadd.s32 s3, s2  }
0x8d: {  	s2 =	sadd.s32 s2, s17  }
0x8e: {  	[smem:$0x3FC2] =	sst s2  }
0x8f: {  	_ = 	snop  }
0x90: {  	s2 =	sld [smem:$0x3FD0];
	(tm) =	ssettm $0x1  }
0x91: {  	s18 =	sld [smem:$0x3FFB];
	_ =	sdelay $0x3  }
0x92: {  	_ =	strace s18  }
0x93: {  	s3 =	sld [smem:$0x3FFC];
	_ =	sdelay $0x3  }
0x94: {  	_ =	strace s3  }
0x95: {  	s3 =	sld [smem:$0x3FFD];
	_ =	sdelay $0x3  }
0x96: {  	_ =	strace s3  }
0x97: {  	_ =	strace $0x8FFFFFFF  }
0x98: {  	s19 =	sld [smem:$0x3FDB];
	_ =	sdelay $0x1  }
0x99: {  	s4 =	simm.s32 $_scs_section_size  }
0x9a: {  	s5 =	simm.s32 $_size__tile_overlayer_lowered;
	s6 =	simm.s32 $_tile_overlayer_lowered  }
0x9b: {  	s22 =	simm.s32 $0x1BFF;
	s21 =	sshll.u32 s6, $0x1;
	s3 =	sadd.s32 s4, s19  }
0x9c: {  	s7 =	simm.s32 $0x0;
	s20 =	sshll.u32 s5, $0x1;
	s5 =	sadd.s32 s21, s3  }
0x9d: {  	[timem:s7], [sflag:s22] =	dma.local [hbm:s5], s20  }
0x9e: {  	_ =	swait.ge [sflag:s22], s20  }
0x9f: {  	s4 =	ssub.s32 $0x0, s20;
	[sflag:s22] =	ssyncset.done $0x0  }
0xa0: {  	[sflag:s22] =	ssyncadd.s32 s4;
	_ =	sdelay $0x1  }
0xa1: {  	s23 =	simm.s32 $0x1B8B  }
0xa2: {  	_ =	swait.ge [sflag:s23], $0x1  }
0xa3: {  	[sflag:s23] =	ssyncset.done $0x0  }
0xa4: {  	s25 =	simm.s32 $0x1B8E;
	s24 =	sld [smem:$0x3FFE];
	[sflag:s23] =	ssyncadd.s32 $0xFFFFFFFF  }
0xa5: {  	s26 =	simm.s32 $execute0_lowered;
	[smem:$0x3FD2] =	sst s25  }
0xa6: {  	s5 =	sshll.u32 s26, $0x1;
	_ =	strace $0x8000004C;
	[dreg:$0x1] =	wrdreg $0xFFFFFFFF  }
0xa7: {  	s28 =	simm.s32 $_size_execute0_lowered;
	s3 =	sadd.s32 s3, s5;
	[dreg:$0x0] =	wrdreg $0x0  }
0xa8: {  	s5 =	sshll.u32 s28, $0x1;
	[dreg:$0x2] =	wrdreg s3  }
0xa9: {  	[dreg:$0x3] =	wrdreg s5  }
0xaa: {  	[dreg:$0x4] =	wrdreg $0xC0  }
0xab: {  	_ =	task [dreg:s7], $0x5FFFF  }
0xac: {  	[dreg:$0x1] =	wrdreg $0xFFFFFFFF  }
0xad: {  	[dreg:$0x0] =	wrdreg $0x60  }
0xae: {  	[dreg:$0x2] =	wrdreg s24  }
0xaf: {  	[dreg:$0x3] =	wrdreg s2  }
0xb0: {  	[dreg:$0x4] =	wrdreg $0x90000  }
0xb1: {  	[dreg:$0x5] =	wrdreg $0x9  }
0xb2: {  	_ =	task.clear_ibuf [dreg:s7], $0x6FFFF;
	_ =	strace $0x9000004C  }
0xb3: {  	s29 =	simm.s32 $0x9;
	_ =	strace $0x8000004E  }
0xb4: {  	_ =	swait.ge [sflag:s29], $0x1  }
0xb5: {  	[sflag:s29] =	ssyncadd.s32 $0xFFFFFFFF  }
0xb6: {  	_ =	strace $0x9000004E  }
0xb7: {  	_ =	sfence  }
0xb8: {  	s30 =	sld [smem:$0x0];
	_ =	sdelay $0x2  }
0xb9: {  	s31 =	sshll.u32 s1, $0xD;
	s1 =	sshrl.u32 s1, $0x2  }
0xba: {  	s3 =	sand.u32 $0x4000, s31;
	s1 =	sadd.s32 s1, s30  }
0xbb: {  	s0 =	sor.u32 s3, s0;
	s1 =	sshll.u32 s1, $0x11  }
0xbc: {  	s0 =	sor.u32 s1, s0  }
0xbd: {  	s0 =	sadd.s32 $0x8F2B, s0  }
0xbe: {  	[sflag:s0] =	ssyncadd.remote.s32 $0x1  }
0xbf: {  	_ =	sfence.sel $0xFFFF  }
0xc0: {  	[dreg:$0x0] =	wrdreg $0xFFFFFFFF;
	(pc) =	sbr.abs _section_cstart, $3  }
0xc1: {  	[dreg:$0x1] =	wrdreg $0xFFFFFFFF  }
0xc2: {  	_ =	task.clear_ibuf [dreg:s7], $0x2FFFF;
	_ =	strace $0x9FFFFFFF  }
0xc3: {  	(tm) =	ssettm $0x7FFFFFFF  }
tec
execute0_lowered:
.L_overlay_start_1:
0x0: {  	(tag) =	ssettag $0x1  }
0x1: {  	s0 =	rddreg [dreg:$0x0]  }
0x2: {  	s2 =	rddreg [dreg:$0x1]  }
0x3: {  	s1 =	rddreg [dreg:$0x2];
	s10 =	stileid.u32  }
0x4: {  	s3 =	srdreg.scid;
	s7 =	smul.u32 $0x14000, s10  }
0x5: {  	s5 =	simm.s32 $0x0;
	s3 =	sand.u32 $0x1, s3;
	s13 =	smul.u32 $0x50000, s10  }
0x6: {  	[smem:$0x7FF] =	sst s5;
	s4 =	sadd.s32 $0xC800, s0;
	s6 =	smul.u32 $0x140000, s3  }
0x7: {  	s8 =	sadd.s32 $0x2800, s0;
	s9 =	smul.u32 $0x500, s3;
	s3 =	ssub.s32 $0x2, s3  }
0x8: {  	s14 =	sshrl.u32 s3, $0x1;
	s6 =	sadd.s32 s7, s6;
	s7 =	sshrl.u32 s13, $0x2  }
0x9: {  	s10 =	smul.u32 $0x50, s10;
	s3 =	ssub.s32 s3, s14;
	s7 =	sadd.s32 s7, s1  }
0xa: {  	_ =	strace $0x8000004D;
	s31 =	smax.u32 s3, $0x1;
	[dreg:$0x4] =	wrdreg s7  }
0xb: {  	s16 =	sadd.s32 s10, s9;
	s15 =	sadd.s32 $0x4000, s7;
	[dreg:$0x14] =	wrdreg s31  }
0xc: {  	s6 =	sshrl.u32 s6, $0x3;
	s17 =	sadd.s32 $0x8000, s7;
	[dreg:$0x5] =	wrdreg s15  }
0xd: {  	s0 =	sadd.s32 s6, s0;
	s18 =	sadd.s32 $0xC000, s7;
	[dreg:$0x6] =	wrdreg s17  }
0xe: {  	s6 =	sshll.u32 s16, $0x4;
	s7 =	sadd.s32 $0x10000, s7;
	[dreg:$0x7] =	wrdreg s18  }
0xf: {  	[dreg:$0x8] =	wrdreg s7;
	s19 =	sadd.s32 s8, s6  }
0x10: {  	s21 =	sadd.s32 s2, s6;
	[dreg:$0x9] =	wrdreg s19  }
0x11: {  	s20 =	sadd.s32 $0x100, s6;
	s0 =	sadd.s32 $0x34800, s0;
	[dreg:$0xa] =	wrdreg s21  }
0x12: {  	s28 =	simm.s32 $0x5000;
	s22 =	sadd.s32 s8, s20;
	[dreg:$0x13] =	wrdreg s0  }
0x13: {  	s23 =	sadd.s32 $0x200, s6;
	s7 =	sadd.s32 s2, s20;
	[dreg:$0xb] =	wrdreg s22  }
0x14: {  	s29 =	simm.s32 $0x2;
	s24 =	sadd.s32 s8, s23;
	[dreg:$0xc] =	wrdreg s7  }
0x15: {  	s25 =	sadd.s32 $0x300, s6;
	s9 =	sadd.s32 s2, s23;
	[dreg:$0xd] =	wrdreg s24  }
0x16: {  	s6 =	sadd.s32 $0x400, s6;
	s26 =	sadd.s32 s8, s25;
	[dreg:$0xe] =	wrdreg s9  }
0x17: {  	s10 =	simm.s32 $0x0;
	s30 =	sadd.s32 s8, s6;
	[dreg:$0xf] =	wrdreg s26  }
0x18: {  	s23 =	simm.s32 $0x3;
	s7 =	sadd.s32 s2, s25;
	[dreg:$0x11] =	wrdreg s30  }
0x19: {  	s2 =	sadd.s32 s2, s6;
	s22 =	simm.s32 $0x1000;
	[dreg:$0x10] =	wrdreg s7  }
0x1a: {  	v0 =	vimm.f32 $0.0e+00;
	s25 =	simm.s32 $0x80;
	s26 =	simm.s32 $0x1;
	[dreg:$0x12] =	wrdreg s2  }
.LBB2_1:
0x1b: {  	s11 =	simm.s32 $0x0;
	s12 =	simm.s32 $0x200  }
.LBB2_2:
0x1c: {  	p0 =	sne.s32 s12, $0xFE00;
	[tilespmem:s11+$0x1070] =	vst v0  }
0x1d: {  	[tilespmem:s11+$0x1000] =	vst v0  }
0x1e: {  	[tilespmem:s11+$0x1010] =	vst v0  }
.Ltmp0:
0x1f: {  	[tilespmem:s11+$0x1020] =	vst v0;
	(pc) =	sbr.rel @p0 .LBB2_2-.Ltmp0, $4  }
0x20: {  	[tilespmem:s11+$0x1030] =	vst v0  }
0x21: {  	[tilespmem:s11+$0x1040] =	vst v0  }
0x22: {  	[tilespmem:s11+$0x1050] =	vst v0  }
0x23: {  	[tilespmem:s11+$0x1060] =	vst v0;
	s11 =	sshra.s32 s12, $0x2;
	s12 =	sadd.s32 $0x200, s12  }
0x24: {  	[tilespmem:s11+$0x1070] =	vst v0  }
0x25: {  	[tilespmem:s11+$0x1000] =	vst v0  }
0x26: {  	[tilespmem:s11+$0x1010] =	vst v0  }
0x27: {  	[tilespmem:s11+$0x1020] =	vst v0  }
0x28: {  	[tilespmem:s11+$0x1030] =	vst v0  }
0x29: {  	[tilespmem:s11+$0x1040] =	vst v0  }
0x2a: {  	[tilespmem:s11+$0x1050] =	vst v0  }
0x2b: {  	[tilespmem:s11+$0x1060] =	vst v0;
	s0 =	rddreg [dreg:$0x4]  }
0x2c: {  	[spmem:s0] =	stream.linear.scatter [tilespmem:s22], [sflag:$0x3], $0x4000, $0x38;
	[tilespmem:$0x1D000] =	vst v63  }
0x2d: {  	_ =	swait.ge [sflag:s23], $0x4000  }
0x2e: {  	[sflag:s23] =	ssyncset.done $0x0  }
0x2f: {  	s17 =	rddreg [dreg:$0x5];
	[sflag:s23] =	ssyncadd.s32 $0xFFFFC000  }
0x30: {  	[spmem:s17] =	stream.linear.scatter [tilespmem:s22], [sflag:$0x3], $0x4000, $0x38;
	[tilespmem:$0x1D000] =	vst v63  }
0x31: {  	_ =	swait.ge [sflag:s23], $0x4000  }
0x32: {  	[sflag:s23] =	ssyncset.done $0x0  }
0x33: {  	s18 =	rddreg [dreg:$0x6];
	[sflag:s23] =	ssyncadd.s32 $0xFFFFC000  }
0x34: {  	[spmem:s18] =	stream.linear.scatter [tilespmem:s22], [sflag:$0x3], $0x4000, $0x38;
	[tilespmem:$0x1D000] =	vst v63  }
0x35: {  	_ =	swait.ge [sflag:s23], $0x4000  }
0x36: {  	[sflag:s23] =	ssyncset.done $0x0  }
0x37: {  	s19 =	rddreg [dreg:$0x7];
	[sflag:s23] =	ssyncadd.s32 $0xFFFFC000  }
0x38: {  	[spmem:s19] =	stream.linear.scatter [tilespmem:s22], [sflag:$0x3], $0x4000, $0x38;
	[tilespmem:$0x1D000] =	vst v63  }
0x39: {  	_ =	swait.ge [sflag:s23], $0x4000  }
0x3a: {  	[sflag:s23] =	ssyncset.done $0x0  }
0x3b: {  	s20 =	rddreg [dreg:$0x8];
	[sflag:s23] =	ssyncadd.s32 $0xFFFFC000  }
0x3c: {  	[spmem:s20] =	stream.linear.scatter [tilespmem:s22], [sflag:$0x3], $0x4000, $0x38;
	[tilespmem:$0x1D000] =	vst v63  }
0x3d: {  	_ =	swait.ge [sflag:s23], $0x4000  }
0x3e: {  	[sflag:s23] =	ssyncset.done $0x0  }
0x3f: {  	[sflag:s23] =	ssyncadd.s32 $0xFFFFC000  }
0x40: {  	[bflag:$0x0] =	sbarrier.arrive $0xFFFF  }
0x41: {  	s21 =	rddreg [dreg:$0x9]  }
0x42: {  	[tilespmem:s5], [sflag:$0x3] =	stream.linear.gather [hbm4b:s21+s5], $0x800, $0x38;
	[tilespmem:$0x1D000] =	vst v63  }
0x43: {  	_ =	swait.ge [sflag:s23], $0x800  }
0x44: {  	[sflag:s23] =	ssyncset.done $0x0  }
0x45: {  	s2 =	simm.s32 $0x800;
	s24 =	rddreg [dreg:$0xa];
	[sflag:s23] =	ssyncadd.s32 $0xFFFFF800  }
0x46: {  	[tilespmem:s2], [sflag:$0x3] =	stream.linear.gather [hbm4b:s24+s5], $0x800, $0x38;
	[tilespmem:$0x1D000] =	vst v63  }
0x47: {  	_ =	swait.ge [sflag:s23], $0x800  }
0x48: {  	[sflag:s23] =	ssyncset.done $0x0  }
0x49: {  	[sflag:s23] =	ssyncadd.s32 $0xFFFFF800  }
0x4a: {  	[tilespmem:s22], [sflag:$0x1] =	stream.indirect.gather [hbm4b:s4+s25], $0x80, s5, s25, $0xb8;
	[tilespmem:$0x1D000] =	vst v63  }
0x4b: {  	_ =	swait.ge [sflag:s26], $0x4000  }
0x4c: {  	[sflag:s26] =	ssyncset.done $0x0  }
0x4d: {  	[sflag:s26] =	ssyncadd.s32 $0xFFFFC000  }
0x4e: {  	[tilespmem:s28], [sflag:$0x2] =	stream.indirect.gather [hbm4b:s4+s25], $0x80, s25, s25, $0xb8;
	[tilespmem:$0x1D000] =	vst v63  }
0x4f: {  	_ = 	snop  }
0x50: {  	[spmem:s1] =	stream.indirect.scatter.add.f32 [tilespmem:s22], [sflag:$0x3], $0x80, s2, s25, $0xb8;
	[tilespmem:$0x1D000] =	vst v63  }
0x51: {  	_ =	swait.ge [sflag:s23], $0x4000  }
0x52: {  	[sflag:s23] =	ssyncset.done $0x0  }
0x53: {  	[sflag:s23] =	ssyncadd.s32 $0xFFFFC000  }
0x54: {  	_ =	swait.ge [sflag:s29], $0x4000  }
0x55: {  	[sflag:s29] =	ssyncset.done $0x0  }
0x56: {  	s30 =	simm.s32 $0x100;
	[sflag:s29] =	ssyncadd.s32 $0xFFFFC000  }
0x57: {  	[tilespmem:s22], [sflag:$0x1] =	stream.indirect.gather [hbm4b:s4+s25], $0x80, s30, s25, $0xb8;
	[tilespmem:$0x1D000] =	vst v63  }
0x58: {  	s31 =	simm.s32 $0x880  }
0x59: {  	[spmem:s1] =	stream.indirect.scatter.add.f32 [tilespmem:s28], [sflag:$0x3], $0x80, s31, s25, $0xb8;
	[tilespmem:$0x1D000] =	vst v63  }
0x5a: {  	_ =	swait.ge [sflag:s23], $0x4000  }
0x5b: {  	[sflag:s23] =	ssyncset.done $0x0  }
0x5c: {  	[sflag:s23] =	ssyncadd.s32 $0xFFFFC000  }
0x5d: {  	_ =	swait.ge [sflag:s26], $0x4000  }
0x5e: {  	[sflag:s26] =	ssyncset.done $0x0  }
0x5f: {  	s3 =	simm.s32 $0x180;
	[sflag:s26] =	ssyncadd.s32 $0xFFFFC000  }
0x60: {  	[tilespmem:s28], [sflag:$0x2] =	stream.indirect.gather [hbm4b:s4+s25], $0x80, s3, s25, $0xb8;
	[tilespmem:$0x1D000] =	vst v63  }
0x61: {  	s6 =	simm.s32 $0x900  }
0x62: {  	[spmem:s1] =	stream.indirect.scatter.add.f32 [tilespmem:s22], [sflag:$0x3], $0x80, s6, s25, $0xb8;
	[tilespmem:$0x1D000] =	vst v63  }
0x63: {  	_ =	swait.ge [sflag:s23], $0x4000  }
0x64: {  	[sflag:s23] =	ssyncset.done $0x0  }
0x65: {  	[sflag:s23] =	ssyncadd.s32 $0xFFFFC000  }
0x66: {  	_ =	swait.ge [sflag:s29], $0x4000  }
0x67: {  	[sflag:s29] =	ssyncset.done $0x0  }
0x68: {  	s8 =	simm.s32 $0x200;
	[sflag:s29] =	ssyncadd.s32 $0xFFFFC000  }
0x69: {  	[tilespmem:s22], [sflag:$0x1] =	stream.indirect.gather [hbm4b:s4+s25], $0x80, s8, s25, $0xb8;
	[tilespmem:$0x1D000] =	vst v63  }
0x6a: {  	s9 =	simm.s32 $0x980  }
0x6b: {  	[spmem:s1] =	stream.indirect.scatter.add.f32 [tilespmem:s28], [sflag:$0x3], $0x80, s9, s25, $0xb8;
	[tilespmem:$0x1D000] =	vst v63  }
0x6c: {  	_ =	swait.ge [sflag:s23], $0x4000  }
0x6d: {  	[sflag:s23] =	ssyncset.done $0x0  }
0x6e: {  	[sflag:s23] =	ssyncadd.s32 $0xFFFFC000  }
0x6f: {  	_ =	swait.ge [sflag:s26], $0x4000  }
0x70: {  	[sflag:s26] =	ssyncset.done $0x0  }
0x71: {  	s11 =	simm.s32 $0x280;
	[sflag:s26] =	ssyncadd.s32 $0xFFFFC000  }
0x72: {  	[tilespmem:s28], [sflag:$0x2] =	stream.indirect.gather [hbm4b:s4+s25], $0x80, s11, s25, $0xb8;
	[tilespmem:$0x1D000] =	vst v63  }
0x73: {  	s12 =	simm.s32 $0xA00  }
0x74: {  	[spmem:s1] =	stream.indirect.scatter.add.f32 [tilespmem:s22], [sflag:$0x3], $0x80, s12, s25, $0xb8;
	[tilespmem:$0x1D000] =	vst v63  }
0x75: {  	_ =	swait.ge [sflag:s23], $0x4000  }
0x76: {  	[sflag:s23] =	ssyncset.done $0x0  }
0x77: {  	[sflag:s23] =	ssyncadd.s32 $0xFFFFC000  }
0x78: {  	_ =	swait.ge [sflag:s29], $0x4000  }
0x79: {  	[sflag:s29] =	ssyncset.done $0x0  }
0x7a: {  	s13 =	simm.s32 $0x300;
	[sflag:s29] =	ssyncadd.s32 $0xFFFFC000  }
0x7b: {  	[tilespmem:s22], [sflag:$0x1] =	stream.indirect.gather [hbm4b:s4+s25], $0x80, s13, s25, $0xb8;
	[tilespmem:$0x1D000] =	vst v63  }
0x7c: {  	s14 =	simm.s32 $0xA80  }
0x7d: {  	[spmem:s1] =	stream.indirect.scatter.add.f32 [tilespmem:s28], [sflag:$0x3], $0x80, s14, s25, $0xb8;
	[tilespmem:$0x1D000] =	vst v63  }
0x7e: {  	_ =	swait.ge [sflag:s23], $0x4000  }
0x7f: {  	[sflag:s23] =	ssyncset.done $0x0  }
0x80: {  	[sflag:s23] =	ssyncadd.s32 $0xFFFFC000  }
0x81: {  	_ =	swait.ge [sflag:s26], $0x4000  }
0x82: {  	[sflag:s26] =	ssyncset.done $0x0  }
0x83: {  	s15 =	simm.s32 $0x380;
	[sflag:s26] =	ssyncadd.s32 $0xFFFFC000  }
0x84: {  	[tilespmem:s28], [sflag:$0x2] =	stream.indirect.gather [hbm4b:s4+s25], $0x80, s15, s25, $0xb8;
	[tilespmem:$0x1D000] =	vst v63  }
0x85: {  	s16 =	simm.s32 $0xB00  }
0x86: {  	[spmem:s1] =	stream.indirect.scatter.add.f32 [tilespmem:s22], [sflag:$0x3], $0x80, s16, s25, $0xb8;
	[tilespmem:$0x1D000] =	vst v63  }
0x87: {  	_ =	swait.ge [sflag:s23], $0x4000  }
0x88: {  	[sflag:s23] =	ssyncset.done $0x0  }
0x89: {  	[sflag:s23] =	ssyncadd.s32 $0xFFFFC000  }
0x8a: {  	_ =	swait.ge [sflag:s29], $0x4000  }
0x8b: {  	[sflag:s29] =	ssyncset.done $0x0  }
0x8c: {  	s17 =	simm.s32 $0x400;
	[sflag:s29] =	ssyncadd.s32 $0xFFFFC000  }
0x8d: {  	[tilespmem:s22], [sflag:$0x1] =	stream.indirect.gather [hbm4b:s4+s25], $0x80, s17, s25, $0xb8;
	[tilespmem:$0x1D000] =	vst v63  }
0x8e: {  	s18 =	simm.s32 $0xB80  }
0x8f: {  	[spmem:s1] =	stream.indirect.scatter.add.f32 [tilespmem:s28], [sflag:$0x3], $0x80, s18, s25, $0xb8;
	[tilespmem:$0x1D000] =	vst v63  }
0x90: {  	_ =	swait.ge [sflag:s23], $0x4000  }
0x91: {  	[sflag:s23] =	ssyncset.done $0x0  }
0x92: {  	[sflag:s23] =	ssyncadd.s32 $0xFFFFC000  }
0x93: {  	_ =	swait.ge [sflag:s26], $0x4000  }
0x94: {  	[sflag:s26] =	ssyncset.done $0x0  }
0x95: {  	s3 =	simm.s32 $0x480;
	[sflag:s26] =	ssyncadd.s32 $0xFFFFC000  }
0x96: {  	[tilespmem:s28], [sflag:$0x2] =	stream.indirect.gather [hbm4b:s4+s25], $0x80, s3, s25, $0xb8;
	[tilespmem:$0x1D000] =	vst v63  }
0x97: {  	s6 =	simm.s32 $0xC00  }
0x98: {  	[spmem:s1] =	stream.indirect.scatter.add.f32 [tilespmem:s22], [sflag:$0x3], $0x80, s6, s25, $0xb8;
	[tilespmem:$0x1D000] =	vst v63  }
0x99: {  	_ =	swait.ge [sflag:s23], $0x4000  }
0x9a: {  	[sflag:s23] =	ssyncset.done $0x0  }
0x9b: {  	[sflag:s23] =	ssyncadd.s32 $0xFFFFC000  }
0x9c: {  	_ =	swait.ge [sflag:s29], $0x4000  }
0x9d: {  	[sflag:s29] =	ssyncset.done $0x0  }
0x9e: {  	s8 =	simm.s32 $0x500;
	[sflag:s29] =	ssyncadd.s32 $0xFFFFC000  }
0x9f: {  	[tilespmem:s22], [sflag:$0x1] =	stream.indirect.gather [hbm4b:s4+s25], $0x80, s8, s25, $0xb8;
	[tilespmem:$0x1D000] =	vst v63  }
0xa0: {  	s9 =	simm.s32 $0xC80  }
0xa1: {  	[spmem:s1] =	stream.indirect.scatter.add.f32 [tilespmem:s28], [sflag:$0x3], $0x80, s9, s25, $0xb8;
	[tilespmem:$0x1D000] =	vst v63  }
0xa2: {  	_ =	swait.ge [sflag:s23], $0x4000  }
0xa3: {  	[sflag:s23] =	ssyncset.done $0x0  }
0xa4: {  	[sflag:s23] =	ssyncadd.s32 $0xFFFFC000  }
0xa5: {  	_ =	swait.ge [sflag:s26], $0x4000  }
0xa6: {  	[sflag:s26] =	ssyncset.done $0x0  }
0xa7: {  	s11 =	simm.s32 $0x580;
	[sflag:s26] =	ssyncadd.s32 $0xFFFFC000  }
0xa8: {  	[tilespmem:s28], [sflag:$0x2] =	stream.indirect.gather [hbm4b:s4+s25], $0x80, s11, s25, $0xb8;
	[tilespmem:$0x1D000] =	vst v63  }
0xa9: {  	s12 =	simm.s32 $0xD00  }
0xaa: {  	[spmem:s1] =	stream.indirect.scatter.add.f32 [tilespmem:s22], [sflag:$0x3], $0x80, s12, s25, $0xb8;
	[tilespmem:$0x1D000] =	vst v63  }
0xab: {  	_ =	swait.ge [sflag:s23], $0x4000  }
0xac: {  	[sflag:s23] =	ssyncset.done $0x0  }
0xad: {  	[sflag:s23] =	ssyncadd.s32 $0xFFFFC000  }
0xae: {  	_ =	swait.ge [sflag:s29], $0x4000  }
0xaf: {  	[sflag:s29] =	ssyncset.done $0x0  }
0xb0: {  	s14 =	simm.s32 $0x600;
	[sflag:s29] =	ssyncadd.s32 $0xFFFFC000  }
0xb1: {  	[tilespmem:s22], [sflag:$0x1] =	stream.indirect.gather [hbm4b:s4+s25], $0x80, s14, s25, $0xb8;
	[tilespmem:$0x1D000] =	vst v63  }
0xb2: {  	s15 =	simm.s32 $0xD80  }
0xb3: {  	[spmem:s1] =	stream.indirect.scatter.add.f32 [tilespmem:s28], [sflag:$0x3], $0x80, s15, s25, $0xb8;
	[tilespmem:$0x1D000] =	vst v63  }
0xb4: {  	_ =	swait.ge [sflag:s23], $0x4000  }
0xb5: {  	[sflag:s23] =	ssyncset.done $0x0  }
0xb6: {  	[sflag:s23] =	ssyncadd.s32 $0xFFFFC000  }
0xb7: {  	_ =	swait.ge [sflag:s26], $0x4000  }
0xb8: {  	[sflag:s26] =	ssyncset.done $0x0  }
0xb9: {  	s16 =	simm.s32 $0x680;
	[sflag:s26] =	ssyncadd.s32 $0xFFFFC000  }
0xba: {  	[tilespmem:s28], [sflag:$0x2] =	stream.indirect.gather [hbm4b:s4+s25], $0x80, s16, s25, $0xb8;
	[tilespmem:$0x1D000] =	vst v63  }
0xbb: {  	s17 =	simm.s32 $0xE00  }
0xbc: {  	[spmem:s1] =	stream.indirect.scatter.add.f32 [tilespmem:s22], [sflag:$0x3], $0x80, s17, s25, $0xb8;
	[tilespmem:$0x1D000] =	vst v63  }
0xbd: {  	_ =	swait.ge [sflag:s23], $0x4000  }
0xbe: {  	[sflag:s23] =	ssyncset.done $0x0  }
0xbf: {  	[sflag:s23] =	ssyncadd.s32 $0xFFFFC000  }
0xc0: {  	_ =	swait.ge [sflag:s29], $0x4000  }
0xc1: {  	[sflag:s29] =	ssyncset.done $0x0  }
0xc2: {  	s18 =	simm.s32 $0x700;
	[sflag:s29] =	ssyncadd.s32 $0xFFFFC000  }
0xc3: {  	[tilespmem:s22], [sflag:$0x1] =	stream.indirect.gather [hbm4b:s4+s25], $0x80, s18, s25, $0xb8;
	[tilespmem:$0x1D000] =	vst v63  }
0xc4: {  	s0 =	simm.s32 $0xE80  }
0xc5: {  	[spmem:s1] =	stream.indirect.scatter.add.f32 [tilespmem:s28], [sflag:$0x3], $0x80, s0, s25, $0xb8;
	[tilespmem:$0x1D000] =	vst v63  }
0xc6: {  	_ =	swait.ge [sflag:s23], $0x4000  }
0xc7: {  	[sflag:s23] =	ssyncset.done $0x0  }
0xc8: {  	[sflag:s23] =	ssyncadd.s32 $0xFFFFC000  }
0xc9: {  	_ =	swait.ge [sflag:s26], $0x4000  }
0xca: {  	[sflag:s26] =	ssyncset.done $0x0  }
0xcb: {  	s3 =	simm.s32 $0x780;
	[sflag:s26] =	ssyncadd.s32 $0xFFFFC000  }
0xcc: {  	[tilespmem:s28], [sflag:$0x2] =	stream.indirect.gather [hbm4b:s4+s25], $0x80, s3, s25, $0xb8;
	[tilespmem:$0x1D000] =	vst v63  }
0xcd: {  	s17 =	simm.s32 $0xF00  }
0xce: {  	[spmem:s1] =	stream.indirect.scatter.add.f32 [tilespmem:s22], [sflag:$0x3], $0x80, s17, s25, $0xb8;
	[tilespmem:$0x1D000] =	vst v63  }
0xcf: {  	_ =	swait.ge [sflag:s23], $0x4000  }
0xd0: {  	[sflag:s23] =	ssyncset.done $0x0  }
0xd1: {  	[sflag:s23] =	ssyncadd.s32 $0xFFFFC000  }
0xd2: {  	_ =	swait.ge [sflag:s29], $0x4000  }
0xd3: {  	[sflag:s29] =	ssyncset.done $0x0  }
0xd4: {  	s18 =	simm.s32 $0xF80;
	[sflag:s29] =	ssyncadd.s32 $0xFFFFC000  }
0xd5: {  	[spmem:s1] =	stream.indirect.scatter.add.f32 [tilespmem:s28], [sflag:$0x3], $0x80, s18, s25, $0xb8;
	[tilespmem:$0x1D000] =	vst v63  }
0xd6: {  	_ =	swait.ge [sflag:s23], $0x4000  }
0xd7: {  	[sflag:s23] =	ssyncset.done $0x0  }
0xd8: {  	s0 =	rddreg [dreg:$0xb];
	[sflag:s23] =	ssyncadd.s32 $0xFFFFC000  }
0xd9: {  	[tilespmem:s5], [sflag:$0x3] =	stream.linear.gather [hbm4b:s0+s5], $0x800, $0x38;
	[tilespmem:$0x1D000] =	vst v63  }
0xda: {  	_ =	swait.ge [sflag:s23], $0x800  }
0xdb: {  	[sflag:s23] =	ssyncset.done $0x0  }
0xdc: {  	s3 =	rddreg [dreg:$0xc];
	[sflag:s23] =	ssyncadd.s32 $0xFFFFF800  }
0xdd: {  	[tilespmem:s2], [sflag:$0x3] =	stream.linear.gather [hbm4b:s3+s5], $0x800, $0x38;
	[tilespmem:$0x1D000] =	vst v63  }
0xde: {  	_ =	swait.ge [sflag:s23], $0x800  }
0xdf: {  	[sflag:s23] =	ssyncset.done $0x0  }
0xe0: {  	[sflag:s23] =	ssyncadd.s32 $0xFFFFF800  }
0xe1: {  	[tilespmem:s22], [sflag:$0x1] =	stream.indirect.gather [hbm4b:s4+s25], $0x80, s5, s25, $0xb8;
	[tilespmem:$0x1D000] =	vst v63  }
0xe2: {  	_ =	swait.ge [sflag:s26], $0x4000  }
0xe3: {  	[sflag:s26] =	ssyncset.done $0x0  }
0xe4: {  	[sflag:s26] =	ssyncadd.s32 $0xFFFFC000  }
0xe5: {  	[tilespmem:s28], [sflag:$0x2] =	stream.indirect.gather [hbm4b:s4+s25], $0x80, s25, s25, $0xb8;
	[tilespmem:$0x1D000] =	vst v63  }
0xe6: {  	_ = 	snop  }
0xe7: {  	[spmem:s1] =	stream.indirect.scatter.add.f32 [tilespmem:s22], [sflag:$0x3], $0x80, s2, s25, $0xb8;
	[tilespmem:$0x1D000] =	vst v63  }
0xe8: {  	_ =	swait.ge [sflag:s23], $0x4000  }
0xe9: {  	[sflag:s23] =	ssyncset.done $0x0  }
0xea: {  	[sflag:s23] =	ssyncadd.s32 $0xFFFFC000  }
0xeb: {  	_ =	swait.ge [sflag:s29], $0x4000  }
0xec: {  	[sflag:s29] =	ssyncset.done $0x0  }
0xed: {  	s19 =	simm.s32 $0x100;
	[sflag:s29] =	ssyncadd.s32 $0xFFFFC000  }
0xee: {  	[tilespmem:s22], [sflag:$0x1] =	stream.indirect.gather [hbm4b:s4+s25], $0x80, s19, s25, $0xb8;
	[tilespmem:$0x1D000] =	vst v63  }
0xef: {  	s21 =	simm.s32 $0x880  }
0xf0: {  	[spmem:s1] =	stream.indirect.scatter.add.f32 [tilespmem:s28], [sflag:$0x3], $0x80, s21, s25, $0xb8;
	[tilespmem:$0x1D000] =	vst v63  }
0xf1: {  	_ =	swait.ge [sflag:s23], $0x4000  }
0xf2: {  	[sflag:s23] =	ssyncset.done $0x0  }
0xf3: {  	[sflag:s23] =	ssyncadd.s32 $0xFFFFC000  }
0xf4: {  	_ =	swait.ge [sflag:s26], $0x4000  }
0xf5: {  	[sflag:s26] =	ssyncset.done $0x0  }
0xf6: {  	s7 =	simm.s32 $0x180;
	[sflag:s26] =	ssyncadd.s32 $0xFFFFC000  }
0xf7: {  	[tilespmem:s28], [sflag:$0x2] =	stream.indirect.gather [hbm4b:s4+s25], $0x80, s7, s25, $0xb8;
	[tilespmem:$0x1D000] =	vst v63  }
0xf8: {  	s30 =	simm.s32 $0x900  }
0xf9: {  	[spmem:s1] =	stream.indirect.scatter.add.f32 [tilespmem:s22], [sflag:$0x3], $0x80, s30, s25, $0xb8;
	[tilespmem:$0x1D000] =	vst v63  }
0xfa: {  	_ =	swait.ge [sflag:s23], $0x4000  }
0xfb: {  	[sflag:s23] =	ssyncset.done $0x0  }
0xfc: {  	[sflag:s23] =	ssyncadd.s32 $0xFFFFC000  }
0xfd: {  	_ =	swait.ge [sflag:s29], $0x4000  }
0xfe: {  	[sflag:s29] =	ssyncset.done $0x0  }
0xff: {  	s24 =	simm.s32 $0x200;
	[sflag:s29] =	ssyncadd.s32 $0xFFFFC000  }
0x100: {  	[tilespmem:s22], [sflag:$0x1] =	stream.indirect.gather [hbm4b:s4+s25], $0x80, s24, s25, $0xb8;
	[tilespmem:$0x1D000] =	vst v63  }
0x101: {  	s31 =	simm.s32 $0x980  }
0x102: {  	[spmem:s1] =	stream.indirect.scatter.add.f32 [tilespmem:s28], [sflag:$0x3], $0x80, s31, s25, $0xb8;
	[tilespmem:$0x1D000] =	vst v63  }
0x103: {  	_ =	swait.ge [sflag:s23], $0x4000  }
0x104: {  	[sflag:s23] =	ssyncset.done $0x0  }
0x105: {  	[sflag:s23] =	ssyncadd.s32 $0xFFFFC000  }
0x106: {  	_ =	swait.ge [sflag:s26], $0x4000  }
0x107: {  	[sflag:s26] =	ssyncset.done $0x0  }
0x108: {  	s19 =	simm.s32 $0x280;
	[sflag:s26] =	ssyncadd.s32 $0xFFFFC000  }
0x109: {  	[tilespmem:s28], [sflag:$0x2] =	stream.indirect.gather [hbm4b:s4+s25], $0x80, s19, s25, $0xb8;
	[tilespmem:$0x1D000] =	vst v63  }
0x10a: {  	s0 =	simm.s32 $0xA00  }
0x10b: {  	[spmem:s1] =	stream.indirect.scatter.add.f32 [tilespmem:s22], [sflag:$0x3], $0x80, s0, s25, $0xb8;
	[tilespmem:$0x1D000] =	vst v63  }
0x10c: {  	_ =	swait.ge [sflag:s23], $0x4000  }
0x10d: {  	[sflag:s23] =	ssyncset.done $0x0  }
0x10e: {  	[sflag:s23] =	ssyncadd.s32 $0xFFFFC000  }
0x10f: {  	_ =	swait.ge [sflag:s29], $0x4000  }
0x110: {  	[sflag:s29] =	ssyncset.done $0x0  }
0x111: {  	s20 =	simm.s32 $0x300;
	[sflag:s29] =	ssyncadd.s32 $0xFFFFC000  }
0x112: {  	[tilespmem:s22], [sflag:$0x1] =	stream.indirect.gather [hbm4b:s4+s25], $0x80, s20, s25, $0xb8;
	[tilespmem:$0x1D000] =	vst v63  }
0x113: {  	s21 =	simm.s32 $0xA80  }
0x114: {  	[spmem:s1] =	stream.indirect.scatter.add.f32 [tilespmem:s28], [sflag:$0x3], $0x80, s21, s25, $0xb8;
	[tilespmem:$0x1D000] =	vst v63  }
0x115: {  	_ =	swait.ge [sflag:s23], $0x4000  }
0x116: {  	[sflag:s23] =	ssyncset.done $0x0  }
0x117: {  	[sflag:s23] =	ssyncadd.s32 $0xFFFFC000  }
0x118: {  	_ =	swait.ge [sflag:s26], $0x4000  }
0x119: {  	[sflag:s26] =	ssyncset.done $0x0  }
0x11a: {  	s30 =	simm.s32 $0x380;
	[sflag:s26] =	ssyncadd.s32 $0xFFFFC000  }
0x11b: {  	[tilespmem:s28], [sflag:$0x2] =	stream.indirect.gather [hbm4b:s4+s25], $0x80, s30, s25, $0xb8;
	[tilespmem:$0x1D000] =	vst v63  }
0x11c: {  	s3 =	simm.s32 $0xB00  }
0x11d: {  	[spmem:s1] =	stream.indirect.scatter.add.f32 [tilespmem:s22], [sflag:$0x3], $0x80, s3, s25, $0xb8;
	[tilespmem:$0x1D000] =	vst v63  }
0x11e: {  	_ =	swait.ge [sflag:s23], $0x4000  }
0x11f: {  	[sflag:s23] =	ssyncset.done $0x0  }
0x120: {  	[sflag:s23] =	ssyncadd.s32 $0xFFFFC000  }
0x121: {  	_ =	swait.ge [sflag:s29], $0x4000  }
0x122: {  	[sflag:s29] =	ssyncset.done $0x0  }
0x123: {  	s24 =	simm.s32 $0x400;
	[sflag:s29] =	ssyncadd.s32 $0xFFFFC000  }
0x124: {  	[tilespmem:s22], [sflag:$0x1] =	stream.indirect.gather [hbm4b:s4+s25], $0x80, s24, s25, $0xb8;
	[tilespmem:$0x1D000] =	vst v63  }
0x125: {  	s20 =	simm.s32 $0xB80  }
0x126: {  	[spmem:s1] =	stream.indirect.scatter.add.f32 [tilespmem:s28], [sflag:$0x3], $0x80, s20, s25, $0xb8;
	[tilespmem:$0x1D000] =	vst v63  }
0x127: {  	_ =	swait.ge [sflag:s23], $0x4000  }
0x128: {  	[sflag:s23] =	ssyncset.done $0x0  }
0x129: {  	[sflag:s23] =	ssyncadd.s32 $0xFFFFC000  }
0x12a: {  	_ =	swait.ge [sflag:s26], $0x4000  }
0x12b: {  	[sflag:s26] =	ssyncset.done $0x0  }
0x12c: {  	s7 =	simm.s32 $0x480;
	[sflag:s26] =	ssyncadd.s32 $0xFFFFC000  }
0x12d: {  	[tilespmem:s28], [sflag:$0x2] =	stream.indirect.gather [hbm4b:s4+s25], $0x80, s7, s25, $0xb8;
	[tilespmem:$0x1D000] =	vst v63  }
0x12e: {  	s31 =	simm.s32 $0xC00  }
0x12f: {  	[spmem:s1] =	stream.indirect.scatter.add.f32 [tilespmem:s22], [sflag:$0x3], $0x80, s31, s25, $0xb8;
	[tilespmem:$0x1D000] =	vst v63  }
0x130: {  	_ =	swait.ge [sflag:s23], $0x4000  }
0x131: {  	[sflag:s23] =	ssyncset.done $0x0  }
0x132: {  	[sflag:s23] =	ssyncadd.s32 $0xFFFFC000  }
0x133: {  	_ =	swait.ge [sflag:s29], $0x4000  }
0x134: {  	[sflag:s29] =	ssyncset.done $0x0  }
0x135: {  	s8 =	simm.s32 $0x500;
	[sflag:s29] =	ssyncadd.s32 $0xFFFFC000  }
0x136: {  	[tilespmem:s22], [sflag:$0x1] =	stream.indirect.gather [hbm4b:s4+s25], $0x80, s8, s25, $0xb8;
	[tilespmem:$0x1D000] =	vst v63  }
0x137: {  	s8 =	simm.s32 $0xC80  }
0x138: {  	[spmem:s1] =	stream.indirect.scatter.add.f32 [tilespmem:s28], [sflag:$0x3], $0x80, s8, s25, $0xb8;
	[tilespmem:$0x1D000] =	vst v63  }
0x139: {  	_ =	swait.ge [sflag:s23], $0x4000  }
0x13a: {  	[sflag:s23] =	ssyncset.done $0x0  }
0x13b: {  	[sflag:s23] =	ssyncadd.s32 $0xFFFFC000  }
0x13c: {  	_ =	swait.ge [sflag:s26], $0x4000  }
0x13d: {  	[sflag:s26] =	ssyncset.done $0x0  }
0x13e: {  	s13 =	simm.s32 $0x580;
	[sflag:s26] =	ssyncadd.s32 $0xFFFFC000  }
0x13f: {  	[tilespmem:s28], [sflag:$0x2] =	stream.indirect.gather [hbm4b:s4+s25], $0x80, s13, s25, $0xb8;
	[tilespmem:$0x1D000] =	vst v63  }
0x140: {  	s9 =	simm.s32 $0xD00  }
0x141: {  	[spmem:s1] =	stream.indirect.scatter.add.f32 [tilespmem:s22], [sflag:$0x3], $0x80, s9, s25, $0xb8;
	[tilespmem:$0x1D000] =	vst v63  }
0x142: {  	_ =	swait.ge [sflag:s23], $0x4000  }
0x143: {  	[sflag:s23] =	ssyncset.done $0x0  }
0x144: {  	[sflag:s23] =	ssyncadd.s32 $0xFFFFC000  }
0x145: {  	_ =	swait.ge [sflag:s29], $0x4000  }
0x146: {  	[sflag:s29] =	ssyncset.done $0x0  }
0x147: {  	s6 =	simm.s32 $0x600;
	[sflag:s29] =	ssyncadd.s32 $0xFFFFC000  }
0x148: {  	[tilespmem:s22], [sflag:$0x1] =	stream.indirect.gather [hbm4b:s4+s25], $0x80, s6, s25, $0xb8;
	[tilespmem:$0x1D000] =	vst v63  }
0x149: {  	s14 =	simm.s32 $0xD80  }
0x14a: {  	[spmem:s1] =	stream.indirect.scatter.add.f32 [tilespmem:s28], [sflag:$0x3], $0x80, s14, s25, $0xb8;
	[tilespmem:$0x1D000] =	vst v63  }
0x14b: {  	_ =	swait.ge [sflag:s23], $0x4000  }
0x14c: {  	[sflag:s23] =	ssyncset.done $0x0  }
0x14d: {  	[sflag:s23] =	ssyncadd.s32 $0xFFFFC000  }
0x14e: {  	_ =	swait.ge [sflag:s26], $0x4000  }
0x14f: {  	[sflag:s26] =	ssyncset.done $0x0  }
0x150: {  	s12 =	simm.s32 $0x680;
	[sflag:s26] =	ssyncadd.s32 $0xFFFFC000  }
0x151: {  	[tilespmem:s28], [sflag:$0x2] =	stream.indirect.gather [hbm4b:s4+s25], $0x80, s12, s25, $0xb8;
	[tilespmem:$0x1D000] =	vst v63  }
0x152: {  	s15 =	simm.s32 $0xE00  }
0x153: {  	[spmem:s1] =	stream.indirect.scatter.add.f32 [tilespmem:s22], [sflag:$0x3], $0x80, s15, s25, $0xb8;
	[tilespmem:$0x1D000] =	vst v63  }
0x154: {  	_ =	swait.ge [sflag:s23], $0x4000  }
0x155: {  	[sflag:s23] =	ssyncset.done $0x0  }
0x156: {  	[sflag:s23] =	ssyncadd.s32 $0xFFFFC000  }
0x157: {  	_ =	swait.ge [sflag:s29], $0x4000  }
0x158: {  	[sflag:s29] =	ssyncset.done $0x0  }
0x159: {  	s12 =	simm.s32 $0x700;
	[sflag:s29] =	ssyncadd.s32 $0xFFFFC000  }
0x15a: {  	[tilespmem:s22], [sflag:$0x1] =	stream.indirect.gather [hbm4b:s4+s25], $0x80, s12, s25, $0xb8;
	[tilespmem:$0x1D000] =	vst v63  }
0x15b: {  	s16 =	simm.s32 $0xE80  }
0x15c: {  	[spmem:s1] =	stream.indirect.scatter.add.f32 [tilespmem:s28], [sflag:$0x3], $0x80, s16, s25, $0xb8;
	[tilespmem:$0x1D000] =	vst v63  }
0x15d: {  	_ =	swait.ge [sflag:s23], $0x4000  }
0x15e: {  	[sflag:s23] =	ssyncset.done $0x0  }
0x15f: {  	[sflag:s23] =	ssyncadd.s32 $0xFFFFC000  }
0x160: {  	_ =	swait.ge [sflag:s26], $0x4000  }
0x161: {  	[sflag:s26] =	ssyncset.done $0x0  }
0x162: {  	s13 =	simm.s32 $0x780;
	[sflag:s26] =	ssyncadd.s32 $0xFFFFC000  }
0x163: {  	[tilespmem:s28], [sflag:$0x2] =	stream.indirect.gather [hbm4b:s4+s25], $0x80, s13, s25, $0xb8;
	[tilespmem:$0x1D000] =	vst v63  }
0x164: {  	s17 =	simm.s32 $0xF00  }
0x165: {  	[spmem:s1] =	stream.indirect.scatter.add.f32 [tilespmem:s22], [sflag:$0x3], $0x80, s17, s25, $0xb8;
	[tilespmem:$0x1D000] =	vst v63  }
0x166: {  	_ =	swait.ge [sflag:s23], $0x4000  }
0x167: {  	[sflag:s23] =	ssyncset.done $0x0  }
0x168: {  	[sflag:s23] =	ssyncadd.s32 $0xFFFFC000  }
0x169: {  	_ =	swait.ge [sflag:s29], $0x4000  }
0x16a: {  	[sflag:s29] =	ssyncset.done $0x0  }
0x16b: {  	s18 =	simm.s32 $0xF80;
	[sflag:s29] =	ssyncadd.s32 $0xFFFFC000  }
0x16c: {  	[spmem:s1] =	stream.indirect.scatter.add.f32 [tilespmem:s28], [sflag:$0x3], $0x80, s18, s25, $0xb8;
	[tilespmem:$0x1D000] =	vst v63  }
0x16d: {  	_ =	swait.ge [sflag:s23], $0x4000  }
0x16e: {  	[sflag:s23] =	ssyncset.done $0x0  }
0x16f: {  	s11 =	rddreg [dreg:$0xd];
	[sflag:s23] =	ssyncadd.s32 $0xFFFFC000  }
0x170: {  	[tilespmem:s5], [sflag:$0x3] =	stream.linear.gather [hbm4b:s11+s5], $0x800, $0x38;
	[tilespmem:$0x1D000] =	vst v63  }
0x171: {  	_ =	swait.ge [sflag:s23], $0x800  }
0x172: {  	[sflag:s23] =	ssyncset.done $0x0  }
0x173: {  	s11 =	rddreg [dreg:$0xe];
	[sflag:s23] =	ssyncadd.s32 $0xFFFFF800  }
0x174: {  	[tilespmem:s2], [sflag:$0x3] =	stream.linear.gather [hbm4b:s11+s5], $0x800, $0x38;
	[tilespmem:$0x1D000] =	vst v63  }
0x175: {  	_ =	swait.ge [sflag:s23], $0x800  }
0x176: {  	[sflag:s23] =	ssyncset.done $0x0  }
0x177: {  	[sflag:s23] =	ssyncadd.s32 $0xFFFFF800  }
0x178: {  	[tilespmem:s22], [sflag:$0x1] =	stream.indirect.gather [hbm4b:s4+s25], $0x80, s5, s25, $0xb8;
	[tilespmem:$0x1D000] =	vst v63  }
0x179: {  	_ =	swait.ge [sflag:s26], $0x4000  }
0x17a: {  	[sflag:s26] =	ssyncset.done $0x0  }
0x17b: {  	[sflag:s26] =	ssyncadd.s32 $0xFFFFC000  }
0x17c: {  	[tilespmem:s28], [sflag:$0x2] =	stream.indirect.gather [hbm4b:s4+s25], $0x80, s25, s25, $0xb8;
	[tilespmem:$0x1D000] =	vst v63  }
0x17d: {  	_ = 	snop  }
0x17e: {  	[spmem:s1] =	stream.indirect.scatter.add.f32 [tilespmem:s22], [sflag:$0x3], $0x80, s2, s25, $0xb8;
	[tilespmem:$0x1D000] =	vst v63  }
0x17f: {  	_ =	swait.ge [sflag:s23], $0x4000  }
0x180: {  	[sflag:s23] =	ssyncset.done $0x0  }
0x181: {  	[sflag:s23] =	ssyncadd.s32 $0xFFFFC000  }
0x182: {  	_ =	swait.ge [sflag:s29], $0x4000  }
0x183: {  	[sflag:s29] =	ssyncset.done $0x0  }
0x184: {  	s11 =	simm.s32 $0x100;
	[sflag:s29] =	ssyncadd.s32 $0xFFFFC000  }
0x185: {  	[tilespmem:s22], [sflag:$0x1] =	stream.indirect.gather [hbm4b:s4+s25], $0x80, s11, s25, $0xb8;
	[tilespmem:$0x1D000] =	vst v63  }
0x186: {  	s11 =	simm.s32 $0x880  }
0x187: {  	[spmem:s1] =	stream.indirect.scatter.add.f32 [tilespmem:s28], [sflag:$0x3], $0x80, s11, s25, $0xb8;
	[tilespmem:$0x1D000] =	vst v63  }
0x188: {  	_ =	swait.ge [sflag:s23], $0x4000  }
0x189: {  	[sflag:s23] =	ssyncset.done $0x0  }
0x18a: {  	[sflag:s23] =	ssyncadd.s32 $0xFFFFC000  }
0x18b: {  	_ =	swait.ge [sflag:s26], $0x4000  }
0x18c: {  	[sflag:s26] =	ssyncset.done $0x0  }
0x18d: {  	s11 =	simm.s32 $0x180;
	[sflag:s26] =	ssyncadd.s32 $0xFFFFC000  }
0x18e: {  	[tilespmem:s28], [sflag:$0x2] =	stream.indirect.gather [hbm4b:s4+s25], $0x80, s11, s25, $0xb8;
	[tilespmem:$0x1D000] =	vst v63  }
0x18f: {  	s11 =	simm.s32 $0x900  }
0x190: {  	[spmem:s1] =	stream.indirect.scatter.add.f32 [tilespmem:s22], [sflag:$0x3], $0x80, s11, s25, $0xb8;
	[tilespmem:$0x1D000] =	vst v63  }
0x191: {  	_ =	swait.ge [sflag:s23], $0x4000  }
0x192: {  	[sflag:s23] =	ssyncset.done $0x0  }
0x193: {  	[sflag:s23] =	ssyncadd.s32 $0xFFFFC000  }
0x194: {  	_ =	swait.ge [sflag:s29], $0x4000  }
0x195: {  	[sflag:s29] =	ssyncset.done $0x0  }
0x196: {  	s11 =	simm.s32 $0x200;
	[sflag:s29] =	ssyncadd.s32 $0xFFFFC000  }
0x197: {  	[tilespmem:s22], [sflag:$0x1] =	stream.indirect.gather [hbm4b:s4+s25], $0x80, s11, s25, $0xb8;
	[tilespmem:$0x1D000] =	vst v63  }
0x198: {  	s11 =	simm.s32 $0x980  }
0x199: {  	[spmem:s1] =	stream.indirect.scatter.add.f32 [tilespmem:s28], [sflag:$0x3], $0x80, s11, s25, $0xb8;
	[tilespmem:$0x1D000] =	vst v63  }
0x19a: {  	_ =	swait.ge [sflag:s23], $0x4000  }
0x19b: {  	[sflag:s23] =	ssyncset.done $0x0  }
0x19c: {  	[sflag:s23] =	ssyncadd.s32 $0xFFFFC000  }
0x19d: {  	_ =	swait.ge [sflag:s26], $0x4000  }
0x19e: {  	[sflag:s26] =	ssyncset.done $0x0  }
0x19f: {  	[sflag:s26] =	ssyncadd.s32 $0xFFFFC000  }
0x1a0: {  	[tilespmem:s28], [sflag:$0x2] =	stream.indirect.gather [hbm4b:s4+s25], $0x80, s19, s25, $0xb8;
	[tilespmem:$0x1D000] =	vst v63  }
0x1a1: {  	_ = 	snop  }
0x1a2: {  	[spmem:s1] =	stream.indirect.scatter.add.f32 [tilespmem:s22], [sflag:$0x3], $0x80, s0, s25, $0xb8;
	[tilespmem:$0x1D000] =	vst v63  }
0x1a3: {  	_ =	swait.ge [sflag:s23], $0x4000  }
0x1a4: {  	[sflag:s23] =	ssyncset.done $0x0  }
0x1a5: {  	[sflag:s23] =	ssyncadd.s32 $0xFFFFC000  }
0x1a6: {  	_ =	swait.ge [sflag:s29], $0x4000  }
0x1a7: {  	[sflag:s29] =	ssyncset.done $0x0  }
0x1a8: {  	s11 =	simm.s32 $0x300;
	[sflag:s29] =	ssyncadd.s32 $0xFFFFC000  }
0x1a9: {  	[tilespmem:s22], [sflag:$0x1] =	stream.indirect.gather [hbm4b:s4+s25], $0x80, s11, s25, $0xb8;
	[tilespmem:$0x1D000] =	vst v63  }
0x1aa: {  	_ = 	snop  }
0x1ab: {  	[spmem:s1] =	stream.indirect.scatter.add.f32 [tilespmem:s28], [sflag:$0x3], $0x80, s21, s25, $0xb8;
	[tilespmem:$0x1D000] =	vst v63  }
0x1ac: {  	_ =	swait.ge [sflag:s23], $0x4000  }
0x1ad: {  	[sflag:s23] =	ssyncset.done $0x0  }
0x1ae: {  	[sflag:s23] =	ssyncadd.s32 $0xFFFFC000  }
0x1af: {  	_ =	swait.ge [sflag:s26], $0x4000  }
0x1b0: {  	[sflag:s26] =	ssyncset.done $0x0  }
0x1b1: {  	[sflag:s26] =	ssyncadd.s32 $0xFFFFC000  }
0x1b2: {  	[tilespmem:s28], [sflag:$0x2] =	stream.indirect.gather [hbm4b:s4+s25], $0x80, s30, s25, $0xb8;
	[tilespmem:$0x1D000] =	vst v63  }
0x1b3: {  	_ = 	snop  }
0x1b4: {  	[spmem:s1] =	stream.indirect.scatter.add.f32 [tilespmem:s22], [sflag:$0x3], $0x80, s3, s25, $0xb8;
	[tilespmem:$0x1D000] =	vst v63  }
0x1b5: {  	_ =	swait.ge [sflag:s23], $0x4000  }
0x1b6: {  	[sflag:s23] =	ssyncset.done $0x0  }
0x1b7: {  	[sflag:s23] =	ssyncadd.s32 $0xFFFFC000  }
0x1b8: {  	_ =	swait.ge [sflag:s29], $0x4000  }
0x1b9: {  	[sflag:s29] =	ssyncset.done $0x0  }
0x1ba: {  	[sflag:s29] =	ssyncadd.s32 $0xFFFFC000  }
0x1bb: {  	[tilespmem:s22], [sflag:$0x1] =	stream.indirect.gather [hbm4b:s4+s25], $0x80, s24, s25, $0xb8;
	[tilespmem:$0x1D000] =	vst v63  }
0x1bc: {  	_ = 	snop  }
0x1bd: {  	[spmem:s1] =	stream.indirect.scatter.add.f32 [tilespmem:s28], [sflag:$0x3], $0x80, s20, s25, $0xb8;
	[tilespmem:$0x1D000] =	vst v63  }
0x1be: {  	_ =	swait.ge [sflag:s23], $0x4000  }
0x1bf: {  	[sflag:s23] =	ssyncset.done $0x0  }
0x1c0: {  	[sflag:s23] =	ssyncadd.s32 $0xFFFFC000  }
0x1c1: {  	_ =	swait.ge [sflag:s26], $0x4000  }
0x1c2: {  	[sflag:s26] =	ssyncset.done $0x0  }
0x1c3: {  	[sflag:s26] =	ssyncadd.s32 $0xFFFFC000  }
0x1c4: {  	[tilespmem:s28], [sflag:$0x2] =	stream.indirect.gather [hbm4b:s4+s25], $0x80, s7, s25, $0xb8;
	[tilespmem:$0x1D000] =	vst v63  }
0x1c5: {  	_ = 	snop  }
0x1c6: {  	[spmem:s1] =	stream.indirect.scatter.add.f32 [tilespmem:s22], [sflag:$0x3], $0x80, s31, s25, $0xb8;
	[tilespmem:$0x1D000] =	vst v63  }
0x1c7: {  	_ =	swait.ge [sflag:s23], $0x4000  }
0x1c8: {  	[sflag:s23] =	ssyncset.done $0x0  }
0x1c9: {  	[sflag:s23] =	ssyncadd.s32 $0xFFFFC000  }
0x1ca: {  	_ =	swait.ge [sflag:s29], $0x4000  }
0x1cb: {  	[sflag:s29] =	ssyncset.done $0x0  }
0x1cc: {  	s24 =	simm.s32 $0x500;
	[sflag:s29] =	ssyncadd.s32 $0xFFFFC000  }
0x1cd: {  	[tilespmem:s22], [sflag:$0x1] =	stream.indirect.gather [hbm4b:s4+s25], $0x80, s24, s25, $0xb8;
	[tilespmem:$0x1D000] =	vst v63  }
0x1ce: {  	_ = 	snop  }
0x1cf: {  	[spmem:s1] =	stream.indirect.scatter.add.f32 [tilespmem:s28], [sflag:$0x3], $0x80, s8, s25, $0xb8;
	[tilespmem:$0x1D000] =	vst v63  }
0x1d0: {  	_ =	swait.ge [sflag:s23], $0x4000  }
0x1d1: {  	[sflag:s23] =	ssyncset.done $0x0  }
0x1d2: {  	[sflag:s23] =	ssyncadd.s32 $0xFFFFC000  }
0x1d3: {  	_ =	swait.ge [sflag:s26], $0x4000  }
0x1d4: {  	[sflag:s26] =	ssyncset.done $0x0  }
0x1d5: {  	s31 =	simm.s32 $0x580;
	[sflag:s26] =	ssyncadd.s32 $0xFFFFC000  }
0x1d6: {  	[tilespmem:s28], [sflag:$0x2] =	stream.indirect.gather [hbm4b:s4+s25], $0x80, s31, s25, $0xb8;
	[tilespmem:$0x1D000] =	vst v63  }
0x1d7: {  	s11 =	simm.s32 $0xD00  }
0x1d8: {  	[spmem:s1] =	stream.indirect.scatter.add.f32 [tilespmem:s22], [sflag:$0x3], $0x80, s11, s25, $0xb8;
	[tilespmem:$0x1D000] =	vst v63  }
0x1d9: {  	_ =	swait.ge [sflag:s23], $0x4000  }
0x1da: {  	[sflag:s23] =	ssyncset.done $0x0  }
0x1db: {  	[sflag:s23] =	ssyncadd.s32 $0xFFFFC000  }
0x1dc: {  	_ =	swait.ge [sflag:s29], $0x4000  }
0x1dd: {  	[sflag:s29] =	ssyncset.done $0x0  }
0x1de: {  	s6 =	simm.s32 $0x600;
	[sflag:s29] =	ssyncadd.s32 $0xFFFFC000  }
0x1df: {  	[tilespmem:s22], [sflag:$0x1] =	stream.indirect.gather [hbm4b:s4+s25], $0x80, s6, s25, $0xb8;
	[tilespmem:$0x1D000] =	vst v63  }
0x1e0: {  	s14 =	simm.s32 $0xD80  }
0x1e1: {  	[spmem:s1] =	stream.indirect.scatter.add.f32 [tilespmem:s28], [sflag:$0x3], $0x80, s14, s25, $0xb8;
	[tilespmem:$0x1D000] =	vst v63  }
0x1e2: {  	_ =	swait.ge [sflag:s23], $0x4000  }
0x1e3: {  	[sflag:s23] =	ssyncset.done $0x0  }
0x1e4: {  	[sflag:s23] =	ssyncadd.s32 $0xFFFFC000  }
0x1e5: {  	_ =	swait.ge [sflag:s26], $0x4000  }
0x1e6: {  	[sflag:s26] =	ssyncset.done $0x0  }
0x1e7: {  	s9 =	simm.s32 $0x680;
	[sflag:s26] =	ssyncadd.s32 $0xFFFFC000  }
0x1e8: {  	[tilespmem:s28], [sflag:$0x2] =	stream.indirect.gather [hbm4b:s4+s25], $0x80, s9, s25, $0xb8;
	[tilespmem:$0x1D000] =	vst v63  }
0x1e9: {  	s15 =	simm.s32 $0xE00  }
0x1ea: {  	[spmem:s1] =	stream.indirect.scatter.add.f32 [tilespmem:s22], [sflag:$0x3], $0x80, s15, s25, $0xb8;
	[tilespmem:$0x1D000] =	vst v63  }
0x1eb: {  	_ =	swait.ge [sflag:s23], $0x4000  }
0x1ec: {  	[sflag:s23] =	ssyncset.done $0x0  }
0x1ed: {  	[sflag:s23] =	ssyncadd.s32 $0xFFFFC000  }
0x1ee: {  	_ =	swait.ge [sflag:s29], $0x4000  }
0x1ef: {  	[sflag:s29] =	ssyncset.done $0x0  }
0x1f0: {  	s12 =	simm.s32 $0x700;
	[sflag:s29] =	ssyncadd.s32 $0xFFFFC000  }
0x1f1: {  	[tilespmem:s22], [sflag:$0x1] =	stream.indirect.gather [hbm4b:s4+s25], $0x80, s12, s25, $0xb8;
	[tilespmem:$0x1D000] =	vst v63  }
0x1f2: {  	s16 =	simm.s32 $0xE80  }
0x1f3: {  	[spmem:s1] =	stream.indirect.scatter.add.f32 [tilespmem:s28], [sflag:$0x3], $0x80, s16, s25, $0xb8;
	[tilespmem:$0x1D000] =	vst v63  }
0x1f4: {  	_ =	swait.ge [sflag:s23], $0x4000  }
0x1f5: {  	[sflag:s23] =	ssyncset.done $0x0  }
0x1f6: {  	[sflag:s23] =	ssyncadd.s32 $0xFFFFC000  }
0x1f7: {  	_ =	swait.ge [sflag:s26], $0x4000  }
0x1f8: {  	[sflag:s26] =	ssyncset.done $0x0  }
0x1f9: {  	s13 =	simm.s32 $0x780;
	[sflag:s26] =	ssyncadd.s32 $0xFFFFC000  }
0x1fa: {  	[tilespmem:s28], [sflag:$0x2] =	stream.indirect.gather [hbm4b:s4+s25], $0x80, s13, s25, $0xb8;
	[tilespmem:$0x1D000] =	vst v63  }
0x1fb: {  	s17 =	simm.s32 $0xF00  }
0x1fc: {  	[spmem:s1] =	stream.indirect.scatter.add.f32 [tilespmem:s22], [sflag:$0x3], $0x80, s17, s25, $0xb8;
	[tilespmem:$0x1D000] =	vst v63  }
0x1fd: {  	_ =	swait.ge [sflag:s23], $0x4000  }
0x1fe: {  	[sflag:s23] =	ssyncset.done $0x0  }
0x1ff: {  	[sflag:s23] =	ssyncadd.s32 $0xFFFFC000  }
0x200: {  	_ =	swait.ge [sflag:s29], $0x4000  }
0x201: {  	[sflag:s29] =	ssyncset.done $0x0  }
0x202: {  	s18 =	simm.s32 $0xF80;
	[sflag:s29] =	ssyncadd.s32 $0xFFFFC000  }
0x203: {  	[spmem:s1] =	stream.indirect.scatter.add.f32 [tilespmem:s28], [sflag:$0x3], $0x80, s18, s25, $0xb8;
	[tilespmem:$0x1D000] =	vst v63  }
0x204: {  	_ =	swait.ge [sflag:s23], $0x4000  }
0x205: {  	[sflag:s23] =	ssyncset.done $0x0  }
0x206: {  	s16 =	rddreg [dreg:$0xf];
	[sflag:s23] =	ssyncadd.s32 $0xFFFFC000  }
0x207: {  	[tilespmem:s5], [sflag:$0x3] =	stream.linear.gather [hbm4b:s16+s5], $0x800, $0x38;
	[tilespmem:$0x1D000] =	vst v63  }
0x208: {  	_ =	swait.ge [sflag:s23], $0x800  }
0x209: {  	[sflag:s23] =	ssyncset.done $0x0  }
0x20a: {  	s17 =	rddreg [dreg:$0x10];
	[sflag:s23] =	ssyncadd.s32 $0xFFFFF800  }
0x20b: {  	[tilespmem:s2], [sflag:$0x3] =	stream.linear.gather [hbm4b:s17+s5], $0x800, $0x38;
	[tilespmem:$0x1D000] =	vst v63  }
0x20c: {  	_ =	swait.ge [sflag:s23], $0x800  }
0x20d: {  	[sflag:s23] =	ssyncset.done $0x0  }
0x20e: {  	[sflag:s23] =	ssyncadd.s32 $0xFFFFF800  }
0x20f: {  	[tilespmem:s22], [sflag:$0x1] =	stream.indirect.gather [hbm4b:s4+s25], $0x80, s5, s25, $0xb8;
	[tilespmem:$0x1D000] =	vst v63  }
0x210: {  	_ =	swait.ge [sflag:s26], $0x4000  }
0x211: {  	[sflag:s26] =	ssyncset.done $0x0  }
0x212: {  	[sflag:s26] =	ssyncadd.s32 $0xFFFFC000  }
0x213: {  	[tilespmem:s28], [sflag:$0x2] =	stream.indirect.gather [hbm4b:s4+s25], $0x80, s25, s25, $0xb8;
	[tilespmem:$0x1D000] =	vst v63  }
0x214: {  	_ = 	snop  }
0x215: {  	[spmem:s1] =	stream.indirect.scatter.add.f32 [tilespmem:s22], [sflag:$0x3], $0x80, s2, s25, $0xb8;
	[tilespmem:$0x1D000] =	vst v63  }
0x216: {  	_ =	swait.ge [sflag:s23], $0x4000  }
0x217: {  	[sflag:s23] =	ssyncset.done $0x0  }
0x218: {  	[sflag:s23] =	ssyncadd.s32 $0xFFFFC000  }
0x219: {  	_ =	swait.ge [sflag:s29], $0x4000  }
0x21a: {  	[sflag:s29] =	ssyncset.done $0x0  }
0x21b: {  	s18 =	simm.s32 $0x100;
	[sflag:s29] =	ssyncadd.s32 $0xFFFFC000  }
0x21c: {  	[tilespmem:s22], [sflag:$0x1] =	stream.indirect.gather [hbm4b:s4+s25], $0x80, s18, s25, $0xb8;
	[tilespmem:$0x1D000] =	vst v63  }
0x21d: {  	s11 =	simm.s32 $0x880  }
0x21e: {  	[spmem:s1] =	stream.indirect.scatter.add.f32 [tilespmem:s28], [sflag:$0x3], $0x80, s11, s25, $0xb8;
	[tilespmem:$0x1D000] =	vst v63  }
0x21f: {  	_ =	swait.ge [sflag:s23], $0x4000  }
0x220: {  	[sflag:s23] =	ssyncset.done $0x0  }
0x221: {  	[sflag:s23] =	ssyncadd.s32 $0xFFFFC000  }
0x222: {  	_ =	swait.ge [sflag:s26], $0x4000  }
0x223: {  	[sflag:s26] =	ssyncset.done $0x0  }
0x224: {  	s14 =	simm.s32 $0x180;
	[sflag:s26] =	ssyncadd.s32 $0xFFFFC000  }
0x225: {  	[tilespmem:s28], [sflag:$0x2] =	stream.indirect.gather [hbm4b:s4+s25], $0x80, s14, s25, $0xb8;
	[tilespmem:$0x1D000] =	vst v63  }
0x226: {  	s15 =	simm.s32 $0x900  }
0x227: {  	[spmem:s1] =	stream.indirect.scatter.add.f32 [tilespmem:s22], [sflag:$0x3], $0x80, s15, s25, $0xb8;
	[tilespmem:$0x1D000] =	vst v63  }
0x228: {  	_ =	swait.ge [sflag:s23], $0x4000  }
0x229: {  	[sflag:s23] =	ssyncset.done $0x0  }
0x22a: {  	[sflag:s23] =	ssyncadd.s32 $0xFFFFC000  }
0x22b: {  	_ =	swait.ge [sflag:s29], $0x4000  }
0x22c: {  	[sflag:s29] =	ssyncset.done $0x0  }
0x22d: {  	s16 =	simm.s32 $0x200;
	[sflag:s29] =	ssyncadd.s32 $0xFFFFC000  }
0x22e: {  	[tilespmem:s22], [sflag:$0x1] =	stream.indirect.gather [hbm4b:s4+s25], $0x80, s16, s25, $0xb8;
	[tilespmem:$0x1D000] =	vst v63  }
0x22f: {  	s17 =	simm.s32 $0x980  }
0x230: {  	[spmem:s1] =	stream.indirect.scatter.add.f32 [tilespmem:s28], [sflag:$0x3], $0x80, s17, s25, $0xb8;
	[tilespmem:$0x1D000] =	vst v63  }
0x231: {  	_ =	swait.ge [sflag:s23], $0x4000  }
0x232: {  	[sflag:s23] =	ssyncset.done $0x0  }
0x233: {  	[sflag:s23] =	ssyncadd.s32 $0xFFFFC000  }
0x234: {  	_ =	swait.ge [sflag:s26], $0x4000  }
0x235: {  	[sflag:s26] =	ssyncset.done $0x0  }
0x236: {  	s19 =	simm.s32 $0x280;
	[sflag:s26] =	ssyncadd.s32 $0xFFFFC000  }
0x237: {  	[tilespmem:s28], [sflag:$0x2] =	stream.indirect.gather [hbm4b:s4+s25], $0x80, s19, s25, $0xb8;
	[tilespmem:$0x1D000] =	vst v63  }
0x238: {  	s18 =	simm.s32 $0xA00  }
0x239: {  	[spmem:s1] =	stream.indirect.scatter.add.f32 [tilespmem:s22], [sflag:$0x3], $0x80, s18, s25, $0xb8;
	[tilespmem:$0x1D000] =	vst v63  }
0x23a: {  	_ =	swait.ge [sflag:s23], $0x4000  }
0x23b: {  	[sflag:s23] =	ssyncset.done $0x0  }
0x23c: {  	[sflag:s23] =	ssyncadd.s32 $0xFFFFC000  }
0x23d: {  	_ =	swait.ge [sflag:s29], $0x4000  }
0x23e: {  	[sflag:s29] =	ssyncset.done $0x0  }
0x23f: {  	s19 =	simm.s32 $0x300;
	[sflag:s29] =	ssyncadd.s32 $0xFFFFC000  }
0x240: {  	[tilespmem:s22], [sflag:$0x1] =	stream.indirect.gather [hbm4b:s4+s25], $0x80, s19, s25, $0xb8;
	[tilespmem:$0x1D000] =	vst v63  }
0x241: {  	s21 =	simm.s32 $0xA80  }
0x242: {  	[spmem:s1] =	stream.indirect.scatter.add.f32 [tilespmem:s28], [sflag:$0x3], $0x80, s21, s25, $0xb8;
	[tilespmem:$0x1D000] =	vst v63  }
0x243: {  	_ =	swait.ge [sflag:s23], $0x4000  }
0x244: {  	[sflag:s23] =	ssyncset.done $0x0  }
0x245: {  	[sflag:s23] =	ssyncadd.s32 $0xFFFFC000  }
0x246: {  	_ =	swait.ge [sflag:s26], $0x4000  }
0x247: {  	[sflag:s26] =	ssyncset.done $0x0  }
0x248: {  	s30 =	simm.s32 $0x380;
	[sflag:s26] =	ssyncadd.s32 $0xFFFFC000  }
0x249: {  	[tilespmem:s28], [sflag:$0x2] =	stream.indirect.gather [hbm4b:s4+s25], $0x80, s30, s25, $0xb8;
	[tilespmem:$0x1D000] =	vst v63  }
0x24a: {  	s14 =	simm.s32 $0xB00  }
0x24b: {  	[spmem:s1] =	stream.indirect.scatter.add.f32 [tilespmem:s22], [sflag:$0x3], $0x80, s14, s25, $0xb8;
	[tilespmem:$0x1D000] =	vst v63  }
0x24c: {  	_ =	swait.ge [sflag:s23], $0x4000  }
0x24d: {  	[sflag:s23] =	ssyncset.done $0x0  }
0x24e: {  	[sflag:s23] =	ssyncadd.s32 $0xFFFFC000  }
0x24f: {  	_ =	swait.ge [sflag:s29], $0x4000  }
0x250: {  	[sflag:s29] =	ssyncset.done $0x0  }
0x251: {  	s0 =	simm.s32 $0x400;
	[sflag:s29] =	ssyncadd.s32 $0xFFFFC000  }
0x252: {  	[tilespmem:s22], [sflag:$0x1] =	stream.indirect.gather [hbm4b:s4+s25], $0x80, s0, s25, $0xb8;
	[tilespmem:$0x1D000] =	vst v63  }
0x253: {  	s3 =	simm.s32 $0xB80  }
0x254: {  	[spmem:s1] =	stream.indirect.scatter.add.f32 [tilespmem:s28], [sflag:$0x3], $0x80, s3, s25, $0xb8;
	[tilespmem:$0x1D000] =	vst v63  }
0x255: {  	_ =	swait.ge [sflag:s23], $0x4000  }
0x256: {  	[sflag:s23] =	ssyncset.done $0x0  }
0x257: {  	[sflag:s23] =	ssyncadd.s32 $0xFFFFC000  }
0x258: {  	_ =	swait.ge [sflag:s26], $0x4000  }
0x259: {  	[sflag:s26] =	ssyncset.done $0x0  }
0x25a: {  	s15 =	simm.s32 $0x480;
	[sflag:s26] =	ssyncadd.s32 $0xFFFFC000  }
0x25b: {  	[tilespmem:s28], [sflag:$0x2] =	stream.indirect.gather [hbm4b:s4+s25], $0x80, s15, s25, $0xb8;
	[tilespmem:$0x1D000] =	vst v63  }
0x25c: {  	s20 =	simm.s32 $0xC00  }
0x25d: {  	[spmem:s1] =	stream.indirect.scatter.add.f32 [tilespmem:s22], [sflag:$0x3], $0x80, s20, s25, $0xb8;
	[tilespmem:$0x1D000] =	vst v63  }
0x25e: {  	_ =	swait.ge [sflag:s23], $0x4000  }
0x25f: {  	[sflag:s23] =	ssyncset.done $0x0  }
0x260: {  	[sflag:s23] =	ssyncadd.s32 $0xFFFFC000  }
0x261: {  	_ =	swait.ge [sflag:s29], $0x4000  }
0x262: {  	[sflag:s29] =	ssyncset.done $0x0  }
0x263: {  	s20 =	simm.s32 $0x500;
	[sflag:s29] =	ssyncadd.s32 $0xFFFFC000  }
0x264: {  	[tilespmem:s22], [sflag:$0x1] =	stream.indirect.gather [hbm4b:s4+s25], $0x80, s20, s25, $0xb8;
	[tilespmem:$0x1D000] =	vst v63  }
0x265: {  	s8 =	simm.s32 $0xC80  }
0x266: {  	[spmem:s1] =	stream.indirect.scatter.add.f32 [tilespmem:s28], [sflag:$0x3], $0x80, s8, s25, $0xb8;
	[tilespmem:$0x1D000] =	vst v63  }
0x267: {  	_ =	swait.ge [sflag:s23], $0x4000  }
0x268: {  	[sflag:s23] =	ssyncset.done $0x0  }
0x269: {  	[sflag:s23] =	ssyncadd.s32 $0xFFFFC000  }
0x26a: {  	_ =	swait.ge [sflag:s26], $0x4000  }
0x26b: {  	[sflag:s26] =	ssyncset.done $0x0  }
0x26c: {  	s8 =	simm.s32 $0x580;
	[sflag:s26] =	ssyncadd.s32 $0xFFFFC000  }
0x26d: {  	[tilespmem:s28], [sflag:$0x2] =	stream.indirect.gather [hbm4b:s4+s25], $0x80, s8, s25, $0xb8;
	[tilespmem:$0x1D000] =	vst v63  }
0x26e: {  	s24 =	simm.s32 $0xD00  }
0x26f: {  	[spmem:s1] =	stream.indirect.scatter.add.f32 [tilespmem:s22], [sflag:$0x3], $0x80, s24, s25, $0xb8;
	[tilespmem:$0x1D000] =	vst v63  }
0x270: {  	_ =	swait.ge [sflag:s23], $0x4000  }
0x271: {  	[sflag:s23] =	ssyncset.done $0x0  }
0x272: {  	[sflag:s23] =	ssyncadd.s32 $0xFFFFC000  }
0x273: {  	_ =	swait.ge [sflag:s29], $0x4000  }
0x274: {  	[sflag:s29] =	ssyncset.done $0x0  }
0x275: {  	s7 =	simm.s32 $0x600;
	[sflag:s29] =	ssyncadd.s32 $0xFFFFC000  }
0x276: {  	[tilespmem:s22], [sflag:$0x1] =	stream.indirect.gather [hbm4b:s4+s25], $0x80, s7, s25, $0xb8;
	[tilespmem:$0x1D000] =	vst v63  }
0x277: {  	s31 =	simm.s32 $0xD80  }
0x278: {  	[spmem:s1] =	stream.indirect.scatter.add.f32 [tilespmem:s28], [sflag:$0x3], $0x80, s31, s25, $0xb8;
	[tilespmem:$0x1D000] =	vst v63  }
0x279: {  	_ =	swait.ge [sflag:s23], $0x4000  }
0x27a: {  	[sflag:s23] =	ssyncset.done $0x0  }
0x27b: {  	[sflag:s23] =	ssyncadd.s32 $0xFFFFC000  }
0x27c: {  	_ =	swait.ge [sflag:s26], $0x4000  }
0x27d: {  	[sflag:s26] =	ssyncset.done $0x0  }
0x27e: {  	s9 =	simm.s32 $0x680;
	[sflag:s26] =	ssyncadd.s32 $0xFFFFC000  }
0x27f: {  	[tilespmem:s28], [sflag:$0x2] =	stream.indirect.gather [hbm4b:s4+s25], $0x80, s9, s25, $0xb8;
	[tilespmem:$0x1D000] =	vst v63  }
0x280: {  	s11 =	simm.s32 $0xE00  }
0x281: {  	[spmem:s1] =	stream.indirect.scatter.add.f32 [tilespmem:s22], [sflag:$0x3], $0x80, s11, s25, $0xb8;
	[tilespmem:$0x1D000] =	vst v63  }
0x282: {  	_ =	swait.ge [sflag:s23], $0x4000  }
0x283: {  	[sflag:s23] =	ssyncset.done $0x0  }
0x284: {  	[sflag:s23] =	ssyncadd.s32 $0xFFFFC000  }
0x285: {  	_ =	swait.ge [sflag:s29], $0x4000  }
0x286: {  	[sflag:s29] =	ssyncset.done $0x0  }
0x287: {  	s12 =	simm.s32 $0x700;
	[sflag:s29] =	ssyncadd.s32 $0xFFFFC000  }
0x288: {  	[tilespmem:s22], [sflag:$0x1] =	stream.indirect.gather [hbm4b:s4+s25], $0x80, s12, s25, $0xb8;
	[tilespmem:$0x1D000] =	vst v63  }
0x289: {  	s12 =	simm.s32 $0xE80  }
0x28a: {  	[spmem:s1] =	stream.indirect.scatter.add.f32 [tilespmem:s28], [sflag:$0x3], $0x80, s12, s25, $0xb8;
	[tilespmem:$0x1D000] =	vst v63  }
0x28b: {  	_ =	swait.ge [sflag:s23], $0x4000  }
0x28c: {  	[sflag:s23] =	ssyncset.done $0x0  }
0x28d: {  	[sflag:s23] =	ssyncadd.s32 $0xFFFFC000  }
0x28e: {  	_ =	swait.ge [sflag:s26], $0x4000  }
0x28f: {  	[sflag:s26] =	ssyncset.done $0x0  }
0x290: {  	s13 =	simm.s32 $0x780;
	[sflag:s26] =	ssyncadd.s32 $0xFFFFC000  }
0x291: {  	[tilespmem:s28], [sflag:$0x2] =	stream.indirect.gather [hbm4b:s4+s25], $0x80, s13, s25, $0xb8;
	[tilespmem:$0x1D000] =	vst v63  }
0x292: {  	s13 =	simm.s32 $0xF00  }
0x293: {  	[spmem:s1] =	stream.indirect.scatter.add.f32 [tilespmem:s22], [sflag:$0x3], $0x80, s13, s25, $0xb8;
	[tilespmem:$0x1D000] =	vst v63  }
0x294: {  	_ =	swait.ge [sflag:s23], $0x4000  }
0x295: {  	[sflag:s23] =	ssyncset.done $0x0  }
0x296: {  	[sflag:s23] =	ssyncadd.s32 $0xFFFFC000  }
0x297: {  	_ =	swait.ge [sflag:s29], $0x4000  }
0x298: {  	[sflag:s29] =	ssyncset.done $0x0  }
0x299: {  	s11 =	simm.s32 $0xF80;
	[sflag:s29] =	ssyncadd.s32 $0xFFFFC000  }
0x29a: {  	[spmem:s1] =	stream.indirect.scatter.add.f32 [tilespmem:s28], [sflag:$0x3], $0x80, s11, s25, $0xb8;
	[tilespmem:$0x1D000] =	vst v63  }
0x29b: {  	_ =	swait.ge [sflag:s23], $0x4000  }
0x29c: {  	[sflag:s23] =	ssyncset.done $0x0  }
0x29d: {  	s11 =	rddreg [dreg:$0x11];
	[sflag:s23] =	ssyncadd.s32 $0xFFFFC000  }
0x29e: {  	[tilespmem:s5], [sflag:$0x3] =	stream.linear.gather [hbm4b:s11+s5], $0x800, $0x38;
	[tilespmem:$0x1D000] =	vst v63  }
0x29f: {  	_ =	swait.ge [sflag:s23], $0x800  }
0x2a0: {  	[sflag:s23] =	ssyncset.done $0x0  }
0x2a1: {  	s11 =	rddreg [dreg:$0x12];
	[sflag:s23] =	ssyncadd.s32 $0xFFFFF800  }
0x2a2: {  	[tilespmem:s2], [sflag:$0x3] =	stream.linear.gather [hbm4b:s11+s5], $0x800, $0x38;
	[tilespmem:$0x1D000] =	vst v63  }
0x2a3: {  	_ =	swait.ge [sflag:s23], $0x800  }
0x2a4: {  	[sflag:s23] =	ssyncset.done $0x0  }
0x2a5: {  	[sflag:s23] =	ssyncadd.s32 $0xFFFFF800  }
0x2a6: {  	[tilespmem:s22], [sflag:$0x1] =	stream.indirect.gather [hbm4b:s4+s25], $0x80, s5, s25, $0xb8;
	[tilespmem:$0x1D000] =	vst v63  }
0x2a7: {  	_ =	swait.ge [sflag:s26], $0x4000  }
0x2a8: {  	[sflag:s26] =	ssyncset.done $0x0  }
0x2a9: {  	[sflag:s26] =	ssyncadd.s32 $0xFFFFC000  }
0x2aa: {  	[tilespmem:s28], [sflag:$0x2] =	stream.indirect.gather [hbm4b:s4+s25], $0x80, s25, s25, $0xb8;
	[tilespmem:$0x1D000] =	vst v63  }
0x2ab: {  	_ = 	snop  }
0x2ac: {  	[spmem:s1] =	stream.indirect.scatter.add.f32 [tilespmem:s22], [sflag:$0x3], $0x80, s2, s25, $0xb8;
	[tilespmem:$0x1D000] =	vst v63  }
0x2ad: {  	_ =	swait.ge [sflag:s23], $0x4000  }
0x2ae: {  	[sflag:s23] =	ssyncset.done $0x0  }
0x2af: {  	[sflag:s23] =	ssyncadd.s32 $0xFFFFC000  }
0x2b0: {  	_ =	swait.ge [sflag:s29], $0x4000  }
0x2b1: {  	[sflag:s29] =	ssyncset.done $0x0  }
0x2b2: {  	s11 =	simm.s32 $0x100;
	[sflag:s29] =	ssyncadd.s32 $0xFFFFC000  }
0x2b3: {  	[tilespmem:s22], [sflag:$0x1] =	stream.indirect.gather [hbm4b:s4+s25], $0x80, s11, s25, $0xb8;
	[tilespmem:$0x1D000] =	vst v63  }
0x2b4: {  	s11 =	simm.s32 $0x880  }
0x2b5: {  	[spmem:s1] =	stream.indirect.scatter.add.f32 [tilespmem:s28], [sflag:$0x3], $0x80, s11, s25, $0xb8;
	[tilespmem:$0x1D000] =	vst v63  }
0x2b6: {  	_ =	swait.ge [sflag:s23], $0x4000  }
0x2b7: {  	[sflag:s23] =	ssyncset.done $0x0  }
0x2b8: {  	[sflag:s23] =	ssyncadd.s32 $0xFFFFC000  }
0x2b9: {  	_ =	swait.ge [sflag:s26], $0x4000  }
0x2ba: {  	[sflag:s26] =	ssyncset.done $0x0  }
0x2bb: {  	s11 =	simm.s32 $0x180;
	[sflag:s26] =	ssyncadd.s32 $0xFFFFC000  }
0x2bc: {  	[tilespmem:s28], [sflag:$0x2] =	stream.indirect.gather [hbm4b:s4+s25], $0x80, s11, s25, $0xb8;
	[tilespmem:$0x1D000] =	vst v63  }
0x2bd: {  	s11 =	simm.s32 $0x900  }
0x2be: {  	[spmem:s1] =	stream.indirect.scatter.add.f32 [tilespmem:s22], [sflag:$0x3], $0x80, s11, s25, $0xb8;
	[tilespmem:$0x1D000] =	vst v63  }
0x2bf: {  	_ =	swait.ge [sflag:s23], $0x4000  }
0x2c0: {  	[sflag:s23] =	ssyncset.done $0x0  }
0x2c1: {  	[sflag:s23] =	ssyncadd.s32 $0xFFFFC000  }
0x2c2: {  	_ =	swait.ge [sflag:s29], $0x4000  }
0x2c3: {  	[sflag:s29] =	ssyncset.done $0x0  }
0x2c4: {  	s11 =	simm.s32 $0x200;
	[sflag:s29] =	ssyncadd.s32 $0xFFFFC000  }
0x2c5: {  	[tilespmem:s22], [sflag:$0x1] =	stream.indirect.gather [hbm4b:s4+s25], $0x80, s11, s25, $0xb8;
	[tilespmem:$0x1D000] =	vst v63  }
0x2c6: {  	s11 =	simm.s32 $0x980  }
0x2c7: {  	[spmem:s1] =	stream.indirect.scatter.add.f32 [tilespmem:s28], [sflag:$0x3], $0x80, s11, s25, $0xb8;
	[tilespmem:$0x1D000] =	vst v63  }
0x2c8: {  	_ =	swait.ge [sflag:s23], $0x4000  }
0x2c9: {  	[sflag:s23] =	ssyncset.done $0x0  }
0x2ca: {  	[sflag:s23] =	ssyncadd.s32 $0xFFFFC000  }
0x2cb: {  	_ =	swait.ge [sflag:s26], $0x4000  }
0x2cc: {  	[sflag:s26] =	ssyncset.done $0x0  }
0x2cd: {  	s17 =	simm.s32 $0x280;
	[sflag:s26] =	ssyncadd.s32 $0xFFFFC000  }
0x2ce: {  	[tilespmem:s28], [sflag:$0x2] =	stream.indirect.gather [hbm4b:s4+s25], $0x80, s17, s25, $0xb8;
	[tilespmem:$0x1D000] =	vst v63  }
0x2cf: {  	s6 =	simm.s32 $0xA00  }
0x2d0: {  	[spmem:s1] =	stream.indirect.scatter.add.f32 [tilespmem:s22], [sflag:$0x3], $0x80, s6, s25, $0xb8;
	[tilespmem:$0x1D000] =	vst v63  }
0x2d1: {  	_ =	swait.ge [sflag:s23], $0x4000  }
0x2d2: {  	[sflag:s23] =	ssyncset.done $0x0  }
0x2d3: {  	[sflag:s23] =	ssyncadd.s32 $0xFFFFC000  }
0x2d4: {  	_ =	swait.ge [sflag:s29], $0x4000  }
0x2d5: {  	[sflag:s29] =	ssyncset.done $0x0  }
0x2d6: {  	s11 =	simm.s32 $0x300;
	[sflag:s29] =	ssyncadd.s32 $0xFFFFC000  }
0x2d7: {  	[tilespmem:s22], [sflag:$0x1] =	stream.indirect.gather [hbm4b:s4+s25], $0x80, s11, s25, $0xb8;
	[tilespmem:$0x1D000] =	vst v63  }
0x2d8: {  	s18 =	simm.s32 $0xA80  }
0x2d9: {  	[spmem:s1] =	stream.indirect.scatter.add.f32 [tilespmem:s28], [sflag:$0x3], $0x80, s18, s25, $0xb8;
	[tilespmem:$0x1D000] =	vst v63  }
0x2da: {  	_ =	swait.ge [sflag:s23], $0x4000  }
0x2db: {  	[sflag:s23] =	ssyncset.done $0x0  }
0x2dc: {  	[sflag:s23] =	ssyncadd.s32 $0xFFFFC000  }
0x2dd: {  	_ =	swait.ge [sflag:s26], $0x4000  }
0x2de: {  	[sflag:s26] =	ssyncset.done $0x0  }
0x2df: {  	s19 =	simm.s32 $0x380;
	[sflag:s26] =	ssyncadd.s32 $0xFFFFC000  }
0x2e0: {  	[tilespmem:s28], [sflag:$0x2] =	stream.indirect.gather [hbm4b:s4+s25], $0x80, s19, s25, $0xb8;
	[tilespmem:$0x1D000] =	vst v63  }
0x2e1: {  	s21 =	simm.s32 $0xB00  }
0x2e2: {  	[spmem:s1] =	stream.indirect.scatter.add.f32 [tilespmem:s22], [sflag:$0x3], $0x80, s21, s25, $0xb8;
	[tilespmem:$0x1D000] =	vst v63  }
0x2e3: {  	_ =	swait.ge [sflag:s23], $0x4000  }
0x2e4: {  	[sflag:s23] =	ssyncset.done $0x0  }
0x2e5: {  	[sflag:s23] =	ssyncadd.s32 $0xFFFFC000  }
0x2e6: {  	_ =	swait.ge [sflag:s29], $0x4000  }
0x2e7: {  	[sflag:s29] =	ssyncset.done $0x0  }
0x2e8: {  	s16 =	simm.s32 $0x400;
	[sflag:s29] =	ssyncadd.s32 $0xFFFFC000  }
0x2e9: {  	[tilespmem:s22], [sflag:$0x1] =	stream.indirect.gather [hbm4b:s4+s25], $0x80, s16, s25, $0xb8;
	[tilespmem:$0x1D000] =	vst v63  }
0x2ea: {  	s0 =	simm.s32 $0xB80  }
0x2eb: {  	[spmem:s1] =	stream.indirect.scatter.add.f32 [tilespmem:s28], [sflag:$0x3], $0x80, s0, s25, $0xb8;
	[tilespmem:$0x1D000] =	vst v63  }
0x2ec: {  	_ =	swait.ge [sflag:s23], $0x4000  }
0x2ed: {  	[sflag:s23] =	ssyncset.done $0x0  }
0x2ee: {  	[sflag:s23] =	ssyncadd.s32 $0xFFFFC000  }
0x2ef: {  	_ =	swait.ge [sflag:s26], $0x4000  }
0x2f0: {  	[sflag:s26] =	ssyncset.done $0x0  }
0x2f1: {  	s15 =	simm.s32 $0x480;
	[sflag:s26] =	ssyncadd.s32 $0xFFFFC000  }
0x2f2: {  	[tilespmem:s28], [sflag:$0x2] =	stream.indirect.gather [hbm4b:s4+s25], $0x80, s15, s25, $0xb8;
	[tilespmem:$0x1D000] =	vst v63  }
0x2f3: {  	s30 =	simm.s32 $0xC00  }
0x2f4: {  	[spmem:s1] =	stream.indirect.scatter.add.f32 [tilespmem:s22], [sflag:$0x3], $0x80, s30, s25, $0xb8;
	[tilespmem:$0x1D000] =	vst v63  }
0x2f5: {  	_ =	swait.ge [sflag:s23], $0x4000  }
0x2f6: {  	[sflag:s23] =	ssyncset.done $0x0  }
0x2f7: {  	[sflag:s23] =	ssyncadd.s32 $0xFFFFC000  }
0x2f8: {  	_ =	swait.ge [sflag:s29], $0x4000  }
0x2f9: {  	[sflag:s29] =	ssyncset.done $0x0  }
0x2fa: {  	s17 =	simm.s32 $0x500;
	[sflag:s29] =	ssyncadd.s32 $0xFFFFC000  }
0x2fb: {  	[tilespmem:s22], [sflag:$0x1] =	stream.indirect.gather [hbm4b:s4+s25], $0x80, s17, s25, $0xb8;
	[tilespmem:$0x1D000] =	vst v63  }
0x2fc: {  	s20 =	simm.s32 $0xC80  }
0x2fd: {  	[spmem:s1] =	stream.indirect.scatter.add.f32 [tilespmem:s28], [sflag:$0x3], $0x80, s20, s25, $0xb8;
	[tilespmem:$0x1D000] =	vst v63  }
0x2fe: {  	_ =	swait.ge [sflag:s23], $0x4000  }
0x2ff: {  	[sflag:s23] =	ssyncset.done $0x0  }
0x300: {  	[sflag:s23] =	ssyncadd.s32 $0xFFFFC000  }
0x301: {  	_ =	swait.ge [sflag:s26], $0x4000  }
0x302: {  	[sflag:s26] =	ssyncset.done $0x0  }
0x303: {  	s18 =	simm.s32 $0x580;
	[sflag:s26] =	ssyncadd.s32 $0xFFFFC000  }
0x304: {  	[tilespmem:s28], [sflag:$0x2] =	stream.indirect.gather [hbm4b:s4+s25], $0x80, s18, s25, $0xb8;
	[tilespmem:$0x1D000] =	vst v63  }
0x305: {  	s14 =	simm.s32 $0xD00  }
0x306: {  	[spmem:s1] =	stream.indirect.scatter.add.f32 [tilespmem:s22], [sflag:$0x3], $0x80, s14, s25, $0xb8;
	[tilespmem:$0x1D000] =	vst v63  }
0x307: {  	_ =	swait.ge [sflag:s23], $0x4000  }
0x308: {  	[sflag:s23] =	ssyncset.done $0x0  }
0x309: {  	[sflag:s23] =	ssyncadd.s32 $0xFFFFC000  }
0x30a: {  	_ =	swait.ge [sflag:s29], $0x4000  }
0x30b: {  	[sflag:s29] =	ssyncset.done $0x0  }
0x30c: {  	s3 =	simm.s32 $0x600;
	[sflag:s29] =	ssyncadd.s32 $0xFFFFC000  }
0x30d: {  	[tilespmem:s22], [sflag:$0x1] =	stream.indirect.gather [hbm4b:s4+s25], $0x80, s3, s25, $0xb8;
	[tilespmem:$0x1D000] =	vst v63  }
0x30e: {  	s24 =	simm.s32 $0xD80  }
0x30f: {  	[spmem:s1] =	stream.indirect.scatter.add.f32 [tilespmem:s28], [sflag:$0x3], $0x80, s24, s25, $0xb8;
	[tilespmem:$0x1D000] =	vst v63  }
0x310: {  	_ =	swait.ge [sflag:s23], $0x4000  }
0x311: {  	[sflag:s23] =	ssyncset.done $0x0  }
0x312: {  	[sflag:s23] =	ssyncadd.s32 $0xFFFFC000  }
0x313: {  	_ =	swait.ge [sflag:s26], $0x4000  }
0x314: {  	[sflag:s26] =	ssyncset.done $0x0  }
0x315: {  	s7 =	simm.s32 $0x680;
	[sflag:s26] =	ssyncadd.s32 $0xFFFFC000  }
0x316: {  	[tilespmem:s28], [sflag:$0x2] =	stream.indirect.gather [hbm4b:s4+s25], $0x80, s7, s25, $0xb8;
	[tilespmem:$0x1D000] =	vst v63  }
0x317: {  	s31 =	simm.s32 $0xE00  }
0x318: {  	[spmem:s1] =	stream.indirect.scatter.add.f32 [tilespmem:s22], [sflag:$0x3], $0x80, s31, s25, $0xb8;
	[tilespmem:$0x1D000] =	vst v63  }
0x319: {  	_ =	swait.ge [sflag:s23], $0x4000  }
0x31a: {  	[sflag:s23] =	ssyncset.done $0x0  }
0x31b: {  	[sflag:s23] =	ssyncadd.s32 $0xFFFFC000  }
0x31c: {  	_ =	swait.ge [sflag:s29], $0x4000  }
0x31d: {  	[sflag:s29] =	ssyncset.done $0x0  }
0x31e: {  	s8 =	simm.s32 $0x700;
	[sflag:s29] =	ssyncadd.s32 $0xFFFFC000  }
0x31f: {  	[tilespmem:s22], [sflag:$0x1] =	stream.indirect.gather [hbm4b:s4+s25], $0x80, s8, s25, $0xb8;
	[tilespmem:$0x1D000] =	vst v63  }
0x320: {  	s12 =	simm.s32 $0xE80  }
0x321: {  	[spmem:s1] =	stream.indirect.scatter.add.f32 [tilespmem:s28], [sflag:$0x3], $0x80, s12, s25, $0xb8;
	[tilespmem:$0x1D000] =	vst v63  }
0x322: {  	_ =	swait.ge [sflag:s23], $0x4000  }
0x323: {  	[sflag:s23] =	ssyncset.done $0x0  }
0x324: {  	[sflag:s23] =	ssyncadd.s32 $0xFFFFC000  }
0x325: {  	_ =	swait.ge [sflag:s26], $0x4000  }
0x326: {  	[sflag:s26] =	ssyncset.done $0x0  }
0x327: {  	s9 =	simm.s32 $0x780;
	[sflag:s26] =	ssyncadd.s32 $0xFFFFC000  }
0x328: {  	[tilespmem:s28], [sflag:$0x2] =	stream.indirect.gather [hbm4b:s4+s25], $0x80, s9, s25, $0xb8;
	[tilespmem:$0x1D000] =	vst v63  }
0x329: {  	s13 =	simm.s32 $0xF00  }
0x32a: {  	[spmem:s1] =	stream.indirect.scatter.add.f32 [tilespmem:s22], [sflag:$0x3], $0x80, s13, s25, $0xb8;
	[tilespmem:$0x1D000] =	vst v63  }
0x32b: {  	_ =	swait.ge [sflag:s23], $0x4000  }
0x32c: {  	[sflag:s23] =	ssyncset.done $0x0  }
0x32d: {  	[sflag:s23] =	ssyncadd.s32 $0xFFFFC000  }
0x32e: {  	_ =	swait.ge [sflag:s29], $0x4000  }
0x32f: {  	[sflag:s29] =	ssyncset.done $0x0  }
0x330: {  	s19 =	simm.s32 $0xF80;
	[sflag:s29] =	ssyncadd.s32 $0xFFFFC000  }
0x331: {  	[spmem:s1] =	stream.indirect.scatter.add.f32 [tilespmem:s28], [sflag:$0x3], $0x80, s19, s25, $0xb8;
	[tilespmem:$0x1D000] =	vst v63  }
0x332: {  	_ =	swait.ge [sflag:s23], $0x4000  }
0x333: {  	[sflag:s23] =	ssyncset.done $0x0  }
0x334: {  	[sflag:s23] =	ssyncadd.s32 $0xFFFFC000  }
0x335: {  	s20 =	stileid.u32;
	[bflag:$0x0] =	sbarrier.arrive $0xFFFF  }
0x336: {  	s11 =	sshll.u32 s20, $0x6;
	s21 =	rddreg [dreg:$0x4]  }
0x337: {  	s11 =	sor.u32 $0x1C03, s11;
	s30 =	rddreg [dreg:$0x13];
	s24 =	sshrl.u32 s21, $0x3  }
0x338: {  	[hbm:s30], [sflag:s11] =	dma.local [spmem:s24], $0x2800  }
0x339: {  	_ =	swait.ge [sflag:s23], $0x2800  }
0x33a: {  	s10 =	sadd.s32 $0x1, s10;
	s31 =	rddreg [dreg:$0x14]  }
0x33b: {  	p0 =	sne.s32 s10, s31  }
.Ltmp1:
0x33c: {  	_ = 	snop;
	(pc) =	sbr.rel @p0 .LBB2_1-.Ltmp1, $3  }
0x33d: {  	_ =	sdelay $0x1  }
0x33e: {  	[sflag:s23] =	ssyncset.done $0x0  }
0x33f: {  	[sflag:s23] =	ssyncadd.s32 $0xFFFFD800  }
0x340: {  	_ =	sfence.sel $0x180000  }
0x341: {  	[bflag:$0x0] =	sbarrier.arrive $0xFFFF  }
0x342: {  	_ =	strace $0x9000004D  }
0x343: {  	s0 =	stileid.u32;
	[bflag:$0x2] =	sbarrier.arrive $0xFFFF  }
0x344: {  	p0 =	sne.s32 s0, $0x0;
	s0 =	rddreg [dreg:$0x3]  }
0x345: {  	s0 =	sadd.s32 @!p0 $0x100000, s0  }
0x346: {  	[sflag:s0] =	ssyncadd.tile.s32 @!p0 $0x1;
	_ =	shalt  }
.Lfunc_end2:
_tile_overlayer_lowered:
.L_overlay_start_2:
0x347: {  	(tag) =	ssettag $0x2  }
0x348: {  	s0 =	rddreg [dreg:$0x0];
	s2 =	stileid.u32  }
0x349: {  	s1 =	rddreg [dreg:$0x1];
	p0 =	sne.s32 s2, $0x0  }
0x34a: {  	s3 =	rddreg [dreg:$0x2];
	[bflag:$0x3] =	sbarrier.arrive $0xFFFF;
	s2 =	simm.s32 @!p0 $0x1C03  }
0x34b: {  	[timem:s3], [sflag:s2] =	dma.local @!p0 [hbm:s0], s1  }
0x34c: {  	s0 =	simm.s32 @!p0 $0x3  }
0x34d: {  	_ =	swait.ge @!p0 [sflag:s0], s1  }
0x34e: {  	s1 =	ssub.s32 @!p0 $0x0, s1;
	[sflag:s0] =	ssyncset.done @!p0 $0x0  }
0x34f: {  	[sflag:s0] =	ssyncadd.s32 @!p0 s1  }
0x350: {  	[bflag:$0x3] =	sbarrier.arrive $0xFFFF  }
0x351: {  	_ =	shalt  }

// kernel: kernel.8.cloned.1.call-start
scs
__scs_entry_jumppad:
0x0: {  	(pc) =	sbr.rel $0x88, $3  }
0x1: {  	(tag) =	ssettag $0x0;
	lr =	simm.s32 $0x1  }
0x2: {  	[smem:$0x3F9B] =	sst lr;
	_ =	strace $0xD0000000  }
0x3: {  	_ = 	snop  }
0x4: {  	_ = 	snop  }
0x5: {  	_ = 	snop  }
0x6: {  	_ = 	snop  }
0x7: {  	_ = 	snop  }
__scs_overlays_trampoline_lowered:
0x8: {  	[smem:$0x3FAA] =	sst s0  }
0x9: {  	[smem:$0x3FAB] =	sst s1  }
0xa: {  	[smem:$0x3FAC] =	sst s2  }
0xb: {  	[smem:$0x3FAD] =	sst s3  }
0xc: {  	[smem:$0x3FAE] =	sst s4  }
0xd: {  	[smem:$0x3FAF] =	sst s5  }
0xe: {  	[smem:$0x3FB0] =	sst s6  }
0xf: {  	[smem:$0x3FB1] =	sst s7  }
0x10: {  	[smem:$0x3FB2] =	sst s8  }
0x11: {  	[smem:$0x3FB3] =	sst s9;
	s0 =	simm.s32 @!p0 $0x0  }
0x12: {  	s1 =	sld [smem:$0x3F99];
	s0 =	simm.s32 @p0 $0x1  }
0x13: {  	[smem:$0x3FB4] =	sst s0;
	s0 =	simm.s32 @!p1 $0x0  }
0x14: {  	s2 =	sld [smem:$0x3F98];
	s0 =	simm.s32 @p1 $0x1  }
0x15: {  	[smem:$0x3FB5] =	sst s0;
	s0 =	simm.s32 @!p2 $0x0  }
0x16: {  	s3 =	sld [smem:$0x3FDB];
	s0 =	simm.s32 @p2 $0x1  }
0x17: {  	s4 =	simm.s32 $0x1BF5;
	[smem:$0x3FB7] =	sst s0  }
0x18: {  	s0 =	sld [smem:$0x3F9A];
	_ =	swait.ge [sflag:s4], $0x0  }
0x19: {  	s7 =	sld [smem:$0x3F9B]  }
0x1a: {  	s8 =	sadd.s32 $0xFFFFE003, lr  }
0x1b: {  	s9 =	sadd.s32 $0xFFFFFEF7, lr;
	s5 =	simm.s32 $0xFFFFFFFF;
	p2 =	slt.u32 s8, $0xFFFFF086  }
0x1c: {  	p1 =	slt.u32 s9, $0xF7A;
	s5 =	simm.s32 @!p2 $0x0  }
0x1d: {  	s5 =	simm.s32 @p1 $0x1;
	p0 =	seq.s32 s7, s2  }
0x1e: {  	s7 =	smul.u32 @!p0 $0xF7A, s2;
	p2 =	seq.s32 @!p0 s5, $0x0  }
0x1f: {  	s9 =	smul.u32 $0xF7A, s1;
	s8 =	simm.s32 @!p0 $0x1BF5;
	p2 =	por !p2, p0  }
0x20: {  	[sflag:s8] =	ssyncset.s32 @!p0 $0xFFFFF086;
	s6 =	sadd.s32 @!p0 s3, s7;
	s7 =	simm.s32 @!p0 $0x108  }
0x21: {  	s3 =	sadd.s32 s3, s9;
	s6 =	sadd.s32 @!p0 $0x88, s6;
	s7 =	simm.s32 @p2 $0x1082  }
0x22: {  	[simem:s7], [sflag:s8] =	dma.local @!p0 [hbm:s6], $0xF7A  }
0x23: {  	s9 =	sor.u32 $0xD0000000, s2;
	s6 =	simm.s32 $0x108;
	_ =	swait.ge @!p0 [sflag:s8], $0x0  }
0x24: {  	s3 =	sadd.s32 $0x88, s3;
	s6 =	simm.s32 @!p1 $0x1082;
	[sflag:s4] =	ssyncset.s32 $0xFFFFF086  }
0x25: {  	[simem:s6], [sflag:s4] =	dma.local [hbm:s3], $0xF7A  }
0x26: {  	[smem:$0x3F9B] =	sst s1;
	(tag) =	ssettag s2;
	_ =	strace s9  }
0x27: {  	s1 =	sld [smem:$0x3FAB]  }
0x28: {  	s2 =	sld [smem:$0x3FAC]  }
0x29: {  	s4 =	sld [smem:$0x3FAE]  }
0x2a: {  	p0 =	seq.s32 s5, $0x0;
	s5 =	sld [smem:$0x3FAF]  }
0x2b: {  	s6 =	sld [smem:$0x3FB0]  }
0x2c: {  	s7 =	sld [smem:$0x3FB1]  }
0x2d: {  	s3 =	simm.s32 $0x108;
	s8 =	sld [smem:$0x3FB2]  }
0x2e: {  	s3 =	simm.s32 @!p0 $0x1082;
	s9 =	sld [smem:$0x3FB3]  }
0x2f: {  	lr =	sadd.s32 s0, s3;
	s0 =	sld [smem:$0x3FAA]  }
0x30: {  	s3 =	sld [smem:$0x3FAD]  }
0x31: {  	[smem:$0x3FB6] =	sst s10  }
0x32: {  	s10 =	sld [smem:$0x3FB4];
	_ =	sdelay $0x3  }
0x33: {  	p0 =	seq.s32 s10, $0x1;
	s10 =	sld [smem:$0x3FB6];
	_ =	sdelay $0x3  }
0x34: {  	[smem:$0x3FB6] =	sst s10  }
0x35: {  	s10 =	sld [smem:$0x3FB5];
	_ =	sdelay $0x3  }
0x36: {  	p1 =	seq.s32 s10, $0x1;
	s10 =	sld [smem:$0x3FB6];
	_ =	sdelay $0x3  }
0x37: {  	[smem:$0x3FB6] =	sst s10  }
0x38: {  	s10 =	sld [smem:$0x3FB7]  }
0x39: {  	_ = 	snop;
	(pc) =	sbr.ind lr, $3  }
0x3a: {  	_ = 	snop  }
0x3b: {  	_ = 	snop  }
0x3c: {  	p2 =	seq.s32 s10, $0x1;
	s10 =	sld [smem:$0x3FB6]  }
0x3d: {  	_ =	shalt  }
0x3e: {  	_ =	shalt  }
0x3f: {  	_ =	shalt  }
0x40: {  	_ =	shalt  }
0x41: {  	_ =	shalt  }
0x42: {  	_ =	shalt  }
0x43: {  	_ =	shalt  }
0x44: {  	_ =	shalt  }
0x45: {  	_ =	shalt  }
0x46: {  	_ =	shalt  }
0x47: {  	_ =	shalt  }
0x48: {  	_ =	shalt  }
0x49: {  	_ =	shalt  }
0x4a: {  	_ =	shalt  }
0x4b: {  	_ =	shalt  }
0x4c: {  	_ =	shalt  }
0x4d: {  	_ =	shalt  }
0x4e: {  	_ =	shalt  }
0x4f: {  	_ =	shalt  }
0x50: {  	_ =	shalt  }
0x51: {  	_ =	shalt  }
0x52: {  	_ =	shalt  }
0x53: {  	_ =	shalt  }
0x54: {  	_ =	shalt  }
0x55: {  	_ =	shalt  }
0x56: {  	_ =	shalt  }
0x57: {  	_ =	shalt  }
0x58: {  	_ =	shalt  }
0x59: {  	_ =	shalt  }
0x5a: {  	_ =	shalt  }
0x5b: {  	_ =	shalt  }
0x5c: {  	_ =	shalt  }
0x5d: {  	_ =	shalt  }
0x5e: {  	_ =	shalt  }
0x5f: {  	_ =	shalt  }
0x60: {  	_ =	shalt  }
0x61: {  	_ =	shalt  }
0x62: {  	_ =	shalt  }
0x63: {  	_ =	shalt  }
0x64: {  	_ =	shalt  }
0x65: {  	_ =	shalt  }
0x66: {  	_ =	shalt  }
0x67: {  	_ =	shalt  }
0x68: {  	_ =	shalt  }
0x69: {  	_ =	shalt  }
0x6a: {  	_ =	shalt  }
0x6b: {  	_ =	shalt  }
0x6c: {  	_ =	shalt  }
0x6d: {  	_ =	shalt  }
0x6e: {  	_ =	shalt  }
0x6f: {  	_ =	shalt  }
0x70: {  	_ =	shalt  }
0x71: {  	_ =	shalt  }
0x72: {  	_ =	shalt  }
0x73: {  	_ =	shalt  }
0x74: {  	_ =	shalt  }
0x75: {  	_ =	shalt  }
0x76: {  	_ =	shalt  }
0x77: {  	_ =	shalt  }
0x78: {  	_ =	shalt  }
0x79: {  	_ =	shalt  }
0x7a: {  	_ =	shalt  }
0x7b: {  	_ =	shalt  }
0x7c: {  	_ =	shalt  }
0x7d: {  	_ =	shalt  }
0x7e: {  	_ =	shalt  }
0x7f: {  	_ =	shalt  }
0x80: {  	_ =	shalt  }
0x81: {  	_ =	shalt  }
0x82: {  	_ =	shalt  }
0x83: {  	_ =	shalt  }
0x84: {  	_ =	shalt  }
0x85: {  	_ =	shalt  }
0x86: {  	_ =	shalt  }
0x87: {  	_ =	shalt  }
.Lfunc_end0:
.L_simem_size_0:
called_computation_lowered:
.L_overlay_start_0:
0x88: {  	s2 =	sld [smem:$0x3FD9]  }
0x89: {  	s3 =	sld [smem:$0x3FFE];
	_ =	sdelay $0x1  }
0x8a: {  	s1 =	srdreg.scid  }
0x8b: {  	s0 =	sand.u32 $0x1, s1  }
0x8c: {  	s17 =	sshll.u32 s0, $0xA;
	s2 =	sadd.s32 s3, s2  }
0x8d: {  	s2 =	sadd.s32 s2, s17  }
0x8e: {  	[smem:$0x3FC2] =	sst s2  }
0x8f: {  	_ = 	snop  }
0x90: {  	s2 =	sld [smem:$0x3FD0];
	(tm) =	ssettm $0x1  }
0x91: {  	s18 =	sld [smem:$0x3FFB];
	_ =	sdelay $0x3  }
0x92: {  	_ =	strace s18  }
0x93: {  	s3 =	sld [smem:$0x3FFC];
	_ =	sdelay $0x3  }
0x94: {  	_ =	strace s3  }
0x95: {  	s3 =	sld [smem:$0x3FFD];
	_ =	sdelay $0x3  }
0x96: {  	_ =	strace s3  }
0x97: {  	_ =	strace $0x8FFFFFFF  }
0x98: {  	s19 =	sld [smem:$0x3FDB];
	_ =	sdelay $0x1  }
0x99: {  	s4 =	simm.s32 $_scs_section_size  }
0x9a: {  	s5 =	simm.s32 $_size__tile_overlayer_lowered;
	s6 =	simm.s32 $_tile_overlayer_lowered  }
0x9b: {  	s22 =	simm.s32 $0x1BFF;
	s21 =	sshll.u32 s6, $0x1;
	s3 =	sadd.s32 s4, s19  }
0x9c: {  	s7 =	simm.s32 $0x0;
	s20 =	sshll.u32 s5, $0x1;
	s5 =	sadd.s32 s21, s3  }
0x9d: {  	[timem:s7], [sflag:s22] =	dma.local [hbm:s5], s20  }
0x9e: {  	_ =	swait.ge [sflag:s22], s20  }
0x9f: {  	s4 =	ssub.s32 $0x0, s20;
	[sflag:s22] =	ssyncset.done $0x0  }
0xa0: {  	[sflag:s22] =	ssyncadd.s32 s4;
	_ =	sdelay $0x1  }
0xa1: {  	s23 =	simm.s32 $0x1B8B  }
0xa2: {  	_ =	swait.ge [sflag:s23], $0x1  }
0xa3: {  	[sflag:s23] =	ssyncset.done $0x0  }
0xa4: {  	s25 =	simm.s32 $0x1B8E;
	s24 =	sld [smem:$0x3FFE];
	[sflag:s23] =	ssyncadd.s32 $0xFFFFFFFF  }
0xa5: {  	s26 =	simm.s32 $execute0_lowered;
	[smem:$0x3FD2] =	sst s25  }
0xa6: {  	s5 =	sshll.u32 s26, $0x1;
	_ =	strace $0x80000046;
	[dreg:$0x1] =	wrdreg $0xFFFFFFFF  }
0xa7: {  	s28 =	simm.s32 $_size_execute0_lowered;
	s3 =	sadd.s32 s3, s5;
	[dreg:$0x0] =	wrdreg $0x0  }
0xa8: {  	s5 =	sshll.u32 s28, $0x1;
	[dreg:$0x2] =	wrdreg s3  }
0xa9: {  	[dreg:$0x3] =	wrdreg s5  }
0xaa: {  	[dreg:$0x4] =	wrdreg $0xC0  }
0xab: {  	_ =	task [dreg:s7], $0x5FFFF  }
0xac: {  	[dreg:$0x1] =	wrdreg $0xFFFFFFFF  }
0xad: {  	[dreg:$0x0] =	wrdreg $0x60  }
0xae: {  	[dreg:$0x2] =	wrdreg s24  }
0xaf: {  	[dreg:$0x3] =	wrdreg s2  }
0xb0: {  	[dreg:$0x4] =	wrdreg $0x9  }
0xb1: {  	_ =	task.clear_ibuf [dreg:s7], $0x5FFFF;
	_ =	strace $0x90000046  }
0xb2: {  	s29 =	simm.s32 $0x9;
	_ =	strace $0x80000048  }
0xb3: {  	_ =	swait.ge [sflag:s29], $0x1  }
0xb4: {  	[sflag:s29] =	ssyncadd.s32 $0xFFFFFFFF  }
0xb5: {  	_ =	strace $0x90000048  }
0xb6: {  	_ =	sfence  }
0xb7: {  	s30 =	sld [smem:$0x0];
	_ =	sdelay $0x2  }
0xb8: {  	s31 =	sshll.u32 s1, $0xD;
	s1 =	sshrl.u32 s1, $0x2  }
0xb9: {  	s3 =	sand.u32 $0x4000, s31;
	s1 =	sadd.s32 s1, s30  }
0xba: {  	s0 =	sor.u32 s3, s0;
	s1 =	sshll.u32 s1, $0x11  }
0xbb: {  	s0 =	sor.u32 s1, s0  }
0xbc: {  	s0 =	sadd.s32 $0x8F2B, s0  }
0xbd: {  	[sflag:s0] =	ssyncadd.remote.s32 $0x1  }
0xbe: {  	_ =	sfence.sel $0xFFFF  }
0xbf: {  	[dreg:$0x0] =	wrdreg $0xFFFFFFFF;
	(pc) =	sbr.abs _section_cstart, $3  }
0xc0: {  	[dreg:$0x1] =	wrdreg $0xFFFFFFFF  }
0xc1: {  	_ =	task.clear_ibuf [dreg:s7], $0x2FFFF;
	_ =	strace $0x9FFFFFFF  }
0xc2: {  	(tm) =	ssettm $0x7FFFFFFF  }
0xc3: {  	_ =	shalt  }
tec
execute0_lowered:
.L_overlay_start_1:
0x0: {  	(tag) =	ssettag $0x1  }
0x1: {  	s1 =	srdreg.scid;
	s3 =	rddreg [dreg:$0x0]  }
0x2: {  	s0 =	stileid.u32;
	s5 =	rddreg [dreg:$0x1];
	s2 =	simm.s32 $0x0  }
0x3: {  	s10 =	simm.s32 $0x5000;
	s4 =	sand.u32 $0x1, s1;
	s30 =	sshll.u32 s0, $0x1  }
0x4: {  	s11 =	simm.s32 $0x7800;
	s12 =	simm.s32 $0x80;
	s6 =	sor.u32 s4, s30  }
0x5: {  	s13 =	simm.s32 $0x100;
	s4 =	ssub.s32 $0x2, s4;
	s7 =	smul.u32 $0x500, s6  }
0x6: {  	[smem:$0x7FF] =	sst s2;
	s6 =	smul.u32 $0xA00, s6;
	s31 =	sshrl.u32 s4, $0x1  }
0x7: {  	s1 =	rddreg [dreg:$0x2];
	_ =	strace $0x80000047;
	s9 =	ssub.s32 s4, s31  }
0x8: {  	s8 =	sadd.s32 s7, s3;
	s6 =	sadd.s32 s6, s3;
	s4 =	sadd.s32 s5, s7  }
0x9: {  	s7 =	smax.u32 s9, $0x1;
	s9 =	simm.s32 $0x2800;
	s3 =	sadd.s32 $0x2800, s8  }
0xa: {  	v0 =	vimm.f32 $0.0e+00;
	v1 =	vimm.f32 $1.000000000e+00;
	s5 =	sadd.s32 $0xC800, s6;
	s6 =	sadd.s32 $0xC810, s6;
	s8 =	simm.s32 $0x1  }
.LBB2_1:
0xb: {  	s14 =	simm.s32 $0x40;
	s15 =	simm.s32 $0x0  }
.LBB2_2:
0xc: {  	p0 =	sne.s32 s14, $0x9FC0;
	[tilespmem:s15+$0x5000] =	vst v0;
	s16 =	smov.u32 s14;
	s14 =	sadd.s32 $0x40, s14  }
.Ltmp0:
0xd: {  	[tilespmem:s15+$0x7800] =	vst v0;
	(pc) =	sbr.rel @p0 .LBB2_2-.Ltmp0, $2  }
0xe: {  	_ =	sdelay $0x2  }
0xf: {  	s15 =	sshra.s32 s16, $0x2  }
0x10: {  	[tilespmem:s15+$0x5000] =	vst v0  }
0x11: {  	[tilespmem:s15+$0x7800] =	vst v0;
	s14 =	simm.s32 $0x0  }
0x12: {  	[tilespmem:s14], [sflag:$0x1] =	stream.linear.gather [hbm4b:s3+s14], $0x2800, $0x38;
	[tilespmem:$0xA000] =	vst v63  }
0x13: {  	_ =	swait.ge [sflag:s8], $0x2800  }
0x14: {  	[sflag:s8] =	ssyncset.done $0x0  }
0x15: {  	[sflag:s8] =	ssyncadd.s32 $0xFFFFD800  }
0x16: {  	[tilespmem:s9], [sflag:$0x1] =	stream.linear.gather [hbm4b:s4+s14], $0x2800, $0x38;
	[tilespmem:$0xA000] =	vst v63  }
0x17: {  	_ =	swait.ge [sflag:s8], $0x2800  }
0x18: {  	[sflag:s8] =	ssyncset.done $0x0  }
0x19: {  	[sflag:s8] =	ssyncadd.s32 $0xFFFFD800  }
.LBB2_4:
0x1a: {  	s15 =	sshra.s32 s14, $0x2  }
0x1b: {  	v2 =	vld [tilespmem:s15+$0x0];
	_ =	sdelay $0x7  }
0x1c: {  	[tilespmem:v2+s10+$0x0] =	vst.idx.add.f32.msk $0xffff, v1  }
0x1d: {  	v2 =	vld [tilespmem:s15+$0x2800];
	_ =	sdelay $0x7  }
0x1e: {  	[tilespmem:v2+s11+$0x0] =	vst.idx.add.f32.msk $0xffff, v1  }
0x1f: {  	v2 =	vld [tilespmem:s15+$0x10];
	_ =	sdelay $0x7  }
0x20: {  	[tilespmem:v2+s10+$0x0] =	vst.idx.add.f32.msk $0xffff, v1  }
0x21: {  	v2 =	vld [tilespmem:s15+$0x2810];
	_ =	sdelay $0x7  }
0x22: {  	[tilespmem:v2+s11+$0x0] =	vst.idx.add.f32.msk $0xffff, v1  }
0x23: {  	v2 =	vld [tilespmem:s15+$0x20];
	_ =	sdelay $0x7  }
0x24: {  	[tilespmem:v2+s10+$0x0] =	vst.idx.add.f32.msk $0xffff, v1  }
0x25: {  	v2 =	vld [tilespmem:s15+$0x2820];
	_ =	sdelay $0x7  }
0x26: {  	[tilespmem:v2+s11+$0x0] =	vst.idx.add.f32.msk $0xffff, v1  }
0x27: {  	v2 =	vld [tilespmem:s15+$0x30];
	_ =	sdelay $0x7  }
0x28: {  	[tilespmem:v2+s10+$0x0] =	vst.idx.add.f32.msk $0xffff, v1  }
0x29: {  	v2 =	vld [tilespmem:s15+$0x2830];
	_ =	sdelay $0x7  }
0x2a: {  	[tilespmem:v2+s11+$0x0] =	vst.idx.add.f32.msk $0xffff, v1  }
0x2b: {  	v2 =	vld [tilespmem:s15+$0x40];
	_ =	sdelay $0x7  }
0x2c: {  	[tilespmem:v2+s10+$0x0] =	vst.idx.add.f32.msk $0xffff, v1  }
0x2d: {  	v2 =	vld [tilespmem:s15+$0x2840];
	_ =	sdelay $0x7  }
0x2e: {  	[tilespmem:v2+s11+$0x0] =	vst.idx.add.f32.msk $0xffff, v1  }
0x2f: {  	v2 =	vld [tilespmem:s15+$0x50];
	_ =	sdelay $0x7  }
0x30: {  	[tilespmem:v2+s10+$0x0] =	vst.idx.add.f32.msk $0xffff, v1  }
0x31: {  	v2 =	vld [tilespmem:s15+$0x2850];
	_ =	sdelay $0x7  }
0x32: {  	[tilespmem:v2+s11+$0x0] =	vst.idx.add.f32.msk $0xffff, v1  }
0x33: {  	v2 =	vld [tilespmem:s15+$0x60];
	_ =	sdelay $0x7  }
0x34: {  	[tilespmem:v2+s10+$0x0] =	vst.idx.add.f32.msk $0xffff, v1  }
0x35: {  	v2 =	vld [tilespmem:s15+$0x2860];
	_ =	sdelay $0x7  }
0x36: {  	[tilespmem:v2+s11+$0x0] =	vst.idx.add.f32.msk $0xffff, v1  }
0x37: {  	v2 =	vld [tilespmem:s15+$0x70];
	_ =	sdelay $0x7  }
0x38: {  	[tilespmem:v2+s10+$0x0] =	vst.idx.add.f32.msk $0xffff, v1  }
0x39: {  	v2 =	vld [tilespmem:s15+$0x2870];
	_ =	sdelay $0x2  }
0x3a: {  	p0 =	sne.s32 s14, $0x9E00  }
.Ltmp1:
0x3b: {  	_ = 	snop;
	(pc) =	sbr.rel @p0 .LBB2_4-.Ltmp1, $2  }
0x3c: {  	_ =	sdelay $0x2  }
0x3d: {  	s14 =	sadd.s32 $0x200, s14;
	[tilespmem:v2+s11+$0x0] =	vst.idx.add.f32.msk $0xffff, v1  }
0x3e: {  	[hbm4b:s5+s12] =	stream.strided.scatter [tilespmem:s10], [sflag:$0x1], $0x2800, s13, s12, $0x38;
	[tilespmem:$0xA000] =	vst v63  }
0x3f: {  	s2 =	sadd.s32 $0x1, s2;
	_ =	swait.ge [sflag:s8], $0x2800  }
0x40: {  	p0 =	sne.s32 s2, s7;
	[sflag:s8] =	ssyncset.done $0x0  }
.Ltmp2:
0x41: {  	[sflag:s8] =	ssyncadd.s32 $0xFFFFD800;
	(pc) =	sbr.rel @p0 .LBB2_1-.Ltmp2, $4  }
0x42: {  	[hbm4b:s6+s12] =	stream.strided.scatter [tilespmem:s11], [sflag:$0x1], $0x2800, s13, s12, $0x38;
	[tilespmem:$0xA000] =	vst v63  }
0x43: {  	_ =	swait.ge [sflag:s8], $0x2800  }
0x44: {  	[sflag:s8] =	ssyncset.done $0x0  }
0x45: {  	[sflag:s8] =	ssyncadd.s32 $0xFFFFD800  }
0x46: {  	_ =	sfence.sel $0x180000  }
0x47: {  	[bflag:$0x0] =	sbarrier.arrive $0xFFFF  }
0x48: {  	p0 =	sne.s32 s0, $0x0;
	_ =	strace $0x90000047  }
0x49: {  	s0 =	sadd.s32 @!p0 $0x100000, s1;
	[bflag:$0x2] =	sbarrier.arrive $0xFFFF  }
0x4a: {  	[sflag:s0] =	ssyncadd.tile.s32 @!p0 $0x1;
	_ =	shalt  }
.Lfunc_end2:
_tile_overlayer_lowered:
.L_overlay_start_2:
0x4b: {  	(tag) =	ssettag $0x2  }
0x4c: {  	s0 =	rddreg [dreg:$0x0];
	s2 =	stileid.u32  }
0x4d: {  	s1 =	rddreg [dreg:$0x1];
	p0 =	sne.s32 s2, $0x0  }
0x4e: {  	s3 =	rddreg [dreg:$0x2];
	[bflag:$0x3] =	sbarrier.arrive $0xFFFF;
	s2 =	simm.s32 @!p0 $0x1C01  }
0x4f: {  	[timem:s3], [sflag:s2] =	dma.local @!p0 [hbm:s0], s1  }
0x50: {  	s0 =	simm.s32 @!p0 $0x1  }
0x51: {  	_ =	swait.ge @!p0 [sflag:s0], s1  }
0x52: {  	s1 =	ssub.s32 @!p0 $0x0, s1;
	[sflag:s0] =	ssyncset.done @!p0 $0x0  }
0x53: {  	[sflag:s0] =	ssyncadd.s32 @!p0 s1  }
0x54: {  	[bflag:$0x3] =	sbarrier.arrive $0xFFFF  }
0x55: {  	_ =	shalt  }

</sc_bundles>
